<compile_context>
chip_gen: v7x
topology: tpu7x:2x2x1
jax: 0.10.2.dev20260603
libtpu: 0.0.44.dev20260713+nightly
codegen_flags: <defaults>
</compile_context>

<pallas_src>
import functools

import jax
import jax.numpy as jnp
from jax import lax
from jax.experimental import pallas as pl
from jax.experimental.pallas import tpu as pltpu
from jax.experimental.pallas import tpu_sc as plsc

B = 4
NPB = 16384
K = 16
M1, M2, M3 = 4096, 1024, 256


def _fps_body(m, n, bsz, px_ref, py_ref, pz_ref, idx_ref, qx_ref, qy_ref, qz_ref):
    c = n // 8
    mc = m // 8
    iota_g = (lax.broadcasted_iota(jnp.int32, (8, c), 0) * c
              + lax.broadcasted_iota(jnp.int32, (8, c), 1))
    iota_m = (lax.broadcasted_iota(jnp.int32, (8, mc), 0) * mc
              + lax.broadcasted_iota(jnp.int32, (8, mc), 1))
    pxs = [px_ref[b] for b in range(bsz)]
    pys = [py_ref[b] for b in range(bsz)]
    pzs = [pz_ref[b] for b in range(bsz)]

    init = []
    for b in range(bsz):
        x0 = pxs[b][0:1, 0:1]
        y0 = pys[b][0:1, 0:1]
        z0 = pzs[b][0:1, 0:1]
        dx = pxs[b] - x0
        dy = pys[b] - y0
        dz = pzs[b] - z0
        d = (dx * dx + dy * dy) + dz * dz
        hit0 = iota_m == 0
        init.append((d,
                     jnp.zeros((8, mc), jnp.int32),
                     jnp.where(hit0, x0, 0.0),
                     jnp.where(hit0, y0, 0.0),
                     jnp.where(hit0, z0, 0.0)))

    def red2(x, op):
        return op(op(x, axis=1, keepdims=True), axis=0, keepdims=True)

    def body(i, st):
        out = []
        for b in range(bsz):
            d, acc, ax, ay, az = st[b]
            mx = red2(d, jnp.max)
            nxt = red2(jnp.where(d == mx, iota_g, n), jnp.min)
            sel = iota_g == nxt
            cx = red2(jnp.where(sel, pxs[b], 0.0), jnp.sum)
            cy = red2(jnp.where(sel, pys[b], 0.0), jnp.sum)
            cz = red2(jnp.where(sel, pzs[b], 0.0), jnp.sum)
            hit = iota_m == i
            acc = jnp.where(hit, nxt, acc)
            ax = jnp.where(hit, cx, ax)
            ay = jnp.where(hit, cy, ay)
            az = jnp.where(hit, cz, az)
            ddx = pxs[b] - cx
            ddy = pys[b] - cy
            ddz = pzs[b] - cz
            dn = (ddx * ddx + ddy * ddy) + ddz * ddz
            out.append((jnp.minimum(d, dn), acc, ax, ay, az))
        return tuple(out)

    st = lax.fori_loop(1, m, body, tuple(init))
    for b in range(bsz):
        _, acc, ax, ay, az = st[b]
        idx_ref[b] = acc
        qx_ref[b] = ax
        qy_ref[b] = ay
        qz_ref[b] = az


def _fps_pallas(px, py, pz, m, interpret=False):
    bsz, n = px.shape
    p3 = lambda a: a.reshape(bsz, 8, n // 8)
    out = pl.pallas_call(
        functools.partial(_fps_body, m, n, bsz),
        out_shape=[
            jax.ShapeDtypeStruct((bsz, 8, m // 8), jnp.int32),
            jax.ShapeDtypeStruct((bsz, 8, m // 8), jnp.float32),
            jax.ShapeDtypeStruct((bsz, 8, m // 8), jnp.float32),
            jax.ShapeDtypeStruct((bsz, 8, m // 8), jnp.float32),
        ],
        interpret=interpret,
    )(p3(px), p3(py), p3(pz))
    return [a.reshape(bsz, m) for a in out]


def _knn_body(n, k, tq, q_ref, pt_ref, out_ref):
    b = pl.program_id(0)
    q = q_ref[0]
    pt = pt_ref[0]
    q2 = jnp.sum(q * q, axis=1, keepdims=True)
    p2 = jnp.sum(pt * pt, axis=0, keepdims=True)
    qp = jax.lax.dot_general(q, pt, (((1,), (0,)), ((), ())),
                             preferred_element_type=jnp.float32)
    d = q2 + p2 - 2.0 * qp
    iota_n = lax.broadcasted_iota(jnp.int32, (tq, n), 1)
    base = b * n
    bits = lax.bitcast_convert_type(d, jnp.int32)
    ikey = bits ^ ((bits >> 31) & jnp.int32(0x7FFFFFFF))
    key = (ikey & jnp.int32(~16383)) | iota_n
    sentinel = jnp.int32(0x7FFFFFFF)
    for r in range(k):
        mn = jnp.min(key, axis=1, keepdims=True)
        out_ref[0, :, r] = (mn[:, 0] & 16383) + base
        key = jnp.where(key == mn, sentinel, key)


def _knn_pallas(q, pT, k, interpret=False):
    bsz, m, _ = q.shape
    n = pT.shape[2]
    tq = min(128, m)
    grid = (bsz, m // tq)
    return pl.pallas_call(
        functools.partial(_knn_body, n, k, tq),
        grid=grid,
        in_specs=[
            pl.BlockSpec((1, tq, 3), lambda b, j: (b, j, 0)),
            pl.BlockSpec((1, 3, n), lambda b, j: (b, 0, 0)),
        ],
        out_specs=pl.BlockSpec((1, tq, k), lambda b, j: (b, j, 0)),
        out_shape=jax.ShapeDtypeStruct((bsz, m, k), jnp.int32),
        interpret=interpret,
    )(q, pT)


def _sc_gather(table, idx):
    d = table.shape[1]
    e = idx.shape[0]
    nw = 32
    per_w = e // nw
    chunk = 128
    nch = per_w // chunk
    mesh = plsc.VectorSubcoreMesh(core_axis_name="c", subcore_axis_name="s")

    @functools.partial(
        pl.kernel,
        out_type=jax.ShapeDtypeStruct((e, d), jnp.float32),
        mesh=mesh,
        scratch_types=[
            pltpu.VMEM((chunk,), jnp.int32),
            pltpu.VMEM((chunk, d), jnp.float32),
            pltpu.SemaphoreType.DMA,
        ],
        compiler_params=pltpu.CompilerParams(use_tc_tiling_on_sc=False),
    )
    def k(table_hbm, idx_hbm, out_hbm, idx_v, rows_v, sem):
        wid = lax.axis_index("s") * 2 + lax.axis_index("c")
        base = wid * per_w

        def body(t, carry):
            off = base + t * chunk
            pltpu.sync_copy(idx_hbm.at[pl.ds(off, chunk)], idx_v)
            pltpu.async_copy(table_hbm.at[idx_v], rows_v, sem).wait()
            pltpu.sync_copy(rows_v, out_hbm.at[pl.ds(off, chunk)])
            return carry

        lax.fori_loop(0, nch, body, 0)

    return k(table, idx)


def _conv_body(kk, tqc, g_ref, posc_ref, w1p_ref, b1_ref, w1r_ref, w2_ref,
               b2_ref, wsp_ref, bs_ref, wsr_ref, out_ref):
    g = g_ref[...]
    posc = posc_ref[...]
    hid = w1p_ref.shape[1]
    fout = w2_ref.shape[1]
    z1 = jnp.dot(g, w1p_ref[...], preferred_element_type=jnp.float32) + b1_ref[...]
    c1 = jnp.dot(posc, w1r_ref[...], preferred_element_type=jnp.float32)
    a1 = jax.nn.relu(z1.reshape(tqc, kk, hid) - c1.reshape(tqc, 1, hid))
    a1 = a1.reshape(tqc * kk, hid)
    z2 = (jnp.dot(a1, w2_ref[...], preferred_element_type=jnp.float32)
          + b2_ref[...]
          + jnp.dot(g, wsp_ref[...], preferred_element_type=jnp.float32)
          + bs_ref[...])
    cs = jnp.dot(posc, wsr_ref[...], preferred_element_type=jnp.float32)
    msg = jax.nn.relu(z2.reshape(tqc, kk, fout) - cs.reshape(tqc, 1, fout))
    out_ref[...] = jnp.max(msg, axis=1)


def _conv_pallas(g, posc, w1p, b1, w1r, w2, b2, wsp, bs, wsr, interpret=False):
    e, dpad = g.shape
    nc = posc.shape[0]
    kk = e // nc
    hid = w1p.shape[1]
    fout = w2.shape[1]
    tqc = min(256, nc)
    grid = (nc // tqc,)
    wspec = lambda a: pl.BlockSpec(a.shape, lambda i: (0,) * a.ndim)
    return pl.pallas_call(
        functools.partial(_conv_body, kk, tqc),
        grid=grid,
        in_specs=[
            pl.BlockSpec((tqc * kk, dpad), lambda i: (i, 0)),
            pl.BlockSpec((tqc, 3), lambda i: (i, 0)),
            wspec(w1p), wspec(b1), wspec(w1r), wspec(w2), wspec(b2),
            wspec(wsp), wspec(bs), wspec(wsr),
        ],
        out_specs=pl.BlockSpec((tqc, fout), lambda i: (i, 0)),
        out_shape=jax.ShapeDtypeStruct((nc, fout), jnp.float32),
        interpret=interpret,
    )(g, posc, w1p, b1, w1r, w2, b2, wsp, bs, wsr)


def _head_body(x3_ref, c_ref, fw1a_ref, fw1b_ref, fb1_ref, fw2_ref, fb2_ref,
               fwsa_ref, fwsb_ref, fbs_ref, muw_ref, mub_ref, lvw_ref,
               lvb_ref, mu_ref, lv_ref):
    x3 = x3_ref[...]
    m3 = x3.shape[0] // B
    yf = jnp.max(x3.reshape(B, m3, x3.shape[1]), axis=1)
    cc = c_ref[...]
    dot = lambda a, w: jnp.dot(a, w, preferred_element_type=jnp.float32)
    z1 = dot(yf, fw1a_ref[...]) + dot(cc, fw1b_ref[...]) + fb1_ref[...]
    a1 = jax.nn.relu(z1)
    z2 = (dot(a1, fw2_ref[...]) + fb2_ref[...]
          + dot(yf, fwsa_ref[...]) + dot(cc, fwsb_ref[...]) + fbs_ref[...])
    h = jax.nn.relu(z2)
    mu_ref[...] = dot(h, muw_ref[...]) + mub_ref[...]
    lv_ref[...] = dot(h, lvw_ref[...]) + lvb_ref[...]


def _head_pallas(x3, c, fw1a, fw1b, fb1, fw2, fb2, fwsa, fwsb, fbs,
                 muw, mub, lvw, lvb, interpret=False):
    lat = muw.shape[1]
    return pl.pallas_call(
        _head_body,
        out_shape=[jax.ShapeDtypeStruct((B, lat), jnp.float32),
                   jax.ShapeDtypeStruct((B, lat), jnp.float32)],
        interpret=interpret,
    )(x3, c, fw1a, fw1b, fb1, fw2, fb2, fwsa, fwsb, fbs, muw, mub, lvw, lvb)


def _knn_jax(query, points, k, chunk=256):
    p2 = jnp.sum(points**2, axis=1)
    m, d = query.shape
    qc = query.reshape(m // chunk, chunk, d)

    def f(q):
        d2 = jnp.sum(q**2, axis=1, keepdims=True) + p2[None, :] - 2.0 * (q @ points.T)
        return lax.top_k(-d2, k)[1]

    return lax.map(f, qc).reshape(m, k)


def _resmlp(h, w1, b1, w2, b2, ws, bs):
    return jax.nn.relu(h @ w1 + b1) @ w2 + b2 + (h @ ws + bs)


def kernel(y, query_pos, query_pos_batch, c,
           sa1_w1, sa1_b1, sa1_w2, sa1_b2, sa1_ws, sa1_bs,
           sa2_w1, sa2_b1, sa2_w2, sa2_b2, sa2_ws, sa2_bs,
           sa3_w1, sa3_b1, sa3_w2, sa3_b2, sa3_ws, sa3_bs,
           fin_w1, fin_b1, fin_w2, fin_b2, fin_ws, fin_bs,
           mu_w, mu_b, lv_w, lv_b):
    p1 = (sa1_w1, sa1_b1, sa1_w2, sa1_b2, sa1_ws, sa1_bs)
    p2 = (sa2_w1, sa2_b1, sa2_w2, sa2_b2, sa2_ws, sa2_bs)
    p3 = (sa3_w1, sa3_b1, sa3_w2, sa3_b2, sa3_ws, sa3_bs)

    pos = query_pos.reshape(B, NPB, 3)
    post = pos.transpose(0, 2, 1)
    xs = y.reshape(B, NPB, 3)

    def level(posT, m):
        idx, qx, qy, qz = _fps_pallas(posT[:, 0], posT[:, 1], posT[:, 2], m)
        posiT = jnp.stack([qx, qy, qz], axis=1)
        return idx, posiT

    idx1, pos1T = level(post, M1)
    idx2, pos2T = level(pos1T, M2)
    idx3, pos3T = level(pos2T, M3)
    q1 = pos1T.transpose(0, 2, 1)
    q2 = pos2T.transpose(0, 2, 1)
    q3 = pos3T.transpose(0, 2, 1)
    nbr1 = _knn_pallas(q1, post, K)
    nbr2 = _knn_pallas(q2, pos1T, K)
    nbr3 = _knn_pallas(q3, pos2T, K)

    def prep(w1, b1, w2, b2, ws, bs, f, dpad):
        w1p = jnp.pad(w1, ((0, dpad - f - 3), (0, 0)))
        wsp = jnp.pad(ws, ((0, dpad - f - 3), (0, 0)))
        return (w1p, b1.reshape(1, -1), w1[f:f + 3], w2, b2.reshape(1, -1),
                wsp, bs.reshape(1, -1), ws[f:f + 3])

    def level_conv(table, nbr, qc, params, f, dpad):
        g = _sc_gather(table, nbr.reshape(-1))
        posc = qc.reshape(-1, 3)
        return _conv_pallas(g, posc, *prep(*params, f, dpad))

    t1 = jnp.pad(jnp.concatenate([xs.reshape(B * NPB, 3),
                                  pos.reshape(B * NPB, 3)], axis=1),
                 ((0, 0), (0, 10)))
    x1 = level_conv(t1, nbr1, q1, p1, 3, 16)

    t2 = jnp.pad(jnp.concatenate([x1, q1.reshape(-1, 3)], axis=1),
                 ((0, 0), (0, 13)))
    x2 = level_conv(t2, nbr2, q2, p2, 64, 80)

    t3 = jnp.pad(jnp.concatenate([x2, q2.reshape(-1, 3)], axis=1),
                 ((0, 0), (0, 13)))
    x3 = level_conv(t3, nbr3, q3, p3, 128, 144)

    mu, lv = _head_pallas(
        x3, c, fin_w1[:256], fin_w1[256:], fin_b1.reshape(1, -1), fin_w2,
        fin_b2.reshape(1, -1), fin_ws[:256], fin_ws[256:],
        fin_bs.reshape(1, -1), mu_w, mu_b.reshape(1, -1), lv_w,
        lv_b.reshape(1, -1))
    return (mu, lv)

# --- scband reference (transcript-rebuilt; emitter-appended) ---
"""Pipeline reference for scband-posterior-encoder-214748365419 (READ-ONLY COPY).

The authoritative reference and input builder live on the scoring server;
editing this copy changes nothing except your own understanding.
"""

import jax, jax.numpy as jnp
import numpy as np
from functools import partial

B = 4
NPB = 16384
N = B * NPB
K = 16
FIELD_CHANNELS = 3
COND_DIM = 128
LAT_DIM = 128
M1, M2, M3 = 4096, 1024, 256

@partial(jax.jit, static_argnames=('m',))
def fps(pos, m):
    idxs = jnp.zeros((m,), dtype=jnp.int32)
    d0 = jnp.sum((pos - pos[0]) ** 2, axis=1)
    def body(i, st):
        dists, idxs = st
        nxt = jnp.argmax(dists).astype(jnp.int32)
        idxs = idxs.at[i].set(nxt)
        d = jnp.sum((pos - pos[nxt]) ** 2, axis=1)
        return (jnp.minimum(dists, d), idxs)
    _, idxs = jax.lax.fori_loop(1, m, body, (d0, idxs))
    return idxs

@partial(jax.jit, static_argnames=('k', 'chunk'))
def knn_idx(query, points, k, chunk=256):
    p2 = jnp.sum(points ** 2, axis=1)
    m, d = query.shape
    qc = query.reshape(m // chunk, chunk, d)
    def f(q):
        d2 = jnp.sum(q ** 2, axis=1, keepdims=True) + p2[None, :] - 2.0 * (q @ points.T)
        return jax.lax.top_k(-d2, k)[1]
    return jax.lax.map(f, qc).reshape(m, k)

def resmlp(h, w1, b1, w2, b2, ws, bs):
    return jax.nn.relu(h @ w1 + b1) @ w2 + b2 + (h @ ws + bs)

def sa_module(x, pos, m, k, params):
    idx = fps(jax.lax.stop_gradient(pos), m)
    pos_i = pos[idx]
    nbr = knn_idx(jax.lax.stop_gradient(pos_i), jax.lax.stop_gradient(pos), k)
    rel = pos[nbr] - pos_i[:, None, :]
    h = jnp.concatenate([x[nbr], rel], axis=-1) if x is not None else rel
    msg = jax.nn.relu(resmlp(h, *params))
    return jnp.max(msg, axis=1), pos_i

def _lin(key, fin, fout):
    s = 1.0 / np.sqrt(fin)
    kw, kb = jax.random.split(key)
    w = jax.random.uniform(kw, (fin, fout), minval=-s, maxval=s, dtype=jnp.float32)
    b = jax.random.uniform(kb, (fout,), minval=-s, maxval=s, dtype=jnp.float32)
    return w, b

def setup_inputs(seed: int = 0):
    key = jax.random.key(seed)
    ks = jax.random.split(key, 20)
    inp = {}
    inp['y'] = jax.random.normal(ks[0], (N, FIELD_CHANNELS), dtype=jnp.float32)
    inp['query_pos'] = jax.random.uniform(ks[1], (N, 3), dtype=jnp.float32)
    inp['query_pos_batch'] = jnp.repeat(jnp.arange(B, dtype=jnp.int32), NPB)
    inp['c'] = jax.random.normal(ks[2], (B, COND_DIM), dtype=jnp.float32)
    dims = [('sa1', FIELD_CHANNELS + 3, 32, 64), ('sa2', 64 + 3, 64, 128), ('sa3', 128 + 3, 128, 256), ('fin', 256 + COND_DIM, 512, 512)]
    i = 3
    for name, fin, hid, fout in dims:
        w1, b1 = _lin(ks[i], fin, hid); i += 1
        w2, b2 = _lin(ks[i], hid, fout); i += 1
        ws, bs = _lin(ks[i], fin, fout); i += 1
        inp[name + '_w1'] = w1; inp[name + '_b1'] = b1
        inp[name + '_w2'] = w2; inp[name + '_b2'] = b2
        inp[name + '_ws'] = ws; inp[name + '_bs'] = bs
    inp['mu_w'], inp['mu_b'] = _lin(ks[i], 512, LAT_DIM); i += 1
    inp['lv_w'], inp['lv_b'] = _lin(ks[i], 512, LAT_DIM)
    return inp

def reference(y, query_pos, query_pos_batch, c,
              sa1_w1, sa1_b1, sa1_w2, sa1_b2, sa1_ws, sa1_bs,
              sa2_w1, sa2_b1, sa2_w2, sa2_b2, sa2_ws, sa2_bs,
              sa3_w1, sa3_b1, sa3_w2, sa3_b2, sa3_ws, sa3_bs,
              fin_w1, fin_b1, fin_w2, fin_b2, fin_ws, fin_bs,
              mu_w, mu_b, lv_w, lv_b):
    p1 = (sa1_w1, sa1_b1, sa1_w2, sa1_b2, sa1_ws, sa1_bs)
    p2 = (sa2_w1, sa2_b1, sa2_w2, sa2_b2, sa2_ws, sa2_bs)
    p3 = (sa3_w1, sa3_b1, sa3_w2, sa3_b2, sa3_ws, sa3_bs)
    feats = []
    for b in range(B):
        sl = slice(b * NPB, (b + 1) * NPB)
        x1, pos1 = sa_module(y[sl], query_pos[sl], M1, K, p1)
        x2, pos2 = sa_module(x1, pos1, M2, K, p2)
        x3, pos3 = sa_module(x2, pos2, M3, K, p3)
        feats.append(jnp.max(x3, axis=0))
    y_feat = jnp.stack(feats, axis=0)
    comb = jnp.concatenate([y_feat, c], axis=1)
    h = jax.nn.relu(resmlp(comb, fin_w1, fin_b1, fin_w2, fin_b2, fin_ws, fin_bs))
    return (h @ mu_w + mu_b, h @ lv_w + lv_b)

if __name__ == "__main__":
    import jax
    _d = setup_inputs()
    print(jax.jit(kernel)(*tuple(_d.values())))

</pallas_src>

<mosaic_0001>
#map = affine_map<(d0, d1) -> (0, 0)>
#map1 = affine_map<(d0, d1) -> (0)>
module attributes {stable_mosaic.version = 14 : i64} {
  func.func @k(%arg0: i32, %arg1: i32, %arg2: memref<65536x16xf32, #tpu.memory_space<hbm>>, %arg3: memref<262144xi32, #tpu.memory_space<hbm>>, %arg4: memref<262144x16xf32, #tpu.memory_space<hbm>>, %arg5: memref<128xi32, #tpu.memory_space<vmem>>, %arg6: memref<128x16xf32, #tpu.memory_space<vmem>>, %arg7: memref<!tpu.dma_semaphore, #tpu.memory_space<semaphore_mem>>) attributes {dimension_semantics = [#tpu.dimension_semantics<core_parallel>, #tpu.dimension_semantics<subcore_parallel>], iteration_bounds = array<i64: 2, 16>, scalar_prefetch = 0 : i64, scratch_operands = 3 : i64, tpu.core_type = #tpu.core_type<sc_vector_subcore>, window_params = [{transform_indices = #map}, {transform_indices = #map1}, {transform_indices = #map}]} {
    %mul3A = arith.constant 2 : i32
    %mul3A_0 = arith.muli %arg1, %mul3A : i32
    %add3A = arith.addi %mul3A_0, %arg0 : i32
    %mul3A_1 = arith.constant 8192 : i32
    %mul3A_2 = arith.muli %add3A, %mul3A_1 : i32
    %scan3A = arith.constant 0 : i32
    %scan3A_3 = arith.constant 0 : i32
    %scan3A_4 = arith.constant 64 : i32
    %scan3A_5 = arith.addi %scan3A_3, %scan3A_4 : i32
    %scan3A_6 = arith.constant 1 : i32
    scf.for %scan3A_8 = %scan3A_3 to %scan3A_5 step %scan3A_6  : i32 {
      %mul3A_9 = arith.constant 128 : i32
      %mul3A_10 = arith.muli %scan3A_8, %mul3A_9 : i32
      %add3A_11 = arith.addi %mul3A_2, %mul3A_10 : i32
      "tpu.region"() ({
        %run_scoped3A = tpu.sem_alloc : memref<!tpu.dma_semaphore, #tpu.memory_space<semaphore_mem>>
        %dma_start3A_16 = tpu.memref_slice %arg3[%add3A_11] : memref<262144xi32, #tpu.memory_space<hbm>> -> memref<128xi32, #tpu.memory_space<hbm>>
        %dma_start3A_17 = tpu.memref_slice %arg3[%add3A_11] : memref<262144xi32, #tpu.memory_space<hbm>> -> memref<128xi32, #tpu.memory_space<hbm>>
        tpu.enqueue_dma source(%dma_start3A_17 : memref<128xi32, #tpu.memory_space<hbm>>) target(%arg5 : memref<128xi32, #tpu.memory_space<vmem>>) target_semaphore(%run_scoped3A : memref<!tpu.dma_semaphore, #tpu.memory_space<semaphore_mem>>)
        %dma_wait3A_18 = tpu.memref_slice %arg3[%add3A_11] : memref<262144xi32, #tpu.memory_space<hbm>> -> memref<128xi32, #tpu.memory_space<hbm>>
        %dma_wait3A_19 = tpu.memref_slice %arg3[%add3A_11] : memref<262144xi32, #tpu.memory_space<hbm>> -> memref<128xi32, #tpu.memory_space<hbm>>
        tpu.wait_dma2 semaphore(%run_scoped3A : memref<!tpu.dma_semaphore, #tpu.memory_space<semaphore_mem>>) src(%dma_wait3A_19 : memref<128xi32, #tpu.memory_space<hbm>>) dst(%arg5 : memref<128xi32, #tpu.memory_space<vmem>>)
        tpu.yield
      }) : () -> ()
      %dma_start3A = arith.constant 0 : i32
      %dma_start3A_12 = arith.constant 0 : i32
      %dma_start3A_13 = tpu.memref_slice %arg2[%dma_start3A, %dma_start3A_12] : memref<65536x16xf32, #tpu.memory_space<hbm>> -> memref<65536x16xf32, #tpu.memory_space<hbm>>
      tpu.enqueue_indirect_dma source(%dma_start3A_13 : memref<65536x16xf32, #tpu.memory_space<hbm>>) target(%arg6 : memref<128x16xf32, #tpu.memory_space<vmem>>) offsets(%arg5 : memref<128xi32, #tpu.memory_space<vmem>>) semaphore(%arg7 : memref<!tpu.dma_semaphore, #tpu.memory_space<semaphore_mem>>)
      %dma_wait3A = arith.constant 0 : i32
      %dma_wait3A_14 = arith.constant 0 : i32
      %dma_wait3A_15 = tpu.memref_slice %arg2[%dma_wait3A, %dma_wait3A_14] : memref<65536x16xf32, #tpu.memory_space<hbm>> -> memref<65536x16xf32, #tpu.memory_space<hbm>>
      tpu.wait_indirect_dma semaphore(%arg7 : memref<!tpu.dma_semaphore, #tpu.memory_space<semaphore_mem>>) src(%dma_wait3A_15 : memref<65536x16xf32, #tpu.memory_space<hbm>>) dst(%arg6 : memref<128x16xf32, #tpu.memory_space<vmem>>)
      "tpu.region"() ({
        %run_scoped3A = tpu.sem_alloc : memref<!tpu.dma_semaphore, #tpu.memory_space<semaphore_mem>>
        %dma_start3A_16 = arith.constant 0 : i32
        %dma_start3A_17 = tpu.memref_slice %arg4[%add3A_11, %dma_start3A_16] : memref<262144x16xf32, #tpu.memory_space<hbm>> -> memref<128x16xf32, #tpu.memory_space<hbm>>
        %dma_start3A_18 = arith.constant 0 : i32
        %dma_start3A_19 = tpu.memref_slice %arg4[%add3A_11, %dma_start3A_18] : memref<262144x16xf32, #tpu.memory_space<hbm>> -> memref<128x16xf32, #tpu.memory_space<hbm>>
        tpu.enqueue_dma source(%arg6 : memref<128x16xf32, #tpu.memory_space<vmem>>) target(%dma_start3A_19 : memref<128x16xf32, #tpu.memory_space<hbm>>) target_semaphore(%run_scoped3A : memref<!tpu.dma_semaphore, #tpu.memory_space<semaphore_mem>>)
        %dma_wait3A_20 = arith.constant 0 : i32
        %dma_wait3A_21 = tpu.memref_slice %arg4[%add3A_11, %dma_wait3A_20] : memref<262144x16xf32, #tpu.memory_space<hbm>> -> memref<128x16xf32, #tpu.memory_space<hbm>>
        %dma_wait3A_22 = arith.constant 0 : i32
        %dma_wait3A_23 = tpu.memref_slice %arg4[%add3A_11, %dma_wait3A_22] : memref<262144x16xf32, #tpu.memory_space<hbm>> -> memref<128x16xf32, #tpu.memory_space<hbm>>
        tpu.wait_dma2 semaphore(%run_scoped3A : memref<!tpu.dma_semaphore, #tpu.memory_space<semaphore_mem>>) src(%arg6 : memref<128x16xf32, #tpu.memory_space<vmem>>) dst(%dma_wait3A_23 : memref<128x16xf32, #tpu.memory_space<hbm>>)
        tpu.yield
      }) : () -> ()
    }
    %scan3A_7 = arith.constant 64 : i32
    return
  }
}

#map = affine_map<(d0, d1) -> (0, 0)>
#map1 = affine_map<(d0, d1) -> (0)>
module attributes {stable_mosaic.version = 14 : i64} {
  func.func @k(%arg0: i32, %arg1: i32, %arg2: memref<16384x80xf32, #tpu.memory_space<hbm>>, %arg3: memref<65536xi32, #tpu.memory_space<hbm>>, %arg4: memref<65536x80xf32, #tpu.memory_space<hbm>>, %arg5: memref<128xi32, #tpu.memory_space<vmem>>, %arg6: memref<128x80xf32, #tpu.memory_space<vmem>>, %arg7: memref<!tpu.dma_semaphore, #tpu.memory_space<semaphore_mem>>) attributes {dimension_semantics = [#tpu.dimension_semantics<core_parallel>, #tpu.dimension_semantics<subcore_parallel>], iteration_bounds = array<i64: 2, 16>, scalar_prefetch = 0 : i64, scratch_operands = 3 : i64, tpu.core_type = #tpu.core_type<sc_vector_subcore>, window_params = [{transform_indices = #map}, {transform_indices = #map1}, {transform_indices = #map}]} {
    %mul3A = arith.constant 2 : i32
    %mul3A_0 = arith.muli %arg1, %mul3A : i32
    %add3A = arith.addi %mul3A_0, %arg0 : i32
    %mul3A_1 = arith.constant 2048 : i32
    %mul3A_2 = arith.muli %add3A, %mul3A_1 : i32
    %scan3A = arith.constant 0 : i32
    %scan3A_3 = arith.constant 0 : i32
    %scan3A_4 = arith.constant 16 : i32
    %scan3A_5 = arith.addi %scan3A_3, %scan3A_4 : i32
    %scan3A_6 = arith.constant 1 : i32
    scf.for %scan3A_8 = %scan3A_3 to %scan3A_5 step %scan3A_6  : i32 {
      %mul3A_9 = arith.constant 128 : i32
      %mul3A_10 = arith.muli %scan3A_8, %mul3A_9 : i32
      %add3A_11 = arith.addi %mul3A_2, %mul3A_10 : i32
      "tpu.region"() ({
        %run_scoped3A = tpu.sem_alloc : memref<!tpu.dma_semaphore, #tpu.memory_space<semaphore_mem>>
        %dma_start3A_16 = tpu.memref_slice %arg3[%add3A_11] : memref<65536xi32, #tpu.memory_space<hbm>> -> memref<128xi32, #tpu.memory_space<hbm>>
        %dma_start3A_17 = tpu.memref_slice %arg3[%add3A_11] : memref<65536xi32, #tpu.memory_space<hbm>> -> memref<128xi32, #tpu.memory_space<hbm>>
        tpu.enqueue_dma source(%dma_start3A_17 : memref<128xi32, #tpu.memory_space<hbm>>) target(%arg5 : memref<128xi32, #tpu.memory_space<vmem>>) target_semaphore(%run_scoped3A : memref<!tpu.dma_semaphore, #tpu.memory_space<semaphore_mem>>)
        %dma_wait3A_18 = tpu.memref_slice %arg3[%add3A_11] : memref<65536xi32, #tpu.memory_space<hbm>> -> memref<128xi32, #tpu.memory_space<hbm>>
        %dma_wait3A_19 = tpu.memref_slice %arg3[%add3A_11] : memref<65536xi32, #tpu.memory_space<hbm>> -> memref<128xi32, #tpu.memory_space<hbm>>
        tpu.wait_dma2 semaphore(%run_scoped3A : memref<!tpu.dma_semaphore, #tpu.memory_space<semaphore_mem>>) src(%dma_wait3A_19 : memref<128xi32, #tpu.memory_space<hbm>>) dst(%arg5 : memref<128xi32, #tpu.memory_space<vmem>>)
        tpu.yield
      }) : () -> ()
      %dma_start3A = arith.constant 0 : i32
      %dma_start3A_12 = arith.constant 0 : i32
      %dma_start3A_13 = tpu.memref_slice %arg2[%dma_start3A, %dma_start3A_12] : memref<16384x80xf32, #tpu.memory_space<hbm>> -> memref<16384x80xf32, #tpu.memory_space<hbm>>
      tpu.enqueue_indirect_dma source(%dma_start3A_13 : memref<16384x80xf32, #tpu.memory_space<hbm>>) target(%arg6 : memref<128x80xf32, #tpu.memory_space<vmem>>) offsets(%arg5 : memref<128xi32, #tpu.memory_space<vmem>>) semaphore(%arg7 : memref<!tpu.dma_semaphore, #tpu.memory_space<semaphore_mem>>)
      %dma_wait3A = arith.constant 0 : i32
      %dma_wait3A_14 = arith.constant 0 : i32
      %dma_wait3A_15 = tpu.memref_slice %arg2[%dma_wait3A, %dma_wait3A_14] : memref<16384x80xf32, #tpu.memory_space<hbm>> -> memref<16384x80xf32, #tpu.memory_space<hbm>>
      tpu.wait_indirect_dma semaphore(%arg7 : memref<!tpu.dma_semaphore, #tpu.memory_space<semaphore_mem>>) src(%dma_wait3A_15 : memref<16384x80xf32, #tpu.memory_space<hbm>>) dst(%arg6 : memref<128x80xf32, #tpu.memory_space<vmem>>)
      "tpu.region"() ({
        %run_scoped3A = tpu.sem_alloc : memref<!tpu.dma_semaphore, #tpu.memory_space<semaphore_mem>>
        %dma_start3A_16 = arith.constant 0 : i32
        %dma_start3A_17 = tpu.memref_slice %arg4[%add3A_11, %dma_start3A_16] : memref<65536x80xf32, #tpu.memory_space<hbm>> -> memref<128x80xf32, #tpu.memory_space<hbm>>
        %dma_start3A_18 = arith.constant 0 : i32
        %dma_start3A_19 = tpu.memref_slice %arg4[%add3A_11, %dma_start3A_18] : memref<65536x80xf32, #tpu.memory_space<hbm>> -> memref<128x80xf32, #tpu.memory_space<hbm>>
        tpu.enqueue_dma source(%arg6 : memref<128x80xf32, #tpu.memory_space<vmem>>) target(%dma_start3A_19 : memref<128x80xf32, #tpu.memory_space<hbm>>) target_semaphore(%run_scoped3A : memref<!tpu.dma_semaphore, #tpu.memory_space<semaphore_mem>>)
        %dma_wait3A_20 = arith.constant 0 : i32
        %dma_wait3A_21 = tpu.memref_slice %arg4[%add3A_11, %dma_wait3A_20] : memref<65536x80xf32, #tpu.memory_space<hbm>> -> memref<128x80xf32, #tpu.memory_space<hbm>>
        %dma_wait3A_22 = arith.constant 0 : i32
        %dma_wait3A_23 = tpu.memref_slice %arg4[%add3A_11, %dma_wait3A_22] : memref<65536x80xf32, #tpu.memory_space<hbm>> -> memref<128x80xf32, #tpu.memory_space<hbm>>
        tpu.wait_dma2 semaphore(%run_scoped3A : memref<!tpu.dma_semaphore, #tpu.memory_space<semaphore_mem>>) src(%arg6 : memref<128x80xf32, #tpu.memory_space<vmem>>) dst(%dma_wait3A_23 : memref<128x80xf32, #tpu.memory_space<hbm>>)
        tpu.yield
      }) : () -> ()
    }
    %scan3A_7 = arith.constant 16 : i32
    return
  }
}

#map = affine_map<(d0, d1) -> (0, 0)>
#map1 = affine_map<(d0, d1) -> (0)>
module attributes {stable_mosaic.version = 14 : i64} {
  func.func @k(%arg0: i32, %arg1: i32, %arg2: memref<4096x144xf32, #tpu.memory_space<hbm>>, %arg3: memref<16384xi32, #tpu.memory_space<hbm>>, %arg4: memref<16384x144xf32, #tpu.memory_space<hbm>>, %arg5: memref<128xi32, #tpu.memory_space<vmem>>, %arg6: memref<128x144xf32, #tpu.memory_space<vmem>>, %arg7: memref<!tpu.dma_semaphore, #tpu.memory_space<semaphore_mem>>) attributes {dimension_semantics = [#tpu.dimension_semantics<core_parallel>, #tpu.dimension_semantics<subcore_parallel>], iteration_bounds = array<i64: 2, 16>, scalar_prefetch = 0 : i64, scratch_operands = 3 : i64, tpu.core_type = #tpu.core_type<sc_vector_subcore>, window_params = [{transform_indices = #map}, {transform_indices = #map1}, {transform_indices = #map}]} {
    %mul3A = arith.constant 2 : i32
    %mul3A_0 = arith.muli %arg1, %mul3A : i32
    %add3A = arith.addi %mul3A_0, %arg0 : i32
    %mul3A_1 = arith.constant 512 : i32
    %mul3A_2 = arith.muli %add3A, %mul3A_1 : i32
    %scan3A = arith.constant 0 : i32
    %scan3A_3 = arith.constant 0 : i32
    %scan3A_4 = arith.constant 4 : i32
    %scan3A_5 = arith.addi %scan3A_3, %scan3A_4 : i32
    %scan3A_6 = arith.constant 1 : i32
    scf.for %scan3A_8 = %scan3A_3 to %scan3A_5 step %scan3A_6  : i32 {
      %mul3A_9 = arith.constant 128 : i32
      %mul3A_10 = arith.muli %scan3A_8, %mul3A_9 : i32
      %add3A_11 = arith.addi %mul3A_2, %mul3A_10 : i32
      "tpu.region"() ({
        %run_scoped3A = tpu.sem_alloc : memref<!tpu.dma_semaphore, #tpu.memory_space<semaphore_mem>>
        %dma_start3A_16 = tpu.memref_slice %arg3[%add3A_11] : memref<16384xi32, #tpu.memory_space<hbm>> -> memref<128xi32, #tpu.memory_space<hbm>>
        %dma_start3A_17 = tpu.memref_slice %arg3[%add3A_11] : memref<16384xi32, #tpu.memory_space<hbm>> -> memref<128xi32, #tpu.memory_space<hbm>>
        tpu.enqueue_dma source(%dma_start3A_17 : memref<128xi32, #tpu.memory_space<hbm>>) target(%arg5 : memref<128xi32, #tpu.memory_space<vmem>>) target_semaphore(%run_scoped3A : memref<!tpu.dma_semaphore, #tpu.memory_space<semaphore_mem>>)
        %dma_wait3A_18 = tpu.memref_slice %arg3[%add3A_11] : memref<16384xi32, #tpu.memory_space<hbm>> -> memref<128xi32, #tpu.memory_space<hbm>>
        %dma_wait3A_19 = tpu.memref_slice %arg3[%add3A_11] : memref<16384xi32, #tpu.memory_space<hbm>> -> memref<128xi32, #tpu.memory_space<hbm>>
        tpu.wait_dma2 semaphore(%run_scoped3A : memref<!tpu.dma_semaphore, #tpu.memory_space<semaphore_mem>>) src(%dma_wait3A_19 : memref<128xi32, #tpu.memory_space<hbm>>) dst(%arg5 : memref<128xi32, #tpu.memory_space<vmem>>)
        tpu.yield
      }) : () -> ()
      %dma_start3A = arith.constant 0 : i32
      %dma_start3A_12 = arith.constant 0 : i32
      %dma_start3A_13 = tpu.memref_slice %arg2[%dma_start3A, %dma_start3A_12] : memref<4096x144xf32, #tpu.memory_space<hbm>> -> memref<4096x144xf32, #tpu.memory_space<hbm>>
      tpu.enqueue_indirect_dma source(%dma_start3A_13 : memref<4096x144xf32, #tpu.memory_space<hbm>>) target(%arg6 : memref<128x144xf32, #tpu.memory_space<vmem>>) offsets(%arg5 : memref<128xi32, #tpu.memory_space<vmem>>) semaphore(%arg7 : memref<!tpu.dma_semaphore, #tpu.memory_space<semaphore_mem>>)
      %dma_wait3A = arith.constant 0 : i32
      %dma_wait3A_14 = arith.constant 0 : i32
      %dma_wait3A_15 = tpu.memref_slice %arg2[%dma_wait3A, %dma_wait3A_14] : memref<4096x144xf32, #tpu.memory_space<hbm>> -> memref<4096x144xf32, #tpu.memory_space<hbm>>
      tpu.wait_indirect_dma semaphore(%arg7 : memref<!tpu.dma_semaphore, #tpu.memory_space<semaphore_mem>>) src(%dma_wait3A_15 : memref<4096x144xf32, #tpu.memory_space<hbm>>) dst(%arg6 : memref<128x144xf32, #tpu.memory_space<vmem>>)
      "tpu.region"() ({
        %run_scoped3A = tpu.sem_alloc : memref<!tpu.dma_semaphore, #tpu.memory_space<semaphore_mem>>
        %dma_start3A_16 = arith.constant 0 : i32
        %dma_start3A_17 = tpu.memref_slice %arg4[%add3A_11, %dma_start3A_16] : memref<16384x144xf32, #tpu.memory_space<hbm>> -> memref<128x144xf32, #tpu.memory_space<hbm>>
        %dma_start3A_18 = arith.constant 0 : i32
        %dma_start3A_19 = tpu.memref_slice %arg4[%add3A_11, %dma_start3A_18] : memref<16384x144xf32, #tpu.memory_space<hbm>> -> memref<128x144xf32, #tpu.memory_space<hbm>>
        tpu.enqueue_dma source(%arg6 : memref<128x144xf32, #tpu.memory_space<vmem>>) target(%dma_start3A_19 : memref<128x144xf32, #tpu.memory_space<hbm>>) target_semaphore(%run_scoped3A : memref<!tpu.dma_semaphore, #tpu.memory_space<semaphore_mem>>)
        %dma_wait3A_20 = arith.constant 0 : i32
        %dma_wait3A_21 = tpu.memref_slice %arg4[%add3A_11, %dma_wait3A_20] : memref<16384x144xf32, #tpu.memory_space<hbm>> -> memref<128x144xf32, #tpu.memory_space<hbm>>
        %dma_wait3A_22 = arith.constant 0 : i32
        %dma_wait3A_23 = tpu.memref_slice %arg4[%add3A_11, %dma_wait3A_22] : memref<16384x144xf32, #tpu.memory_space<hbm>> -> memref<128x144xf32, #tpu.memory_space<hbm>>
        tpu.wait_dma2 semaphore(%run_scoped3A : memref<!tpu.dma_semaphore, #tpu.memory_space<semaphore_mem>>) src(%arg6 : memref<128x144xf32, #tpu.memory_space<vmem>>) dst(%dma_wait3A_23 : memref<128x144xf32, #tpu.memory_space<hbm>>)
        tpu.yield
      }) : () -> ()
    }
    %scan3A_7 = arith.constant 4 : i32
    return
  }
}

module attributes {stable_mosaic.version = 14 : i64} {
  func.func @_fps_body(%arg0: memref<4x8x2048xf32, #tpu.memory_space<vmem>>, %arg1: memref<4x8x2048xf32, #tpu.memory_space<vmem>>, %arg2: memref<4x8x2048xf32, #tpu.memory_space<vmem>>, %arg3: memref<4x8x512xi32, #tpu.memory_space<vmem>>, %arg4: memref<4x8x512xf32, #tpu.memory_space<vmem>>, %arg5: memref<4x8x512xf32, #tpu.memory_space<vmem>>, %arg6: memref<4x8x512xf32, #tpu.memory_space<vmem>>) attributes {dimension_semantics = [], scalar_prefetch = 0 : i64, scratch_operands = 0 : i64, tpu.core_type = #tpu.core_type<tc>} {
    %iota3A = tpu.iota {dimensions = array<i32: 0>} : vector<8x2048xi32>
    %mul3A = arith.constant 2048 : i32
    %mul3A_0 = vector.broadcast %mul3A : i32 to vector<8x2048xi32>
    %mul3A_1 = arith.muli %iota3A, %mul3A_0 : vector<8x2048xi32>
    %iota3A_2 = tpu.iota {dimensions = array<i32: 1>} : vector<8x2048xi32>
    %add3A = arith.addi %mul3A_1, %iota3A_2 : vector<8x2048xi32>
    %iota3A_3 = tpu.iota {dimensions = array<i32: 0>} : vector<8x512xi32>
    %mul3A_4 = arith.constant 512 : i32
    %mul3A_5 = vector.broadcast %mul3A_4 : i32 to vector<8x512xi32>
    %mul3A_6 = arith.muli %iota3A_3, %mul3A_5 : vector<8x512xi32>
    %iota3A_7 = tpu.iota {dimensions = array<i32: 1>} : vector<8x512xi32>
    %add3A_8 = arith.addi %mul3A_6, %iota3A_7 : vector<8x512xi32>
    %get3A = arith.constant 0 : index
    %get3A_9 = arith.constant 0 : index
    %get3A_10 = arith.constant 0 : index
    %get3A_11 = vector.load %arg0[%get3A, %get3A_9, %get3A_10] : memref<4x8x2048xf32, #tpu.memory_space<vmem>>, vector<1x8x2048xf32>
    %get3A_12 = vector.shape_cast %get3A_11 : vector<1x8x2048xf32> to vector<8x2048xf32>
    %get3A_13 = arith.constant 1 : index
    %get3A_14 = arith.constant 0 : index
    %get3A_15 = arith.constant 0 : index
    %get3A_16 = vector.load %arg0[%get3A_13, %get3A_14, %get3A_15] : memref<4x8x2048xf32, #tpu.memory_space<vmem>>, vector<1x8x2048xf32>
    %get3A_17 = vector.shape_cast %get3A_16 : vector<1x8x2048xf32> to vector<8x2048xf32>
    %get3A_18 = arith.constant 2 : index
    %get3A_19 = arith.constant 0 : index
    %get3A_20 = arith.constant 0 : index
    %get3A_21 = vector.load %arg0[%get3A_18, %get3A_19, %get3A_20] : memref<4x8x2048xf32, #tpu.memory_space<vmem>>, vector<1x8x2048xf32>
    %get3A_22 = vector.shape_cast %get3A_21 : vector<1x8x2048xf32> to vector<8x2048xf32>
    %get3A_23 = arith.constant 3 : index
    %get3A_24 = arith.constant 0 : index
    %get3A_25 = arith.constant 0 : index
    %get3A_26 = vector.load %arg0[%get3A_23, %get3A_24, %get3A_25] : memref<4x8x2048xf32, #tpu.memory_space<vmem>>, vector<1x8x2048xf32>
    %get3A_27 = vector.shape_cast %get3A_26 : vector<1x8x2048xf32> to vector<8x2048xf32>
    %get3A_28 = arith.constant 0 : index
    %get3A_29 = arith.constant 0 : index
    %get3A_30 = arith.constant 0 : index
    %get3A_31 = vector.load %arg1[%get3A_28, %get3A_29, %get3A_30] : memref<4x8x2048xf32, #tpu.memory_space<vmem>>, vector<1x8x2048xf32>
    %get3A_32 = vector.shape_cast %get3A_31 : vector<1x8x2048xf32> to vector<8x2048xf32>
    %get3A_33 = arith.constant 1 : index
    %get3A_34 = arith.constant 0 : index
    %get3A_35 = arith.constant 0 : index
    %get3A_36 = vector.load %arg1[%get3A_33, %get3A_34, %get3A_35] : memref<4x8x2048xf32, #tpu.memory_space<vmem>>, vector<1x8x2048xf32>
    %get3A_37 = vector.shape_cast %get3A_36 : vector<1x8x2048xf32> to vector<8x2048xf32>
    %get3A_38 = arith.constant 2 : index
    %get3A_39 = arith.constant 0 : index
    %get3A_40 = arith.constant 0 : index
    %get3A_41 = vector.load %arg1[%get3A_38, %get3A_39, %get3A_40] : memref<4x8x2048xf32, #tpu.memory_space<vmem>>, vector<1x8x2048xf32>
    %get3A_42 = vector.shape_cast %get3A_41 : vector<1x8x2048xf32> to vector<8x2048xf32>
    %get3A_43 = arith.constant 3 : index
    %get3A_44 = arith.constant 0 : index
    %get3A_45 = arith.constant 0 : index
    %get3A_46 = vector.load %arg1[%get3A_43, %get3A_44, %get3A_45] : memref<4x8x2048xf32, #tpu.memory_space<vmem>>, vector<1x8x2048xf32>
    %get3A_47 = vector.shape_cast %get3A_46 : vector<1x8x2048xf32> to vector<8x2048xf32>
    %get3A_48 = arith.constant 0 : index
    %get3A_49 = arith.constant 0 : index
    %get3A_50 = arith.constant 0 : index
    %get3A_51 = vector.load %arg2[%get3A_48, %get3A_49, %get3A_50] : memref<4x8x2048xf32, #tpu.memory_space<vmem>>, vector<1x8x2048xf32>
    %get3A_52 = vector.shape_cast %get3A_51 : vector<1x8x2048xf32> to vector<8x2048xf32>
    %get3A_53 = arith.constant 1 : index
    %get3A_54 = arith.constant 0 : index
    %get3A_55 = arith.constant 0 : index
    %get3A_56 = vector.load %arg2[%get3A_53, %get3A_54, %get3A_55] : memref<4x8x2048xf32, #tpu.memory_space<vmem>>, vector<1x8x2048xf32>
    %get3A_57 = vector.shape_cast %get3A_56 : vector<1x8x2048xf32> to vector<8x2048xf32>
    %get3A_58 = arith.constant 2 : index
    %get3A_59 = arith.constant 0 : index
    %get3A_60 = arith.constant 0 : index
    %get3A_61 = vector.load %arg2[%get3A_58, %get3A_59, %get3A_60] : memref<4x8x2048xf32, #tpu.memory_space<vmem>>, vector<1x8x2048xf32>
    %get3A_62 = vector.shape_cast %get3A_61 : vector<1x8x2048xf32> to vector<8x2048xf32>
    %get3A_63 = arith.constant 3 : index
    %get3A_64 = arith.constant 0 : index
    %get3A_65 = arith.constant 0 : index
    %get3A_66 = vector.load %arg2[%get3A_63, %get3A_64, %get3A_65] : memref<4x8x2048xf32, #tpu.memory_space<vmem>>, vector<1x8x2048xf32>
    %get3A_67 = vector.shape_cast %get3A_66 : vector<1x8x2048xf32> to vector<8x2048xf32>
    %slice3A = vector.extract_strided_slice %get3A_12 {offsets = [0, 0], sizes = [1, 1], strides = [1, 1]} : vector<8x2048xf32> to vector<1x1xf32>
    %slice3A_68 = vector.extract_strided_slice %get3A_32 {offsets = [0, 0], sizes = [1, 1], strides = [1, 1]} : vector<8x2048xf32> to vector<1x1xf32>
    %slice3A_69 = vector.extract_strided_slice %get3A_52 {offsets = [0, 0], sizes = [1, 1], strides = [1, 1]} : vector<8x2048xf32> to vector<1x1xf32>
    %sub3A = vector.broadcast %slice3A : vector<1x1xf32> to vector<8x2048xf32>
    %sub3A_70 = arith.subf %get3A_12, %sub3A : vector<8x2048xf32>
    %sub3A_71 = vector.broadcast %slice3A_68 : vector<1x1xf32> to vector<8x2048xf32>
    %sub3A_72 = arith.subf %get3A_32, %sub3A_71 : vector<8x2048xf32>
    %sub3A_73 = vector.broadcast %slice3A_69 : vector<1x1xf32> to vector<8x2048xf32>
    %sub3A_74 = arith.subf %get3A_52, %sub3A_73 : vector<8x2048xf32>
    %mul3A_75 = arith.mulf %sub3A_70, %sub3A_70 : vector<8x2048xf32>
    %mul3A_76 = arith.mulf %sub3A_72, %sub3A_72 : vector<8x2048xf32>
    %add3A_77 = arith.addf %mul3A_75, %mul3A_76 : vector<8x2048xf32>
    %mul3A_78 = arith.mulf %sub3A_74, %sub3A_74 : vector<8x2048xf32>
    %add3A_79 = arith.addf %add3A_77, %mul3A_78 : vector<8x2048xf32>
    %eq3A = arith.constant 0 : i32
    %eq3A_80 = vector.broadcast %eq3A : i32 to vector<8x512xi32>
    %eq3A_81 = arith.cmpi eq, %add3A_8, %eq3A_80 : vector<8x512xi32>
    %broadcast_in_dim3A = arith.constant 0 : i32
    %broadcast_in_dim3A_82 = vector.broadcast %broadcast_in_dim3A : i32 to vector<8x512xi32>
    %jit3A = arith.constant 0.000000e+00 : f32
    %broadcast_in_dim3A_83 = vector.shape_cast %slice3A : vector<1x1xf32> to vector<1x1xf32>
    %broadcast_in_dim3A_84 = vector.broadcast %broadcast_in_dim3A_83 : vector<1x1xf32> to vector<8x512xf32>
    %broadcast_in_dim3A_85 = vector.broadcast %jit3A : f32 to vector<8x512xf32>
    %select_n3A = arith.select %eq3A_81, %broadcast_in_dim3A_84, %broadcast_in_dim3A_85 : vector<8x512xi1>, vector<8x512xf32>
    %jit3A_86 = arith.constant 0.000000e+00 : f32
    %broadcast_in_dim3A_87 = vector.shape_cast %slice3A_68 : vector<1x1xf32> to vector<1x1xf32>
    %broadcast_in_dim3A_88 = vector.broadcast %broadcast_in_dim3A_87 : vector<1x1xf32> to vector<8x512xf32>
    %broadcast_in_dim3A_89 = vector.broadcast %jit3A_86 : f32 to vector<8x512xf32>
    %select_n3A_90 = arith.select %eq3A_81, %broadcast_in_dim3A_88, %broadcast_in_dim3A_89 : vector<8x512xi1>, vector<8x512xf32>
    %jit3A_91 = arith.constant 0.000000e+00 : f32
    %broadcast_in_dim3A_92 = vector.shape_cast %slice3A_69 : vector<1x1xf32> to vector<1x1xf32>
    %broadcast_in_dim3A_93 = vector.broadcast %broadcast_in_dim3A_92 : vector<1x1xf32> to vector<8x512xf32>
    %broadcast_in_dim3A_94 = vector.broadcast %jit3A_91 : f32 to vector<8x512xf32>
    %select_n3A_95 = arith.select %eq3A_81, %broadcast_in_dim3A_93, %broadcast_in_dim3A_94 : vector<8x512xi1>, vector<8x512xf32>
    %slice3A_96 = vector.extract_strided_slice %get3A_17 {offsets = [0, 0], sizes = [1, 1], strides = [1, 1]} : vector<8x2048xf32> to vector<1x1xf32>
    %slice3A_97 = vector.extract_strided_slice %get3A_37 {offsets = [0, 0], sizes = [1, 1], strides = [1, 1]} : vector<8x2048xf32> to vector<1x1xf32>
    %slice3A_98 = vector.extract_strided_slice %get3A_57 {offsets = [0, 0], sizes = [1, 1], strides = [1, 1]} : vector<8x2048xf32> to vector<1x1xf32>
    %sub3A_99 = vector.broadcast %slice3A_96 : vector<1x1xf32> to vector<8x2048xf32>
    %sub3A_100 = arith.subf %get3A_17, %sub3A_99 : vector<8x2048xf32>
    %sub3A_101 = vector.broadcast %slice3A_97 : vector<1x1xf32> to vector<8x2048xf32>
    %sub3A_102 = arith.subf %get3A_37, %sub3A_101 : vector<8x2048xf32>
    %sub3A_103 = vector.broadcast %slice3A_98 : vector<1x1xf32> to vector<8x2048xf32>
    %sub3A_104 = arith.subf %get3A_57, %sub3A_103 : vector<8x2048xf32>
    %mul3A_105 = arith.mulf %sub3A_100, %sub3A_100 : vector<8x2048xf32>
    %mul3A_106 = arith.mulf %sub3A_102, %sub3A_102 : vector<8x2048xf32>
    %add3A_107 = arith.addf %mul3A_105, %mul3A_106 : vector<8x2048xf32>
    %mul3A_108 = arith.mulf %sub3A_104, %sub3A_104 : vector<8x2048xf32>
    %add3A_109 = arith.addf %add3A_107, %mul3A_108 : vector<8x2048xf32>
    %eq3A_110 = arith.constant 0 : i32
    %eq3A_111 = vector.broadcast %eq3A_110 : i32 to vector<8x512xi32>
    %eq3A_112 = arith.cmpi eq, %add3A_8, %eq3A_111 : vector<8x512xi32>
    %broadcast_in_dim3A_113 = arith.constant 0 : i32
    %broadcast_in_dim3A_114 = vector.broadcast %broadcast_in_dim3A_113 : i32 to vector<8x512xi32>
    %jit3A_115 = arith.constant 0.000000e+00 : f32
    %broadcast_in_dim3A_116 = vector.shape_cast %slice3A_96 : vector<1x1xf32> to vector<1x1xf32>
    %broadcast_in_dim3A_117 = vector.broadcast %broadcast_in_dim3A_116 : vector<1x1xf32> to vector<8x512xf32>
    %broadcast_in_dim3A_118 = vector.broadcast %jit3A_115 : f32 to vector<8x512xf32>
    %select_n3A_119 = arith.select %eq3A_112, %broadcast_in_dim3A_117, %broadcast_in_dim3A_118 : vector<8x512xi1>, vector<8x512xf32>
    %jit3A_120 = arith.constant 0.000000e+00 : f32
    %broadcast_in_dim3A_121 = vector.shape_cast %slice3A_97 : vector<1x1xf32> to vector<1x1xf32>
    %broadcast_in_dim3A_122 = vector.broadcast %broadcast_in_dim3A_121 : vector<1x1xf32> to vector<8x512xf32>
    %broadcast_in_dim3A_123 = vector.broadcast %jit3A_120 : f32 to vector<8x512xf32>
    %select_n3A_124 = arith.select %eq3A_112, %broadcast_in_dim3A_122, %broadcast_in_dim3A_123 : vector<8x512xi1>, vector<8x512xf32>
    %jit3A_125 = arith.constant 0.000000e+00 : f32
    %broadcast_in_dim3A_126 = vector.shape_cast %slice3A_98 : vector<1x1xf32> to vector<1x1xf32>
    %broadcast_in_dim3A_127 = vector.broadcast %broadcast_in_dim3A_126 : vector<1x1xf32> to vector<8x512xf32>
    %broadcast_in_dim3A_128 = vector.broadcast %jit3A_125 : f32 to vector<8x512xf32>
    %select_n3A_129 = arith.select %eq3A_112, %broadcast_in_dim3A_127, %broadcast_in_dim3A_128 : vector<8x512xi1>, vector<8x512xf32>
    %slice3A_130 = vector.extract_strided_slice %get3A_22 {offsets = [0, 0], sizes = [1, 1], strides = [1, 1]} : vector<8x2048xf32> to vector<1x1xf32>
    %slice3A_131 = vector.extract_strided_slice %get3A_42 {offsets = [0, 0], sizes = [1, 1], strides = [1, 1]} : vector<8x2048xf32> to vector<1x1xf32>
    %slice3A_132 = vector.extract_strided_slice %get3A_62 {offsets = [0, 0], sizes = [1, 1], strides = [1, 1]} : vector<8x2048xf32> to vector<1x1xf32>
    %sub3A_133 = vector.broadcast %slice3A_130 : vector<1x1xf32> to vector<8x2048xf32>
    %sub3A_134 = arith.subf %get3A_22, %sub3A_133 : vector<8x2048xf32>
    %sub3A_135 = vector.broadcast %slice3A_131 : vector<1x1xf32> to vector<8x2048xf32>
    %sub3A_136 = arith.subf %get3A_42, %sub3A_135 : vector<8x2048xf32>
    %sub3A_137 = vector.broadcast %slice3A_132 : vector<1x1xf32> to vector<8x2048xf32>
    %sub3A_138 = arith.subf %get3A_62, %sub3A_137 : vector<8x2048xf32>
    %mul3A_139 = arith.mulf %sub3A_134, %sub3A_134 : vector<8x2048xf32>
    %mul3A_140 = arith.mulf %sub3A_136, %sub3A_136 : vector<8x2048xf32>
    %add3A_141 = arith.addf %mul3A_139, %mul3A_140 : vector<8x2048xf32>
    %mul3A_142 = arith.mulf %sub3A_138, %sub3A_138 : vector<8x2048xf32>
    %add3A_143 = arith.addf %add3A_141, %mul3A_142 : vector<8x2048xf32>
    %eq3A_144 = arith.constant 0 : i32
    %eq3A_145 = vector.broadcast %eq3A_144 : i32 to vector<8x512xi32>
    %eq3A_146 = arith.cmpi eq, %add3A_8, %eq3A_145 : vector<8x512xi32>
    %broadcast_in_dim3A_147 = arith.constant 0 : i32
    %broadcast_in_dim3A_148 = vector.broadcast %broadcast_in_dim3A_147 : i32 to vector<8x512xi32>
    %jit3A_149 = arith.constant 0.000000e+00 : f32
    %broadcast_in_dim3A_150 = vector.shape_cast %slice3A_130 : vector<1x1xf32> to vector<1x1xf32>
    %broadcast_in_dim3A_151 = vector.broadcast %broadcast_in_dim3A_150 : vector<1x1xf32> to vector<8x512xf32>
    %broadcast_in_dim3A_152 = vector.broadcast %jit3A_149 : f32 to vector<8x512xf32>
    %select_n3A_153 = arith.select %eq3A_146, %broadcast_in_dim3A_151, %broadcast_in_dim3A_152 : vector<8x512xi1>, vector<8x512xf32>
    %jit3A_154 = arith.constant 0.000000e+00 : f32
    %broadcast_in_dim3A_155 = vector.shape_cast %slice3A_131 : vector<1x1xf32> to vector<1x1xf32>
    %broadcast_in_dim3A_156 = vector.broadcast %broadcast_in_dim3A_155 : vector<1x1xf32> to vector<8x512xf32>
    %broadcast_in_dim3A_157 = vector.broadcast %jit3A_154 : f32 to vector<8x512xf32>
    %select_n3A_158 = arith.select %eq3A_146, %broadcast_in_dim3A_156, %broadcast_in_dim3A_157 : vector<8x512xi1>, vector<8x512xf32>
    %jit3A_159 = arith.constant 0.000000e+00 : f32
    %broadcast_in_dim3A_160 = vector.shape_cast %slice3A_132 : vector<1x1xf32> to vector<1x1xf32>
    %broadcast_in_dim3A_161 = vector.broadcast %broadcast_in_dim3A_160 : vector<1x1xf32> to vector<8x512xf32>
    %broadcast_in_dim3A_162 = vector.broadcast %jit3A_159 : f32 to vector<8x512xf32>
    %select_n3A_163 = arith.select %eq3A_146, %broadcast_in_dim3A_161, %broadcast_in_dim3A_162 : vector<8x512xi1>, vector<8x512xf32>
    %slice3A_164 = vector.extract_strided_slice %get3A_27 {offsets = [0, 0], sizes = [1, 1], strides = [1, 1]} : vector<8x2048xf32> to vector<1x1xf32>
    %slice3A_165 = vector.extract_strided_slice %get3A_47 {offsets = [0, 0], sizes = [1, 1], strides = [1, 1]} : vector<8x2048xf32> to vector<1x1xf32>
    %slice3A_166 = vector.extract_strided_slice %get3A_67 {offsets = [0, 0], sizes = [1, 1], strides = [1, 1]} : vector<8x2048xf32> to vector<1x1xf32>
    %sub3A_167 = vector.broadcast %slice3A_164 : vector<1x1xf32> to vector<8x2048xf32>
    %sub3A_168 = arith.subf %get3A_27, %sub3A_167 : vector<8x2048xf32>
    %sub3A_169 = vector.broadcast %slice3A_165 : vector<1x1xf32> to vector<8x2048xf32>
    %sub3A_170 = arith.subf %get3A_47, %sub3A_169 : vector<8x2048xf32>
    %sub3A_171 = vector.broadcast %slice3A_166 : vector<1x1xf32> to vector<8x2048xf32>
    %sub3A_172 = arith.subf %get3A_67, %sub3A_171 : vector<8x2048xf32>
    %mul3A_173 = arith.mulf %sub3A_168, %sub3A_168 : vector<8x2048xf32>
    %mul3A_174 = arith.mulf %sub3A_170, %sub3A_170 : vector<8x2048xf32>
    %add3A_175 = arith.addf %mul3A_173, %mul3A_174 : vector<8x2048xf32>
    %mul3A_176 = arith.mulf %sub3A_172, %sub3A_172 : vector<8x2048xf32>
    %add3A_177 = arith.addf %add3A_175, %mul3A_176 : vector<8x2048xf32>
    %eq3A_178 = arith.constant 0 : i32
    %eq3A_179 = vector.broadcast %eq3A_178 : i32 to vector<8x512xi32>
    %eq3A_180 = arith.cmpi eq, %add3A_8, %eq3A_179 : vector<8x512xi32>
    %broadcast_in_dim3A_181 = arith.constant 0 : i32
    %broadcast_in_dim3A_182 = vector.broadcast %broadcast_in_dim3A_181 : i32 to vector<8x512xi32>
    %jit3A_183 = arith.constant 0.000000e+00 : f32
    %broadcast_in_dim3A_184 = vector.shape_cast %slice3A_164 : vector<1x1xf32> to vector<1x1xf32>
    %broadcast_in_dim3A_185 = vector.broadcast %broadcast_in_dim3A_184 : vector<1x1xf32> to vector<8x512xf32>
    %broadcast_in_dim3A_186 = vector.broadcast %jit3A_183 : f32 to vector<8x512xf32>
    %select_n3A_187 = arith.select %eq3A_180, %broadcast_in_dim3A_185, %broadcast_in_dim3A_186 : vector<8x512xi1>, vector<8x512xf32>
    %jit3A_188 = arith.constant 0.000000e+00 : f32
    %broadcast_in_dim3A_189 = vector.shape_cast %slice3A_165 : vector<1x1xf32> to vector<1x1xf32>
    %broadcast_in_dim3A_190 = vector.broadcast %broadcast_in_dim3A_189 : vector<1x1xf32> to vector<8x512xf32>
    %broadcast_in_dim3A_191 = vector.broadcast %jit3A_188 : f32 to vector<8x512xf32>
    %select_n3A_192 = arith.select %eq3A_180, %broadcast_in_dim3A_190, %broadcast_in_dim3A_191 : vector<8x512xi1>, vector<8x512xf32>
    %jit3A_193 = arith.constant 0.000000e+00 : f32
    %broadcast_in_dim3A_194 = vector.shape_cast %slice3A_166 : vector<1x1xf32> to vector<1x1xf32>
    %broadcast_in_dim3A_195 = vector.broadcast %broadcast_in_dim3A_194 : vector<1x1xf32> to vector<8x512xf32>
    %broadcast_in_dim3A_196 = vector.broadcast %jit3A_193 : f32 to vector<8x512xf32>
    %select_n3A_197 = arith.select %eq3A_180, %broadcast_in_dim3A_195, %broadcast_in_dim3A_196 : vector<8x512xi1>, vector<8x512xf32>
    %scan3A = arith.constant 1 : i32
    %scan3A_198 = arith.constant 4095 : i32
    %scan3A_199 = arith.addi %scan3A, %scan3A_198 : i32
    %scan3A_200 = arith.constant 1 : i32
    %scan3A_201:20 = scf.for %scan3A_298 = %scan3A to %scan3A_199 step %scan3A_200 iter_args(%scan3A_299 = %add3A_79, %scan3A_300 = %broadcast_in_dim3A_82, %scan3A_301 = %select_n3A, %scan3A_302 = %select_n3A_90, %scan3A_303 = %select_n3A_95, %scan3A_304 = %add3A_109, %scan3A_305 = %broadcast_in_dim3A_114, %scan3A_306 = %select_n3A_119, %scan3A_307 = %select_n3A_124, %scan3A_308 = %select_n3A_129, %scan3A_309 = %add3A_143, %scan3A_310 = %broadcast_in_dim3A_148, %scan3A_311 = %select_n3A_153, %scan3A_312 = %select_n3A_158, %scan3A_313 = %select_n3A_163, %scan3A_314 = %add3A_177, %scan3A_315 = %broadcast_in_dim3A_182, %scan3A_316 = %select_n3A_187, %scan3A_317 = %select_n3A_192, %scan3A_318 = %select_n3A_197) -> (vector<8x2048xf32>, vector<8x512xi32>, vector<8x512xf32>, vector<8x512xf32>, vector<8x512xf32>, vector<8x2048xf32>, vector<8x512xi32>, vector<8x512xf32>, vector<8x512xf32>, vector<8x512xf32>, vector<8x2048xf32>, vector<8x512xi32>, vector<8x512xf32>, vector<8x512xf32>, vector<8x512xf32>, vector<8x2048xf32>, vector<8x512xi32>, vector<8x512xf32>, vector<8x512xf32>, vector<8x512xf32>)  : i32 {
      %reduce_max3A = arith.constant dense<0xFF800000> : vector<8xf32>
      %reduce_max3A_319 = vector.multi_reduction <maximumf>, %scan3A_299, %reduce_max3A [1] : vector<8x2048xf32> to vector<8xf32>
      %broadcast_in_dim3A_320 = vector.shape_cast %reduce_max3A_319 : vector<8xf32> to vector<8x1xf32>
      %reduce_max3A_321 = arith.constant dense<0xFF800000> : vector<1xf32>
      %reduce_max3A_322 = vector.multi_reduction <maximumf>, %broadcast_in_dim3A_320, %reduce_max3A_321 [0] : vector<8x1xf32> to vector<1xf32>
      %broadcast_in_dim3A_323 = vector.shape_cast %reduce_max3A_322 : vector<1xf32> to vector<1x1xf32>
      %eq3A_324 = vector.broadcast %broadcast_in_dim3A_323 : vector<1x1xf32> to vector<8x2048xf32>
      %eq3A_325 = arith.cmpf oeq, %scan3A_299, %eq3A_324 : vector<8x2048xf32>
      %jit3A_326 = arith.constant 16384 : i32
      %broadcast_in_dim3A_327 = vector.broadcast %jit3A_326 : i32 to vector<8x2048xi32>
      %select_n3A_328 = arith.select %eq3A_325, %add3A, %broadcast_in_dim3A_327 : vector<8x2048xi1>, vector<8x2048xi32>
      %reduce_min3A = arith.constant dense<2147483647> : vector<8xi32>
      %reduce_min3A_329 = vector.multi_reduction <minsi>, %select_n3A_328, %reduce_min3A [1] : vector<8x2048xi32> to vector<8xi32>
      %broadcast_in_dim3A_330 = vector.shape_cast %reduce_min3A_329 : vector<8xi32> to vector<8x1xi32>
      %reduce_min3A_331 = arith.constant dense<2147483647> : vector<1xi32>
      %reduce_min3A_332 = vector.multi_reduction <minsi>, %broadcast_in_dim3A_330, %reduce_min3A_331 [0] : vector<8x1xi32> to vector<1xi32>
      %broadcast_in_dim3A_333 = vector.shape_cast %reduce_min3A_332 : vector<1xi32> to vector<1x1xi32>
      %eq3A_334 = vector.broadcast %broadcast_in_dim3A_333 : vector<1x1xi32> to vector<8x2048xi32>
      %eq3A_335 = arith.cmpi eq, %add3A, %eq3A_334 : vector<8x2048xi32>
      %jit3A_336 = arith.constant 0.000000e+00 : f32
      %broadcast_in_dim3A_337 = vector.broadcast %jit3A_336 : f32 to vector<8x2048xf32>
      %select_n3A_338 = arith.select %eq3A_335, %get3A_12, %broadcast_in_dim3A_337 : vector<8x2048xi1>, vector<8x2048xf32>
      %reduce_sum3A = arith.constant dense<0.000000e+00> : vector<8xf32>
      %reduce_sum3A_339 = vector.multi_reduction <add>, %select_n3A_338, %reduce_sum3A [1] : vector<8x2048xf32> to vector<8xf32>
      %broadcast_in_dim3A_340 = vector.shape_cast %reduce_sum3A_339 : vector<8xf32> to vector<8x1xf32>
      %reduce_sum3A_341 = arith.constant dense<0.000000e+00> : vector<1xf32>
      %reduce_sum3A_342 = vector.multi_reduction <add>, %broadcast_in_dim3A_340, %reduce_sum3A_341 [0] : vector<8x1xf32> to vector<1xf32>
      %broadcast_in_dim3A_343 = vector.shape_cast %reduce_sum3A_342 : vector<1xf32> to vector<1x1xf32>
      %jit3A_344 = arith.constant 0.000000e+00 : f32
      %broadcast_in_dim3A_345 = vector.broadcast %jit3A_344 : f32 to vector<8x2048xf32>
      %select_n3A_346 = arith.select %eq3A_335, %get3A_32, %broadcast_in_dim3A_345 : vector<8x2048xi1>, vector<8x2048xf32>
      %reduce_sum3A_347 = arith.constant dense<0.000000e+00> : vector<8xf32>
      %reduce_sum3A_348 = vector.multi_reduction <add>, %select_n3A_346, %reduce_sum3A_347 [1] : vector<8x2048xf32> to vector<8xf32>
      %broadcast_in_dim3A_349 = vector.shape_cast %reduce_sum3A_348 : vector<8xf32> to vector<8x1xf32>
      %reduce_sum3A_350 = arith.constant dense<0.000000e+00> : vector<1xf32>
      %reduce_sum3A_351 = vector.multi_reduction <add>, %broadcast_in_dim3A_349, %reduce_sum3A_350 [0] : vector<8x1xf32> to vector<1xf32>
      %broadcast_in_dim3A_352 = vector.shape_cast %reduce_sum3A_351 : vector<1xf32> to vector<1x1xf32>
      %jit3A_353 = arith.constant 0.000000e+00 : f32
      %broadcast_in_dim3A_354 = vector.broadcast %jit3A_353 : f32 to vector<8x2048xf32>
      %select_n3A_355 = arith.select %eq3A_335, %get3A_52, %broadcast_in_dim3A_354 : vector<8x2048xi1>, vector<8x2048xf32>
      %reduce_sum3A_356 = arith.constant dense<0.000000e+00> : vector<8xf32>
      %reduce_sum3A_357 = vector.multi_reduction <add>, %select_n3A_355, %reduce_sum3A_356 [1] : vector<8x2048xf32> to vector<8xf32>
      %broadcast_in_dim3A_358 = vector.shape_cast %reduce_sum3A_357 : vector<8xf32> to vector<8x1xf32>
      %reduce_sum3A_359 = arith.constant dense<0.000000e+00> : vector<1xf32>
      %reduce_sum3A_360 = vector.multi_reduction <add>, %broadcast_in_dim3A_358, %reduce_sum3A_359 [0] : vector<8x1xf32> to vector<1xf32>
      %broadcast_in_dim3A_361 = vector.shape_cast %reduce_sum3A_360 : vector<1xf32> to vector<1x1xf32>
      %eq3A_362 = vector.broadcast %scan3A_298 : i32 to vector<8x512xi32>
      %eq3A_363 = arith.cmpi eq, %add3A_8, %eq3A_362 : vector<8x512xi32>
      %broadcast_in_dim3A_364 = vector.shape_cast %broadcast_in_dim3A_333 : vector<1x1xi32> to vector<1x1xi32>
      %broadcast_in_dim3A_365 = vector.broadcast %broadcast_in_dim3A_364 : vector<1x1xi32> to vector<8x512xi32>
      %select_n3A_366 = arith.select %eq3A_363, %broadcast_in_dim3A_365, %scan3A_300 : vector<8x512xi1>, vector<8x512xi32>
      %broadcast_in_dim3A_367 = vector.shape_cast %broadcast_in_dim3A_343 : vector<1x1xf32> to vector<1x1xf32>
      %broadcast_in_dim3A_368 = vector.broadcast %broadcast_in_dim3A_367 : vector<1x1xf32> to vector<8x512xf32>
      %select_n3A_369 = arith.select %eq3A_363, %broadcast_in_dim3A_368, %scan3A_301 : vector<8x512xi1>, vector<8x512xf32>
      %broadcast_in_dim3A_370 = vector.shape_cast %broadcast_in_dim3A_352 : vector<1x1xf32> to vector<1x1xf32>
      %broadcast_in_dim3A_371 = vector.broadcast %broadcast_in_dim3A_370 : vector<1x1xf32> to vector<8x512xf32>
      %select_n3A_372 = arith.select %eq3A_363, %broadcast_in_dim3A_371, %scan3A_302 : vector<8x512xi1>, vector<8x512xf32>
      %broadcast_in_dim3A_373 = vector.shape_cast %broadcast_in_dim3A_361 : vector<1x1xf32> to vector<1x1xf32>
      %broadcast_in_dim3A_374 = vector.broadcast %broadcast_in_dim3A_373 : vector<1x1xf32> to vector<8x512xf32>
      %select_n3A_375 = arith.select %eq3A_363, %broadcast_in_dim3A_374, %scan3A_303 : vector<8x512xi1>, vector<8x512xf32>
      %sub3A_376 = vector.broadcast %broadcast_in_dim3A_343 : vector<1x1xf32> to vector<8x2048xf32>
      %sub3A_377 = arith.subf %get3A_12, %sub3A_376 : vector<8x2048xf32>
      %sub3A_378 = vector.broadcast %broadcast_in_dim3A_352 : vector<1x1xf32> to vector<8x2048xf32>
      %sub3A_379 = arith.subf %get3A_32, %sub3A_378 : vector<8x2048xf32>
      %sub3A_380 = vector.broadcast %broadcast_in_dim3A_361 : vector<1x1xf32> to vector<8x2048xf32>
      %sub3A_381 = arith.subf %get3A_52, %sub3A_380 : vector<8x2048xf32>
      %mul3A_382 = arith.mulf %sub3A_377, %sub3A_377 : vector<8x2048xf32>
      %mul3A_383 = arith.mulf %sub3A_379, %sub3A_379 : vector<8x2048xf32>
      %add3A_384 = arith.addf %mul3A_382, %mul3A_383 : vector<8x2048xf32>
      %mul3A_385 = arith.mulf %sub3A_381, %sub3A_381 : vector<8x2048xf32>
      %add3A_386 = arith.addf %add3A_384, %mul3A_385 : vector<8x2048xf32>
      %min3A = arith.minimumf %scan3A_299, %add3A_386 : vector<8x2048xf32>
      %reduce_max3A_387 = arith.constant dense<0xFF800000> : vector<8xf32>
      %reduce_max3A_388 = vector.multi_reduction <maximumf>, %scan3A_304, %reduce_max3A_387 [1] : vector<8x2048xf32> to vector<8xf32>
      %broadcast_in_dim3A_389 = vector.shape_cast %reduce_max3A_388 : vector<8xf32> to vector<8x1xf32>
      %reduce_max3A_390 = arith.constant dense<0xFF800000> : vector<1xf32>
      %reduce_max3A_391 = vector.multi_reduction <maximumf>, %broadcast_in_dim3A_389, %reduce_max3A_390 [0] : vector<8x1xf32> to vector<1xf32>
      %broadcast_in_dim3A_392 = vector.shape_cast %reduce_max3A_391 : vector<1xf32> to vector<1x1xf32>
      %eq3A_393 = vector.broadcast %broadcast_in_dim3A_392 : vector<1x1xf32> to vector<8x2048xf32>
      %eq3A_394 = arith.cmpf oeq, %scan3A_304, %eq3A_393 : vector<8x2048xf32>
      %jit3A_395 = arith.constant 16384 : i32
      %broadcast_in_dim3A_396 = vector.broadcast %jit3A_395 : i32 to vector<8x2048xi32>
      %select_n3A_397 = arith.select %eq3A_394, %add3A, %broadcast_in_dim3A_396 : vector<8x2048xi1>, vector<8x2048xi32>
      %reduce_min3A_398 = arith.constant dense<2147483647> : vector<8xi32>
      %reduce_min3A_399 = vector.multi_reduction <minsi>, %select_n3A_397, %reduce_min3A_398 [1] : vector<8x2048xi32> to vector<8xi32>
      %broadcast_in_dim3A_400 = vector.shape_cast %reduce_min3A_399 : vector<8xi32> to vector<8x1xi32>
      %reduce_min3A_401 = arith.constant dense<2147483647> : vector<1xi32>
      %reduce_min3A_402 = vector.multi_reduction <minsi>, %broadcast_in_dim3A_400, %reduce_min3A_401 [0] : vector<8x1xi32> to vector<1xi32>
      %broadcast_in_dim3A_403 = vector.shape_cast %reduce_min3A_402 : vector<1xi32> to vector<1x1xi32>
      %eq3A_404 = vector.broadcast %broadcast_in_dim3A_403 : vector<1x1xi32> to vector<8x2048xi32>
      %eq3A_405 = arith.cmpi eq, %add3A, %eq3A_404 : vector<8x2048xi32>
      %jit3A_406 = arith.constant 0.000000e+00 : f32
      %broadcast_in_dim3A_407 = vector.broadcast %jit3A_406 : f32 to vector<8x2048xf32>
      %select_n3A_408 = arith.select %eq3A_405, %get3A_17, %broadcast_in_dim3A_407 : vector<8x2048xi1>, vector<8x2048xf32>
      %reduce_sum3A_409 = arith.constant dense<0.000000e+00> : vector<8xf32>
      %reduce_sum3A_410 = vector.multi_reduction <add>, %select_n3A_408, %reduce_sum3A_409 [1] : vector<8x2048xf32> to vector<8xf32>
      %broadcast_in_dim3A_411 = vector.shape_cast %reduce_sum3A_410 : vector<8xf32> to vector<8x1xf32>
      %reduce_sum3A_412 = arith.constant dense<0.000000e+00> : vector<1xf32>
      %reduce_sum3A_413 = vector.multi_reduction <add>, %broadcast_in_dim3A_411, %reduce_sum3A_412 [0] : vector<8x1xf32> to vector<1xf32>
      %broadcast_in_dim3A_414 = vector.shape_cast %reduce_sum3A_413 : vector<1xf32> to vector<1x1xf32>
      %jit3A_415 = arith.constant 0.000000e+00 : f32
      %broadcast_in_dim3A_416 = vector.broadcast %jit3A_415 : f32 to vector<8x2048xf32>
      %select_n3A_417 = arith.select %eq3A_405, %get3A_37, %broadcast_in_dim3A_416 : vector<8x2048xi1>, vector<8x2048xf32>
      %reduce_sum3A_418 = arith.constant dense<0.000000e+00> : vector<8xf32>
      %reduce_sum3A_419 = vector.multi_reduction <add>, %select_n3A_417, %reduce_sum3A_418 [1] : vector<8x2048xf32> to vector<8xf32>
      %broadcast_in_dim3A_420 = vector.shape_cast %reduce_sum3A_419 : vector<8xf32> to vector<8x1xf32>
      %reduce_sum3A_421 = arith.constant dense<0.000000e+00> : vector<1xf32>
      %reduce_sum3A_422 = vector.multi_reduction <add>, %broadcast_in_dim3A_420, %reduce_sum3A_421 [0] : vector<8x1xf32> to vector<1xf32>
      %broadcast_in_dim3A_423 = vector.shape_cast %reduce_sum3A_422 : vector<1xf32> to vector<1x1xf32>
      %jit3A_424 = arith.constant 0.000000e+00 : f32
      %broadcast_in_dim3A_425 = vector.broadcast %jit3A_424 : f32 to vector<8x2048xf32>
      %select_n3A_426 = arith.select %eq3A_405, %get3A_57, %broadcast_in_dim3A_425 : vector<8x2048xi1>, vector<8x2048xf32>
      %reduce_sum3A_427 = arith.constant dense<0.000000e+00> : vector<8xf32>
      %reduce_sum3A_428 = vector.multi_reduction <add>, %select_n3A_426, %reduce_sum3A_427 [1] : vector<8x2048xf32> to vector<8xf32>
      %broadcast_in_dim3A_429 = vector.shape_cast %reduce_sum3A_428 : vector<8xf32> to vector<8x1xf32>
      %reduce_sum3A_430 = arith.constant dense<0.000000e+00> : vector<1xf32>
      %reduce_sum3A_431 = vector.multi_reduction <add>, %broadcast_in_dim3A_429, %reduce_sum3A_430 [0] : vector<8x1xf32> to vector<1xf32>
      %broadcast_in_dim3A_432 = vector.shape_cast %reduce_sum3A_431 : vector<1xf32> to vector<1x1xf32>
      %eq3A_433 = vector.broadcast %scan3A_298 : i32 to vector<8x512xi32>
      %eq3A_434 = arith.cmpi eq, %add3A_8, %eq3A_433 : vector<8x512xi32>
      %broadcast_in_dim3A_435 = vector.shape_cast %broadcast_in_dim3A_403 : vector<1x1xi32> to vector<1x1xi32>
      %broadcast_in_dim3A_436 = vector.broadcast %broadcast_in_dim3A_435 : vector<1x1xi32> to vector<8x512xi32>
      %select_n3A_437 = arith.select %eq3A_434, %broadcast_in_dim3A_436, %scan3A_305 : vector<8x512xi1>, vector<8x512xi32>
      %broadcast_in_dim3A_438 = vector.shape_cast %broadcast_in_dim3A_414 : vector<1x1xf32> to vector<1x1xf32>
      %broadcast_in_dim3A_439 = vector.broadcast %broadcast_in_dim3A_438 : vector<1x1xf32> to vector<8x512xf32>
      %select_n3A_440 = arith.select %eq3A_434, %broadcast_in_dim3A_439, %scan3A_306 : vector<8x512xi1>, vector<8x512xf32>
      %broadcast_in_dim3A_441 = vector.shape_cast %broadcast_in_dim3A_423 : vector<1x1xf32> to vector<1x1xf32>
      %broadcast_in_dim3A_442 = vector.broadcast %broadcast_in_dim3A_441 : vector<1x1xf32> to vector<8x512xf32>
      %select_n3A_443 = arith.select %eq3A_434, %broadcast_in_dim3A_442, %scan3A_307 : vector<8x512xi1>, vector<8x512xf32>
      %broadcast_in_dim3A_444 = vector.shape_cast %broadcast_in_dim3A_432 : vector<1x1xf32> to vector<1x1xf32>
      %broadcast_in_dim3A_445 = vector.broadcast %broadcast_in_dim3A_444 : vector<1x1xf32> to vector<8x512xf32>
      %select_n3A_446 = arith.select %eq3A_434, %broadcast_in_dim3A_445, %scan3A_308 : vector<8x512xi1>, vector<8x512xf32>
      %sub3A_447 = vector.broadcast %broadcast_in_dim3A_414 : vector<1x1xf32> to vector<8x2048xf32>
      %sub3A_448 = arith.subf %get3A_17, %sub3A_447 : vector<8x2048xf32>
      %sub3A_449 = vector.broadcast %broadcast_in_dim3A_423 : vector<1x1xf32> to vector<8x2048xf32>
      %sub3A_450 = arith.subf %get3A_37, %sub3A_449 : vector<8x2048xf32>
      %sub3A_451 = vector.broadcast %broadcast_in_dim3A_432 : vector<1x1xf32> to vector<8x2048xf32>
      %sub3A_452 = arith.subf %get3A_57, %sub3A_451 : vector<8x2048xf32>
      %mul3A_453 = arith.mulf %sub3A_448, %sub3A_448 : vector<8x2048xf32>
      %mul3A_454 = arith.mulf %sub3A_450, %sub3A_450 : vector<8x2048xf32>
      %add3A_455 = arith.addf %mul3A_453, %mul3A_454 : vector<8x2048xf32>
      %mul3A_456 = arith.mulf %sub3A_452, %sub3A_452 : vector<8x2048xf32>
      %add3A_457 = arith.addf %add3A_455, %mul3A_456 : vector<8x2048xf32>
      %min3A_458 = arith.minimumf %scan3A_304, %add3A_457 : vector<8x2048xf32>
      %reduce_max3A_459 = arith.constant dense<0xFF800000> : vector<8xf32>
      %reduce_max3A_460 = vector.multi_reduction <maximumf>, %scan3A_309, %reduce_max3A_459 [1] : vector<8x2048xf32> to vector<8xf32>
      %broadcast_in_dim3A_461 = vector.shape_cast %reduce_max3A_460 : vector<8xf32> to vector<8x1xf32>
      %reduce_max3A_462 = arith.constant dense<0xFF800000> : vector<1xf32>
      %reduce_max3A_463 = vector.multi_reduction <maximumf>, %broadcast_in_dim3A_461, %reduce_max3A_462 [0] : vector<8x1xf32> to vector<1xf32>
      %broadcast_in_dim3A_464 = vector.shape_cast %reduce_max3A_463 : vector<1xf32> to vector<1x1xf32>
      %eq3A_465 = vector.broadcast %broadcast_in_dim3A_464 : vector<1x1xf32> to vector<8x2048xf32>
      %eq3A_466 = arith.cmpf oeq, %scan3A_309, %eq3A_465 : vector<8x2048xf32>
      %jit3A_467 = arith.constant 16384 : i32
      %broadcast_in_dim3A_468 = vector.broadcast %jit3A_467 : i32 to vector<8x2048xi32>
      %select_n3A_469 = arith.select %eq3A_466, %add3A, %broadcast_in_dim3A_468 : vector<8x2048xi1>, vector<8x2048xi32>
      %reduce_min3A_470 = arith.constant dense<2147483647> : vector<8xi32>
      %reduce_min3A_471 = vector.multi_reduction <minsi>, %select_n3A_469, %reduce_min3A_470 [1] : vector<8x2048xi32> to vector<8xi32>
      %broadcast_in_dim3A_472 = vector.shape_cast %reduce_min3A_471 : vector<8xi32> to vector<8x1xi32>
      %reduce_min3A_473 = arith.constant dense<2147483647> : vector<1xi32>
      %reduce_min3A_474 = vector.multi_reduction <minsi>, %broadcast_in_dim3A_472, %reduce_min3A_473 [0] : vector<8x1xi32> to vector<1xi32>
      %broadcast_in_dim3A_475 = vector.shape_cast %reduce_min3A_474 : vector<1xi32> to vector<1x1xi32>
      %eq3A_476 = vector.broadcast %broadcast_in_dim3A_475 : vector<1x1xi32> to vector<8x2048xi32>
      %eq3A_477 = arith.cmpi eq, %add3A, %eq3A_476 : vector<8x2048xi32>
      %jit3A_478 = arith.constant 0.000000e+00 : f32
      %broadcast_in_dim3A_479 = vector.broadcast %jit3A_478 : f32 to vector<8x2048xf32>
      %select_n3A_480 = arith.select %eq3A_477, %get3A_22, %broadcast_in_dim3A_479 : vector<8x2048xi1>, vector<8x2048xf32>
      %reduce_sum3A_481 = arith.constant dense<0.000000e+00> : vector<8xf32>
      %reduce_sum3A_482 = vector.multi_reduction <add>, %select_n3A_480, %reduce_sum3A_481 [1] : vector<8x2048xf32> to vector<8xf32>
      %broadcast_in_dim3A_483 = vector.shape_cast %reduce_sum3A_482 : vector<8xf32> to vector<8x1xf32>
      %reduce_sum3A_484 = arith.constant dense<0.000000e+00> : vector<1xf32>
      %reduce_sum3A_485 = vector.multi_reduction <add>, %broadcast_in_dim3A_483, %reduce_sum3A_484 [0] : vector<8x1xf32> to vector<1xf32>
      %broadcast_in_dim3A_486 = vector.shape_cast %reduce_sum3A_485 : vector<1xf32> to vector<1x1xf32>
      %jit3A_487 = arith.constant 0.000000e+00 : f32
      %broadcast_in_dim3A_488 = vector.broadcast %jit3A_487 : f32 to vector<8x2048xf32>
      %select_n3A_489 = arith.select %eq3A_477, %get3A_42, %broadcast_in_dim3A_488 : vector<8x2048xi1>, vector<8x2048xf32>
      %reduce_sum3A_490 = arith.constant dense<0.000000e+00> : vector<8xf32>
      %reduce_sum3A_491 = vector.multi_reduction <add>, %select_n3A_489, %reduce_sum3A_490 [1] : vector<8x2048xf32> to vector<8xf32>
      %broadcast_in_dim3A_492 = vector.shape_cast %reduce_sum3A_491 : vector<8xf32> to vector<8x1xf32>
      %reduce_sum3A_493 = arith.constant dense<0.000000e+00> : vector<1xf32>
      %reduce_sum3A_494 = vector.multi_reduction <add>, %broadcast_in_dim3A_492, %reduce_sum3A_493 [0] : vector<8x1xf32> to vector<1xf32>
      %broadcast_in_dim3A_495 = vector.shape_cast %reduce_sum3A_494 : vector<1xf32> to vector<1x1xf32>
      %jit3A_496 = arith.constant 0.000000e+00 : f32
      %broadcast_in_dim3A_497 = vector.broadcast %jit3A_496 : f32 to vector<8x2048xf32>
      %select_n3A_498 = arith.select %eq3A_477, %get3A_62, %broadcast_in_dim3A_497 : vector<8x2048xi1>, vector<8x2048xf32>
      %reduce_sum3A_499 = arith.constant dense<0.000000e+00> : vector<8xf32>
      %reduce_sum3A_500 = vector.multi_reduction <add>, %select_n3A_498, %reduce_sum3A_499 [1] : vector<8x2048xf32> to vector<8xf32>
      %broadcast_in_dim3A_501 = vector.shape_cast %reduce_sum3A_500 : vector<8xf32> to vector<8x1xf32>
      %reduce_sum3A_502 = arith.constant dense<0.000000e+00> : vector<1xf32>
      %reduce_sum3A_503 = vector.multi_reduction <add>, %broadcast_in_dim3A_501, %reduce_sum3A_502 [0] : vector<8x1xf32> to vector<1xf32>
      %broadcast_in_dim3A_504 = vector.shape_cast %reduce_sum3A_503 : vector<1xf32> to vector<1x1xf32>
      %eq3A_505 = vector.broadcast %scan3A_298 : i32 to vector<8x512xi32>
      %eq3A_506 = arith.cmpi eq, %add3A_8, %eq3A_505 : vector<8x512xi32>
      %broadcast_in_dim3A_507 = vector.shape_cast %broadcast_in_dim3A_475 : vector<1x1xi32> to vector<1x1xi32>
      %broadcast_in_dim3A_508 = vector.broadcast %broadcast_in_dim3A_507 : vector<1x1xi32> to vector<8x512xi32>
      %select_n3A_509 = arith.select %eq3A_506, %broadcast_in_dim3A_508, %scan3A_310 : vector<8x512xi1>, vector<8x512xi32>
      %broadcast_in_dim3A_510 = vector.shape_cast %broadcast_in_dim3A_486 : vector<1x1xf32> to vector<1x1xf32>
      %broadcast_in_dim3A_511 = vector.broadcast %broadcast_in_dim3A_510 : vector<1x1xf32> to vector<8x512xf32>
      %select_n3A_512 = arith.select %eq3A_506, %broadcast_in_dim3A_511, %scan3A_311 : vector<8x512xi1>, vector<8x512xf32>
      %broadcast_in_dim3A_513 = vector.shape_cast %broadcast_in_dim3A_495 : vector<1x1xf32> to vector<1x1xf32>
      %broadcast_in_dim3A_514 = vector.broadcast %broadcast_in_dim3A_513 : vector<1x1xf32> to vector<8x512xf32>
      %select_n3A_515 = arith.select %eq3A_506, %broadcast_in_dim3A_514, %scan3A_312 : vector<8x512xi1>, vector<8x512xf32>
      %broadcast_in_dim3A_516 = vector.shape_cast %broadcast_in_dim3A_504 : vector<1x1xf32> to vector<1x1xf32>
      %broadcast_in_dim3A_517 = vector.broadcast %broadcast_in_dim3A_516 : vector<1x1xf32> to vector<8x512xf32>
      %select_n3A_518 = arith.select %eq3A_506, %broadcast_in_dim3A_517, %scan3A_313 : vector<8x512xi1>, vector<8x512xf32>
      %sub3A_519 = vector.broadcast %broadcast_in_dim3A_486 : vector<1x1xf32> to vector<8x2048xf32>
      %sub3A_520 = arith.subf %get3A_22, %sub3A_519 : vector<8x2048xf32>
      %sub3A_521 = vector.broadcast %broadcast_in_dim3A_495 : vector<1x1xf32> to vector<8x2048xf32>
      %sub3A_522 = arith.subf %get3A_42, %sub3A_521 : vector<8x2048xf32>
      %sub3A_523 = vector.broadcast %broadcast_in_dim3A_504 : vector<1x1xf32> to vector<8x2048xf32>
      %sub3A_524 = arith.subf %get3A_62, %sub3A_523 : vector<8x2048xf32>
      %mul3A_525 = arith.mulf %sub3A_520, %sub3A_520 : vector<8x2048xf32>
      %mul3A_526 = arith.mulf %sub3A_522, %sub3A_522 : vector<8x2048xf32>
      %add3A_527 = arith.addf %mul3A_525, %mul3A_526 : vector<8x2048xf32>
      %mul3A_528 = arith.mulf %sub3A_524, %sub3A_524 : vector<8x2048xf32>
      %add3A_529 = arith.addf %add3A_527, %mul3A_528 : vector<8x2048xf32>
      %min3A_530 = arith.minimumf %scan3A_309, %add3A_529 : vector<8x2048xf32>
      %reduce_max3A_531 = arith.constant dense<0xFF800000> : vector<8xf32>
      %reduce_max3A_532 = vector.multi_reduction <maximumf>, %scan3A_314, %reduce_max3A_531 [1] : vector<8x2048xf32> to vector<8xf32>
      %broadcast_in_dim3A_533 = vector.shape_cast %reduce_max3A_532 : vector<8xf32> to vector<8x1xf32>
      %reduce_max3A_534 = arith.constant dense<0xFF800000> : vector<1xf32>
      %reduce_max3A_535 = vector.multi_reduction <maximumf>, %broadcast_in_dim3A_533, %reduce_max3A_534 [0] : vector<8x1xf32> to vector<1xf32>
      %broadcast_in_dim3A_536 = vector.shape_cast %reduce_max3A_535 : vector<1xf32> to vector<1x1xf32>
      %eq3A_537 = vector.broadcast %broadcast_in_dim3A_536 : vector<1x1xf32> to vector<8x2048xf32>
      %eq3A_538 = arith.cmpf oeq, %scan3A_314, %eq3A_537 : vector<8x2048xf32>
      %jit3A_539 = arith.constant 16384 : i32
      %broadcast_in_dim3A_540 = vector.broadcast %jit3A_539 : i32 to vector<8x2048xi32>
      %select_n3A_541 = arith.select %eq3A_538, %add3A, %broadcast_in_dim3A_540 : vector<8x2048xi1>, vector<8x2048xi32>
      %reduce_min3A_542 = arith.constant dense<2147483647> : vector<8xi32>
      %reduce_min3A_543 = vector.multi_reduction <minsi>, %select_n3A_541, %reduce_min3A_542 [1] : vector<8x2048xi32> to vector<8xi32>
      %broadcast_in_dim3A_544 = vector.shape_cast %reduce_min3A_543 : vector<8xi32> to vector<8x1xi32>
      %reduce_min3A_545 = arith.constant dense<2147483647> : vector<1xi32>
      %reduce_min3A_546 = vector.multi_reduction <minsi>, %broadcast_in_dim3A_544, %reduce_min3A_545 [0] : vector<8x1xi32> to vector<1xi32>
      %broadcast_in_dim3A_547 = vector.shape_cast %reduce_min3A_546 : vector<1xi32> to vector<1x1xi32>
      %eq3A_548 = vector.broadcast %broadcast_in_dim3A_547 : vector<1x1xi32> to vector<8x2048xi32>
      %eq3A_549 = arith.cmpi eq, %add3A, %eq3A_548 : vector<8x2048xi32>
      %jit3A_550 = arith.constant 0.000000e+00 : f32
      %broadcast_in_dim3A_551 = vector.broadcast %jit3A_550 : f32 to vector<8x2048xf32>
      %select_n3A_552 = arith.select %eq3A_549, %get3A_27, %broadcast_in_dim3A_551 : vector<8x2048xi1>, vector<8x2048xf32>
      %reduce_sum3A_553 = arith.constant dense<0.000000e+00> : vector<8xf32>
      %reduce_sum3A_554 = vector.multi_reduction <add>, %select_n3A_552, %reduce_sum3A_553 [1] : vector<8x2048xf32> to vector<8xf32>
      %broadcast_in_dim3A_555 = vector.shape_cast %reduce_sum3A_554 : vector<8xf32> to vector<8x1xf32>
      %reduce_sum3A_556 = arith.constant dense<0.000000e+00> : vector<1xf32>
      %reduce_sum3A_557 = vector.multi_reduction <add>, %broadcast_in_dim3A_555, %reduce_sum3A_556 [0] : vector<8x1xf32> to vector<1xf32>
      %broadcast_in_dim3A_558 = vector.shape_cast %reduce_sum3A_557 : vector<1xf32> to vector<1x1xf32>
      %jit3A_559 = arith.constant 0.000000e+00 : f32
      %broadcast_in_dim3A_560 = vector.broadcast %jit3A_559 : f32 to vector<8x2048xf32>
      %select_n3A_561 = arith.select %eq3A_549, %get3A_47, %broadcast_in_dim3A_560 : vector<8x2048xi1>, vector<8x2048xf32>
      %reduce_sum3A_562 = arith.constant dense<0.000000e+00> : vector<8xf32>
      %reduce_sum3A_563 = vector.multi_reduction <add>, %select_n3A_561, %reduce_sum3A_562 [1] : vector<8x2048xf32> to vector<8xf32>
      %broadcast_in_dim3A_564 = vector.shape_cast %reduce_sum3A_563 : vector<8xf32> to vector<8x1xf32>
      %reduce_sum3A_565 = arith.constant dense<0.000000e+00> : vector<1xf32>
      %reduce_sum3A_566 = vector.multi_reduction <add>, %broadcast_in_dim3A_564, %reduce_sum3A_565 [0] : vector<8x1xf32> to vector<1xf32>
      %broadcast_in_dim3A_567 = vector.shape_cast %reduce_sum3A_566 : vector<1xf32> to vector<1x1xf32>
      %jit3A_568 = arith.constant 0.000000e+00 : f32
      %broadcast_in_dim3A_569 = vector.broadcast %jit3A_568 : f32 to vector<8x2048xf32>
      %select_n3A_570 = arith.select %eq3A_549, %get3A_67, %broadcast_in_dim3A_569 : vector<8x2048xi1>, vector<8x2048xf32>
      %reduce_sum3A_571 = arith.constant dense<0.000000e+00> : vector<8xf32>
      %reduce_sum3A_572 = vector.multi_reduction <add>, %select_n3A_570, %reduce_sum3A_571 [1] : vector<8x2048xf32> to vector<8xf32>
      %broadcast_in_dim3A_573 = vector.shape_cast %reduce_sum3A_572 : vector<8xf32> to vector<8x1xf32>
      %reduce_sum3A_574 = arith.constant dense<0.000000e+00> : vector<1xf32>
      %reduce_sum3A_575 = vector.multi_reduction <add>, %broadcast_in_dim3A_573, %reduce_sum3A_574 [0] : vector<8x1xf32> to vector<1xf32>
      %broadcast_in_dim3A_576 = vector.shape_cast %reduce_sum3A_575 : vector<1xf32> to vector<1x1xf32>
      %eq3A_577 = vector.broadcast %scan3A_298 : i32 to vector<8x512xi32>
      %eq3A_578 = arith.cmpi eq, %add3A_8, %eq3A_577 : vector<8x512xi32>
      %broadcast_in_dim3A_579 = vector.shape_cast %broadcast_in_dim3A_547 : vector<1x1xi32> to vector<1x1xi32>
      %broadcast_in_dim3A_580 = vector.broadcast %broadcast_in_dim3A_579 : vector<1x1xi32> to vector<8x512xi32>
      %select_n3A_581 = arith.select %eq3A_578, %broadcast_in_dim3A_580, %scan3A_315 : vector<8x512xi1>, vector<8x512xi32>
      %broadcast_in_dim3A_582 = vector.shape_cast %broadcast_in_dim3A_558 : vector<1x1xf32> to vector<1x1xf32>
      %broadcast_in_dim3A_583 = vector.broadcast %broadcast_in_dim3A_582 : vector<1x1xf32> to vector<8x512xf32>
      %select_n3A_584 = arith.select %eq3A_578, %broadcast_in_dim3A_583, %scan3A_316 : vector<8x512xi1>, vector<8x512xf32>
      %broadcast_in_dim3A_585 = vector.shape_cast %broadcast_in_dim3A_567 : vector<1x1xf32> to vector<1x1xf32>
      %broadcast_in_dim3A_586 = vector.broadcast %broadcast_in_dim3A_585 : vector<1x1xf32> to vector<8x512xf32>
      %select_n3A_587 = arith.select %eq3A_578, %broadcast_in_dim3A_586, %scan3A_317 : vector<8x512xi1>, vector<8x512xf32>
      %broadcast_in_dim3A_588 = vector.shape_cast %broadcast_in_dim3A_576 : vector<1x1xf32> to vector<1x1xf32>
      %broadcast_in_dim3A_589 = vector.broadcast %broadcast_in_dim3A_588 : vector<1x1xf32> to vector<8x512xf32>
      %select_n3A_590 = arith.select %eq3A_578, %broadcast_in_dim3A_589, %scan3A_318 : vector<8x512xi1>, vector<8x512xf32>
      %sub3A_591 = vector.broadcast %broadcast_in_dim3A_558 : vector<1x1xf32> to vector<8x2048xf32>
      %sub3A_592 = arith.subf %get3A_27, %sub3A_591 : vector<8x2048xf32>
      %sub3A_593 = vector.broadcast %broadcast_in_dim3A_567 : vector<1x1xf32> to vector<8x2048xf32>
      %sub3A_594 = arith.subf %get3A_47, %sub3A_593 : vector<8x2048xf32>
      %sub3A_595 = vector.broadcast %broadcast_in_dim3A_576 : vector<1x1xf32> to vector<8x2048xf32>
      %sub3A_596 = arith.subf %get3A_67, %sub3A_595 : vector<8x2048xf32>
      %mul3A_597 = arith.mulf %sub3A_592, %sub3A_592 : vector<8x2048xf32>
      %mul3A_598 = arith.mulf %sub3A_594, %sub3A_594 : vector<8x2048xf32>
      %add3A_599 = arith.addf %mul3A_597, %mul3A_598 : vector<8x2048xf32>
      %mul3A_600 = arith.mulf %sub3A_596, %sub3A_596 : vector<8x2048xf32>
      %add3A_601 = arith.addf %add3A_599, %mul3A_600 : vector<8x2048xf32>
      %min3A_602 = arith.minimumf %scan3A_314, %add3A_601 : vector<8x2048xf32>
      scf.yield %min3A, %select_n3A_366, %select_n3A_369, %select_n3A_372, %select_n3A_375, %min3A_458, %select_n3A_437, %select_n3A_440, %select_n3A_443, %select_n3A_446, %min3A_530, %select_n3A_509, %select_n3A_512, %select_n3A_515, %select_n3A_518, %min3A_602, %select_n3A_581, %select_n3A_584, %select_n3A_587, %select_n3A_590 : vector<8x2048xf32>, vector<8x512xi32>, vector<8x512xf32>, vector<8x512xf32>, vector<8x512xf32>, vector<8x2048xf32>, vector<8x512xi32>, vector<8x512xf32>, vector<8x512xf32>, vector<8x512xf32>, vector<8x2048xf32>, vector<8x512xi32>, vector<8x512xf32>, vector<8x512xf32>, vector<8x512xf32>, vector<8x2048xf32>, vector<8x512xi32>, vector<8x512xf32>, vector<8x512xf32>, vector<8x512xf32>
    }
    %scan3A_202 = arith.constant 4095 : i32
    %swap3A = arith.constant 0 : index
    %swap3A_203 = arith.constant 0 : index
    %swap3A_204 = arith.constant 0 : index
    %swap3A_205 = vector.load %arg3[%swap3A, %swap3A_203, %swap3A_204] : memref<4x8x512xi32, #tpu.memory_space<vmem>>, vector<1x8x512xi32>
    %swap3A_206 = vector.shape_cast %swap3A_205 : vector<1x8x512xi32> to vector<8x512xi32>
    %swap3A_207 = vector.shape_cast %scan3A_201#1 : vector<8x512xi32> to vector<1x8x512xi32>
    tpu.vector_store %arg3[%swap3A, %swap3A_203, %swap3A_204], %swap3A_207 {strides = array<i32>} : memref<4x8x512xi32, #tpu.memory_space<vmem>>, vector<1x8x512xi32>,
    %swap3A_208 = arith.constant 0 : index
    %swap3A_209 = arith.constant 0 : index
    %swap3A_210 = arith.constant 0 : index
    %swap3A_211 = vector.load %arg4[%swap3A_208, %swap3A_209, %swap3A_210] : memref<4x8x512xf32, #tpu.memory_space<vmem>>, vector<1x8x512xf32>
    %swap3A_212 = vector.shape_cast %swap3A_211 : vector<1x8x512xf32> to vector<8x512xf32>
    %swap3A_213 = vector.shape_cast %scan3A_201#2 : vector<8x512xf32> to vector<1x8x512xf32>
    tpu.vector_store %arg4[%swap3A_208, %swap3A_209, %swap3A_210], %swap3A_213 {strides = array<i32>} : memref<4x8x512xf32, #tpu.memory_space<vmem>>, vector<1x8x512xf32>,
    %swap3A_214 = arith.constant 0 : index
    %swap3A_215 = arith.constant 0 : index
    %swap3A_216 = arith.constant 0 : index
    %swap3A_217 = vector.load %arg5[%swap3A_214, %swap3A_215, %swap3A_216] : memref<4x8x512xf32, #tpu.memory_space<vmem>>, vector<1x8x512xf32>
    %swap3A_218 = vector.shape_cast %swap3A_217 : vector<1x8x512xf32> to vector<8x512xf32>
    %swap3A_219 = vector.shape_cast %scan3A_201#3 : vector<8x512xf32> to vector<1x8x512xf32>
    tpu.vector_store %arg5[%swap3A_214, %swap3A_215, %swap3A_216], %swap3A_219 {strides = array<i32>} : memref<4x8x512xf32, #tpu.memory_space<vmem>>, vector<1x8x512xf32>,
    %swap3A_220 = arith.constant 0 : index
    %swap3A_221 = arith.constant 0 : index
    %swap3A_222 = arith.constant 0 : index
    %swap3A_223 = vector.load %arg6[%swap3A_220, %swap3A_221, %swap3A_222] : memref<4x8x512xf32, #tpu.memory_space<vmem>>, vector<1x8x512xf32>
    %swap3A_224 = vector.shape_cast %swap3A_223 : vector<1x8x512xf32> to vector<8x512xf32>
    %swap3A_225 = vector.shape_cast %scan3A_201#4 : vector<8x512xf32> to vector<1x8x512xf32>
    tpu.vector_store %arg6[%swap3A_220, %swap3A_221, %swap3A_222], %swap3A_225 {strides = array<i32>} : memref<4x8x512xf32, #tpu.memory_space<vmem>>, vector<1x8x512xf32>,
    %swap3A_226 = arith.constant 1 : index
    %swap3A_227 = arith.constant 0 : index
    %swap3A_228 = arith.constant 0 : index
    %swap3A_229 = vector.load %arg3[%swap3A_226, %swap3A_227, %swap3A_228] : memref<4x8x512xi32, #tpu.memory_space<vmem>>, vector<1x8x512xi32>
    %swap3A_230 = vector.shape_cast %swap3A_229 : vector<1x8x512xi32> to vector<8x512xi32>
    %swap3A_231 = vector.shape_cast %scan3A_201#6 : vector<8x512xi32> to vector<1x8x512xi32>
    tpu.vector_store %arg3[%swap3A_226, %swap3A_227, %swap3A_228], %swap3A_231 {strides = array<i32>} : memref<4x8x512xi32, #tpu.memory_space<vmem>>, vector<1x8x512xi32>,
    %swap3A_232 = arith.constant 1 : index
    %swap3A_233 = arith.constant 0 : index
    %swap3A_234 = arith.constant 0 : index
    %swap3A_235 = vector.load %arg4[%swap3A_232, %swap3A_233, %swap3A_234] : memref<4x8x512xf32, #tpu.memory_space<vmem>>, vector<1x8x512xf32>
    %swap3A_236 = vector.shape_cast %swap3A_235 : vector<1x8x512xf32> to vector<8x512xf32>
    %swap3A_237 = vector.shape_cast %scan3A_201#7 : vector<8x512xf32> to vector<1x8x512xf32>
    tpu.vector_store %arg4[%swap3A_232, %swap3A_233, %swap3A_234], %swap3A_237 {strides = array<i32>} : memref<4x8x512xf32, #tpu.memory_space<vmem>>, vector<1x8x512xf32>,
    %swap3A_238 = arith.constant 1 : index
    %swap3A_239 = arith.constant 0 : index
    %swap3A_240 = arith.constant 0 : index
    %swap3A_241 = vector.load %arg5[%swap3A_238, %swap3A_239, %swap3A_240] : memref<4x8x512xf32, #tpu.memory_space<vmem>>, vector<1x8x512xf32>
    %swap3A_242 = vector.shape_cast %swap3A_241 : vector<1x8x512xf32> to vector<8x512xf32>
    %swap3A_243 = vector.shape_cast %scan3A_201#8 : vector<8x512xf32> to vector<1x8x512xf32>
    tpu.vector_store %arg5[%swap3A_238, %swap3A_239, %swap3A_240], %swap3A_243 {strides = array<i32>} : memref<4x8x512xf32, #tpu.memory_space<vmem>>, vector<1x8x512xf32>,
    %swap3A_244 = arith.constant 1 : index
    %swap3A_245 = arith.constant 0 : index
    %swap3A_246 = arith.constant 0 : index
    %swap3A_247 = vector.load %arg6[%swap3A_244, %swap3A_245, %swap3A_246] : memref<4x8x512xf32, #tpu.memory_space<vmem>>, vector<1x8x512xf32>
    %swap3A_248 = vector.shape_cast %swap3A_247 : vector<1x8x512xf32> to vector<8x512xf32>
    %swap3A_249 = vector.shape_cast %scan3A_201#9 : vector<8x512xf32> to vector<1x8x512xf32>
    tpu.vector_store %arg6[%swap3A_244, %swap3A_245, %swap3A_246], %swap3A_249 {strides = array<i32>} : memref<4x8x512xf32, #tpu.memory_space<vmem>>, vector<1x8x512xf32>,
    %swap3A_250 = arith.constant 2 : index
    %swap3A_251 = arith.constant 0 : index
    %swap3A_252 = arith.constant 0 : index
    %swap3A_253 = vector.load %arg3[%swap3A_250, %swap3A_251, %swap3A_252] : memref<4x8x512xi32, #tpu.memory_space<vmem>>, vector<1x8x512xi32>
    %swap3A_254 = vector.shape_cast %swap3A_253 : vector<1x8x512xi32> to vector<8x512xi32>
    %swap3A_255 = vector.shape_cast %scan3A_201#11 : vector<8x512xi32> to vector<1x8x512xi32>
    tpu.vector_store %arg3[%swap3A_250, %swap3A_251, %swap3A_252], %swap3A_255 {strides = array<i32>} : memref<4x8x512xi32, #tpu.memory_space<vmem>>, vector<1x8x512xi32>,
    %swap3A_256 = arith.constant 2 : index
    %swap3A_257 = arith.constant 0 : index
    %swap3A_258 = arith.constant 0 : index
    %swap3A_259 = vector.load %arg4[%swap3A_256, %swap3A_257, %swap3A_258] : memref<4x8x512xf32, #tpu.memory_space<vmem>>, vector<1x8x512xf32>
    %swap3A_260 = vector.shape_cast %swap3A_259 : vector<1x8x512xf32> to vector<8x512xf32>
    %swap3A_261 = vector.shape_cast %scan3A_201#12 : vector<8x512xf32> to vector<1x8x512xf32>
    tpu.vector_store %arg4[%swap3A_256, %swap3A_257, %swap3A_258], %swap3A_261 {strides = array<i32>} : memref<4x8x512xf32, #tpu.memory_space<vmem>>, vector<1x8x512xf32>,
    %swap3A_262 = arith.constant 2 : index
    %swap3A_263 = arith.constant 0 : index
    %swap3A_264 = arith.constant 0 : index
    %swap3A_265 = vector.load %arg5[%swap3A_262, %swap3A_263, %swap3A_264] : memref<4x8x512xf32, #tpu.memory_space<vmem>>, vector<1x8x512xf32>
    %swap3A_266 = vector.shape_cast %swap3A_265 : vector<1x8x512xf32> to vector<8x512xf32>
    %swap3A_267 = vector.shape_cast %scan3A_201#13 : vector<8x512xf32> to vector<1x8x512xf32>
    tpu.vector_store %arg5[%swap3A_262, %swap3A_263, %swap3A_264], %swap3A_267 {strides = array<i32>} : memref<4x8x512xf32, #tpu.memory_space<vmem>>, vector<1x8x512xf32>,
    %swap3A_268 = arith.constant 2 : index
    %swap3A_269 = arith.constant 0 : index
    %swap3A_270 = arith.constant 0 : index
    %swap3A_271 = vector.load %arg6[%swap3A_268, %swap3A_269, %swap3A_270] : memref<4x8x512xf32, #tpu.memory_space<vmem>>, vector<1x8x512xf32>
    %swap3A_272 = vector.shape_cast %swap3A_271 : vector<1x8x512xf32> to vector<8x512xf32>
    %swap3A_273 = vector.shape_cast %scan3A_201#14 : vector<8x512xf32> to vector<1x8x512xf32>
    tpu.vector_store %arg6[%swap3A_268, %swap3A_269, %swap3A_270], %swap3A_273 {strides = array<i32>} : memref<4x8x512xf32, #tpu.memory_space<vmem>>, vector<1x8x512xf32>,
    %swap3A_274 = arith.constant 3 : index
    %swap3A_275 = arith.constant 0 : index
    %swap3A_276 = arith.constant 0 : index
    %swap3A_277 = vector.load %arg3[%swap3A_274, %swap3A_275, %swap3A_276] : memref<4x8x512xi32, #tpu.memory_space<vmem>>, vector<1x8x512xi32>
    %swap3A_278 = vector.shape_cast %swap3A_277 : vector<1x8x512xi32> to vector<8x512xi32>
    %swap3A_279 = vector.shape_cast %scan3A_201#16 : vector<8x512xi32> to vector<1x8x512xi32>
    tpu.vector_store %arg3[%swap3A_274, %swap3A_275, %swap3A_276], %swap3A_279 {strides = array<i32>} : memref<4x8x512xi32, #tpu.memory_space<vmem>>, vector<1x8x512xi32>,
    %swap3A_280 = arith.constant 3 : index
    %swap3A_281 = arith.constant 0 : index
    %swap3A_282 = arith.constant 0 : index
    %swap3A_283 = vector.load %arg4[%swap3A_280, %swap3A_281, %swap3A_282] : memref<4x8x512xf32, #tpu.memory_space<vmem>>, vector<1x8x512xf32>
    %swap3A_284 = vector.shape_cast %swap3A_283 : vector<1x8x512xf32> to vector<8x512xf32>
    %swap3A_285 = vector.shape_cast %scan3A_201#17 : vector<8x512xf32> to vector<1x8x512xf32>
    tpu.vector_store %arg4[%swap3A_280, %swap3A_281, %swap3A_282], %swap3A_285 {strides = array<i32>} : memref<4x8x512xf32, #tpu.memory_space<vmem>>, vector<1x8x512xf32>,
    %swap3A_286 = arith.constant 3 : index
    %swap3A_287 = arith.constant 0 : index
    %swap3A_288 = arith.constant 0 : index
    %swap3A_289 = vector.load %arg5[%swap3A_286, %swap3A_287, %swap3A_288] : memref<4x8x512xf32, #tpu.memory_space<vmem>>, vector<1x8x512xf32>
    %swap3A_290 = vector.shape_cast %swap3A_289 : vector<1x8x512xf32> to vector<8x512xf32>
    %swap3A_291 = vector.shape_cast %scan3A_201#18 : vector<8x512xf32> to vector<1x8x512xf32>
    tpu.vector_store %arg5[%swap3A_286, %swap3A_287, %swap3A_288], %swap3A_291 {strides = array<i32>} : memref<4x8x512xf32, #tpu.memory_space<vmem>>, vector<1x8x512xf32>,
    %swap3A_292 = arith.constant 3 : index
    %swap3A_293 = arith.constant 0 : index
    %swap3A_294 = arith.constant 0 : index
    %swap3A_295 = vector.load %arg6[%swap3A_292, %swap3A_293, %swap3A_294] : memref<4x8x512xf32, #tpu.memory_space<vmem>>, vector<1x8x512xf32>
    %swap3A_296 = vector.shape_cast %swap3A_295 : vector<1x8x512xf32> to vector<8x512xf32>
    %swap3A_297 = vector.shape_cast %scan3A_201#19 : vector<8x512xf32> to vector<1x8x512xf32>
    tpu.vector_store %arg6[%swap3A_292, %swap3A_293, %swap3A_294], %swap3A_297 {strides = array<i32>} : memref<4x8x512xf32, #tpu.memory_space<vmem>>, vector<1x8x512xf32>,
    return
  }
}

module attributes {stable_mosaic.version = 14 : i64} {
  func.func @_knn_body(%arg0: i32, %arg1: i32, %arg2: memref<1x128x3xf32, #tpu.memory_space<vmem>>, %arg3: memref<1x3x16384xf32, #tpu.memory_space<vmem>>, %arg4: memref<1x128x16xi32, #tpu.memory_space<vmem>>) attributes {dimension_semantics = [#tpu.dimension_semantics<arbitrary>, #tpu.dimension_semantics<arbitrary>], iteration_bounds = array<i64: 4, 32>, scalar_prefetch = 0 : i64, scratch_operands = 0 : i64, tpu.core_type = #tpu.core_type<tc>, window_params = [{transform_indices = @transform_0, window_bounds = array<i64: 1, 128, 3>}, {transform_indices = @transform_1, window_bounds = array<i64: 1, 3, 16384>}, {transform_indices = @transform_2, window_bounds = array<i64: 1, 128, 16>}]} {
    %get3A = arith.constant 0 : index
    %get3A_0 = arith.constant 0 : index
    %get3A_1 = arith.constant 0 : index
    %get3A_2 = vector.load %arg2[%get3A, %get3A_0, %get3A_1] : memref<1x128x3xf32, #tpu.memory_space<vmem>>, vector<1x128x3xf32>
    %get3A_3 = vector.shape_cast %get3A_2 : vector<1x128x3xf32> to vector<128x3xf32>
    %get3A_4 = arith.constant 0 : index
    %get3A_5 = arith.constant 0 : index
    %get3A_6 = arith.constant 0 : index
    %get3A_7 = vector.load %arg3[%get3A_4, %get3A_5, %get3A_6] : memref<1x3x16384xf32, #tpu.memory_space<vmem>>, vector<1x3x16384xf32>
    %get3A_8 = vector.shape_cast %get3A_7 : vector<1x3x16384xf32> to vector<3x16384xf32>
    %mul3A = arith.mulf %get3A_3, %get3A_3 : vector<128x3xf32>
    %reduce_sum3A = arith.constant dense<0.000000e+00> : vector<128xf32>
    %reduce_sum3A_9 = vector.multi_reduction <add>, %mul3A, %reduce_sum3A [1] : vector<128x3xf32> to vector<128xf32>
    %broadcast_in_dim3A = vector.shape_cast %reduce_sum3A_9 : vector<128xf32> to vector<128x1xf32>
    %mul3A_10 = arith.mulf %get3A_8, %get3A_8 : vector<3x16384xf32>
    %reduce_sum3A_11 = arith.constant dense<0.000000e+00> : vector<16384xf32>
    %reduce_sum3A_12 = vector.multi_reduction <add>, %mul3A_10, %reduce_sum3A_11 [0] : vector<3x16384xf32> to vector<16384xf32>
    %broadcast_in_dim3A_13 = vector.shape_cast %reduce_sum3A_12 : vector<16384xf32> to vector<1x16384xf32>
    %dot_general3A = arith.constant dense<0.000000e+00> : vector<128x16384xf32>
    %dot_general3A_14 = tpu.matmul %get3A_3, %get3A_8, %dot_general3A {dimension_numbers = #tpu.dot_dimension_numbers<[1], [0], [0], [1], [0, 0, 1, 1], [], []>, transpose_lhs_hint = false} : vector<128x3xf32>, vector<3x16384xf32>, vector<128x16384xf32> -> vector<128x16384xf32>
    %add3A = vector.broadcast %broadcast_in_dim3A : vector<128x1xf32> to vector<128x16384xf32>
    %add3A_15 = vector.broadcast %broadcast_in_dim3A_13 : vector<1x16384xf32> to vector<128x16384xf32>
    %add3A_16 = arith.addf %add3A, %add3A_15 : vector<128x16384xf32>
    %mul3A_17 = arith.constant 2.000000e+00 : f32
    %mul3A_18 = vector.broadcast %mul3A_17 : f32 to vector<128x16384xf32>
    %mul3A_19 = arith.mulf %mul3A_18, %dot_general3A_14 : vector<128x16384xf32>
    %sub3A = arith.subf %add3A_16, %mul3A_19 : vector<128x16384xf32>
    %iota3A = tpu.iota {dimensions = array<i32: 1>} : vector<128x16384xi32>
    %mul3A_20 = arith.constant 16384 : i32
    %mul3A_21 = arith.muli %arg0, %mul3A_20 : i32
    %bitcast_convert_type3A = tpu.bitcast %sub3A : vector<128x16384xf32> -> vector<128x16384xi32>
    %shift_right_arithmetic3A = arith.constant 31 : i32
    %shift_right_arithmetic3A_22 = vector.broadcast %shift_right_arithmetic3A : i32 to vector<128x16384xi32>
    %shift_right_arithmetic3A_23 = arith.shrsi %bitcast_convert_type3A, %shift_right_arithmetic3A_22 : vector<128x16384xi32>
    %and3A = arith.constant 2147483647 : i32
    %and3A_24 = vector.broadcast %and3A : i32 to vector<128x16384xi32>
    %and3A_25 = arith.andi %shift_right_arithmetic3A_23, %and3A_24 : vector<128x16384xi32>
    %xor3A = arith.xori %bitcast_convert_type3A, %and3A_25 : vector<128x16384xi32>
    %and3A_26 = arith.constant -16384 : i32
    %and3A_27 = vector.broadcast %and3A_26 : i32 to vector<128x16384xi32>
    %and3A_28 = arith.andi %xor3A, %and3A_27 : vector<128x16384xi32>
    %or3A = arith.ori %and3A_28, %iota3A : vector<128x16384xi32>
    %reduce_min3A = arith.constant dense<2147483647> : vector<128xi32>
    %reduce_min3A_29 = vector.multi_reduction <minsi>, %or3A, %reduce_min3A [1] : vector<128x16384xi32> to vector<128xi32>
    %broadcast_in_dim3A_30 = vector.shape_cast %reduce_min3A_29 : vector<128xi32> to vector<128x1xi32>
    %squeeze3A = vector.shape_cast %broadcast_in_dim3A_30 : vector<128x1xi32> to vector<128xi32>
    %and3A_31 = arith.constant 16383 : i32
    %and3A_32 = vector.broadcast %and3A_31 : i32 to vector<128xi32>
    %and3A_33 = arith.andi %squeeze3A, %and3A_32 : vector<128xi32>
    %add3A_34 = vector.broadcast %mul3A_21 : i32 to vector<128xi32>
    %add3A_35 = arith.addi %and3A_33, %add3A_34 : vector<128xi32>
    %swap3A = arith.constant 0 : index
    %swap3A_36 = arith.constant 0 : index
    %swap3A_37 = arith.constant 0 : index
    %swap3A_38 = vector.load %arg4[%swap3A, %swap3A_36, %swap3A_37] : memref<1x128x16xi32, #tpu.memory_space<vmem>>, vector<1x128x1xi32>
    %swap3A_39 = vector.shape_cast %swap3A_38 : vector<1x128x1xi32> to vector<128xi32>
    %swap3A_40 = vector.shape_cast %add3A_35 : vector<128xi32> to vector<1x128x1xi32>
    tpu.vector_store %arg4[%swap3A, %swap3A_36, %swap3A_37], %swap3A_40 {strides = array<i32>} : memref<1x128x16xi32, #tpu.memory_space<vmem>>, vector<1x128x1xi32>,
    %eq3A = vector.broadcast %broadcast_in_dim3A_30 : vector<128x1xi32> to vector<128x16384xi32>
    %eq3A_41 = arith.cmpi eq, %or3A, %eq3A : vector<128x16384xi32>
    %jit3A = arith.constant 2147483647 : i32
    %broadcast_in_dim3A_42 = vector.broadcast %jit3A : i32 to vector<128x16384xi32>
    %select_n3A = arith.select %eq3A_41, %broadcast_in_dim3A_42, %or3A : vector<128x16384xi1>, vector<128x16384xi32>
    %reduce_min3A_43 = arith.constant dense<2147483647> : vector<128xi32>
    %reduce_min3A_44 = vector.multi_reduction <minsi>, %select_n3A, %reduce_min3A_43 [1] : vector<128x16384xi32> to vector<128xi32>
    %broadcast_in_dim3A_45 = vector.shape_cast %reduce_min3A_44 : vector<128xi32> to vector<128x1xi32>
    %squeeze3A_46 = vector.shape_cast %broadcast_in_dim3A_45 : vector<128x1xi32> to vector<128xi32>
    %and3A_47 = arith.constant 16383 : i32
    %and3A_48 = vector.broadcast %and3A_47 : i32 to vector<128xi32>
    %and3A_49 = arith.andi %squeeze3A_46, %and3A_48 : vector<128xi32>
    %add3A_50 = vector.broadcast %mul3A_21 : i32 to vector<128xi32>
    %add3A_51 = arith.addi %and3A_49, %add3A_50 : vector<128xi32>
    %swap3A_52 = arith.constant 0 : index
    %swap3A_53 = arith.constant 0 : index
    %swap3A_54 = arith.constant 1 : index
    %swap3A_55 = vector.load %arg4[%swap3A_52, %swap3A_53, %swap3A_54] : memref<1x128x16xi32, #tpu.memory_space<vmem>>, vector<1x128x1xi32>
    %swap3A_56 = vector.shape_cast %swap3A_55 : vector<1x128x1xi32> to vector<128xi32>
    %swap3A_57 = vector.shape_cast %add3A_51 : vector<128xi32> to vector<1x128x1xi32>
    tpu.vector_store %arg4[%swap3A_52, %swap3A_53, %swap3A_54], %swap3A_57 {strides = array<i32>} : memref<1x128x16xi32, #tpu.memory_space<vmem>>, vector<1x128x1xi32>,
    %eq3A_58 = vector.broadcast %broadcast_in_dim3A_45 : vector<128x1xi32> to vector<128x16384xi32>
    %eq3A_59 = arith.cmpi eq, %select_n3A, %eq3A_58 : vector<128x16384xi32>
    %jit3A_60 = arith.constant 2147483647 : i32
    %broadcast_in_dim3A_61 = vector.broadcast %jit3A_60 : i32 to vector<128x16384xi32>
    %select_n3A_62 = arith.select %eq3A_59, %broadcast_in_dim3A_61, %select_n3A : vector<128x16384xi1>, vector<128x16384xi32>
    %reduce_min3A_63 = arith.constant dense<2147483647> : vector<128xi32>
    %reduce_min3A_64 = vector.multi_reduction <minsi>, %select_n3A_62, %reduce_min3A_63 [1] : vector<128x16384xi32> to vector<128xi32>
    %broadcast_in_dim3A_65 = vector.shape_cast %reduce_min3A_64 : vector<128xi32> to vector<128x1xi32>
    %squeeze3A_66 = vector.shape_cast %broadcast_in_dim3A_65 : vector<128x1xi32> to vector<128xi32>
    %and3A_67 = arith.constant 16383 : i32
    %and3A_68 = vector.broadcast %and3A_67 : i32 to vector<128xi32>
    %and3A_69 = arith.andi %squeeze3A_66, %and3A_68 : vector<128xi32>
    %add3A_70 = vector.broadcast %mul3A_21 : i32 to vector<128xi32>
    %add3A_71 = arith.addi %and3A_69, %add3A_70 : vector<128xi32>
    %swap3A_72 = arith.constant 0 : index
    %swap3A_73 = arith.constant 0 : index
    %swap3A_74 = arith.constant 2 : index
    %swap3A_75 = vector.load %arg4[%swap3A_72, %swap3A_73, %swap3A_74] : memref<1x128x16xi32, #tpu.memory_space<vmem>>, vector<1x128x1xi32>
    %swap3A_76 = vector.shape_cast %swap3A_75 : vector<1x128x1xi32> to vector<128xi32>
    %swap3A_77 = vector.shape_cast %add3A_71 : vector<128xi32> to vector<1x128x1xi32>
    tpu.vector_store %arg4[%swap3A_72, %swap3A_73, %swap3A_74], %swap3A_77 {strides = array<i32>} : memref<1x128x16xi32, #tpu.memory_space<vmem>>, vector<1x128x1xi32>,
    %eq3A_78 = vector.broadcast %broadcast_in_dim3A_65 : vector<128x1xi32> to vector<128x16384xi32>
    %eq3A_79 = arith.cmpi eq, %select_n3A_62, %eq3A_78 : vector<128x16384xi32>
    %jit3A_80 = arith.constant 2147483647 : i32
    %broadcast_in_dim3A_81 = vector.broadcast %jit3A_80 : i32 to vector<128x16384xi32>
    %select_n3A_82 = arith.select %eq3A_79, %broadcast_in_dim3A_81, %select_n3A_62 : vector<128x16384xi1>, vector<128x16384xi32>
    %reduce_min3A_83 = arith.constant dense<2147483647> : vector<128xi32>
    %reduce_min3A_84 = vector.multi_reduction <minsi>, %select_n3A_82, %reduce_min3A_83 [1] : vector<128x16384xi32> to vector<128xi32>
    %broadcast_in_dim3A_85 = vector.shape_cast %reduce_min3A_84 : vector<128xi32> to vector<128x1xi32>
    %squeeze3A_86 = vector.shape_cast %broadcast_in_dim3A_85 : vector<128x1xi32> to vector<128xi32>
    %and3A_87 = arith.constant 16383 : i32
    %and3A_88 = vector.broadcast %and3A_87 : i32 to vector<128xi32>
    %and3A_89 = arith.andi %squeeze3A_86, %and3A_88 : vector<128xi32>
    %add3A_90 = vector.broadcast %mul3A_21 : i32 to vector<128xi32>
    %add3A_91 = arith.addi %and3A_89, %add3A_90 : vector<128xi32>
    %swap3A_92 = arith.constant 0 : index
    %swap3A_93 = arith.constant 0 : index
    %swap3A_94 = arith.constant 3 : index
    %swap3A_95 = vector.load %arg4[%swap3A_92, %swap3A_93, %swap3A_94] : memref<1x128x16xi32, #tpu.memory_space<vmem>>, vector<1x128x1xi32>
    %swap3A_96 = vector.shape_cast %swap3A_95 : vector<1x128x1xi32> to vector<128xi32>
    %swap3A_97 = vector.shape_cast %add3A_91 : vector<128xi32> to vector<1x128x1xi32>
    tpu.vector_store %arg4[%swap3A_92, %swap3A_93, %swap3A_94], %swap3A_97 {strides = array<i32>} : memref<1x128x16xi32, #tpu.memory_space<vmem>>, vector<1x128x1xi32>,
    %eq3A_98 = vector.broadcast %broadcast_in_dim3A_85 : vector<128x1xi32> to vector<128x16384xi32>
    %eq3A_99 = arith.cmpi eq, %select_n3A_82, %eq3A_98 : vector<128x16384xi32>
    %jit3A_100 = arith.constant 2147483647 : i32
    %broadcast_in_dim3A_101 = vector.broadcast %jit3A_100 : i32 to vector<128x16384xi32>
    %select_n3A_102 = arith.select %eq3A_99, %broadcast_in_dim3A_101, %select_n3A_82 : vector<128x16384xi1>, vector<128x16384xi32>
    %reduce_min3A_103 = arith.constant dense<2147483647> : vector<128xi32>
    %reduce_min3A_104 = vector.multi_reduction <minsi>, %select_n3A_102, %reduce_min3A_103 [1] : vector<128x16384xi32> to vector<128xi32>
    %broadcast_in_dim3A_105 = vector.shape_cast %reduce_min3A_104 : vector<128xi32> to vector<128x1xi32>
    %squeeze3A_106 = vector.shape_cast %broadcast_in_dim3A_105 : vector<128x1xi32> to vector<128xi32>
    %and3A_107 = arith.constant 16383 : i32
    %and3A_108 = vector.broadcast %and3A_107 : i32 to vector<128xi32>
    %and3A_109 = arith.andi %squeeze3A_106, %and3A_108 : vector<128xi32>
    %add3A_110 = vector.broadcast %mul3A_21 : i32 to vector<128xi32>
    %add3A_111 = arith.addi %and3A_109, %add3A_110 : vector<128xi32>
    %swap3A_112 = arith.constant 0 : index
    %swap3A_113 = arith.constant 0 : index
    %swap3A_114 = arith.constant 4 : index
    %swap3A_115 = vector.load %arg4[%swap3A_112, %swap3A_113, %swap3A_114] : memref<1x128x16xi32, #tpu.memory_space<vmem>>, vector<1x128x1xi32>
    %swap3A_116 = vector.shape_cast %swap3A_115 : vector<1x128x1xi32> to vector<128xi32>
    %swap3A_117 = vector.shape_cast %add3A_111 : vector<128xi32> to vector<1x128x1xi32>
    tpu.vector_store %arg4[%swap3A_112, %swap3A_113, %swap3A_114], %swap3A_117 {strides = array<i32>} : memref<1x128x16xi32, #tpu.memory_space<vmem>>, vector<1x128x1xi32>,
    %eq3A_118 = vector.broadcast %broadcast_in_dim3A_105 : vector<128x1xi32> to vector<128x16384xi32>
    %eq3A_119 = arith.cmpi eq, %select_n3A_102, %eq3A_118 : vector<128x16384xi32>
    %jit3A_120 = arith.constant 2147483647 : i32
    %broadcast_in_dim3A_121 = vector.broadcast %jit3A_120 : i32 to vector<128x16384xi32>
    %select_n3A_122 = arith.select %eq3A_119, %broadcast_in_dim3A_121, %select_n3A_102 : vector<128x16384xi1>, vector<128x16384xi32>
    %reduce_min3A_123 = arith.constant dense<2147483647> : vector<128xi32>
    %reduce_min3A_124 = vector.multi_reduction <minsi>, %select_n3A_122, %reduce_min3A_123 [1] : vector<128x16384xi32> to vector<128xi32>
    %broadcast_in_dim3A_125 = vector.shape_cast %reduce_min3A_124 : vector<128xi32> to vector<128x1xi32>
    %squeeze3A_126 = vector.shape_cast %broadcast_in_dim3A_125 : vector<128x1xi32> to vector<128xi32>
    %and3A_127 = arith.constant 16383 : i32
    %and3A_128 = vector.broadcast %and3A_127 : i32 to vector<128xi32>
    %and3A_129 = arith.andi %squeeze3A_126, %and3A_128 : vector<128xi32>
    %add3A_130 = vector.broadcast %mul3A_21 : i32 to vector<128xi32>
    %add3A_131 = arith.addi %and3A_129, %add3A_130 : vector<128xi32>
    %swap3A_132 = arith.constant 0 : index
    %swap3A_133 = arith.constant 0 : index
    %swap3A_134 = arith.constant 5 : index
    %swap3A_135 = vector.load %arg4[%swap3A_132, %swap3A_133, %swap3A_134] : memref<1x128x16xi32, #tpu.memory_space<vmem>>, vector<1x128x1xi32>
    %swap3A_136 = vector.shape_cast %swap3A_135 : vector<1x128x1xi32> to vector<128xi32>
    %swap3A_137 = vector.shape_cast %add3A_131 : vector<128xi32> to vector<1x128x1xi32>
    tpu.vector_store %arg4[%swap3A_132, %swap3A_133, %swap3A_134], %swap3A_137 {strides = array<i32>} : memref<1x128x16xi32, #tpu.memory_space<vmem>>, vector<1x128x1xi32>,
    %eq3A_138 = vector.broadcast %broadcast_in_dim3A_125 : vector<128x1xi32> to vector<128x16384xi32>
    %eq3A_139 = arith.cmpi eq, %select_n3A_122, %eq3A_138 : vector<128x16384xi32>
    %jit3A_140 = arith.constant 2147483647 : i32
    %broadcast_in_dim3A_141 = vector.broadcast %jit3A_140 : i32 to vector<128x16384xi32>
    %select_n3A_142 = arith.select %eq3A_139, %broadcast_in_dim3A_141, %select_n3A_122 : vector<128x16384xi1>, vector<128x16384xi32>
    %reduce_min3A_143 = arith.constant dense<2147483647> : vector<128xi32>
    %reduce_min3A_144 = vector.multi_reduction <minsi>, %select_n3A_142, %reduce_min3A_143 [1] : vector<128x16384xi32> to vector<128xi32>
    %broadcast_in_dim3A_145 = vector.shape_cast %reduce_min3A_144 : vector<128xi32> to vector<128x1xi32>
    %squeeze3A_146 = vector.shape_cast %broadcast_in_dim3A_145 : vector<128x1xi32> to vector<128xi32>
    %and3A_147 = arith.constant 16383 : i32
    %and3A_148 = vector.broadcast %and3A_147 : i32 to vector<128xi32>
    %and3A_149 = arith.andi %squeeze3A_146, %and3A_148 : vector<128xi32>
    %add3A_150 = vector.broadcast %mul3A_21 : i32 to vector<128xi32>
    %add3A_151 = arith.addi %and3A_149, %add3A_150 : vector<128xi32>
    %swap3A_152 = arith.constant 0 : index
    %swap3A_153 = arith.constant 0 : index
    %swap3A_154 = arith.constant 6 : index
    %swap3A_155 = vector.load %arg4[%swap3A_152, %swap3A_153, %swap3A_154] : memref<1x128x16xi32, #tpu.memory_space<vmem>>, vector<1x128x1xi32>
    %swap3A_156 = vector.shape_cast %swap3A_155 : vector<1x128x1xi32> to vector<128xi32>
    %swap3A_157 = vector.shape_cast %add3A_151 : vector<128xi32> to vector<1x128x1xi32>
    tpu.vector_store %arg4[%swap3A_152, %swap3A_153, %swap3A_154], %swap3A_157 {strides = array<i32>} : memref<1x128x16xi32, #tpu.memory_space<vmem>>, vector<1x128x1xi32>,
    %eq3A_158 = vector.broadcast %broadcast_in_dim3A_145 : vector<128x1xi32> to vector<128x16384xi32>
    %eq3A_159 = arith.cmpi eq, %select_n3A_142, %eq3A_158 : vector<128x16384xi32>
    %jit3A_160 = arith.constant 2147483647 : i32
    %broadcast_in_dim3A_161 = vector.broadcast %jit3A_160 : i32 to vector<128x16384xi32>
    %select_n3A_162 = arith.select %eq3A_159, %broadcast_in_dim3A_161, %select_n3A_142 : vector<128x16384xi1>, vector<128x16384xi32>
    %reduce_min3A_163 = arith.constant dense<2147483647> : vector<128xi32>
    %reduce_min3A_164 = vector.multi_reduction <minsi>, %select_n3A_162, %reduce_min3A_163 [1] : vector<128x16384xi32> to vector<128xi32>
    %broadcast_in_dim3A_165 = vector.shape_cast %reduce_min3A_164 : vector<128xi32> to vector<128x1xi32>
    %squeeze3A_166 = vector.shape_cast %broadcast_in_dim3A_165 : vector<128x1xi32> to vector<128xi32>
    %and3A_167 = arith.constant 16383 : i32
    %and3A_168 = vector.broadcast %and3A_167 : i32 to vector<128xi32>
    %and3A_169 = arith.andi %squeeze3A_166, %and3A_168 : vector<128xi32>
    %add3A_170 = vector.broadcast %mul3A_21 : i32 to vector<128xi32>
    %add3A_171 = arith.addi %and3A_169, %add3A_170 : vector<128xi32>
    %swap3A_172 = arith.constant 0 : index
    %swap3A_173 = arith.constant 0 : index
    %swap3A_174 = arith.constant 7 : index
    %swap3A_175 = vector.load %arg4[%swap3A_172, %swap3A_173, %swap3A_174] : memref<1x128x16xi32, #tpu.memory_space<vmem>>, vector<1x128x1xi32>
    %swap3A_176 = vector.shape_cast %swap3A_175 : vector<1x128x1xi32> to vector<128xi32>
    %swap3A_177 = vector.shape_cast %add3A_171 : vector<128xi32> to vector<1x128x1xi32>
    tpu.vector_store %arg4[%swap3A_172, %swap3A_173, %swap3A_174], %swap3A_177 {strides = array<i32>} : memref<1x128x16xi32, #tpu.memory_space<vmem>>, vector<1x128x1xi32>,
    %eq3A_178 = vector.broadcast %broadcast_in_dim3A_165 : vector<128x1xi32> to vector<128x16384xi32>
    %eq3A_179 = arith.cmpi eq, %select_n3A_162, %eq3A_178 : vector<128x16384xi32>
    %jit3A_180 = arith.constant 2147483647 : i32
    %broadcast_in_dim3A_181 = vector.broadcast %jit3A_180 : i32 to vector<128x16384xi32>
    %select_n3A_182 = arith.select %eq3A_179, %broadcast_in_dim3A_181, %select_n3A_162 : vector<128x16384xi1>, vector<128x16384xi32>
    %reduce_min3A_183 = arith.constant dense<2147483647> : vector<128xi32>
    %reduce_min3A_184 = vector.multi_reduction <minsi>, %select_n3A_182, %reduce_min3A_183 [1] : vector<128x16384xi32> to vector<128xi32>
    %broadcast_in_dim3A_185 = vector.shape_cast %reduce_min3A_184 : vector<128xi32> to vector<128x1xi32>
    %squeeze3A_186 = vector.shape_cast %broadcast_in_dim3A_185 : vector<128x1xi32> to vector<128xi32>
    %and3A_187 = arith.constant 16383 : i32
    %and3A_188 = vector.broadcast %and3A_187 : i32 to vector<128xi32>
    %and3A_189 = arith.andi %squeeze3A_186, %and3A_188 : vector<128xi32>
    %add3A_190 = vector.broadcast %mul3A_21 : i32 to vector<128xi32>
    %add3A_191 = arith.addi %and3A_189, %add3A_190 : vector<128xi32>
    %swap3A_192 = arith.constant 0 : index
    %swap3A_193 = arith.constant 0 : index
    %swap3A_194 = arith.constant 8 : index
    %swap3A_195 = vector.load %arg4[%swap3A_192, %swap3A_193, %swap3A_194] : memref<1x128x16xi32, #tpu.memory_space<vmem>>, vector<1x128x1xi32>
    %swap3A_196 = vector.shape_cast %swap3A_195 : vector<1x128x1xi32> to vector<128xi32>
    %swap3A_197 = vector.shape_cast %add3A_191 : vector<128xi32> to vector<1x128x1xi32>
    tpu.vector_store %arg4[%swap3A_192, %swap3A_193, %swap3A_194], %swap3A_197 {strides = array<i32>} : memref<1x128x16xi32, #tpu.memory_space<vmem>>, vector<1x128x1xi32>,
    %eq3A_198 = vector.broadcast %broadcast_in_dim3A_185 : vector<128x1xi32> to vector<128x16384xi32>
    %eq3A_199 = arith.cmpi eq, %select_n3A_182, %eq3A_198 : vector<128x16384xi32>
    %jit3A_200 = arith.constant 2147483647 : i32
    %broadcast_in_dim3A_201 = vector.broadcast %jit3A_200 : i32 to vector<128x16384xi32>
    %select_n3A_202 = arith.select %eq3A_199, %broadcast_in_dim3A_201, %select_n3A_182 : vector<128x16384xi1>, vector<128x16384xi32>
    %reduce_min3A_203 = arith.constant dense<2147483647> : vector<128xi32>
    %reduce_min3A_204 = vector.multi_reduction <minsi>, %select_n3A_202, %reduce_min3A_203 [1] : vector<128x16384xi32> to vector<128xi32>
    %broadcast_in_dim3A_205 = vector.shape_cast %reduce_min3A_204 : vector<128xi32> to vector<128x1xi32>
    %squeeze3A_206 = vector.shape_cast %broadcast_in_dim3A_205 : vector<128x1xi32> to vector<128xi32>
    %and3A_207 = arith.constant 16383 : i32
    %and3A_208 = vector.broadcast %and3A_207 : i32 to vector<128xi32>
    %and3A_209 = arith.andi %squeeze3A_206, %and3A_208 : vector<128xi32>
    %add3A_210 = vector.broadcast %mul3A_21 : i32 to vector<128xi32>
    %add3A_211 = arith.addi %and3A_209, %add3A_210 : vector<128xi32>
    %swap3A_212 = arith.constant 0 : index
    %swap3A_213 = arith.constant 0 : index
    %swap3A_214 = arith.constant 9 : index
    %swap3A_215 = vector.load %arg4[%swap3A_212, %swap3A_213, %swap3A_214] : memref<1x128x16xi32, #tpu.memory_space<vmem>>, vector<1x128x1xi32>
    %swap3A_216 = vector.shape_cast %swap3A_215 : vector<1x128x1xi32> to vector<128xi32>
    %swap3A_217 = vector.shape_cast %add3A_211 : vector<128xi32> to vector<1x128x1xi32>
    tpu.vector_store %arg4[%swap3A_212, %swap3A_213, %swap3A_214], %swap3A_217 {strides = array<i32>} : memref<1x128x16xi32, #tpu.memory_space<vmem>>, vector<1x128x1xi32>,
    %eq3A_218 = vector.broadcast %broadcast_in_dim3A_205 : vector<128x1xi32> to vector<128x16384xi32>
    %eq3A_219 = arith.cmpi eq, %select_n3A_202, %eq3A_218 : vector<128x16384xi32>
    %jit3A_220 = arith.constant 2147483647 : i32
    %broadcast_in_dim3A_221 = vector.broadcast %jit3A_220 : i32 to vector<128x16384xi32>
    %select_n3A_222 = arith.select %eq3A_219, %broadcast_in_dim3A_221, %select_n3A_202 : vector<128x16384xi1>, vector<128x16384xi32>
    %reduce_min3A_223 = arith.constant dense<2147483647> : vector<128xi32>
    %reduce_min3A_224 = vector.multi_reduction <minsi>, %select_n3A_222, %reduce_min3A_223 [1] : vector<128x16384xi32> to vector<128xi32>
    %broadcast_in_dim3A_225 = vector.shape_cast %reduce_min3A_224 : vector<128xi32> to vector<128x1xi32>
    %squeeze3A_226 = vector.shape_cast %broadcast_in_dim3A_225 : vector<128x1xi32> to vector<128xi32>
    %and3A_227 = arith.constant 16383 : i32
    %and3A_228 = vector.broadcast %and3A_227 : i32 to vector<128xi32>
    %and3A_229 = arith.andi %squeeze3A_226, %and3A_228 : vector<128xi32>
    %add3A_230 = vector.broadcast %mul3A_21 : i32 to vector<128xi32>
    %add3A_231 = arith.addi %and3A_229, %add3A_230 : vector<128xi32>
    %swap3A_232 = arith.constant 0 : index
    %swap3A_233 = arith.constant 0 : index
    %swap3A_234 = arith.constant 10 : index
    %swap3A_235 = vector.load %arg4[%swap3A_232, %swap3A_233, %swap3A_234] : memref<1x128x16xi32, #tpu.memory_space<vmem>>, vector<1x128x1xi32>
    %swap3A_236 = vector.shape_cast %swap3A_235 : vector<1x128x1xi32> to vector<128xi32>
    %swap3A_237 = vector.shape_cast %add3A_231 : vector<128xi32> to vector<1x128x1xi32>
    tpu.vector_store %arg4[%swap3A_232, %swap3A_233, %swap3A_234], %swap3A_237 {strides = array<i32>} : memref<1x128x16xi32, #tpu.memory_space<vmem>>, vector<1x128x1xi32>,
    %eq3A_238 = vector.broadcast %broadcast_in_dim3A_225 : vector<128x1xi32> to vector<128x16384xi32>
    %eq3A_239 = arith.cmpi eq, %select_n3A_222, %eq3A_238 : vector<128x16384xi32>
    %jit3A_240 = arith.constant 2147483647 : i32
    %broadcast_in_dim3A_241 = vector.broadcast %jit3A_240 : i32 to vector<128x16384xi32>
    %select_n3A_242 = arith.select %eq3A_239, %broadcast_in_dim3A_241, %select_n3A_222 : vector<128x16384xi1>, vector<128x16384xi32>
    %reduce_min3A_243 = arith.constant dense<2147483647> : vector<128xi32>
    %reduce_min3A_244 = vector.multi_reduction <minsi>, %select_n3A_242, %reduce_min3A_243 [1] : vector<128x16384xi32> to vector<128xi32>
    %broadcast_in_dim3A_245 = vector.shape_cast %reduce_min3A_244 : vector<128xi32> to vector<128x1xi32>
    %squeeze3A_246 = vector.shape_cast %broadcast_in_dim3A_245 : vector<128x1xi32> to vector<128xi32>
    %and3A_247 = arith.constant 16383 : i32
    %and3A_248 = vector.broadcast %and3A_247 : i32 to vector<128xi32>
    %and3A_249 = arith.andi %squeeze3A_246, %and3A_248 : vector<128xi32>
    %add3A_250 = vector.broadcast %mul3A_21 : i32 to vector<128xi32>
    %add3A_251 = arith.addi %and3A_249, %add3A_250 : vector<128xi32>
    %swap3A_252 = arith.constant 0 : index
    %swap3A_253 = arith.constant 0 : index
    %swap3A_254 = arith.constant 11 : index
    %swap3A_255 = vector.load %arg4[%swap3A_252, %swap3A_253, %swap3A_254] : memref<1x128x16xi32, #tpu.memory_space<vmem>>, vector<1x128x1xi32>
    %swap3A_256 = vector.shape_cast %swap3A_255 : vector<1x128x1xi32> to vector<128xi32>
    %swap3A_257 = vector.shape_cast %add3A_251 : vector<128xi32> to vector<1x128x1xi32>
    tpu.vector_store %arg4[%swap3A_252, %swap3A_253, %swap3A_254], %swap3A_257 {strides = array<i32>} : memref<1x128x16xi32, #tpu.memory_space<vmem>>, vector<1x128x1xi32>,
    %eq3A_258 = vector.broadcast %broadcast_in_dim3A_245 : vector<128x1xi32> to vector<128x16384xi32>
    %eq3A_259 = arith.cmpi eq, %select_n3A_242, %eq3A_258 : vector<128x16384xi32>
    %jit3A_260 = arith.constant 2147483647 : i32
    %broadcast_in_dim3A_261 = vector.broadcast %jit3A_260 : i32 to vector<128x16384xi32>
    %select_n3A_262 = arith.select %eq3A_259, %broadcast_in_dim3A_261, %select_n3A_242 : vector<128x16384xi1>, vector<128x16384xi32>
    %reduce_min3A_263 = arith.constant dense<2147483647> : vector<128xi32>
    %reduce_min3A_264 = vector.multi_reduction <minsi>, %select_n3A_262, %reduce_min3A_263 [1] : vector<128x16384xi32> to vector<128xi32>
    %broadcast_in_dim3A_265 = vector.shape_cast %reduce_min3A_264 : vector<128xi32> to vector<128x1xi32>
    %squeeze3A_266 = vector.shape_cast %broadcast_in_dim3A_265 : vector<128x1xi32> to vector<128xi32>
    %and3A_267 = arith.constant 16383 : i32
    %and3A_268 = vector.broadcast %and3A_267 : i32 to vector<128xi32>
    %and3A_269 = arith.andi %squeeze3A_266, %and3A_268 : vector<128xi32>
    %add3A_270 = vector.broadcast %mul3A_21 : i32 to vector<128xi32>
    %add3A_271 = arith.addi %and3A_269, %add3A_270 : vector<128xi32>
    %swap3A_272 = arith.constant 0 : index
    %swap3A_273 = arith.constant 0 : index
    %swap3A_274 = arith.constant 12 : index
    %swap3A_275 = vector.load %arg4[%swap3A_272, %swap3A_273, %swap3A_274] : memref<1x128x16xi32, #tpu.memory_space<vmem>>, vector<1x128x1xi32>
    %swap3A_276 = vector.shape_cast %swap3A_275 : vector<1x128x1xi32> to vector<128xi32>
    %swap3A_277 = vector.shape_cast %add3A_271 : vector<128xi32> to vector<1x128x1xi32>
    tpu.vector_store %arg4[%swap3A_272, %swap3A_273, %swap3A_274], %swap3A_277 {strides = array<i32>} : memref<1x128x16xi32, #tpu.memory_space<vmem>>, vector<1x128x1xi32>,
    %eq3A_278 = vector.broadcast %broadcast_in_dim3A_265 : vector<128x1xi32> to vector<128x16384xi32>
    %eq3A_279 = arith.cmpi eq, %select_n3A_262, %eq3A_278 : vector<128x16384xi32>
    %jit3A_280 = arith.constant 2147483647 : i32
    %broadcast_in_dim3A_281 = vector.broadcast %jit3A_280 : i32 to vector<128x16384xi32>
    %select_n3A_282 = arith.select %eq3A_279, %broadcast_in_dim3A_281, %select_n3A_262 : vector<128x16384xi1>, vector<128x16384xi32>
    %reduce_min3A_283 = arith.constant dense<2147483647> : vector<128xi32>
    %reduce_min3A_284 = vector.multi_reduction <minsi>, %select_n3A_282, %reduce_min3A_283 [1] : vector<128x16384xi32> to vector<128xi32>
    %broadcast_in_dim3A_285 = vector.shape_cast %reduce_min3A_284 : vector<128xi32> to vector<128x1xi32>
    %squeeze3A_286 = vector.shape_cast %broadcast_in_dim3A_285 : vector<128x1xi32> to vector<128xi32>
    %and3A_287 = arith.constant 16383 : i32
    %and3A_288 = vector.broadcast %and3A_287 : i32 to vector<128xi32>
    %and3A_289 = arith.andi %squeeze3A_286, %and3A_288 : vector<128xi32>
    %add3A_290 = vector.broadcast %mul3A_21 : i32 to vector<128xi32>
    %add3A_291 = arith.addi %and3A_289, %add3A_290 : vector<128xi32>
    %swap3A_292 = arith.constant 0 : index
    %swap3A_293 = arith.constant 0 : index
    %swap3A_294 = arith.constant 13 : index
    %swap3A_295 = vector.load %arg4[%swap3A_292, %swap3A_293, %swap3A_294] : memref<1x128x16xi32, #tpu.memory_space<vmem>>, vector<1x128x1xi32>
    %swap3A_296 = vector.shape_cast %swap3A_295 : vector<1x128x1xi32> to vector<128xi32>
    %swap3A_297 = vector.shape_cast %add3A_291 : vector<128xi32> to vector<1x128x1xi32>
    tpu.vector_store %arg4[%swap3A_292, %swap3A_293, %swap3A_294], %swap3A_297 {strides = array<i32>} : memref<1x128x16xi32, #tpu.memory_space<vmem>>, vector<1x128x1xi32>,
    %eq3A_298 = vector.broadcast %broadcast_in_dim3A_285 : vector<128x1xi32> to vector<128x16384xi32>
    %eq3A_299 = arith.cmpi eq, %select_n3A_282, %eq3A_298 : vector<128x16384xi32>
    %jit3A_300 = arith.constant 2147483647 : i32
    %broadcast_in_dim3A_301 = vector.broadcast %jit3A_300 : i32 to vector<128x16384xi32>
    %select_n3A_302 = arith.select %eq3A_299, %broadcast_in_dim3A_301, %select_n3A_282 : vector<128x16384xi1>, vector<128x16384xi32>
    %reduce_min3A_303 = arith.constant dense<2147483647> : vector<128xi32>
    %reduce_min3A_304 = vector.multi_reduction <minsi>, %select_n3A_302, %reduce_min3A_303 [1] : vector<128x16384xi32> to vector<128xi32>
    %broadcast_in_dim3A_305 = vector.shape_cast %reduce_min3A_304 : vector<128xi32> to vector<128x1xi32>
    %squeeze3A_306 = vector.shape_cast %broadcast_in_dim3A_305 : vector<128x1xi32> to vector<128xi32>
    %and3A_307 = arith.constant 16383 : i32
    %and3A_308 = vector.broadcast %and3A_307 : i32 to vector<128xi32>
    %and3A_309 = arith.andi %squeeze3A_306, %and3A_308 : vector<128xi32>
    %add3A_310 = vector.broadcast %mul3A_21 : i32 to vector<128xi32>
    %add3A_311 = arith.addi %and3A_309, %add3A_310 : vector<128xi32>
    %swap3A_312 = arith.constant 0 : index
    %swap3A_313 = arith.constant 0 : index
    %swap3A_314 = arith.constant 14 : index
    %swap3A_315 = vector.load %arg4[%swap3A_312, %swap3A_313, %swap3A_314] : memref<1x128x16xi32, #tpu.memory_space<vmem>>, vector<1x128x1xi32>
    %swap3A_316 = vector.shape_cast %swap3A_315 : vector<1x128x1xi32> to vector<128xi32>
    %swap3A_317 = vector.shape_cast %add3A_311 : vector<128xi32> to vector<1x128x1xi32>
    tpu.vector_store %arg4[%swap3A_312, %swap3A_313, %swap3A_314], %swap3A_317 {strides = array<i32>} : memref<1x128x16xi32, #tpu.memory_space<vmem>>, vector<1x128x1xi32>,
    %eq3A_318 = vector.broadcast %broadcast_in_dim3A_305 : vector<128x1xi32> to vector<128x16384xi32>
    %eq3A_319 = arith.cmpi eq, %select_n3A_302, %eq3A_318 : vector<128x16384xi32>
    %jit3A_320 = arith.constant 2147483647 : i32
    %broadcast_in_dim3A_321 = vector.broadcast %jit3A_320 : i32 to vector<128x16384xi32>
    %select_n3A_322 = arith.select %eq3A_319, %broadcast_in_dim3A_321, %select_n3A_302 : vector<128x16384xi1>, vector<128x16384xi32>
    %reduce_min3A_323 = arith.constant dense<2147483647> : vector<128xi32>
    %reduce_min3A_324 = vector.multi_reduction <minsi>, %select_n3A_322, %reduce_min3A_323 [1] : vector<128x16384xi32> to vector<128xi32>
    %broadcast_in_dim3A_325 = vector.shape_cast %reduce_min3A_324 : vector<128xi32> to vector<128x1xi32>
    %squeeze3A_326 = vector.shape_cast %broadcast_in_dim3A_325 : vector<128x1xi32> to vector<128xi32>
    %and3A_327 = arith.constant 16383 : i32
    %and3A_328 = vector.broadcast %and3A_327 : i32 to vector<128xi32>
    %and3A_329 = arith.andi %squeeze3A_326, %and3A_328 : vector<128xi32>
    %add3A_330 = vector.broadcast %mul3A_21 : i32 to vector<128xi32>
    %add3A_331 = arith.addi %and3A_329, %add3A_330 : vector<128xi32>
    %swap3A_332 = arith.constant 0 : index
    %swap3A_333 = arith.constant 0 : index
    %swap3A_334 = arith.constant 15 : index
    %swap3A_335 = vector.load %arg4[%swap3A_332, %swap3A_333, %swap3A_334] : memref<1x128x16xi32, #tpu.memory_space<vmem>>, vector<1x128x1xi32>
    %swap3A_336 = vector.shape_cast %swap3A_335 : vector<1x128x1xi32> to vector<128xi32>
    %swap3A_337 = vector.shape_cast %add3A_331 : vector<128xi32> to vector<1x128x1xi32>
    tpu.vector_store %arg4[%swap3A_332, %swap3A_333, %swap3A_334], %swap3A_337 {strides = array<i32>} : memref<1x128x16xi32, #tpu.memory_space<vmem>>, vector<1x128x1xi32>,
    return
  }
  func.func @transform_0(%arg0: i32, %arg1: i32) -> (i32, i32, i32) {
    %c0_i32 = arith.constant 0 : i32
    %c0_i32_0 = arith.constant 0 : i32
    return %arg0, %arg1, %c0_i32 : i32, i32, i32
  }
  func.func @transform_1(%arg0: i32, %arg1: i32) -> (i32, i32, i32) {
    %c0_i32 = arith.constant 0 : i32
    %c0_i32_0 = arith.constant 0 : i32
    %c0_i32_1 = arith.constant 0 : i32
    return %arg0, %c0_i32, %c0_i32_0 : i32, i32, i32
  }
  func.func @transform_2(%arg0: i32, %arg1: i32) -> (i32, i32, i32) {
    %c0_i32 = arith.constant 0 : i32
    %c0_i32_0 = arith.constant 0 : i32
    return %arg0, %arg1, %c0_i32 : i32, i32, i32
  }
}

module attributes {stable_mosaic.version = 14 : i64} {
  func.func @_fps_body(%arg0: memref<4x8x512xf32, #tpu.memory_space<vmem>>, %arg1: memref<4x8x512xf32, #tpu.memory_space<vmem>>, %arg2: memref<4x8x512xf32, #tpu.memory_space<vmem>>, %arg3: memref<4x8x128xi32, #tpu.memory_space<vmem>>, %arg4: memref<4x8x128xf32, #tpu.memory_space<vmem>>, %arg5: memref<4x8x128xf32, #tpu.memory_space<vmem>>, %arg6: memref<4x8x128xf32, #tpu.memory_space<vmem>>) attributes {dimension_semantics = [], scalar_prefetch = 0 : i64, scratch_operands = 0 : i64, tpu.core_type = #tpu.core_type<tc>} {
    %iota3A = tpu.iota {dimensions = array<i32: 0>} : vector<8x512xi32>
    %mul3A = arith.constant 512 : i32
    %mul3A_0 = vector.broadcast %mul3A : i32 to vector<8x512xi32>
    %mul3A_1 = arith.muli %iota3A, %mul3A_0 : vector<8x512xi32>
    %iota3A_2 = tpu.iota {dimensions = array<i32: 1>} : vector<8x512xi32>
    %add3A = arith.addi %mul3A_1, %iota3A_2 : vector<8x512xi32>
    %iota3A_3 = tpu.iota {dimensions = array<i32: 0>} : vector<8x128xi32>
    %mul3A_4 = arith.constant 128 : i32
    %mul3A_5 = vector.broadcast %mul3A_4 : i32 to vector<8x128xi32>
    %mul3A_6 = arith.muli %iota3A_3, %mul3A_5 : vector<8x128xi32>
    %iota3A_7 = tpu.iota {dimensions = array<i32: 1>} : vector<8x128xi32>
    %add3A_8 = arith.addi %mul3A_6, %iota3A_7 : vector<8x128xi32>
    %get3A = arith.constant 0 : index
    %get3A_9 = arith.constant 0 : index
    %get3A_10 = arith.constant 0 : index
    %get3A_11 = vector.load %arg0[%get3A, %get3A_9, %get3A_10] : memref<4x8x512xf32, #tpu.memory_space<vmem>>, vector<1x8x512xf32>
    %get3A_12 = vector.shape_cast %get3A_11 : vector<1x8x512xf32> to vector<8x512xf32>
    %get3A_13 = arith.constant 1 : index
    %get3A_14 = arith.constant 0 : index
    %get3A_15 = arith.constant 0 : index
    %get3A_16 = vector.load %arg0[%get3A_13, %get3A_14, %get3A_15] : memref<4x8x512xf32, #tpu.memory_space<vmem>>, vector<1x8x512xf32>
    %get3A_17 = vector.shape_cast %get3A_16 : vector<1x8x512xf32> to vector<8x512xf32>
    %get3A_18 = arith.constant 2 : index
    %get3A_19 = arith.constant 0 : index
    %get3A_20 = arith.constant 0 : index
    %get3A_21 = vector.load %arg0[%get3A_18, %get3A_19, %get3A_20] : memref<4x8x512xf32, #tpu.memory_space<vmem>>, vector<1x8x512xf32>
    %get3A_22 = vector.shape_cast %get3A_21 : vector<1x8x512xf32> to vector<8x512xf32>
    %get3A_23 = arith.constant 3 : index
    %get3A_24 = arith.constant 0 : index
    %get3A_25 = arith.constant 0 : index
    %get3A_26 = vector.load %arg0[%get3A_23, %get3A_24, %get3A_25] : memref<4x8x512xf32, #tpu.memory_space<vmem>>, vector<1x8x512xf32>
    %get3A_27 = vector.shape_cast %get3A_26 : vector<1x8x512xf32> to vector<8x512xf32>
    %get3A_28 = arith.constant 0 : index
    %get3A_29 = arith.constant 0 : index
    %get3A_30 = arith.constant 0 : index
    %get3A_31 = vector.load %arg1[%get3A_28, %get3A_29, %get3A_30] : memref<4x8x512xf32, #tpu.memory_space<vmem>>, vector<1x8x512xf32>
    %get3A_32 = vector.shape_cast %get3A_31 : vector<1x8x512xf32> to vector<8x512xf32>
    %get3A_33 = arith.constant 1 : index
    %get3A_34 = arith.constant 0 : index
    %get3A_35 = arith.constant 0 : index
    %get3A_36 = vector.load %arg1[%get3A_33, %get3A_34, %get3A_35] : memref<4x8x512xf32, #tpu.memory_space<vmem>>, vector<1x8x512xf32>
    %get3A_37 = vector.shape_cast %get3A_36 : vector<1x8x512xf32> to vector<8x512xf32>
    %get3A_38 = arith.constant 2 : index
    %get3A_39 = arith.constant 0 : index
    %get3A_40 = arith.constant 0 : index
    %get3A_41 = vector.load %arg1[%get3A_38, %get3A_39, %get3A_40] : memref<4x8x512xf32, #tpu.memory_space<vmem>>, vector<1x8x512xf32>
    %get3A_42 = vector.shape_cast %get3A_41 : vector<1x8x512xf32> to vector<8x512xf32>
    %get3A_43 = arith.constant 3 : index
    %get3A_44 = arith.constant 0 : index
    %get3A_45 = arith.constant 0 : index
    %get3A_46 = vector.load %arg1[%get3A_43, %get3A_44, %get3A_45] : memref<4x8x512xf32, #tpu.memory_space<vmem>>, vector<1x8x512xf32>
    %get3A_47 = vector.shape_cast %get3A_46 : vector<1x8x512xf32> to vector<8x512xf32>
    %get3A_48 = arith.constant 0 : index
    %get3A_49 = arith.constant 0 : index
    %get3A_50 = arith.constant 0 : index
    %get3A_51 = vector.load %arg2[%get3A_48, %get3A_49, %get3A_50] : memref<4x8x512xf32, #tpu.memory_space<vmem>>, vector<1x8x512xf32>
    %get3A_52 = vector.shape_cast %get3A_51 : vector<1x8x512xf32> to vector<8x512xf32>
    %get3A_53 = arith.constant 1 : index
    %get3A_54 = arith.constant 0 : index
    %get3A_55 = arith.constant 0 : index
    %get3A_56 = vector.load %arg2[%get3A_53, %get3A_54, %get3A_55] : memref<4x8x512xf32, #tpu.memory_space<vmem>>, vector<1x8x512xf32>
    %get3A_57 = vector.shape_cast %get3A_56 : vector<1x8x512xf32> to vector<8x512xf32>
    %get3A_58 = arith.constant 2 : index
    %get3A_59 = arith.constant 0 : index
    %get3A_60 = arith.constant 0 : index
    %get3A_61 = vector.load %arg2[%get3A_58, %get3A_59, %get3A_60] : memref<4x8x512xf32, #tpu.memory_space<vmem>>, vector<1x8x512xf32>
    %get3A_62 = vector.shape_cast %get3A_61 : vector<1x8x512xf32> to vector<8x512xf32>
    %get3A_63 = arith.constant 3 : index
    %get3A_64 = arith.constant 0 : index
    %get3A_65 = arith.constant 0 : index
    %get3A_66 = vector.load %arg2[%get3A_63, %get3A_64, %get3A_65] : memref<4x8x512xf32, #tpu.memory_space<vmem>>, vector<1x8x512xf32>
    %get3A_67 = vector.shape_cast %get3A_66 : vector<1x8x512xf32> to vector<8x512xf32>
    %slice3A = vector.extract_strided_slice %get3A_12 {offsets = [0, 0], sizes = [1, 1], strides = [1, 1]} : vector<8x512xf32> to vector<1x1xf32>
    %slice3A_68 = vector.extract_strided_slice %get3A_32 {offsets = [0, 0], sizes = [1, 1], strides = [1, 1]} : vector<8x512xf32> to vector<1x1xf32>
    %slice3A_69 = vector.extract_strided_slice %get3A_52 {offsets = [0, 0], sizes = [1, 1], strides = [1, 1]} : vector<8x512xf32> to vector<1x1xf32>
    %sub3A = vector.broadcast %slice3A : vector<1x1xf32> to vector<8x512xf32>
    %sub3A_70 = arith.subf %get3A_12, %sub3A : vector<8x512xf32>
    %sub3A_71 = vector.broadcast %slice3A_68 : vector<1x1xf32> to vector<8x512xf32>
    %sub3A_72 = arith.subf %get3A_32, %sub3A_71 : vector<8x512xf32>
    %sub3A_73 = vector.broadcast %slice3A_69 : vector<1x1xf32> to vector<8x512xf32>
    %sub3A_74 = arith.subf %get3A_52, %sub3A_73 : vector<8x512xf32>
    %mul3A_75 = arith.mulf %sub3A_70, %sub3A_70 : vector<8x512xf32>
    %mul3A_76 = arith.mulf %sub3A_72, %sub3A_72 : vector<8x512xf32>
    %add3A_77 = arith.addf %mul3A_75, %mul3A_76 : vector<8x512xf32>
    %mul3A_78 = arith.mulf %sub3A_74, %sub3A_74 : vector<8x512xf32>
    %add3A_79 = arith.addf %add3A_77, %mul3A_78 : vector<8x512xf32>
    %eq3A = arith.constant 0 : i32
    %eq3A_80 = vector.broadcast %eq3A : i32 to vector<8x128xi32>
    %eq3A_81 = arith.cmpi eq, %add3A_8, %eq3A_80 : vector<8x128xi32>
    %broadcast_in_dim3A = arith.constant 0 : i32
    %broadcast_in_dim3A_82 = vector.broadcast %broadcast_in_dim3A : i32 to vector<8x128xi32>
    %jit3A = arith.constant 0.000000e+00 : f32
    %broadcast_in_dim3A_83 = vector.shape_cast %slice3A : vector<1x1xf32> to vector<1x1xf32>
    %broadcast_in_dim3A_84 = vector.broadcast %broadcast_in_dim3A_83 : vector<1x1xf32> to vector<8x128xf32>
    %broadcast_in_dim3A_85 = vector.broadcast %jit3A : f32 to vector<8x128xf32>
    %select_n3A = arith.select %eq3A_81, %broadcast_in_dim3A_84, %broadcast_in_dim3A_85 : vector<8x128xi1>, vector<8x128xf32>
    %jit3A_86 = arith.constant 0.000000e+00 : f32
    %broadcast_in_dim3A_87 = vector.shape_cast %slice3A_68 : vector<1x1xf32> to vector<1x1xf32>
    %broadcast_in_dim3A_88 = vector.broadcast %broadcast_in_dim3A_87 : vector<1x1xf32> to vector<8x128xf32>
    %broadcast_in_dim3A_89 = vector.broadcast %jit3A_86 : f32 to vector<8x128xf32>
    %select_n3A_90 = arith.select %eq3A_81, %broadcast_in_dim3A_88, %broadcast_in_dim3A_89 : vector<8x128xi1>, vector<8x128xf32>
    %jit3A_91 = arith.constant 0.000000e+00 : f32
    %broadcast_in_dim3A_92 = vector.shape_cast %slice3A_69 : vector<1x1xf32> to vector<1x1xf32>
    %broadcast_in_dim3A_93 = vector.broadcast %broadcast_in_dim3A_92 : vector<1x1xf32> to vector<8x128xf32>
    %broadcast_in_dim3A_94 = vector.broadcast %jit3A_91 : f32 to vector<8x128xf32>
    %select_n3A_95 = arith.select %eq3A_81, %broadcast_in_dim3A_93, %broadcast_in_dim3A_94 : vector<8x128xi1>, vector<8x128xf32>
    %slice3A_96 = vector.extract_strided_slice %get3A_17 {offsets = [0, 0], sizes = [1, 1], strides = [1, 1]} : vector<8x512xf32> to vector<1x1xf32>
    %slice3A_97 = vector.extract_strided_slice %get3A_37 {offsets = [0, 0], sizes = [1, 1], strides = [1, 1]} : vector<8x512xf32> to vector<1x1xf32>
    %slice3A_98 = vector.extract_strided_slice %get3A_57 {offsets = [0, 0], sizes = [1, 1], strides = [1, 1]} : vector<8x512xf32> to vector<1x1xf32>
    %sub3A_99 = vector.broadcast %slice3A_96 : vector<1x1xf32> to vector<8x512xf32>
    %sub3A_100 = arith.subf %get3A_17, %sub3A_99 : vector<8x512xf32>
    %sub3A_101 = vector.broadcast %slice3A_97 : vector<1x1xf32> to vector<8x512xf32>
    %sub3A_102 = arith.subf %get3A_37, %sub3A_101 : vector<8x512xf32>
    %sub3A_103 = vector.broadcast %slice3A_98 : vector<1x1xf32> to vector<8x512xf32>
    %sub3A_104 = arith.subf %get3A_57, %sub3A_103 : vector<8x512xf32>
    %mul3A_105 = arith.mulf %sub3A_100, %sub3A_100 : vector<8x512xf32>
    %mul3A_106 = arith.mulf %sub3A_102, %sub3A_102 : vector<8x512xf32>
    %add3A_107 = arith.addf %mul3A_105, %mul3A_106 : vector<8x512xf32>
    %mul3A_108 = arith.mulf %sub3A_104, %sub3A_104 : vector<8x512xf32>
    %add3A_109 = arith.addf %add3A_107, %mul3A_108 : vector<8x512xf32>
    %eq3A_110 = arith.constant 0 : i32
    %eq3A_111 = vector.broadcast %eq3A_110 : i32 to vector<8x128xi32>
    %eq3A_112 = arith.cmpi eq, %add3A_8, %eq3A_111 : vector<8x128xi32>
    %broadcast_in_dim3A_113 = arith.constant 0 : i32
    %broadcast_in_dim3A_114 = vector.broadcast %broadcast_in_dim3A_113 : i32 to vector<8x128xi32>
    %jit3A_115 = arith.constant 0.000000e+00 : f32
    %broadcast_in_dim3A_116 = vector.shape_cast %slice3A_96 : vector<1x1xf32> to vector<1x1xf32>
    %broadcast_in_dim3A_117 = vector.broadcast %broadcast_in_dim3A_116 : vector<1x1xf32> to vector<8x128xf32>
    %broadcast_in_dim3A_118 = vector.broadcast %jit3A_115 : f32 to vector<8x128xf32>
    %select_n3A_119 = arith.select %eq3A_112, %broadcast_in_dim3A_117, %broadcast_in_dim3A_118 : vector<8x128xi1>, vector<8x128xf32>
    %jit3A_120 = arith.constant 0.000000e+00 : f32
    %broadcast_in_dim3A_121 = vector.shape_cast %slice3A_97 : vector<1x1xf32> to vector<1x1xf32>
    %broadcast_in_dim3A_122 = vector.broadcast %broadcast_in_dim3A_121 : vector<1x1xf32> to vector<8x128xf32>
    %broadcast_in_dim3A_123 = vector.broadcast %jit3A_120 : f32 to vector<8x128xf32>
    %select_n3A_124 = arith.select %eq3A_112, %broadcast_in_dim3A_122, %broadcast_in_dim3A_123 : vector<8x128xi1>, vector<8x128xf32>
    %jit3A_125 = arith.constant 0.000000e+00 : f32
    %broadcast_in_dim3A_126 = vector.shape_cast %slice3A_98 : vector<1x1xf32> to vector<1x1xf32>
    %broadcast_in_dim3A_127 = vector.broadcast %broadcast_in_dim3A_126 : vector<1x1xf32> to vector<8x128xf32>
    %broadcast_in_dim3A_128 = vector.broadcast %jit3A_125 : f32 to vector<8x128xf32>
    %select_n3A_129 = arith.select %eq3A_112, %broadcast_in_dim3A_127, %broadcast_in_dim3A_128 : vector<8x128xi1>, vector<8x128xf32>
    %slice3A_130 = vector.extract_strided_slice %get3A_22 {offsets = [0, 0], sizes = [1, 1], strides = [1, 1]} : vector<8x512xf32> to vector<1x1xf32>
    %slice3A_131 = vector.extract_strided_slice %get3A_42 {offsets = [0, 0], sizes = [1, 1], strides = [1, 1]} : vector<8x512xf32> to vector<1x1xf32>
    %slice3A_132 = vector.extract_strided_slice %get3A_62 {offsets = [0, 0], sizes = [1, 1], strides = [1, 1]} : vector<8x512xf32> to vector<1x1xf32>
    %sub3A_133 = vector.broadcast %slice3A_130 : vector<1x1xf32> to vector<8x512xf32>
    %sub3A_134 = arith.subf %get3A_22, %sub3A_133 : vector<8x512xf32>
    %sub3A_135 = vector.broadcast %slice3A_131 : vector<1x1xf32> to vector<8x512xf32>
    %sub3A_136 = arith.subf %get3A_42, %sub3A_135 : vector<8x512xf32>
    %sub3A_137 = vector.broadcast %slice3A_132 : vector<1x1xf32> to vector<8x512xf32>
    %sub3A_138 = arith.subf %get3A_62, %sub3A_137 : vector<8x512xf32>
    %mul3A_139 = arith.mulf %sub3A_134, %sub3A_134 : vector<8x512xf32>
    %mul3A_140 = arith.mulf %sub3A_136, %sub3A_136 : vector<8x512xf32>
    %add3A_141 = arith.addf %mul3A_139, %mul3A_140 : vector<8x512xf32>
    %mul3A_142 = arith.mulf %sub3A_138, %sub3A_138 : vector<8x512xf32>
    %add3A_143 = arith.addf %add3A_141, %mul3A_142 : vector<8x512xf32>
    %eq3A_144 = arith.constant 0 : i32
    %eq3A_145 = vector.broadcast %eq3A_144 : i32 to vector<8x128xi32>
    %eq3A_146 = arith.cmpi eq, %add3A_8, %eq3A_145 : vector<8x128xi32>
    %broadcast_in_dim3A_147 = arith.constant 0 : i32
    %broadcast_in_dim3A_148 = vector.broadcast %broadcast_in_dim3A_147 : i32 to vector<8x128xi32>
    %jit3A_149 = arith.constant 0.000000e+00 : f32
    %broadcast_in_dim3A_150 = vector.shape_cast %slice3A_130 : vector<1x1xf32> to vector<1x1xf32>
    %broadcast_in_dim3A_151 = vector.broadcast %broadcast_in_dim3A_150 : vector<1x1xf32> to vector<8x128xf32>
    %broadcast_in_dim3A_152 = vector.broadcast %jit3A_149 : f32 to vector<8x128xf32>
    %select_n3A_153 = arith.select %eq3A_146, %broadcast_in_dim3A_151, %broadcast_in_dim3A_152 : vector<8x128xi1>, vector<8x128xf32>
    %jit3A_154 = arith.constant 0.000000e+00 : f32
    %broadcast_in_dim3A_155 = vector.shape_cast %slice3A_131 : vector<1x1xf32> to vector<1x1xf32>
    %broadcast_in_dim3A_156 = vector.broadcast %broadcast_in_dim3A_155 : vector<1x1xf32> to vector<8x128xf32>
    %broadcast_in_dim3A_157 = vector.broadcast %jit3A_154 : f32 to vector<8x128xf32>
    %select_n3A_158 = arith.select %eq3A_146, %broadcast_in_dim3A_156, %broadcast_in_dim3A_157 : vector<8x128xi1>, vector<8x128xf32>
    %jit3A_159 = arith.constant 0.000000e+00 : f32
    %broadcast_in_dim3A_160 = vector.shape_cast %slice3A_132 : vector<1x1xf32> to vector<1x1xf32>
    %broadcast_in_dim3A_161 = vector.broadcast %broadcast_in_dim3A_160 : vector<1x1xf32> to vector<8x128xf32>
    %broadcast_in_dim3A_162 = vector.broadcast %jit3A_159 : f32 to vector<8x128xf32>
    %select_n3A_163 = arith.select %eq3A_146, %broadcast_in_dim3A_161, %broadcast_in_dim3A_162 : vector<8x128xi1>, vector<8x128xf32>
    %slice3A_164 = vector.extract_strided_slice %get3A_27 {offsets = [0, 0], sizes = [1, 1], strides = [1, 1]} : vector<8x512xf32> to vector<1x1xf32>
    %slice3A_165 = vector.extract_strided_slice %get3A_47 {offsets = [0, 0], sizes = [1, 1], strides = [1, 1]} : vector<8x512xf32> to vector<1x1xf32>
    %slice3A_166 = vector.extract_strided_slice %get3A_67 {offsets = [0, 0], sizes = [1, 1], strides = [1, 1]} : vector<8x512xf32> to vector<1x1xf32>
    %sub3A_167 = vector.broadcast %slice3A_164 : vector<1x1xf32> to vector<8x512xf32>
    %sub3A_168 = arith.subf %get3A_27, %sub3A_167 : vector<8x512xf32>
    %sub3A_169 = vector.broadcast %slice3A_165 : vector<1x1xf32> to vector<8x512xf32>
    %sub3A_170 = arith.subf %get3A_47, %sub3A_169 : vector<8x512xf32>
    %sub3A_171 = vector.broadcast %slice3A_166 : vector<1x1xf32> to vector<8x512xf32>
    %sub3A_172 = arith.subf %get3A_67, %sub3A_171 : vector<8x512xf32>
    %mul3A_173 = arith.mulf %sub3A_168, %sub3A_168 : vector<8x512xf32>
    %mul3A_174 = arith.mulf %sub3A_170, %sub3A_170 : vector<8x512xf32>
    %add3A_175 = arith.addf %mul3A_173, %mul3A_174 : vector<8x512xf32>
    %mul3A_176 = arith.mulf %sub3A_172, %sub3A_172 : vector<8x512xf32>
    %add3A_177 = arith.addf %add3A_175, %mul3A_176 : vector<8x512xf32>
    %eq3A_178 = arith.constant 0 : i32
    %eq3A_179 = vector.broadcast %eq3A_178 : i32 to vector<8x128xi32>
    %eq3A_180 = arith.cmpi eq, %add3A_8, %eq3A_179 : vector<8x128xi32>
    %broadcast_in_dim3A_181 = arith.constant 0 : i32
    %broadcast_in_dim3A_182 = vector.broadcast %broadcast_in_dim3A_181 : i32 to vector<8x128xi32>
    %jit3A_183 = arith.constant 0.000000e+00 : f32
    %broadcast_in_dim3A_184 = vector.shape_cast %slice3A_164 : vector<1x1xf32> to vector<1x1xf32>
    %broadcast_in_dim3A_185 = vector.broadcast %broadcast_in_dim3A_184 : vector<1x1xf32> to vector<8x128xf32>
    %broadcast_in_dim3A_186 = vector.broadcast %jit3A_183 : f32 to vector<8x128xf32>
    %select_n3A_187 = arith.select %eq3A_180, %broadcast_in_dim3A_185, %broadcast_in_dim3A_186 : vector<8x128xi1>, vector<8x128xf32>
    %jit3A_188 = arith.constant 0.000000e+00 : f32
    %broadcast_in_dim3A_189 = vector.shape_cast %slice3A_165 : vector<1x1xf32> to vector<1x1xf32>
    %broadcast_in_dim3A_190 = vector.broadcast %broadcast_in_dim3A_189 : vector<1x1xf32> to vector<8x128xf32>
    %broadcast_in_dim3A_191 = vector.broadcast %jit3A_188 : f32 to vector<8x128xf32>
    %select_n3A_192 = arith.select %eq3A_180, %broadcast_in_dim3A_190, %broadcast_in_dim3A_191 : vector<8x128xi1>, vector<8x128xf32>
    %jit3A_193 = arith.constant 0.000000e+00 : f32
    %broadcast_in_dim3A_194 = vector.shape_cast %slice3A_166 : vector<1x1xf32> to vector<1x1xf32>
    %broadcast_in_dim3A_195 = vector.broadcast %broadcast_in_dim3A_194 : vector<1x1xf32> to vector<8x128xf32>
    %broadcast_in_dim3A_196 = vector.broadcast %jit3A_193 : f32 to vector<8x128xf32>
    %select_n3A_197 = arith.select %eq3A_180, %broadcast_in_dim3A_195, %broadcast_in_dim3A_196 : vector<8x128xi1>, vector<8x128xf32>
    %scan3A = arith.constant 1 : i32
    %scan3A_198 = arith.constant 1023 : i32
    %scan3A_199 = arith.addi %scan3A, %scan3A_198 : i32
    %scan3A_200 = arith.constant 1 : i32
    %scan3A_201:20 = scf.for %scan3A_298 = %scan3A to %scan3A_199 step %scan3A_200 iter_args(%scan3A_299 = %add3A_79, %scan3A_300 = %broadcast_in_dim3A_82, %scan3A_301 = %select_n3A, %scan3A_302 = %select_n3A_90, %scan3A_303 = %select_n3A_95, %scan3A_304 = %add3A_109, %scan3A_305 = %broadcast_in_dim3A_114, %scan3A_306 = %select_n3A_119, %scan3A_307 = %select_n3A_124, %scan3A_308 = %select_n3A_129, %scan3A_309 = %add3A_143, %scan3A_310 = %broadcast_in_dim3A_148, %scan3A_311 = %select_n3A_153, %scan3A_312 = %select_n3A_158, %scan3A_313 = %select_n3A_163, %scan3A_314 = %add3A_177, %scan3A_315 = %broadcast_in_dim3A_182, %scan3A_316 = %select_n3A_187, %scan3A_317 = %select_n3A_192, %scan3A_318 = %select_n3A_197) -> (vector<8x512xf32>, vector<8x128xi32>, vector<8x128xf32>, vector<8x128xf32>, vector<8x128xf32>, vector<8x512xf32>, vector<8x128xi32>, vector<8x128xf32>, vector<8x128xf32>, vector<8x128xf32>, vector<8x512xf32>, vector<8x128xi32>, vector<8x128xf32>, vector<8x128xf32>, vector<8x128xf32>, vector<8x512xf32>, vector<8x128xi32>, vector<8x128xf32>, vector<8x128xf32>, vector<8x128xf32>)  : i32 {
      %reduce_max3A = arith.constant dense<0xFF800000> : vector<8xf32>
      %reduce_max3A_319 = vector.multi_reduction <maximumf>, %scan3A_299, %reduce_max3A [1] : vector<8x512xf32> to vector<8xf32>
      %broadcast_in_dim3A_320 = vector.shape_cast %reduce_max3A_319 : vector<8xf32> to vector<8x1xf32>
      %reduce_max3A_321 = arith.constant dense<0xFF800000> : vector<1xf32>
      %reduce_max3A_322 = vector.multi_reduction <maximumf>, %broadcast_in_dim3A_320, %reduce_max3A_321 [0] : vector<8x1xf32> to vector<1xf32>
      %broadcast_in_dim3A_323 = vector.shape_cast %reduce_max3A_322 : vector<1xf32> to vector<1x1xf32>
      %eq3A_324 = vector.broadcast %broadcast_in_dim3A_323 : vector<1x1xf32> to vector<8x512xf32>
      %eq3A_325 = arith.cmpf oeq, %scan3A_299, %eq3A_324 : vector<8x512xf32>
      %jit3A_326 = arith.constant 4096 : i32
      %broadcast_in_dim3A_327 = vector.broadcast %jit3A_326 : i32 to vector<8x512xi32>
      %select_n3A_328 = arith.select %eq3A_325, %add3A, %broadcast_in_dim3A_327 : vector<8x512xi1>, vector<8x512xi32>
      %reduce_min3A = arith.constant dense<2147483647> : vector<8xi32>
      %reduce_min3A_329 = vector.multi_reduction <minsi>, %select_n3A_328, %reduce_min3A [1] : vector<8x512xi32> to vector<8xi32>
      %broadcast_in_dim3A_330 = vector.shape_cast %reduce_min3A_329 : vector<8xi32> to vector<8x1xi32>
      %reduce_min3A_331 = arith.constant dense<2147483647> : vector<1xi32>
      %reduce_min3A_332 = vector.multi_reduction <minsi>, %broadcast_in_dim3A_330, %reduce_min3A_331 [0] : vector<8x1xi32> to vector<1xi32>
      %broadcast_in_dim3A_333 = vector.shape_cast %reduce_min3A_332 : vector<1xi32> to vector<1x1xi32>
      %eq3A_334 = vector.broadcast %broadcast_in_dim3A_333 : vector<1x1xi32> to vector<8x512xi32>
      %eq3A_335 = arith.cmpi eq, %add3A, %eq3A_334 : vector<8x512xi32>
      %jit3A_336 = arith.constant 0.000000e+00 : f32
      %broadcast_in_dim3A_337 = vector.broadcast %jit3A_336 : f32 to vector<8x512xf32>
      %select_n3A_338 = arith.select %eq3A_335, %get3A_12, %broadcast_in_dim3A_337 : vector<8x512xi1>, vector<8x512xf32>
      %reduce_sum3A = arith.constant dense<0.000000e+00> : vector<8xf32>
      %reduce_sum3A_339 = vector.multi_reduction <add>, %select_n3A_338, %reduce_sum3A [1] : vector<8x512xf32> to vector<8xf32>
      %broadcast_in_dim3A_340 = vector.shape_cast %reduce_sum3A_339 : vector<8xf32> to vector<8x1xf32>
      %reduce_sum3A_341 = arith.constant dense<0.000000e+00> : vector<1xf32>
      %reduce_sum3A_342 = vector.multi_reduction <add>, %broadcast_in_dim3A_340, %reduce_sum3A_341 [0] : vector<8x1xf32> to vector<1xf32>
      %broadcast_in_dim3A_343 = vector.shape_cast %reduce_sum3A_342 : vector<1xf32> to vector<1x1xf32>
      %jit3A_344 = arith.constant 0.000000e+00 : f32
      %broadcast_in_dim3A_345 = vector.broadcast %jit3A_344 : f32 to vector<8x512xf32>
      %select_n3A_346 = arith.select %eq3A_335, %get3A_32, %broadcast_in_dim3A_345 : vector<8x512xi1>, vector<8x512xf32>
      %reduce_sum3A_347 = arith.constant dense<0.000000e+00> : vector<8xf32>
      %reduce_sum3A_348 = vector.multi_reduction <add>, %select_n3A_346, %reduce_sum3A_347 [1] : vector<8x512xf32> to vector<8xf32>
      %broadcast_in_dim3A_349 = vector.shape_cast %reduce_sum3A_348 : vector<8xf32> to vector<8x1xf32>
      %reduce_sum3A_350 = arith.constant dense<0.000000e+00> : vector<1xf32>
      %reduce_sum3A_351 = vector.multi_reduction <add>, %broadcast_in_dim3A_349, %reduce_sum3A_350 [0] : vector<8x1xf32> to vector<1xf32>
      %broadcast_in_dim3A_352 = vector.shape_cast %reduce_sum3A_351 : vector<1xf32> to vector<1x1xf32>
      %jit3A_353 = arith.constant 0.000000e+00 : f32
      %broadcast_in_dim3A_354 = vector.broadcast %jit3A_353 : f32 to vector<8x512xf32>
      %select_n3A_355 = arith.select %eq3A_335, %get3A_52, %broadcast_in_dim3A_354 : vector<8x512xi1>, vector<8x512xf32>
      %reduce_sum3A_356 = arith.constant dense<0.000000e+00> : vector<8xf32>
      %reduce_sum3A_357 = vector.multi_reduction <add>, %select_n3A_355, %reduce_sum3A_356 [1] : vector<8x512xf32> to vector<8xf32>
      %broadcast_in_dim3A_358 = vector.shape_cast %reduce_sum3A_357 : vector<8xf32> to vector<8x1xf32>
      %reduce_sum3A_359 = arith.constant dense<0.000000e+00> : vector<1xf32>
      %reduce_sum3A_360 = vector.multi_reduction <add>, %broadcast_in_dim3A_358, %reduce_sum3A_359 [0] : vector<8x1xf32> to vector<1xf32>
      %broadcast_in_dim3A_361 = vector.shape_cast %reduce_sum3A_360 : vector<1xf32> to vector<1x1xf32>
      %eq3A_362 = vector.broadcast %scan3A_298 : i32 to vector<8x128xi32>
      %eq3A_363 = arith.cmpi eq, %add3A_8, %eq3A_362 : vector<8x128xi32>
      %broadcast_in_dim3A_364 = vector.shape_cast %broadcast_in_dim3A_333 : vector<1x1xi32> to vector<1x1xi32>
      %broadcast_in_dim3A_365 = vector.broadcast %broadcast_in_dim3A_364 : vector<1x1xi32> to vector<8x128xi32>
      %select_n3A_366 = arith.select %eq3A_363, %broadcast_in_dim3A_365, %scan3A_300 : vector<8x128xi1>, vector<8x128xi32>
      %broadcast_in_dim3A_367 = vector.shape_cast %broadcast_in_dim3A_343 : vector<1x1xf32> to vector<1x1xf32>
      %broadcast_in_dim3A_368 = vector.broadcast %broadcast_in_dim3A_367 : vector<1x1xf32> to vector<8x128xf32>
      %select_n3A_369 = arith.select %eq3A_363, %broadcast_in_dim3A_368, %scan3A_301 : vector<8x128xi1>, vector<8x128xf32>
      %broadcast_in_dim3A_370 = vector.shape_cast %broadcast_in_dim3A_352 : vector<1x1xf32> to vector<1x1xf32>
      %broadcast_in_dim3A_371 = vector.broadcast %broadcast_in_dim3A_370 : vector<1x1xf32> to vector<8x128xf32>
      %select_n3A_372 = arith.select %eq3A_363, %broadcast_in_dim3A_371, %scan3A_302 : vector<8x128xi1>, vector<8x128xf32>
      %broadcast_in_dim3A_373 = vector.shape_cast %broadcast_in_dim3A_361 : vector<1x1xf32> to vector<1x1xf32>
      %broadcast_in_dim3A_374 = vector.broadcast %broadcast_in_dim3A_373 : vector<1x1xf32> to vector<8x128xf32>
      %select_n3A_375 = arith.select %eq3A_363, %broadcast_in_dim3A_374, %scan3A_303 : vector<8x128xi1>, vector<8x128xf32>
      %sub3A_376 = vector.broadcast %broadcast_in_dim3A_343 : vector<1x1xf32> to vector<8x512xf32>
      %sub3A_377 = arith.subf %get3A_12, %sub3A_376 : vector<8x512xf32>
      %sub3A_378 = vector.broadcast %broadcast_in_dim3A_352 : vector<1x1xf32> to vector<8x512xf32>
      %sub3A_379 = arith.subf %get3A_32, %sub3A_378 : vector<8x512xf32>
      %sub3A_380 = vector.broadcast %broadcast_in_dim3A_361 : vector<1x1xf32> to vector<8x512xf32>
      %sub3A_381 = arith.subf %get3A_52, %sub3A_380 : vector<8x512xf32>
      %mul3A_382 = arith.mulf %sub3A_377, %sub3A_377 : vector<8x512xf32>
      %mul3A_383 = arith.mulf %sub3A_379, %sub3A_379 : vector<8x512xf32>
      %add3A_384 = arith.addf %mul3A_382, %mul3A_383 : vector<8x512xf32>
      %mul3A_385 = arith.mulf %sub3A_381, %sub3A_381 : vector<8x512xf32>
      %add3A_386 = arith.addf %add3A_384, %mul3A_385 : vector<8x512xf32>
      %min3A = arith.minimumf %scan3A_299, %add3A_386 : vector<8x512xf32>
      %reduce_max3A_387 = arith.constant dense<0xFF800000> : vector<8xf32>
      %reduce_max3A_388 = vector.multi_reduction <maximumf>, %scan3A_304, %reduce_max3A_387 [1] : vector<8x512xf32> to vector<8xf32>
      %broadcast_in_dim3A_389 = vector.shape_cast %reduce_max3A_388 : vector<8xf32> to vector<8x1xf32>
      %reduce_max3A_390 = arith.constant dense<0xFF800000> : vector<1xf32>
      %reduce_max3A_391 = vector.multi_reduction <maximumf>, %broadcast_in_dim3A_389, %reduce_max3A_390 [0] : vector<8x1xf32> to vector<1xf32>
      %broadcast_in_dim3A_392 = vector.shape_cast %reduce_max3A_391 : vector<1xf32> to vector<1x1xf32>
      %eq3A_393 = vector.broadcast %broadcast_in_dim3A_392 : vector<1x1xf32> to vector<8x512xf32>
      %eq3A_394 = arith.cmpf oeq, %scan3A_304, %eq3A_393 : vector<8x512xf32>
      %jit3A_395 = arith.constant 4096 : i32
      %broadcast_in_dim3A_396 = vector.broadcast %jit3A_395 : i32 to vector<8x512xi32>
      %select_n3A_397 = arith.select %eq3A_394, %add3A, %broadcast_in_dim3A_396 : vector<8x512xi1>, vector<8x512xi32>
      %reduce_min3A_398 = arith.constant dense<2147483647> : vector<8xi32>
      %reduce_min3A_399 = vector.multi_reduction <minsi>, %select_n3A_397, %reduce_min3A_398 [1] : vector<8x512xi32> to vector<8xi32>
      %broadcast_in_dim3A_400 = vector.shape_cast %reduce_min3A_399 : vector<8xi32> to vector<8x1xi32>
      %reduce_min3A_401 = arith.constant dense<2147483647> : vector<1xi32>
      %reduce_min3A_402 = vector.multi_reduction <minsi>, %broadcast_in_dim3A_400, %reduce_min3A_401 [0] : vector<8x1xi32> to vector<1xi32>
      %broadcast_in_dim3A_403 = vector.shape_cast %reduce_min3A_402 : vector<1xi32> to vector<1x1xi32>
      %eq3A_404 = vector.broadcast %broadcast_in_dim3A_403 : vector<1x1xi32> to vector<8x512xi32>
      %eq3A_405 = arith.cmpi eq, %add3A, %eq3A_404 : vector<8x512xi32>
      %jit3A_406 = arith.constant 0.000000e+00 : f32
      %broadcast_in_dim3A_407 = vector.broadcast %jit3A_406 : f32 to vector<8x512xf32>
      %select_n3A_408 = arith.select %eq3A_405, %get3A_17, %broadcast_in_dim3A_407 : vector<8x512xi1>, vector<8x512xf32>
      %reduce_sum3A_409 = arith.constant dense<0.000000e+00> : vector<8xf32>
      %reduce_sum3A_410 = vector.multi_reduction <add>, %select_n3A_408, %reduce_sum3A_409 [1] : vector<8x512xf32> to vector<8xf32>
      %broadcast_in_dim3A_411 = vector.shape_cast %reduce_sum3A_410 : vector<8xf32> to vector<8x1xf32>
      %reduce_sum3A_412 = arith.constant dense<0.000000e+00> : vector<1xf32>
      %reduce_sum3A_413 = vector.multi_reduction <add>, %broadcast_in_dim3A_411, %reduce_sum3A_412 [0] : vector<8x1xf32> to vector<1xf32>
      %broadcast_in_dim3A_414 = vector.shape_cast %reduce_sum3A_413 : vector<1xf32> to vector<1x1xf32>
      %jit3A_415 = arith.constant 0.000000e+00 : f32
      %broadcast_in_dim3A_416 = vector.broadcast %jit3A_415 : f32 to vector<8x512xf32>
      %select_n3A_417 = arith.select %eq3A_405, %get3A_37, %broadcast_in_dim3A_416 : vector<8x512xi1>, vector<8x512xf32>
      %reduce_sum3A_418 = arith.constant dense<0.000000e+00> : vector<8xf32>
      %reduce_sum3A_419 = vector.multi_reduction <add>, %select_n3A_417, %reduce_sum3A_418 [1] : vector<8x512xf32> to vector<8xf32>
      %broadcast_in_dim3A_420 = vector.shape_cast %reduce_sum3A_419 : vector<8xf32> to vector<8x1xf32>
      %reduce_sum3A_421 = arith.constant dense<0.000000e+00> : vector<1xf32>
      %reduce_sum3A_422 = vector.multi_reduction <add>, %broadcast_in_dim3A_420, %reduce_sum3A_421 [0] : vector<8x1xf32> to vector<1xf32>
      %broadcast_in_dim3A_423 = vector.shape_cast %reduce_sum3A_422 : vector<1xf32> to vector<1x1xf32>
      %jit3A_424 = arith.constant 0.000000e+00 : f32
      %broadcast_in_dim3A_425 = vector.broadcast %jit3A_424 : f32 to vector<8x512xf32>
      %select_n3A_426 = arith.select %eq3A_405, %get3A_57, %broadcast_in_dim3A_425 : vector<8x512xi1>, vector<8x512xf32>
      %reduce_sum3A_427 = arith.constant dense<0.000000e+00> : vector<8xf32>
      %reduce_sum3A_428 = vector.multi_reduction <add>, %select_n3A_426, %reduce_sum3A_427 [1] : vector<8x512xf32> to vector<8xf32>
      %broadcast_in_dim3A_429 = vector.shape_cast %reduce_sum3A_428 : vector<8xf32> to vector<8x1xf32>
      %reduce_sum3A_430 = arith.constant dense<0.000000e+00> : vector<1xf32>
      %reduce_sum3A_431 = vector.multi_reduction <add>, %broadcast_in_dim3A_429, %reduce_sum3A_430 [0] : vector<8x1xf32> to vector<1xf32>
      %broadcast_in_dim3A_432 = vector.shape_cast %reduce_sum3A_431 : vector<1xf32> to vector<1x1xf32>
      %eq3A_433 = vector.broadcast %scan3A_298 : i32 to vector<8x128xi32>
      %eq3A_434 = arith.cmpi eq, %add3A_8, %eq3A_433 : vector<8x128xi32>
      %broadcast_in_dim3A_435 = vector.shape_cast %broadcast_in_dim3A_403 : vector<1x1xi32> to vector<1x1xi32>
      %broadcast_in_dim3A_436 = vector.broadcast %broadcast_in_dim3A_435 : vector<1x1xi32> to vector<8x128xi32>
      %select_n3A_437 = arith.select %eq3A_434, %broadcast_in_dim3A_436, %scan3A_305 : vector<8x128xi1>, vector<8x128xi32>
      %broadcast_in_dim3A_438 = vector.shape_cast %broadcast_in_dim3A_414 : vector<1x1xf32> to vector<1x1xf32>
      %broadcast_in_dim3A_439 = vector.broadcast %broadcast_in_dim3A_438 : vector<1x1xf32> to vector<8x128xf32>
      %select_n3A_440 = arith.select %eq3A_434, %broadcast_in_dim3A_439, %scan3A_306 : vector<8x128xi1>, vector<8x128xf32>
      %broadcast_in_dim3A_441 = vector.shape_cast %broadcast_in_dim3A_423 : vector<1x1xf32> to vector<1x1xf32>
      %broadcast_in_dim3A_442 = vector.broadcast %broadcast_in_dim3A_441 : vector<1x1xf32> to vector<8x128xf32>
      %select_n3A_443 = arith.select %eq3A_434, %broadcast_in_dim3A_442, %scan3A_307 : vector<8x128xi1>, vector<8x128xf32>
      %broadcast_in_dim3A_444 = vector.shape_cast %broadcast_in_dim3A_432 : vector<1x1xf32> to vector<1x1xf32>
      %broadcast_in_dim3A_445 = vector.broadcast %broadcast_in_dim3A_444 : vector<1x1xf32> to vector<8x128xf32>
      %select_n3A_446 = arith.select %eq3A_434, %broadcast_in_dim3A_445, %scan3A_308 : vector<8x128xi1>, vector<8x128xf32>
      %sub3A_447 = vector.broadcast %broadcast_in_dim3A_414 : vector<1x1xf32> to vector<8x512xf32>
      %sub3A_448 = arith.subf %get3A_17, %sub3A_447 : vector<8x512xf32>
      %sub3A_449 = vector.broadcast %broadcast_in_dim3A_423 : vector<1x1xf32> to vector<8x512xf32>
      %sub3A_450 = arith.subf %get3A_37, %sub3A_449 : vector<8x512xf32>
      %sub3A_451 = vector.broadcast %broadcast_in_dim3A_432 : vector<1x1xf32> to vector<8x512xf32>
      %sub3A_452 = arith.subf %get3A_57, %sub3A_451 : vector<8x512xf32>
      %mul3A_453 = arith.mulf %sub3A_448, %sub3A_448 : vector<8x512xf32>
      %mul3A_454 = arith.mulf %sub3A_450, %sub3A_450 : vector<8x512xf32>
      %add3A_455 = arith.addf %mul3A_453, %mul3A_454 : vector<8x512xf32>
      %mul3A_456 = arith.mulf %sub3A_452, %sub3A_452 : vector<8x512xf32>
      %add3A_457 = arith.addf %add3A_455, %mul3A_456 : vector<8x512xf32>
      %min3A_458 = arith.minimumf %scan3A_304, %add3A_457 : vector<8x512xf32>
      %reduce_max3A_459 = arith.constant dense<0xFF800000> : vector<8xf32>
      %reduce_max3A_460 = vector.multi_reduction <maximumf>, %scan3A_309, %reduce_max3A_459 [1] : vector<8x512xf32> to vector<8xf32>
      %broadcast_in_dim3A_461 = vector.shape_cast %reduce_max3A_460 : vector<8xf32> to vector<8x1xf32>
      %reduce_max3A_462 = arith.constant dense<0xFF800000> : vector<1xf32>
      %reduce_max3A_463 = vector.multi_reduction <maximumf>, %broadcast_in_dim3A_461, %reduce_max3A_462 [0] : vector<8x1xf32> to vector<1xf32>
      %broadcast_in_dim3A_464 = vector.shape_cast %reduce_max3A_463 : vector<1xf32> to vector<1x1xf32>
      %eq3A_465 = vector.broadcast %broadcast_in_dim3A_464 : vector<1x1xf32> to vector<8x512xf32>
      %eq3A_466 = arith.cmpf oeq, %scan3A_309, %eq3A_465 : vector<8x512xf32>
      %jit3A_467 = arith.constant 4096 : i32
      %broadcast_in_dim3A_468 = vector.broadcast %jit3A_467 : i32 to vector<8x512xi32>
      %select_n3A_469 = arith.select %eq3A_466, %add3A, %broadcast_in_dim3A_468 : vector<8x512xi1>, vector<8x512xi32>
      %reduce_min3A_470 = arith.constant dense<2147483647> : vector<8xi32>
      %reduce_min3A_471 = vector.multi_reduction <minsi>, %select_n3A_469, %reduce_min3A_470 [1] : vector<8x512xi32> to vector<8xi32>
      %broadcast_in_dim3A_472 = vector.shape_cast %reduce_min3A_471 : vector<8xi32> to vector<8x1xi32>
      %reduce_min3A_473 = arith.constant dense<2147483647> : vector<1xi32>
      %reduce_min3A_474 = vector.multi_reduction <minsi>, %broadcast_in_dim3A_472, %reduce_min3A_473 [0] : vector<8x1xi32> to vector<1xi32>
      %broadcast_in_dim3A_475 = vector.shape_cast %reduce_min3A_474 : vector<1xi32> to vector<1x1xi32>
      %eq3A_476 = vector.broadcast %broadcast_in_dim3A_475 : vector<1x1xi32> to vector<8x512xi32>
      %eq3A_477 = arith.cmpi eq, %add3A, %eq3A_476 : vector<8x512xi32>
      %jit3A_478 = arith.constant 0.000000e+00 : f32
      %broadcast_in_dim3A_479 = vector.broadcast %jit3A_478 : f32 to vector<8x512xf32>
      %select_n3A_480 = arith.select %eq3A_477, %get3A_22, %broadcast_in_dim3A_479 : vector<8x512xi1>, vector<8x512xf32>
      %reduce_sum3A_481 = arith.constant dense<0.000000e+00> : vector<8xf32>
      %reduce_sum3A_482 = vector.multi_reduction <add>, %select_n3A_480, %reduce_sum3A_481 [1] : vector<8x512xf32> to vector<8xf32>
      %broadcast_in_dim3A_483 = vector.shape_cast %reduce_sum3A_482 : vector<8xf32> to vector<8x1xf32>
      %reduce_sum3A_484 = arith.constant dense<0.000000e+00> : vector<1xf32>
      %reduce_sum3A_485 = vector.multi_reduction <add>, %broadcast_in_dim3A_483, %reduce_sum3A_484 [0] : vector<8x1xf32> to vector<1xf32>
      %broadcast_in_dim3A_486 = vector.shape_cast %reduce_sum3A_485 : vector<1xf32> to vector<1x1xf32>
      %jit3A_487 = arith.constant 0.000000e+00 : f32
      %broadcast_in_dim3A_488 = vector.broadcast %jit3A_487 : f32 to vector<8x512xf32>
      %select_n3A_489 = arith.select %eq3A_477, %get3A_42, %broadcast_in_dim3A_488 : vector<8x512xi1>, vector<8x512xf32>
      %reduce_sum3A_490 = arith.constant dense<0.000000e+00> : vector<8xf32>
      %reduce_sum3A_491 = vector.multi_reduction <add>, %select_n3A_489, %reduce_sum3A_490 [1] : vector<8x512xf32> to vector<8xf32>
      %broadcast_in_dim3A_492 = vector.shape_cast %reduce_sum3A_491 : vector<8xf32> to vector<8x1xf32>
      %reduce_sum3A_493 = arith.constant dense<0.000000e+00> : vector<1xf32>
      %reduce_sum3A_494 = vector.multi_reduction <add>, %broadcast_in_dim3A_492, %reduce_sum3A_493 [0] : vector<8x1xf32> to vector<1xf32>
      %broadcast_in_dim3A_495 = vector.shape_cast %reduce_sum3A_494 : vector<1xf32> to vector<1x1xf32>
      %jit3A_496 = arith.constant 0.000000e+00 : f32
      %broadcast_in_dim3A_497 = vector.broadcast %jit3A_496 : f32 to vector<8x512xf32>
      %select_n3A_498 = arith.select %eq3A_477, %get3A_62, %broadcast_in_dim3A_497 : vector<8x512xi1>, vector<8x512xf32>
      %reduce_sum3A_499 = arith.constant dense<0.000000e+00> : vector<8xf32>
      %reduce_sum3A_500 = vector.multi_reduction <add>, %select_n3A_498, %reduce_sum3A_499 [1] : vector<8x512xf32> to vector<8xf32>
      %broadcast_in_dim3A_501 = vector.shape_cast %reduce_sum3A_500 : vector<8xf32> to vector<8x1xf32>
      %reduce_sum3A_502 = arith.constant dense<0.000000e+00> : vector<1xf32>
      %reduce_sum3A_503 = vector.multi_reduction <add>, %broadcast_in_dim3A_501, %reduce_sum3A_502 [0] : vector<8x1xf32> to vector<1xf32>
      %broadcast_in_dim3A_504 = vector.shape_cast %reduce_sum3A_503 : vector<1xf32> to vector<1x1xf32>
      %eq3A_505 = vector.broadcast %scan3A_298 : i32 to vector<8x128xi32>
      %eq3A_506 = arith.cmpi eq, %add3A_8, %eq3A_505 : vector<8x128xi32>
      %broadcast_in_dim3A_507 = vector.shape_cast %broadcast_in_dim3A_475 : vector<1x1xi32> to vector<1x1xi32>
      %broadcast_in_dim3A_508 = vector.broadcast %broadcast_in_dim3A_507 : vector<1x1xi32> to vector<8x128xi32>
      %select_n3A_509 = arith.select %eq3A_506, %broadcast_in_dim3A_508, %scan3A_310 : vector<8x128xi1>, vector<8x128xi32>
      %broadcast_in_dim3A_510 = vector.shape_cast %broadcast_in_dim3A_486 : vector<1x1xf32> to vector<1x1xf32>
      %broadcast_in_dim3A_511 = vector.broadcast %broadcast_in_dim3A_510 : vector<1x1xf32> to vector<8x128xf32>
      %select_n3A_512 = arith.select %eq3A_506, %broadcast_in_dim3A_511, %scan3A_311 : vector<8x128xi1>, vector<8x128xf32>
      %broadcast_in_dim3A_513 = vector.shape_cast %broadcast_in_dim3A_495 : vector<1x1xf32> to vector<1x1xf32>
      %broadcast_in_dim3A_514 = vector.broadcast %broadcast_in_dim3A_513 : vector<1x1xf32> to vector<8x128xf32>
      %select_n3A_515 = arith.select %eq3A_506, %broadcast_in_dim3A_514, %scan3A_312 : vector<8x128xi1>, vector<8x128xf32>
      %broadcast_in_dim3A_516 = vector.shape_cast %broadcast_in_dim3A_504 : vector<1x1xf32> to vector<1x1xf32>
      %broadcast_in_dim3A_517 = vector.broadcast %broadcast_in_dim3A_516 : vector<1x1xf32> to vector<8x128xf32>
      %select_n3A_518 = arith.select %eq3A_506, %broadcast_in_dim3A_517, %scan3A_313 : vector<8x128xi1>, vector<8x128xf32>
      %sub3A_519 = vector.broadcast %broadcast_in_dim3A_486 : vector<1x1xf32> to vector<8x512xf32>
      %sub3A_520 = arith.subf %get3A_22, %sub3A_519 : vector<8x512xf32>
      %sub3A_521 = vector.broadcast %broadcast_in_dim3A_495 : vector<1x1xf32> to vector<8x512xf32>
      %sub3A_522 = arith.subf %get3A_42, %sub3A_521 : vector<8x512xf32>
      %sub3A_523 = vector.broadcast %broadcast_in_dim3A_504 : vector<1x1xf32> to vector<8x512xf32>
      %sub3A_524 = arith.subf %get3A_62, %sub3A_523 : vector<8x512xf32>
      %mul3A_525 = arith.mulf %sub3A_520, %sub3A_520 : vector<8x512xf32>
      %mul3A_526 = arith.mulf %sub3A_522, %sub3A_522 : vector<8x512xf32>
      %add3A_527 = arith.addf %mul3A_525, %mul3A_526 : vector<8x512xf32>
      %mul3A_528 = arith.mulf %sub3A_524, %sub3A_524 : vector<8x512xf32>
      %add3A_529 = arith.addf %add3A_527, %mul3A_528 : vector<8x512xf32>
      %min3A_530 = arith.minimumf %scan3A_309, %add3A_529 : vector<8x512xf32>
      %reduce_max3A_531 = arith.constant dense<0xFF800000> : vector<8xf32>
      %reduce_max3A_532 = vector.multi_reduction <maximumf>, %scan3A_314, %reduce_max3A_531 [1] : vector<8x512xf32> to vector<8xf32>
      %broadcast_in_dim3A_533 = vector.shape_cast %reduce_max3A_532 : vector<8xf32> to vector<8x1xf32>
      %reduce_max3A_534 = arith.constant dense<0xFF800000> : vector<1xf32>
      %reduce_max3A_535 = vector.multi_reduction <maximumf>, %broadcast_in_dim3A_533, %reduce_max3A_534 [0] : vector<8x1xf32> to vector<1xf32>
      %broadcast_in_dim3A_536 = vector.shape_cast %reduce_max3A_535 : vector<1xf32> to vector<1x1xf32>
      %eq3A_537 = vector.broadcast %broadcast_in_dim3A_536 : vector<1x1xf32> to vector<8x512xf32>
      %eq3A_538 = arith.cmpf oeq, %scan3A_314, %eq3A_537 : vector<8x512xf32>
      %jit3A_539 = arith.constant 4096 : i32
      %broadcast_in_dim3A_540 = vector.broadcast %jit3A_539 : i32 to vector<8x512xi32>
      %select_n3A_541 = arith.select %eq3A_538, %add3A, %broadcast_in_dim3A_540 : vector<8x512xi1>, vector<8x512xi32>
      %reduce_min3A_542 = arith.constant dense<2147483647> : vector<8xi32>
      %reduce_min3A_543 = vector.multi_reduction <minsi>, %select_n3A_541, %reduce_min3A_542 [1] : vector<8x512xi32> to vector<8xi32>
      %broadcast_in_dim3A_544 = vector.shape_cast %reduce_min3A_543 : vector<8xi32> to vector<8x1xi32>
      %reduce_min3A_545 = arith.constant dense<2147483647> : vector<1xi32>
      %reduce_min3A_546 = vector.multi_reduction <minsi>, %broadcast_in_dim3A_544, %reduce_min3A_545 [0] : vector<8x1xi32> to vector<1xi32>
      %broadcast_in_dim3A_547 = vector.shape_cast %reduce_min3A_546 : vector<1xi32> to vector<1x1xi32>
      %eq3A_548 = vector.broadcast %broadcast_in_dim3A_547 : vector<1x1xi32> to vector<8x512xi32>
      %eq3A_549 = arith.cmpi eq, %add3A, %eq3A_548 : vector<8x512xi32>
      %jit3A_550 = arith.constant 0.000000e+00 : f32
      %broadcast_in_dim3A_551 = vector.broadcast %jit3A_550 : f32 to vector<8x512xf32>
      %select_n3A_552 = arith.select %eq3A_549, %get3A_27, %broadcast_in_dim3A_551 : vector<8x512xi1>, vector<8x512xf32>
      %reduce_sum3A_553 = arith.constant dense<0.000000e+00> : vector<8xf32>
      %reduce_sum3A_554 = vector.multi_reduction <add>, %select_n3A_552, %reduce_sum3A_553 [1] : vector<8x512xf32> to vector<8xf32>
      %broadcast_in_dim3A_555 = vector.shape_cast %reduce_sum3A_554 : vector<8xf32> to vector<8x1xf32>
      %reduce_sum3A_556 = arith.constant dense<0.000000e+00> : vector<1xf32>
      %reduce_sum3A_557 = vector.multi_reduction <add>, %broadcast_in_dim3A_555, %reduce_sum3A_556 [0] : vector<8x1xf32> to vector<1xf32>
      %broadcast_in_dim3A_558 = vector.shape_cast %reduce_sum3A_557 : vector<1xf32> to vector<1x1xf32>
      %jit3A_559 = arith.constant 0.000000e+00 : f32
      %broadcast_in_dim3A_560 = vector.broadcast %jit3A_559 : f32 to vector<8x512xf32>
      %select_n3A_561 = arith.select %eq3A_549, %get3A_47, %broadcast_in_dim3A_560 : vector<8x512xi1>, vector<8x512xf32>
      %reduce_sum3A_562 = arith.constant dense<0.000000e+00> : vector<8xf32>
      %reduce_sum3A_563 = vector.multi_reduction <add>, %select_n3A_561, %reduce_sum3A_562 [1] : vector<8x512xf32> to vector<8xf32>
      %broadcast_in_dim3A_564 = vector.shape_cast %reduce_sum3A_563 : vector<8xf32> to vector<8x1xf32>
      %reduce_sum3A_565 = arith.constant dense<0.000000e+00> : vector<1xf32>
      %reduce_sum3A_566 = vector.multi_reduction <add>, %broadcast_in_dim3A_564, %reduce_sum3A_565 [0] : vector<8x1xf32> to vector<1xf32>
      %broadcast_in_dim3A_567 = vector.shape_cast %reduce_sum3A_566 : vector<1xf32> to vector<1x1xf32>
      %jit3A_568 = arith.constant 0.000000e+00 : f32
      %broadcast_in_dim3A_569 = vector.broadcast %jit3A_568 : f32 to vector<8x512xf32>
      %select_n3A_570 = arith.select %eq3A_549, %get3A_67, %broadcast_in_dim3A_569 : vector<8x512xi1>, vector<8x512xf32>
      %reduce_sum3A_571 = arith.constant dense<0.000000e+00> : vector<8xf32>
      %reduce_sum3A_572 = vector.multi_reduction <add>, %select_n3A_570, %reduce_sum3A_571 [1] : vector<8x512xf32> to vector<8xf32>
      %broadcast_in_dim3A_573 = vector.shape_cast %reduce_sum3A_572 : vector<8xf32> to vector<8x1xf32>
      %reduce_sum3A_574 = arith.constant dense<0.000000e+00> : vector<1xf32>
      %reduce_sum3A_575 = vector.multi_reduction <add>, %broadcast_in_dim3A_573, %reduce_sum3A_574 [0] : vector<8x1xf32> to vector<1xf32>
      %broadcast_in_dim3A_576 = vector.shape_cast %reduce_sum3A_575 : vector<1xf32> to vector<1x1xf32>
      %eq3A_577 = vector.broadcast %scan3A_298 : i32 to vector<8x128xi32>
      %eq3A_578 = arith.cmpi eq, %add3A_8, %eq3A_577 : vector<8x128xi32>
      %broadcast_in_dim3A_579 = vector.shape_cast %broadcast_in_dim3A_547 : vector<1x1xi32> to vector<1x1xi32>
      %broadcast_in_dim3A_580 = vector.broadcast %broadcast_in_dim3A_579 : vector<1x1xi32> to vector<8x128xi32>
      %select_n3A_581 = arith.select %eq3A_578, %broadcast_in_dim3A_580, %scan3A_315 : vector<8x128xi1>, vector<8x128xi32>
      %broadcast_in_dim3A_582 = vector.shape_cast %broadcast_in_dim3A_558 : vector<1x1xf32> to vector<1x1xf32>
      %broadcast_in_dim3A_583 = vector.broadcast %broadcast_in_dim3A_582 : vector<1x1xf32> to vector<8x128xf32>
      %select_n3A_584 = arith.select %eq3A_578, %broadcast_in_dim3A_583, %scan3A_316 : vector<8x128xi1>, vector<8x128xf32>
      %broadcast_in_dim3A_585 = vector.shape_cast %broadcast_in_dim3A_567 : vector<1x1xf32> to vector<1x1xf32>
      %broadcast_in_dim3A_586 = vector.broadcast %broadcast_in_dim3A_585 : vector<1x1xf32> to vector<8x128xf32>
      %select_n3A_587 = arith.select %eq3A_578, %broadcast_in_dim3A_586, %scan3A_317 : vector<8x128xi1>, vector<8x128xf32>
      %broadcast_in_dim3A_588 = vector.shape_cast %broadcast_in_dim3A_576 : vector<1x1xf32> to vector<1x1xf32>
      %broadcast_in_dim3A_589 = vector.broadcast %broadcast_in_dim3A_588 : vector<1x1xf32> to vector<8x128xf32>
      %select_n3A_590 = arith.select %eq3A_578, %broadcast_in_dim3A_589, %scan3A_318 : vector<8x128xi1>, vector<8x128xf32>
      %sub3A_591 = vector.broadcast %broadcast_in_dim3A_558 : vector<1x1xf32> to vector<8x512xf32>
      %sub3A_592 = arith.subf %get3A_27, %sub3A_591 : vector<8x512xf32>
      %sub3A_593 = vector.broadcast %broadcast_in_dim3A_567 : vector<1x1xf32> to vector<8x512xf32>
      %sub3A_594 = arith.subf %get3A_47, %sub3A_593 : vector<8x512xf32>
      %sub3A_595 = vector.broadcast %broadcast_in_dim3A_576 : vector<1x1xf32> to vector<8x512xf32>
      %sub3A_596 = arith.subf %get3A_67, %sub3A_595 : vector<8x512xf32>
      %mul3A_597 = arith.mulf %sub3A_592, %sub3A_592 : vector<8x512xf32>
      %mul3A_598 = arith.mulf %sub3A_594, %sub3A_594 : vector<8x512xf32>
      %add3A_599 = arith.addf %mul3A_597, %mul3A_598 : vector<8x512xf32>
      %mul3A_600 = arith.mulf %sub3A_596, %sub3A_596 : vector<8x512xf32>
      %add3A_601 = arith.addf %add3A_599, %mul3A_600 : vector<8x512xf32>
      %min3A_602 = arith.minimumf %scan3A_314, %add3A_601 : vector<8x512xf32>
      scf.yield %min3A, %select_n3A_366, %select_n3A_369, %select_n3A_372, %select_n3A_375, %min3A_458, %select_n3A_437, %select_n3A_440, %select_n3A_443, %select_n3A_446, %min3A_530, %select_n3A_509, %select_n3A_512, %select_n3A_515, %select_n3A_518, %min3A_602, %select_n3A_581, %select_n3A_584, %select_n3A_587, %select_n3A_590 : vector<8x512xf32>, vector<8x128xi32>, vector<8x128xf32>, vector<8x128xf32>, vector<8x128xf32>, vector<8x512xf32>, vector<8x128xi32>, vector<8x128xf32>, vector<8x128xf32>, vector<8x128xf32>, vector<8x512xf32>, vector<8x128xi32>, vector<8x128xf32>, vector<8x128xf32>, vector<8x128xf32>, vector<8x512xf32>, vector<8x128xi32>, vector<8x128xf32>, vector<8x128xf32>, vector<8x128xf32>
    }
    %scan3A_202 = arith.constant 1023 : i32
    %swap3A = arith.constant 0 : index
    %swap3A_203 = arith.constant 0 : index
    %swap3A_204 = arith.constant 0 : index
    %swap3A_205 = vector.load %arg3[%swap3A, %swap3A_203, %swap3A_204] : memref<4x8x128xi32, #tpu.memory_space<vmem>>, vector<1x8x128xi32>
    %swap3A_206 = vector.shape_cast %swap3A_205 : vector<1x8x128xi32> to vector<8x128xi32>
    %swap3A_207 = vector.shape_cast %scan3A_201#1 : vector<8x128xi32> to vector<1x8x128xi32>
    tpu.vector_store %arg3[%swap3A, %swap3A_203, %swap3A_204], %swap3A_207 {strides = array<i32>} : memref<4x8x128xi32, #tpu.memory_space<vmem>>, vector<1x8x128xi32>,
    %swap3A_208 = arith.constant 0 : index
    %swap3A_209 = arith.constant 0 : index
    %swap3A_210 = arith.constant 0 : index
    %swap3A_211 = vector.load %arg4[%swap3A_208, %swap3A_209, %swap3A_210] : memref<4x8x128xf32, #tpu.memory_space<vmem>>, vector<1x8x128xf32>
    %swap3A_212 = vector.shape_cast %swap3A_211 : vector<1x8x128xf32> to vector<8x128xf32>
    %swap3A_213 = vector.shape_cast %scan3A_201#2 : vector<8x128xf32> to vector<1x8x128xf32>
    tpu.vector_store %arg4[%swap3A_208, %swap3A_209, %swap3A_210], %swap3A_213 {strides = array<i32>} : memref<4x8x128xf32, #tpu.memory_space<vmem>>, vector<1x8x128xf32>,
    %swap3A_214 = arith.constant 0 : index
    %swap3A_215 = arith.constant 0 : index
    %swap3A_216 = arith.constant 0 : index
    %swap3A_217 = vector.load %arg5[%swap3A_214, %swap3A_215, %swap3A_216] : memref<4x8x128xf32, #tpu.memory_space<vmem>>, vector<1x8x128xf32>
    %swap3A_218 = vector.shape_cast %swap3A_217 : vector<1x8x128xf32> to vector<8x128xf32>
    %swap3A_219 = vector.shape_cast %scan3A_201#3 : vector<8x128xf32> to vector<1x8x128xf32>
    tpu.vector_store %arg5[%swap3A_214, %swap3A_215, %swap3A_216], %swap3A_219 {strides = array<i32>} : memref<4x8x128xf32, #tpu.memory_space<vmem>>, vector<1x8x128xf32>,
    %swap3A_220 = arith.constant 0 : index
    %swap3A_221 = arith.constant 0 : index
    %swap3A_222 = arith.constant 0 : index
    %swap3A_223 = vector.load %arg6[%swap3A_220, %swap3A_221, %swap3A_222] : memref<4x8x128xf32, #tpu.memory_space<vmem>>, vector<1x8x128xf32>
    %swap3A_224 = vector.shape_cast %swap3A_223 : vector<1x8x128xf32> to vector<8x128xf32>
    %swap3A_225 = vector.shape_cast %scan3A_201#4 : vector<8x128xf32> to vector<1x8x128xf32>
    tpu.vector_store %arg6[%swap3A_220, %swap3A_221, %swap3A_222], %swap3A_225 {strides = array<i32>} : memref<4x8x128xf32, #tpu.memory_space<vmem>>, vector<1x8x128xf32>,
    %swap3A_226 = arith.constant 1 : index
    %swap3A_227 = arith.constant 0 : index
    %swap3A_228 = arith.constant 0 : index
    %swap3A_229 = vector.load %arg3[%swap3A_226, %swap3A_227, %swap3A_228] : memref<4x8x128xi32, #tpu.memory_space<vmem>>, vector<1x8x128xi32>
    %swap3A_230 = vector.shape_cast %swap3A_229 : vector<1x8x128xi32> to vector<8x128xi32>
    %swap3A_231 = vector.shape_cast %scan3A_201#6 : vector<8x128xi32> to vector<1x8x128xi32>
    tpu.vector_store %arg3[%swap3A_226, %swap3A_227, %swap3A_228], %swap3A_231 {strides = array<i32>} : memref<4x8x128xi32, #tpu.memory_space<vmem>>, vector<1x8x128xi32>,
    %swap3A_232 = arith.constant 1 : index
    %swap3A_233 = arith.constant 0 : index
    %swap3A_234 = arith.constant 0 : index
    %swap3A_235 = vector.load %arg4[%swap3A_232, %swap3A_233, %swap3A_234] : memref<4x8x128xf32, #tpu.memory_space<vmem>>, vector<1x8x128xf32>
    %swap3A_236 = vector.shape_cast %swap3A_235 : vector<1x8x128xf32> to vector<8x128xf32>
    %swap3A_237 = vector.shape_cast %scan3A_201#7 : vector<8x128xf32> to vector<1x8x128xf32>
    tpu.vector_store %arg4[%swap3A_232, %swap3A_233, %swap3A_234], %swap3A_237 {strides = array<i32>} : memref<4x8x128xf32, #tpu.memory_space<vmem>>, vector<1x8x128xf32>,
    %swap3A_238 = arith.constant 1 : index
    %swap3A_239 = arith.constant 0 : index
    %swap3A_240 = arith.constant 0 : index
    %swap3A_241 = vector.load %arg5[%swap3A_238, %swap3A_239, %swap3A_240] : memref<4x8x128xf32, #tpu.memory_space<vmem>>, vector<1x8x128xf32>
    %swap3A_242 = vector.shape_cast %swap3A_241 : vector<1x8x128xf32> to vector<8x128xf32>
    %swap3A_243 = vector.shape_cast %scan3A_201#8 : vector<8x128xf32> to vector<1x8x128xf32>
    tpu.vector_store %arg5[%swap3A_238, %swap3A_239, %swap3A_240], %swap3A_243 {strides = array<i32>} : memref<4x8x128xf32, #tpu.memory_space<vmem>>, vector<1x8x128xf32>,
    %swap3A_244 = arith.constant 1 : index
    %swap3A_245 = arith.constant 0 : index
    %swap3A_246 = arith.constant 0 : index
    %swap3A_247 = vector.load %arg6[%swap3A_244, %swap3A_245, %swap3A_246] : memref<4x8x128xf32, #tpu.memory_space<vmem>>, vector<1x8x128xf32>
    %swap3A_248 = vector.shape_cast %swap3A_247 : vector<1x8x128xf32> to vector<8x128xf32>
    %swap3A_249 = vector.shape_cast %scan3A_201#9 : vector<8x128xf32> to vector<1x8x128xf32>
    tpu.vector_store %arg6[%swap3A_244, %swap3A_245, %swap3A_246], %swap3A_249 {strides = array<i32>} : memref<4x8x128xf32, #tpu.memory_space<vmem>>, vector<1x8x128xf32>,
    %swap3A_250 = arith.constant 2 : index
    %swap3A_251 = arith.constant 0 : index
    %swap3A_252 = arith.constant 0 : index
    %swap3A_253 = vector.load %arg3[%swap3A_250, %swap3A_251, %swap3A_252] : memref<4x8x128xi32, #tpu.memory_space<vmem>>, vector<1x8x128xi32>
    %swap3A_254 = vector.shape_cast %swap3A_253 : vector<1x8x128xi32> to vector<8x128xi32>
    %swap3A_255 = vector.shape_cast %scan3A_201#11 : vector<8x128xi32> to vector<1x8x128xi32>
    tpu.vector_store %arg3[%swap3A_250, %swap3A_251, %swap3A_252], %swap3A_255 {strides = array<i32>} : memref<4x8x128xi32, #tpu.memory_space<vmem>>, vector<1x8x128xi32>,
    %swap3A_256 = arith.constant 2 : index
    %swap3A_257 = arith.constant 0 : index
    %swap3A_258 = arith.constant 0 : index
    %swap3A_259 = vector.load %arg4[%swap3A_256, %swap3A_257, %swap3A_258] : memref<4x8x128xf32, #tpu.memory_space<vmem>>, vector<1x8x128xf32>
    %swap3A_260 = vector.shape_cast %swap3A_259 : vector<1x8x128xf32> to vector<8x128xf32>
    %swap3A_261 = vector.shape_cast %scan3A_201#12 : vector<8x128xf32> to vector<1x8x128xf32>
    tpu.vector_store %arg4[%swap3A_256, %swap3A_257, %swap3A_258], %swap3A_261 {strides = array<i32>} : memref<4x8x128xf32, #tpu.memory_space<vmem>>, vector<1x8x128xf32>,
    %swap3A_262 = arith.constant 2 : index
    %swap3A_263 = arith.constant 0 : index
    %swap3A_264 = arith.constant 0 : index
    %swap3A_265 = vector.load %arg5[%swap3A_262, %swap3A_263, %swap3A_264] : memref<4x8x128xf32, #tpu.memory_space<vmem>>, vector<1x8x128xf32>
    %swap3A_266 = vector.shape_cast %swap3A_265 : vector<1x8x128xf32> to vector<8x128xf32>
    %swap3A_267 = vector.shape_cast %scan3A_201#13 : vector<8x128xf32> to vector<1x8x128xf32>
    tpu.vector_store %arg5[%swap3A_262, %swap3A_263, %swap3A_264], %swap3A_267 {strides = array<i32>} : memref<4x8x128xf32, #tpu.memory_space<vmem>>, vector<1x8x128xf32>,
    %swap3A_268 = arith.constant 2 : index
    %swap3A_269 = arith.constant 0 : index
    %swap3A_270 = arith.constant 0 : index
    %swap3A_271 = vector.load %arg6[%swap3A_268, %swap3A_269, %swap3A_270] : memref<4x8x128xf32, #tpu.memory_space<vmem>>, vector<1x8x128xf32>
    %swap3A_272 = vector.shape_cast %swap3A_271 : vector<1x8x128xf32> to vector<8x128xf32>
    %swap3A_273 = vector.shape_cast %scan3A_201#14 : vector<8x128xf32> to vector<1x8x128xf32>
    tpu.vector_store %arg6[%swap3A_268, %swap3A_269, %swap3A_270], %swap3A_273 {strides = array<i32>} : memref<4x8x128xf32, #tpu.memory_space<vmem>>, vector<1x8x128xf32>,
    %swap3A_274 = arith.constant 3 : index
    %swap3A_275 = arith.constant 0 : index
    %swap3A_276 = arith.constant 0 : index
    %swap3A_277 = vector.load %arg3[%swap3A_274, %swap3A_275, %swap3A_276] : memref<4x8x128xi32, #tpu.memory_space<vmem>>, vector<1x8x128xi32>
    %swap3A_278 = vector.shape_cast %swap3A_277 : vector<1x8x128xi32> to vector<8x128xi32>
    %swap3A_279 = vector.shape_cast %scan3A_201#16 : vector<8x128xi32> to vector<1x8x128xi32>
    tpu.vector_store %arg3[%swap3A_274, %swap3A_275, %swap3A_276], %swap3A_279 {strides = array<i32>} : memref<4x8x128xi32, #tpu.memory_space<vmem>>, vector<1x8x128xi32>,
    %swap3A_280 = arith.constant 3 : index
    %swap3A_281 = arith.constant 0 : index
    %swap3A_282 = arith.constant 0 : index
    %swap3A_283 = vector.load %arg4[%swap3A_280, %swap3A_281, %swap3A_282] : memref<4x8x128xf32, #tpu.memory_space<vmem>>, vector<1x8x128xf32>
    %swap3A_284 = vector.shape_cast %swap3A_283 : vector<1x8x128xf32> to vector<8x128xf32>
    %swap3A_285 = vector.shape_cast %scan3A_201#17 : vector<8x128xf32> to vector<1x8x128xf32>
    tpu.vector_store %arg4[%swap3A_280, %swap3A_281, %swap3A_282], %swap3A_285 {strides = array<i32>} : memref<4x8x128xf32, #tpu.memory_space<vmem>>, vector<1x8x128xf32>,
    %swap3A_286 = arith.constant 3 : index
    %swap3A_287 = arith.constant 0 : index
    %swap3A_288 = arith.constant 0 : index
    %swap3A_289 = vector.load %arg5[%swap3A_286, %swap3A_287, %swap3A_288] : memref<4x8x128xf32, #tpu.memory_space<vmem>>, vector<1x8x128xf32>
    %swap3A_290 = vector.shape_cast %swap3A_289 : vector<1x8x128xf32> to vector<8x128xf32>
    %swap3A_291 = vector.shape_cast %scan3A_201#18 : vector<8x128xf32> to vector<1x8x128xf32>
    tpu.vector_store %arg5[%swap3A_286, %swap3A_287, %swap3A_288], %swap3A_291 {strides = array<i32>} : memref<4x8x128xf32, #tpu.memory_space<vmem>>, vector<1x8x128xf32>,
    %swap3A_292 = arith.constant 3 : index
    %swap3A_293 = arith.constant 0 : index
    %swap3A_294 = arith.constant 0 : index
    %swap3A_295 = vector.load %arg6[%swap3A_292, %swap3A_293, %swap3A_294] : memref<4x8x128xf32, #tpu.memory_space<vmem>>, vector<1x8x128xf32>
    %swap3A_296 = vector.shape_cast %swap3A_295 : vector<1x8x128xf32> to vector<8x128xf32>
    %swap3A_297 = vector.shape_cast %scan3A_201#19 : vector<8x128xf32> to vector<1x8x128xf32>
    tpu.vector_store %arg6[%swap3A_292, %swap3A_293, %swap3A_294], %swap3A_297 {strides = array<i32>} : memref<4x8x128xf32, #tpu.memory_space<vmem>>, vector<1x8x128xf32>,
    return
  }
}

module attributes {stable_mosaic.version = 14 : i64} {
  func.func @_knn_body(%arg0: i32, %arg1: i32, %arg2: memref<1x128x3xf32, #tpu.memory_space<vmem>>, %arg3: memref<1x3x4096xf32, #tpu.memory_space<vmem>>, %arg4: memref<1x128x16xi32, #tpu.memory_space<vmem>>) attributes {dimension_semantics = [#tpu.dimension_semantics<arbitrary>, #tpu.dimension_semantics<arbitrary>], iteration_bounds = array<i64: 4, 8>, scalar_prefetch = 0 : i64, scratch_operands = 0 : i64, tpu.core_type = #tpu.core_type<tc>, window_params = [{transform_indices = @transform_0, window_bounds = array<i64: 1, 128, 3>}, {transform_indices = @transform_1, window_bounds = array<i64: 1, 3, 4096>}, {transform_indices = @transform_2, window_bounds = array<i64: 1, 128, 16>}]} {
    %get3A = arith.constant 0 : index
    %get3A_0 = arith.constant 0 : index
    %get3A_1 = arith.constant 0 : index
    %get3A_2 = vector.load %arg2[%get3A, %get3A_0, %get3A_1] : memref<1x128x3xf32, #tpu.memory_space<vmem>>, vector<1x128x3xf32>
    %get3A_3 = vector.shape_cast %get3A_2 : vector<1x128x3xf32> to vector<128x3xf32>
    %get3A_4 = arith.constant 0 : index
    %get3A_5 = arith.constant 0 : index
    %get3A_6 = arith.constant 0 : index
    %get3A_7 = vector.load %arg3[%get3A_4, %get3A_5, %get3A_6] : memref<1x3x4096xf32, #tpu.memory_space<vmem>>, vector<1x3x4096xf32>
    %get3A_8 = vector.shape_cast %get3A_7 : vector<1x3x4096xf32> to vector<3x4096xf32>
    %mul3A = arith.mulf %get3A_3, %get3A_3 : vector<128x3xf32>
    %reduce_sum3A = arith.constant dense<0.000000e+00> : vector<128xf32>
    %reduce_sum3A_9 = vector.multi_reduction <add>, %mul3A, %reduce_sum3A [1] : vector<128x3xf32> to vector<128xf32>
    %broadcast_in_dim3A = vector.shape_cast %reduce_sum3A_9 : vector<128xf32> to vector<128x1xf32>
    %mul3A_10 = arith.mulf %get3A_8, %get3A_8 : vector<3x4096xf32>
    %reduce_sum3A_11 = arith.constant dense<0.000000e+00> : vector<4096xf32>
    %reduce_sum3A_12 = vector.multi_reduction <add>, %mul3A_10, %reduce_sum3A_11 [0] : vector<3x4096xf32> to vector<4096xf32>
    %broadcast_in_dim3A_13 = vector.shape_cast %reduce_sum3A_12 : vector<4096xf32> to vector<1x4096xf32>
    %dot_general3A = arith.constant dense<0.000000e+00> : vector<128x4096xf32>
    %dot_general3A_14 = tpu.matmul %get3A_3, %get3A_8, %dot_general3A {dimension_numbers = #tpu.dot_dimension_numbers<[1], [0], [0], [1], [0, 0, 1, 1], [], []>, transpose_lhs_hint = false} : vector<128x3xf32>, vector<3x4096xf32>, vector<128x4096xf32> -> vector<128x4096xf32>
    %add3A = vector.broadcast %broadcast_in_dim3A : vector<128x1xf32> to vector<128x4096xf32>
    %add3A_15 = vector.broadcast %broadcast_in_dim3A_13 : vector<1x4096xf32> to vector<128x4096xf32>
    %add3A_16 = arith.addf %add3A, %add3A_15 : vector<128x4096xf32>
    %mul3A_17 = arith.constant 2.000000e+00 : f32
    %mul3A_18 = vector.broadcast %mul3A_17 : f32 to vector<128x4096xf32>
    %mul3A_19 = arith.mulf %mul3A_18, %dot_general3A_14 : vector<128x4096xf32>
    %sub3A = arith.subf %add3A_16, %mul3A_19 : vector<128x4096xf32>
    %iota3A = tpu.iota {dimensions = array<i32: 1>} : vector<128x4096xi32>
    %mul3A_20 = arith.constant 4096 : i32
    %mul3A_21 = arith.muli %arg0, %mul3A_20 : i32
    %bitcast_convert_type3A = tpu.bitcast %sub3A : vector<128x4096xf32> -> vector<128x4096xi32>
    %shift_right_arithmetic3A = arith.constant 31 : i32
    %shift_right_arithmetic3A_22 = vector.broadcast %shift_right_arithmetic3A : i32 to vector<128x4096xi32>
    %shift_right_arithmetic3A_23 = arith.shrsi %bitcast_convert_type3A, %shift_right_arithmetic3A_22 : vector<128x4096xi32>
    %and3A = arith.constant 2147483647 : i32
    %and3A_24 = vector.broadcast %and3A : i32 to vector<128x4096xi32>
    %and3A_25 = arith.andi %shift_right_arithmetic3A_23, %and3A_24 : vector<128x4096xi32>
    %xor3A = arith.xori %bitcast_convert_type3A, %and3A_25 : vector<128x4096xi32>
    %and3A_26 = arith.constant -16384 : i32
    %and3A_27 = vector.broadcast %and3A_26 : i32 to vector<128x4096xi32>
    %and3A_28 = arith.andi %xor3A, %and3A_27 : vector<128x4096xi32>
    %or3A = arith.ori %and3A_28, %iota3A : vector<128x4096xi32>
    %reduce_min3A = arith.constant dense<2147483647> : vector<128xi32>
    %reduce_min3A_29 = vector.multi_reduction <minsi>, %or3A, %reduce_min3A [1] : vector<128x4096xi32> to vector<128xi32>
    %broadcast_in_dim3A_30 = vector.shape_cast %reduce_min3A_29 : vector<128xi32> to vector<128x1xi32>
    %squeeze3A = vector.shape_cast %broadcast_in_dim3A_30 : vector<128x1xi32> to vector<128xi32>
    %and3A_31 = arith.constant 16383 : i32
    %and3A_32 = vector.broadcast %and3A_31 : i32 to vector<128xi32>
    %and3A_33 = arith.andi %squeeze3A, %and3A_32 : vector<128xi32>
    %add3A_34 = vector.broadcast %mul3A_21 : i32 to vector<128xi32>
    %add3A_35 = arith.addi %and3A_33, %add3A_34 : vector<128xi32>
    %swap3A = arith.constant 0 : index
    %swap3A_36 = arith.constant 0 : index
    %swap3A_37 = arith.constant 0 : index
    %swap3A_38 = vector.load %arg4[%swap3A, %swap3A_36, %swap3A_37] : memref<1x128x16xi32, #tpu.memory_space<vmem>>, vector<1x128x1xi32>
    %swap3A_39 = vector.shape_cast %swap3A_38 : vector<1x128x1xi32> to vector<128xi32>
    %swap3A_40 = vector.shape_cast %add3A_35 : vector<128xi32> to vector<1x128x1xi32>
    tpu.vector_store %arg4[%swap3A, %swap3A_36, %swap3A_37], %swap3A_40 {strides = array<i32>} : memref<1x128x16xi32, #tpu.memory_space<vmem>>, vector<1x128x1xi32>,
    %eq3A = vector.broadcast %broadcast_in_dim3A_30 : vector<128x1xi32> to vector<128x4096xi32>
    %eq3A_41 = arith.cmpi eq, %or3A, %eq3A : vector<128x4096xi32>
    %jit3A = arith.constant 2147483647 : i32
    %broadcast_in_dim3A_42 = vector.broadcast %jit3A : i32 to vector<128x4096xi32>
    %select_n3A = arith.select %eq3A_41, %broadcast_in_dim3A_42, %or3A : vector<128x4096xi1>, vector<128x4096xi32>
    %reduce_min3A_43 = arith.constant dense<2147483647> : vector<128xi32>
    %reduce_min3A_44 = vector.multi_reduction <minsi>, %select_n3A, %reduce_min3A_43 [1] : vector<128x4096xi32> to vector<128xi32>
    %broadcast_in_dim3A_45 = vector.shape_cast %reduce_min3A_44 : vector<128xi32> to vector<128x1xi32>
    %squeeze3A_46 = vector.shape_cast %broadcast_in_dim3A_45 : vector<128x1xi32> to vector<128xi32>
    %and3A_47 = arith.constant 16383 : i32
    %and3A_48 = vector.broadcast %and3A_47 : i32 to vector<128xi32>
    %and3A_49 = arith.andi %squeeze3A_46, %and3A_48 : vector<128xi32>
    %add3A_50 = vector.broadcast %mul3A_21 : i32 to vector<128xi32>
    %add3A_51 = arith.addi %and3A_49, %add3A_50 : vector<128xi32>
    %swap3A_52 = arith.constant 0 : index
    %swap3A_53 = arith.constant 0 : index
    %swap3A_54 = arith.constant 1 : index
    %swap3A_55 = vector.load %arg4[%swap3A_52, %swap3A_53, %swap3A_54] : memref<1x128x16xi32, #tpu.memory_space<vmem>>, vector<1x128x1xi32>
    %swap3A_56 = vector.shape_cast %swap3A_55 : vector<1x128x1xi32> to vector<128xi32>
    %swap3A_57 = vector.shape_cast %add3A_51 : vector<128xi32> to vector<1x128x1xi32>
    tpu.vector_store %arg4[%swap3A_52, %swap3A_53, %swap3A_54], %swap3A_57 {strides = array<i32>} : memref<1x128x16xi32, #tpu.memory_space<vmem>>, vector<1x128x1xi32>,
    %eq3A_58 = vector.broadcast %broadcast_in_dim3A_45 : vector<128x1xi32> to vector<128x4096xi32>
    %eq3A_59 = arith.cmpi eq, %select_n3A, %eq3A_58 : vector<128x4096xi32>
    %jit3A_60 = arith.constant 2147483647 : i32
    %broadcast_in_dim3A_61 = vector.broadcast %jit3A_60 : i32 to vector<128x4096xi32>
    %select_n3A_62 = arith.select %eq3A_59, %broadcast_in_dim3A_61, %select_n3A : vector<128x4096xi1>, vector<128x4096xi32>
    %reduce_min3A_63 = arith.constant dense<2147483647> : vector<128xi32>
    %reduce_min3A_64 = vector.multi_reduction <minsi>, %select_n3A_62, %reduce_min3A_63 [1] : vector<128x4096xi32> to vector<128xi32>
    %broadcast_in_dim3A_65 = vector.shape_cast %reduce_min3A_64 : vector<128xi32> to vector<128x1xi32>
    %squeeze3A_66 = vector.shape_cast %broadcast_in_dim3A_65 : vector<128x1xi32> to vector<128xi32>
    %and3A_67 = arith.constant 16383 : i32
    %and3A_68 = vector.broadcast %and3A_67 : i32 to vector<128xi32>
    %and3A_69 = arith.andi %squeeze3A_66, %and3A_68 : vector<128xi32>
    %add3A_70 = vector.broadcast %mul3A_21 : i32 to vector<128xi32>
    %add3A_71 = arith.addi %and3A_69, %add3A_70 : vector<128xi32>
    %swap3A_72 = arith.constant 0 : index
    %swap3A_73 = arith.constant 0 : index
    %swap3A_74 = arith.constant 2 : index
    %swap3A_75 = vector.load %arg4[%swap3A_72, %swap3A_73, %swap3A_74] : memref<1x128x16xi32, #tpu.memory_space<vmem>>, vector<1x128x1xi32>
    %swap3A_76 = vector.shape_cast %swap3A_75 : vector<1x128x1xi32> to vector<128xi32>
    %swap3A_77 = vector.shape_cast %add3A_71 : vector<128xi32> to vector<1x128x1xi32>
    tpu.vector_store %arg4[%swap3A_72, %swap3A_73, %swap3A_74], %swap3A_77 {strides = array<i32>} : memref<1x128x16xi32, #tpu.memory_space<vmem>>, vector<1x128x1xi32>,
    %eq3A_78 = vector.broadcast %broadcast_in_dim3A_65 : vector<128x1xi32> to vector<128x4096xi32>
    %eq3A_79 = arith.cmpi eq, %select_n3A_62, %eq3A_78 : vector<128x4096xi32>
    %jit3A_80 = arith.constant 2147483647 : i32
    %broadcast_in_dim3A_81 = vector.broadcast %jit3A_80 : i32 to vector<128x4096xi32>
    %select_n3A_82 = arith.select %eq3A_79, %broadcast_in_dim3A_81, %select_n3A_62 : vector<128x4096xi1>, vector<128x4096xi32>
    %reduce_min3A_83 = arith.constant dense<2147483647> : vector<128xi32>
    %reduce_min3A_84 = vector.multi_reduction <minsi>, %select_n3A_82, %reduce_min3A_83 [1] : vector<128x4096xi32> to vector<128xi32>
    %broadcast_in_dim3A_85 = vector.shape_cast %reduce_min3A_84 : vector<128xi32> to vector<128x1xi32>
    %squeeze3A_86 = vector.shape_cast %broadcast_in_dim3A_85 : vector<128x1xi32> to vector<128xi32>
    %and3A_87 = arith.constant 16383 : i32
    %and3A_88 = vector.broadcast %and3A_87 : i32 to vector<128xi32>
    %and3A_89 = arith.andi %squeeze3A_86, %and3A_88 : vector<128xi32>
    %add3A_90 = vector.broadcast %mul3A_21 : i32 to vector<128xi32>
    %add3A_91 = arith.addi %and3A_89, %add3A_90 : vector<128xi32>
    %swap3A_92 = arith.constant 0 : index
    %swap3A_93 = arith.constant 0 : index
    %swap3A_94 = arith.constant 3 : index
    %swap3A_95 = vector.load %arg4[%swap3A_92, %swap3A_93, %swap3A_94] : memref<1x128x16xi32, #tpu.memory_space<vmem>>, vector<1x128x1xi32>
    %swap3A_96 = vector.shape_cast %swap3A_95 : vector<1x128x1xi32> to vector<128xi32>
    %swap3A_97 = vector.shape_cast %add3A_91 : vector<128xi32> to vector<1x128x1xi32>
    tpu.vector_store %arg4[%swap3A_92, %swap3A_93, %swap3A_94], %swap3A_97 {strides = array<i32>} : memref<1x128x16xi32, #tpu.memory_space<vmem>>, vector<1x128x1xi32>,
    %eq3A_98 = vector.broadcast %broadcast_in_dim3A_85 : vector<128x1xi32> to vector<128x4096xi32>
    %eq3A_99 = arith.cmpi eq, %select_n3A_82, %eq3A_98 : vector<128x4096xi32>
    %jit3A_100 = arith.constant 2147483647 : i32
    %broadcast_in_dim3A_101 = vector.broadcast %jit3A_100 : i32 to vector<128x4096xi32>
    %select_n3A_102 = arith.select %eq3A_99, %broadcast_in_dim3A_101, %select_n3A_82 : vector<128x4096xi1>, vector<128x4096xi32>
    %reduce_min3A_103 = arith.constant dense<2147483647> : vector<128xi32>
    %reduce_min3A_104 = vector.multi_reduction <minsi>, %select_n3A_102, %reduce_min3A_103 [1] : vector<128x4096xi32> to vector<128xi32>
    %broadcast_in_dim3A_105 = vector.shape_cast %reduce_min3A_104 : vector<128xi32> to vector<128x1xi32>
    %squeeze3A_106 = vector.shape_cast %broadcast_in_dim3A_105 : vector<128x1xi32> to vector<128xi32>
    %and3A_107 = arith.constant 16383 : i32
    %and3A_108 = vector.broadcast %and3A_107 : i32 to vector<128xi32>
    %and3A_109 = arith.andi %squeeze3A_106, %and3A_108 : vector<128xi32>
    %add3A_110 = vector.broadcast %mul3A_21 : i32 to vector<128xi32>
    %add3A_111 = arith.addi %and3A_109, %add3A_110 : vector<128xi32>
    %swap3A_112 = arith.constant 0 : index
    %swap3A_113 = arith.constant 0 : index
    %swap3A_114 = arith.constant 4 : index
    %swap3A_115 = vector.load %arg4[%swap3A_112, %swap3A_113, %swap3A_114] : memref<1x128x16xi32, #tpu.memory_space<vmem>>, vector<1x128x1xi32>
    %swap3A_116 = vector.shape_cast %swap3A_115 : vector<1x128x1xi32> to vector<128xi32>
    %swap3A_117 = vector.shape_cast %add3A_111 : vector<128xi32> to vector<1x128x1xi32>
    tpu.vector_store %arg4[%swap3A_112, %swap3A_113, %swap3A_114], %swap3A_117 {strides = array<i32>} : memref<1x128x16xi32, #tpu.memory_space<vmem>>, vector<1x128x1xi32>,
    %eq3A_118 = vector.broadcast %broadcast_in_dim3A_105 : vector<128x1xi32> to vector<128x4096xi32>
    %eq3A_119 = arith.cmpi eq, %select_n3A_102, %eq3A_118 : vector<128x4096xi32>
    %jit3A_120 = arith.constant 2147483647 : i32
    %broadcast_in_dim3A_121 = vector.broadcast %jit3A_120 : i32 to vector<128x4096xi32>
    %select_n3A_122 = arith.select %eq3A_119, %broadcast_in_dim3A_121, %select_n3A_102 : vector<128x4096xi1>, vector<128x4096xi32>
    %reduce_min3A_123 = arith.constant dense<2147483647> : vector<128xi32>
    %reduce_min3A_124 = vector.multi_reduction <minsi>, %select_n3A_122, %reduce_min3A_123 [1] : vector<128x4096xi32> to vector<128xi32>
    %broadcast_in_dim3A_125 = vector.shape_cast %reduce_min3A_124 : vector<128xi32> to vector<128x1xi32>
    %squeeze3A_126 = vector.shape_cast %broadcast_in_dim3A_125 : vector<128x1xi32> to vector<128xi32>
    %and3A_127 = arith.constant 16383 : i32
    %and3A_128 = vector.broadcast %and3A_127 : i32 to vector<128xi32>
    %and3A_129 = arith.andi %squeeze3A_126, %and3A_128 : vector<128xi32>
    %add3A_130 = vector.broadcast %mul3A_21 : i32 to vector<128xi32>
    %add3A_131 = arith.addi %and3A_129, %add3A_130 : vector<128xi32>
    %swap3A_132 = arith.constant 0 : index
    %swap3A_133 = arith.constant 0 : index
    %swap3A_134 = arith.constant 5 : index
    %swap3A_135 = vector.load %arg4[%swap3A_132, %swap3A_133, %swap3A_134] : memref<1x128x16xi32, #tpu.memory_space<vmem>>, vector<1x128x1xi32>
    %swap3A_136 = vector.shape_cast %swap3A_135 : vector<1x128x1xi32> to vector<128xi32>
    %swap3A_137 = vector.shape_cast %add3A_131 : vector<128xi32> to vector<1x128x1xi32>
    tpu.vector_store %arg4[%swap3A_132, %swap3A_133, %swap3A_134], %swap3A_137 {strides = array<i32>} : memref<1x128x16xi32, #tpu.memory_space<vmem>>, vector<1x128x1xi32>,
    %eq3A_138 = vector.broadcast %broadcast_in_dim3A_125 : vector<128x1xi32> to vector<128x4096xi32>
    %eq3A_139 = arith.cmpi eq, %select_n3A_122, %eq3A_138 : vector<128x4096xi32>
    %jit3A_140 = arith.constant 2147483647 : i32
    %broadcast_in_dim3A_141 = vector.broadcast %jit3A_140 : i32 to vector<128x4096xi32>
    %select_n3A_142 = arith.select %eq3A_139, %broadcast_in_dim3A_141, %select_n3A_122 : vector<128x4096xi1>, vector<128x4096xi32>
    %reduce_min3A_143 = arith.constant dense<2147483647> : vector<128xi32>
    %reduce_min3A_144 = vector.multi_reduction <minsi>, %select_n3A_142, %reduce_min3A_143 [1] : vector<128x4096xi32> to vector<128xi32>
    %broadcast_in_dim3A_145 = vector.shape_cast %reduce_min3A_144 : vector<128xi32> to vector<128x1xi32>
    %squeeze3A_146 = vector.shape_cast %broadcast_in_dim3A_145 : vector<128x1xi32> to vector<128xi32>
    %and3A_147 = arith.constant 16383 : i32
    %and3A_148 = vector.broadcast %and3A_147 : i32 to vector<128xi32>
    %and3A_149 = arith.andi %squeeze3A_146, %and3A_148 : vector<128xi32>
    %add3A_150 = vector.broadcast %mul3A_21 : i32 to vector<128xi32>
    %add3A_151 = arith.addi %and3A_149, %add3A_150 : vector<128xi32>
    %swap3A_152 = arith.constant 0 : index
    %swap3A_153 = arith.constant 0 : index
    %swap3A_154 = arith.constant 6 : index
    %swap3A_155 = vector.load %arg4[%swap3A_152, %swap3A_153, %swap3A_154] : memref<1x128x16xi32, #tpu.memory_space<vmem>>, vector<1x128x1xi32>
    %swap3A_156 = vector.shape_cast %swap3A_155 : vector<1x128x1xi32> to vector<128xi32>
    %swap3A_157 = vector.shape_cast %add3A_151 : vector<128xi32> to vector<1x128x1xi32>
    tpu.vector_store %arg4[%swap3A_152, %swap3A_153, %swap3A_154], %swap3A_157 {strides = array<i32>} : memref<1x128x16xi32, #tpu.memory_space<vmem>>, vector<1x128x1xi32>,
    %eq3A_158 = vector.broadcast %broadcast_in_dim3A_145 : vector<128x1xi32> to vector<128x4096xi32>
    %eq3A_159 = arith.cmpi eq, %select_n3A_142, %eq3A_158 : vector<128x4096xi32>
    %jit3A_160 = arith.constant 2147483647 : i32
    %broadcast_in_dim3A_161 = vector.broadcast %jit3A_160 : i32 to vector<128x4096xi32>
    %select_n3A_162 = arith.select %eq3A_159, %broadcast_in_dim3A_161, %select_n3A_142 : vector<128x4096xi1>, vector<128x4096xi32>
    %reduce_min3A_163 = arith.constant dense<2147483647> : vector<128xi32>
    %reduce_min3A_164 = vector.multi_reduction <minsi>, %select_n3A_162, %reduce_min3A_163 [1] : vector<128x4096xi32> to vector<128xi32>
    %broadcast_in_dim3A_165 = vector.shape_cast %reduce_min3A_164 : vector<128xi32> to vector<128x1xi32>
    %squeeze3A_166 = vector.shape_cast %broadcast_in_dim3A_165 : vector<128x1xi32> to vector<128xi32>
    %and3A_167 = arith.constant 16383 : i32
    %and3A_168 = vector.broadcast %and3A_167 : i32 to vector<128xi32>
    %and3A_169 = arith.andi %squeeze3A_166, %and3A_168 : vector<128xi32>
    %add3A_170 = vector.broadcast %mul3A_21 : i32 to vector<128xi32>
    %add3A_171 = arith.addi %and3A_169, %add3A_170 : vector<128xi32>
    %swap3A_172 = arith.constant 0 : index
    %swap3A_173 = arith.constant 0 : index
    %swap3A_174 = arith.constant 7 : index
    %swap3A_175 = vector.load %arg4[%swap3A_172, %swap3A_173, %swap3A_174] : memref<1x128x16xi32, #tpu.memory_space<vmem>>, vector<1x128x1xi32>
    %swap3A_176 = vector.shape_cast %swap3A_175 : vector<1x128x1xi32> to vector<128xi32>
    %swap3A_177 = vector.shape_cast %add3A_171 : vector<128xi32> to vector<1x128x1xi32>
    tpu.vector_store %arg4[%swap3A_172, %swap3A_173, %swap3A_174], %swap3A_177 {strides = array<i32>} : memref<1x128x16xi32, #tpu.memory_space<vmem>>, vector<1x128x1xi32>,
    %eq3A_178 = vector.broadcast %broadcast_in_dim3A_165 : vector<128x1xi32> to vector<128x4096xi32>
    %eq3A_179 = arith.cmpi eq, %select_n3A_162, %eq3A_178 : vector<128x4096xi32>
    %jit3A_180 = arith.constant 2147483647 : i32
    %broadcast_in_dim3A_181 = vector.broadcast %jit3A_180 : i32 to vector<128x4096xi32>
    %select_n3A_182 = arith.select %eq3A_179, %broadcast_in_dim3A_181, %select_n3A_162 : vector<128x4096xi1>, vector<128x4096xi32>
    %reduce_min3A_183 = arith.constant dense<2147483647> : vector<128xi32>
    %reduce_min3A_184 = vector.multi_reduction <minsi>, %select_n3A_182, %reduce_min3A_183 [1] : vector<128x4096xi32> to vector<128xi32>
    %broadcast_in_dim3A_185 = vector.shape_cast %reduce_min3A_184 : vector<128xi32> to vector<128x1xi32>
    %squeeze3A_186 = vector.shape_cast %broadcast_in_dim3A_185 : vector<128x1xi32> to vector<128xi32>
    %and3A_187 = arith.constant 16383 : i32
    %and3A_188 = vector.broadcast %and3A_187 : i32 to vector<128xi32>
    %and3A_189 = arith.andi %squeeze3A_186, %and3A_188 : vector<128xi32>
    %add3A_190 = vector.broadcast %mul3A_21 : i32 to vector<128xi32>
    %add3A_191 = arith.addi %and3A_189, %add3A_190 : vector<128xi32>
    %swap3A_192 = arith.constant 0 : index
    %swap3A_193 = arith.constant 0 : index
    %swap3A_194 = arith.constant 8 : index
    %swap3A_195 = vector.load %arg4[%swap3A_192, %swap3A_193, %swap3A_194] : memref<1x128x16xi32, #tpu.memory_space<vmem>>, vector<1x128x1xi32>
    %swap3A_196 = vector.shape_cast %swap3A_195 : vector<1x128x1xi32> to vector<128xi32>
    %swap3A_197 = vector.shape_cast %add3A_191 : vector<128xi32> to vector<1x128x1xi32>
    tpu.vector_store %arg4[%swap3A_192, %swap3A_193, %swap3A_194], %swap3A_197 {strides = array<i32>} : memref<1x128x16xi32, #tpu.memory_space<vmem>>, vector<1x128x1xi32>,
    %eq3A_198 = vector.broadcast %broadcast_in_dim3A_185 : vector<128x1xi32> to vector<128x4096xi32>
    %eq3A_199 = arith.cmpi eq, %select_n3A_182, %eq3A_198 : vector<128x4096xi32>
    %jit3A_200 = arith.constant 2147483647 : i32
    %broadcast_in_dim3A_201 = vector.broadcast %jit3A_200 : i32 to vector<128x4096xi32>
    %select_n3A_202 = arith.select %eq3A_199, %broadcast_in_dim3A_201, %select_n3A_182 : vector<128x4096xi1>, vector<128x4096xi32>
    %reduce_min3A_203 = arith.constant dense<2147483647> : vector<128xi32>
    %reduce_min3A_204 = vector.multi_reduction <minsi>, %select_n3A_202, %reduce_min3A_203 [1] : vector<128x4096xi32> to vector<128xi32>
    %broadcast_in_dim3A_205 = vector.shape_cast %reduce_min3A_204 : vector<128xi32> to vector<128x1xi32>
    %squeeze3A_206 = vector.shape_cast %broadcast_in_dim3A_205 : vector<128x1xi32> to vector<128xi32>
    %and3A_207 = arith.constant 16383 : i32
    %and3A_208 = vector.broadcast %and3A_207 : i32 to vector<128xi32>
    %and3A_209 = arith.andi %squeeze3A_206, %and3A_208 : vector<128xi32>
    %add3A_210 = vector.broadcast %mul3A_21 : i32 to vector<128xi32>
    %add3A_211 = arith.addi %and3A_209, %add3A_210 : vector<128xi32>
    %swap3A_212 = arith.constant 0 : index
    %swap3A_213 = arith.constant 0 : index
    %swap3A_214 = arith.constant 9 : index
    %swap3A_215 = vector.load %arg4[%swap3A_212, %swap3A_213, %swap3A_214] : memref<1x128x16xi32, #tpu.memory_space<vmem>>, vector<1x128x1xi32>
    %swap3A_216 = vector.shape_cast %swap3A_215 : vector<1x128x1xi32> to vector<128xi32>
    %swap3A_217 = vector.shape_cast %add3A_211 : vector<128xi32> to vector<1x128x1xi32>
    tpu.vector_store %arg4[%swap3A_212, %swap3A_213, %swap3A_214], %swap3A_217 {strides = array<i32>} : memref<1x128x16xi32, #tpu.memory_space<vmem>>, vector<1x128x1xi32>,
    %eq3A_218 = vector.broadcast %broadcast_in_dim3A_205 : vector<128x1xi32> to vector<128x4096xi32>
    %eq3A_219 = arith.cmpi eq, %select_n3A_202, %eq3A_218 : vector<128x4096xi32>
    %jit3A_220 = arith.constant 2147483647 : i32
    %broadcast_in_dim3A_221 = vector.broadcast %jit3A_220 : i32 to vector<128x4096xi32>
    %select_n3A_222 = arith.select %eq3A_219, %broadcast_in_dim3A_221, %select_n3A_202 : vector<128x4096xi1>, vector<128x4096xi32>
    %reduce_min3A_223 = arith.constant dense<2147483647> : vector<128xi32>
    %reduce_min3A_224 = vector.multi_reduction <minsi>, %select_n3A_222, %reduce_min3A_223 [1] : vector<128x4096xi32> to vector<128xi32>
    %broadcast_in_dim3A_225 = vector.shape_cast %reduce_min3A_224 : vector<128xi32> to vector<128x1xi32>
    %squeeze3A_226 = vector.shape_cast %broadcast_in_dim3A_225 : vector<128x1xi32> to vector<128xi32>
    %and3A_227 = arith.constant 16383 : i32
    %and3A_228 = vector.broadcast %and3A_227 : i32 to vector<128xi32>
    %and3A_229 = arith.andi %squeeze3A_226, %and3A_228 : vector<128xi32>
    %add3A_230 = vector.broadcast %mul3A_21 : i32 to vector<128xi32>
    %add3A_231 = arith.addi %and3A_229, %add3A_230 : vector<128xi32>
    %swap3A_232 = arith.constant 0 : index
    %swap3A_233 = arith.constant 0 : index
    %swap3A_234 = arith.constant 10 : index
    %swap3A_235 = vector.load %arg4[%swap3A_232, %swap3A_233, %swap3A_234] : memref<1x128x16xi32, #tpu.memory_space<vmem>>, vector<1x128x1xi32>
    %swap3A_236 = vector.shape_cast %swap3A_235 : vector<1x128x1xi32> to vector<128xi32>
    %swap3A_237 = vector.shape_cast %add3A_231 : vector<128xi32> to vector<1x128x1xi32>
    tpu.vector_store %arg4[%swap3A_232, %swap3A_233, %swap3A_234], %swap3A_237 {strides = array<i32>} : memref<1x128x16xi32, #tpu.memory_space<vmem>>, vector<1x128x1xi32>,
    %eq3A_238 = vector.broadcast %broadcast_in_dim3A_225 : vector<128x1xi32> to vector<128x4096xi32>
    %eq3A_239 = arith.cmpi eq, %select_n3A_222, %eq3A_238 : vector<128x4096xi32>
    %jit3A_240 = arith.constant 2147483647 : i32
    %broadcast_in_dim3A_241 = vector.broadcast %jit3A_240 : i32 to vector<128x4096xi32>
    %select_n3A_242 = arith.select %eq3A_239, %broadcast_in_dim3A_241, %select_n3A_222 : vector<128x4096xi1>, vector<128x4096xi32>
    %reduce_min3A_243 = arith.constant dense<2147483647> : vector<128xi32>
    %reduce_min3A_244 = vector.multi_reduction <minsi>, %select_n3A_242, %reduce_min3A_243 [1] : vector<128x4096xi32> to vector<128xi32>
    %broadcast_in_dim3A_245 = vector.shape_cast %reduce_min3A_244 : vector<128xi32> to vector<128x1xi32>
    %squeeze3A_246 = vector.shape_cast %broadcast_in_dim3A_245 : vector<128x1xi32> to vector<128xi32>
    %and3A_247 = arith.constant 16383 : i32
    %and3A_248 = vector.broadcast %and3A_247 : i32 to vector<128xi32>
    %and3A_249 = arith.andi %squeeze3A_246, %and3A_248 : vector<128xi32>
    %add3A_250 = vector.broadcast %mul3A_21 : i32 to vector<128xi32>
    %add3A_251 = arith.addi %and3A_249, %add3A_250 : vector<128xi32>
    %swap3A_252 = arith.constant 0 : index
    %swap3A_253 = arith.constant 0 : index
    %swap3A_254 = arith.constant 11 : index
    %swap3A_255 = vector.load %arg4[%swap3A_252, %swap3A_253, %swap3A_254] : memref<1x128x16xi32, #tpu.memory_space<vmem>>, vector<1x128x1xi32>
    %swap3A_256 = vector.shape_cast %swap3A_255 : vector<1x128x1xi32> to vector<128xi32>
    %swap3A_257 = vector.shape_cast %add3A_251 : vector<128xi32> to vector<1x128x1xi32>
    tpu.vector_store %arg4[%swap3A_252, %swap3A_253, %swap3A_254], %swap3A_257 {strides = array<i32>} : memref<1x128x16xi32, #tpu.memory_space<vmem>>, vector<1x128x1xi32>,
    %eq3A_258 = vector.broadcast %broadcast_in_dim3A_245 : vector<128x1xi32> to vector<128x4096xi32>
    %eq3A_259 = arith.cmpi eq, %select_n3A_242, %eq3A_258 : vector<128x4096xi32>
    %jit3A_260 = arith.constant 2147483647 : i32
    %broadcast_in_dim3A_261 = vector.broadcast %jit3A_260 : i32 to vector<128x4096xi32>
    %select_n3A_262 = arith.select %eq3A_259, %broadcast_in_dim3A_261, %select_n3A_242 : vector<128x4096xi1>, vector<128x4096xi32>
    %reduce_min3A_263 = arith.constant dense<2147483647> : vector<128xi32>
    %reduce_min3A_264 = vector.multi_reduction <minsi>, %select_n3A_262, %reduce_min3A_263 [1] : vector<128x4096xi32> to vector<128xi32>
    %broadcast_in_dim3A_265 = vector.shape_cast %reduce_min3A_264 : vector<128xi32> to vector<128x1xi32>
    %squeeze3A_266 = vector.shape_cast %broadcast_in_dim3A_265 : vector<128x1xi32> to vector<128xi32>
    %and3A_267 = arith.constant 16383 : i32
    %and3A_268 = vector.broadcast %and3A_267 : i32 to vector<128xi32>
    %and3A_269 = arith.andi %squeeze3A_266, %and3A_268 : vector<128xi32>
    %add3A_270 = vector.broadcast %mul3A_21 : i32 to vector<128xi32>
    %add3A_271 = arith.addi %and3A_269, %add3A_270 : vector<128xi32>
    %swap3A_272 = arith.constant 0 : index
    %swap3A_273 = arith.constant 0 : index
    %swap3A_274 = arith.constant 12 : index
    %swap3A_275 = vector.load %arg4[%swap3A_272, %swap3A_273, %swap3A_274] : memref<1x128x16xi32, #tpu.memory_space<vmem>>, vector<1x128x1xi32>
    %swap3A_276 = vector.shape_cast %swap3A_275 : vector<1x128x1xi32> to vector<128xi32>
    %swap3A_277 = vector.shape_cast %add3A_271 : vector<128xi32> to vector<1x128x1xi32>
    tpu.vector_store %arg4[%swap3A_272, %swap3A_273, %swap3A_274], %swap3A_277 {strides = array<i32>} : memref<1x128x16xi32, #tpu.memory_space<vmem>>, vector<1x128x1xi32>,
    %eq3A_278 = vector.broadcast %broadcast_in_dim3A_265 : vector<128x1xi32> to vector<128x4096xi32>
    %eq3A_279 = arith.cmpi eq, %select_n3A_262, %eq3A_278 : vector<128x4096xi32>
    %jit3A_280 = arith.constant 2147483647 : i32
    %broadcast_in_dim3A_281 = vector.broadcast %jit3A_280 : i32 to vector<128x4096xi32>
    %select_n3A_282 = arith.select %eq3A_279, %broadcast_in_dim3A_281, %select_n3A_262 : vector<128x4096xi1>, vector<128x4096xi32>
    %reduce_min3A_283 = arith.constant dense<2147483647> : vector<128xi32>
    %reduce_min3A_284 = vector.multi_reduction <minsi>, %select_n3A_282, %reduce_min3A_283 [1] : vector<128x4096xi32> to vector<128xi32>
    %broadcast_in_dim3A_285 = vector.shape_cast %reduce_min3A_284 : vector<128xi32> to vector<128x1xi32>
    %squeeze3A_286 = vector.shape_cast %broadcast_in_dim3A_285 : vector<128x1xi32> to vector<128xi32>
    %and3A_287 = arith.constant 16383 : i32
    %and3A_288 = vector.broadcast %and3A_287 : i32 to vector<128xi32>
    %and3A_289 = arith.andi %squeeze3A_286, %and3A_288 : vector<128xi32>
    %add3A_290 = vector.broadcast %mul3A_21 : i32 to vector<128xi32>
    %add3A_291 = arith.addi %and3A_289, %add3A_290 : vector<128xi32>
    %swap3A_292 = arith.constant 0 : index
    %swap3A_293 = arith.constant 0 : index
    %swap3A_294 = arith.constant 13 : index
    %swap3A_295 = vector.load %arg4[%swap3A_292, %swap3A_293, %swap3A_294] : memref<1x128x16xi32, #tpu.memory_space<vmem>>, vector<1x128x1xi32>
    %swap3A_296 = vector.shape_cast %swap3A_295 : vector<1x128x1xi32> to vector<128xi32>
    %swap3A_297 = vector.shape_cast %add3A_291 : vector<128xi32> to vector<1x128x1xi32>
    tpu.vector_store %arg4[%swap3A_292, %swap3A_293, %swap3A_294], %swap3A_297 {strides = array<i32>} : memref<1x128x16xi32, #tpu.memory_space<vmem>>, vector<1x128x1xi32>,
    %eq3A_298 = vector.broadcast %broadcast_in_dim3A_285 : vector<128x1xi32> to vector<128x4096xi32>
    %eq3A_299 = arith.cmpi eq, %select_n3A_282, %eq3A_298 : vector<128x4096xi32>
    %jit3A_300 = arith.constant 2147483647 : i32
    %broadcast_in_dim3A_301 = vector.broadcast %jit3A_300 : i32 to vector<128x4096xi32>
    %select_n3A_302 = arith.select %eq3A_299, %broadcast_in_dim3A_301, %select_n3A_282 : vector<128x4096xi1>, vector<128x4096xi32>
    %reduce_min3A_303 = arith.constant dense<2147483647> : vector<128xi32>
    %reduce_min3A_304 = vector.multi_reduction <minsi>, %select_n3A_302, %reduce_min3A_303 [1] : vector<128x4096xi32> to vector<128xi32>
    %broadcast_in_dim3A_305 = vector.shape_cast %reduce_min3A_304 : vector<128xi32> to vector<128x1xi32>
    %squeeze3A_306 = vector.shape_cast %broadcast_in_dim3A_305 : vector<128x1xi32> to vector<128xi32>
    %and3A_307 = arith.constant 16383 : i32
    %and3A_308 = vector.broadcast %and3A_307 : i32 to vector<128xi32>
    %and3A_309 = arith.andi %squeeze3A_306, %and3A_308 : vector<128xi32>
    %add3A_310 = vector.broadcast %mul3A_21 : i32 to vector<128xi32>
    %add3A_311 = arith.addi %and3A_309, %add3A_310 : vector<128xi32>
    %swap3A_312 = arith.constant 0 : index
    %swap3A_313 = arith.constant 0 : index
    %swap3A_314 = arith.constant 14 : index
    %swap3A_315 = vector.load %arg4[%swap3A_312, %swap3A_313, %swap3A_314] : memref<1x128x16xi32, #tpu.memory_space<vmem>>, vector<1x128x1xi32>
    %swap3A_316 = vector.shape_cast %swap3A_315 : vector<1x128x1xi32> to vector<128xi32>
    %swap3A_317 = vector.shape_cast %add3A_311 : vector<128xi32> to vector<1x128x1xi32>
    tpu.vector_store %arg4[%swap3A_312, %swap3A_313, %swap3A_314], %swap3A_317 {strides = array<i32>} : memref<1x128x16xi32, #tpu.memory_space<vmem>>, vector<1x128x1xi32>,
    %eq3A_318 = vector.broadcast %broadcast_in_dim3A_305 : vector<128x1xi32> to vector<128x4096xi32>
    %eq3A_319 = arith.cmpi eq, %select_n3A_302, %eq3A_318 : vector<128x4096xi32>
    %jit3A_320 = arith.constant 2147483647 : i32
    %broadcast_in_dim3A_321 = vector.broadcast %jit3A_320 : i32 to vector<128x4096xi32>
    %select_n3A_322 = arith.select %eq3A_319, %broadcast_in_dim3A_321, %select_n3A_302 : vector<128x4096xi1>, vector<128x4096xi32>
    %reduce_min3A_323 = arith.constant dense<2147483647> : vector<128xi32>
    %reduce_min3A_324 = vector.multi_reduction <minsi>, %select_n3A_322, %reduce_min3A_323 [1] : vector<128x4096xi32> to vector<128xi32>
    %broadcast_in_dim3A_325 = vector.shape_cast %reduce_min3A_324 : vector<128xi32> to vector<128x1xi32>
    %squeeze3A_326 = vector.shape_cast %broadcast_in_dim3A_325 : vector<128x1xi32> to vector<128xi32>
    %and3A_327 = arith.constant 16383 : i32
    %and3A_328 = vector.broadcast %and3A_327 : i32 to vector<128xi32>
    %and3A_329 = arith.andi %squeeze3A_326, %and3A_328 : vector<128xi32>
    %add3A_330 = vector.broadcast %mul3A_21 : i32 to vector<128xi32>
    %add3A_331 = arith.addi %and3A_329, %add3A_330 : vector<128xi32>
    %swap3A_332 = arith.constant 0 : index
    %swap3A_333 = arith.constant 0 : index
    %swap3A_334 = arith.constant 15 : index
    %swap3A_335 = vector.load %arg4[%swap3A_332, %swap3A_333, %swap3A_334] : memref<1x128x16xi32, #tpu.memory_space<vmem>>, vector<1x128x1xi32>
    %swap3A_336 = vector.shape_cast %swap3A_335 : vector<1x128x1xi32> to vector<128xi32>
    %swap3A_337 = vector.shape_cast %add3A_331 : vector<128xi32> to vector<1x128x1xi32>
    tpu.vector_store %arg4[%swap3A_332, %swap3A_333, %swap3A_334], %swap3A_337 {strides = array<i32>} : memref<1x128x16xi32, #tpu.memory_space<vmem>>, vector<1x128x1xi32>,
    return
  }
  func.func @transform_0(%arg0: i32, %arg1: i32) -> (i32, i32, i32) {
    %c0_i32 = arith.constant 0 : i32
    %c0_i32_0 = arith.constant 0 : i32
    return %arg0, %arg1, %c0_i32 : i32, i32, i32
  }
  func.func @transform_1(%arg0: i32, %arg1: i32) -> (i32, i32, i32) {
    %c0_i32 = arith.constant 0 : i32
    %c0_i32_0 = arith.constant 0 : i32
    %c0_i32_1 = arith.constant 0 : i32
    return %arg0, %c0_i32, %c0_i32_0 : i32, i32, i32
  }
  func.func @transform_2(%arg0: i32, %arg1: i32) -> (i32, i32, i32) {
    %c0_i32 = arith.constant 0 : i32
    %c0_i32_0 = arith.constant 0 : i32
    return %arg0, %arg1, %c0_i32 : i32, i32, i32
  }
}

module attributes {stable_mosaic.version = 14 : i64} {
  func.func @_conv_body(%arg0: i32, %arg1: memref<4096x16xf32, #tpu.memory_space<vmem>>, %arg2: memref<256x3xf32, #tpu.memory_space<vmem>>, %arg3: memref<16x32xf32, #tpu.memory_space<vmem>>, %arg4: memref<1x32xf32, #tpu.memory_space<vmem>>, %arg5: memref<3x32xf32, #tpu.memory_space<vmem>>, %arg6: memref<32x64xf32, #tpu.memory_space<vmem>>, %arg7: memref<1x64xf32, #tpu.memory_space<vmem>>, %arg8: memref<16x64xf32, #tpu.memory_space<vmem>>, %arg9: memref<1x64xf32, #tpu.memory_space<vmem>>, %arg10: memref<3x64xf32, #tpu.memory_space<vmem>>, %arg11: memref<256x64xf32, #tpu.memory_space<vmem>>) attributes {dimension_semantics = [#tpu.dimension_semantics<arbitrary>], iteration_bounds = array<i64: 64>, scalar_prefetch = 0 : i64, scratch_operands = 0 : i64, tpu.core_type = #tpu.core_type<tc>, window_params = [{transform_indices = @transform_0, window_bounds = array<i64: 4096, 16>}, {transform_indices = @transform_1, window_bounds = array<i64: 256, 3>}, {pipeline_mode = #tpu.pipeline_mode<synchronous>, transform_indices = @transform_2, window_bounds = array<i64: 16, 32>}, {pipeline_mode = #tpu.pipeline_mode<synchronous>, transform_indices = @transform_3, window_bounds = array<i64: 1, 32>}, {pipeline_mode = #tpu.pipeline_mode<synchronous>, transform_indices = @transform_4, window_bounds = array<i64: 3, 32>}, {pipeline_mode = #tpu.pipeline_mode<synchronous>, transform_indices = @transform_5, window_bounds = array<i64: 32, 64>}, {pipeline_mode = #tpu.pipeline_mode<synchronous>, transform_indices = @transform_6, window_bounds = array<i64: 1, 64>}, {pipeline_mode = #tpu.pipeline_mode<synchronous>, transform_indices = @transform_7, window_bounds = array<i64: 16, 64>}, {pipeline_mode = #tpu.pipeline_mode<synchronous>, transform_indices = @transform_8, window_bounds = array<i64: 1, 64>}, {pipeline_mode = #tpu.pipeline_mode<synchronous>, transform_indices = @transform_9, window_bounds = array<i64: 3, 64>}, {transform_indices = @transform_10, window_bounds = array<i64: 256, 64>}]} {
    %get3A = arith.constant 0 : index
    %get3A_0 = arith.constant 0 : index
    %get3A_1 = vector.load %arg1[%get3A, %get3A_0] : memref<4096x16xf32, #tpu.memory_space<vmem>>, vector<4096x16xf32>
    %get3A_2 = arith.constant 0 : index
    %get3A_3 = arith.constant 0 : index
    %get3A_4 = vector.load %arg2[%get3A_2, %get3A_3] : memref<256x3xf32, #tpu.memory_space<vmem>>, vector<256x3xf32>
    %get3A_5 = arith.constant 0 : index
    %get3A_6 = arith.constant 0 : index
    %get3A_7 = vector.load %arg3[%get3A_5, %get3A_6] : memref<16x32xf32, #tpu.memory_space<vmem>>, vector<16x32xf32>
    %dot_general3A = arith.constant dense<0.000000e+00> : vector<4096x32xf32>
    %dot_general3A_8 = tpu.matmul %get3A_1, %get3A_7, %dot_general3A {dimension_numbers = #tpu.dot_dimension_numbers<[1], [0], [0], [1], [0, 0, 1, 1], [], []>, transpose_lhs_hint = false} : vector<4096x16xf32>, vector<16x32xf32>, vector<4096x32xf32> -> vector<4096x32xf32>
    %get3A_9 = arith.constant 0 : index
    %get3A_10 = arith.constant 0 : index
    %get3A_11 = vector.load %arg4[%get3A_9, %get3A_10] : memref<1x32xf32, #tpu.memory_space<vmem>>, vector<1x32xf32>
    %add3A = vector.broadcast %get3A_11 : vector<1x32xf32> to vector<4096x32xf32>
    %add3A_12 = arith.addf %dot_general3A_8, %add3A : vector<4096x32xf32>
    %get3A_13 = arith.constant 0 : index
    %get3A_14 = arith.constant 0 : index
    %get3A_15 = vector.load %arg5[%get3A_13, %get3A_14] : memref<3x32xf32, #tpu.memory_space<vmem>>, vector<3x32xf32>
    %dot_general3A_16 = arith.constant dense<0.000000e+00> : vector<256x32xf32>
    %dot_general3A_17 = tpu.matmul %get3A_4, %get3A_15, %dot_general3A_16 {dimension_numbers = #tpu.dot_dimension_numbers<[1], [0], [0], [1], [0, 0, 1, 1], [], []>, transpose_lhs_hint = false} : vector<256x3xf32>, vector<3x32xf32>, vector<256x32xf32> -> vector<256x32xf32>
    %reshape3A = vector.shape_cast %add3A_12 : vector<4096x32xf32> to vector<256x16x32xf32>
    %reshape3A_18 = vector.shape_cast %dot_general3A_17 : vector<256x32xf32> to vector<256x1x32xf32>
    %sub3A = vector.broadcast %reshape3A_18 : vector<256x1x32xf32> to vector<256x16x32xf32>
    %sub3A_19 = arith.subf %reshape3A, %sub3A : vector<256x16x32xf32>
    %max3A = arith.constant 0.000000e+00 : f32
    %max3A_20 = vector.broadcast %max3A : f32 to vector<256x16x32xf32>
    %max3A_21 = arith.maximumf %sub3A_19, %max3A_20 : vector<256x16x32xf32>
    %reshape3A_22 = vector.shape_cast %max3A_21 : vector<256x16x32xf32> to vector<4096x32xf32>
    %get3A_23 = arith.constant 0 : index
    %get3A_24 = arith.constant 0 : index
    %get3A_25 = vector.load %arg6[%get3A_23, %get3A_24] : memref<32x64xf32, #tpu.memory_space<vmem>>, vector<32x64xf32>
    %dot_general3A_26 = arith.constant dense<0.000000e+00> : vector<4096x64xf32>
    %dot_general3A_27 = tpu.matmul %reshape3A_22, %get3A_25, %dot_general3A_26 {dimension_numbers = #tpu.dot_dimension_numbers<[1], [0], [0], [1], [0, 0, 1, 1], [], []>, transpose_lhs_hint = false} : vector<4096x32xf32>, vector<32x64xf32>, vector<4096x64xf32> -> vector<4096x64xf32>
    %get3A_28 = arith.constant 0 : index
    %get3A_29 = arith.constant 0 : index
    %get3A_30 = vector.load %arg7[%get3A_28, %get3A_29] : memref<1x64xf32, #tpu.memory_space<vmem>>, vector<1x64xf32>
    %add3A_31 = vector.broadcast %get3A_30 : vector<1x64xf32> to vector<4096x64xf32>
    %add3A_32 = arith.addf %dot_general3A_27, %add3A_31 : vector<4096x64xf32>
    %get3A_33 = arith.constant 0 : index
    %get3A_34 = arith.constant 0 : index
    %get3A_35 = vector.load %arg8[%get3A_33, %get3A_34] : memref<16x64xf32, #tpu.memory_space<vmem>>, vector<16x64xf32>
    %dot_general3A_36 = arith.constant dense<0.000000e+00> : vector<4096x64xf32>
    %dot_general3A_37 = tpu.matmul %get3A_1, %get3A_35, %dot_general3A_36 {dimension_numbers = #tpu.dot_dimension_numbers<[1], [0], [0], [1], [0, 0, 1, 1], [], []>, transpose_lhs_hint = false} : vector<4096x16xf32>, vector<16x64xf32>, vector<4096x64xf32> -> vector<4096x64xf32>
    %add3A_38 = arith.addf %add3A_32, %dot_general3A_37 : vector<4096x64xf32>
    %get3A_39 = arith.constant 0 : index
    %get3A_40 = arith.constant 0 : index
    %get3A_41 = vector.load %arg9[%get3A_39, %get3A_40] : memref<1x64xf32, #tpu.memory_space<vmem>>, vector<1x64xf32>
    %add3A_42 = vector.broadcast %get3A_41 : vector<1x64xf32> to vector<4096x64xf32>
    %add3A_43 = arith.addf %add3A_38, %add3A_42 : vector<4096x64xf32>
    %get3A_44 = arith.constant 0 : index
    %get3A_45 = arith.constant 0 : index
    %get3A_46 = vector.load %arg10[%get3A_44, %get3A_45] : memref<3x64xf32, #tpu.memory_space<vmem>>, vector<3x64xf32>
    %dot_general3A_47 = arith.constant dense<0.000000e+00> : vector<256x64xf32>
    %dot_general3A_48 = tpu.matmul %get3A_4, %get3A_46, %dot_general3A_47 {dimension_numbers = #tpu.dot_dimension_numbers<[1], [0], [0], [1], [0, 0, 1, 1], [], []>, transpose_lhs_hint = false} : vector<256x3xf32>, vector<3x64xf32>, vector<256x64xf32> -> vector<256x64xf32>
    %reshape3A_49 = vector.shape_cast %add3A_43 : vector<4096x64xf32> to vector<256x16x64xf32>
    %reshape3A_50 = vector.shape_cast %dot_general3A_48 : vector<256x64xf32> to vector<256x1x64xf32>
    %sub3A_51 = vector.broadcast %reshape3A_50 : vector<256x1x64xf32> to vector<256x16x64xf32>
    %sub3A_52 = arith.subf %reshape3A_49, %sub3A_51 : vector<256x16x64xf32>
    %max3A_53 = arith.constant 0.000000e+00 : f32
    %max3A_54 = vector.broadcast %max3A_53 : f32 to vector<256x16x64xf32>
    %max3A_55 = arith.maximumf %sub3A_52, %max3A_54 : vector<256x16x64xf32>
    %reduce_max3A = arith.constant dense<0xFF800000> : vector<256x64xf32>
    %reduce_max3A_56 = vector.multi_reduction <maximumf>, %max3A_55, %reduce_max3A [1] : vector<256x16x64xf32> to vector<256x64xf32>
    %swap3A = arith.constant 0 : index
    %swap3A_57 = arith.constant 0 : index
    %swap3A_58 = vector.load %arg11[%swap3A, %swap3A_57] : memref<256x64xf32, #tpu.memory_space<vmem>>, vector<256x64xf32>
    tpu.vector_store %arg11[%swap3A, %swap3A_57], %reduce_max3A_56 {strides = array<i32>} : memref<256x64xf32, #tpu.memory_space<vmem>>, vector<256x64xf32>,
    return
  }
  func.func @transform_0(%arg0: i32) -> (i32, i32) {
    %c0_i32 = arith.constant 0 : i32
    %c0_i32_0 = arith.constant 0 : i32
    return %arg0, %c0_i32 : i32, i32
  }
  func.func @transform_1(%arg0: i32) -> (i32, i32) {
    %c0_i32 = arith.constant 0 : i32
    %c0_i32_0 = arith.constant 0 : i32
    return %arg0, %c0_i32 : i32, i32
  }
  func.func @transform_2(%arg0: i32) -> (i32, i32) {
    %c0_i32 = arith.constant 0 : i32
    %c0_i32_0 = arith.constant 0 : i32
    %c0_i32_1 = arith.constant 0 : i32
    return %c0_i32, %c0_i32_0 : i32, i32
  }
  func.func @transform_3(%arg0: i32) -> (i32, i32) {
    %c0_i32 = arith.constant 0 : i32
    %c0_i32_0 = arith.constant 0 : i32
    %c0_i32_1 = arith.constant 0 : i32
    return %c0_i32, %c0_i32_0 : i32, i32
  }
  func.func @transform_4(%arg0: i32) -> (i32, i32) {
    %c0_i32 = arith.constant 0 : i32
    %c0_i32_0 = arith.constant 0 : i32
    %c0_i32_1 = arith.constant 0 : i32
    return %c0_i32, %c0_i32_0 : i32, i32
  }
  func.func @transform_5(%arg0: i32) -> (i32, i32) {
    %c0_i32 = arith.constant 0 : i32
    %c0_i32_0 = arith.constant 0 : i32
    %c0_i32_1 = arith.constant 0 : i32
    return %c0_i32, %c0_i32_0 : i32, i32
  }
  func.func @transform_6(%arg0: i32) -> (i32, i32) {
    %c0_i32 = arith.constant 0 : i32
    %c0_i32_0 = arith.constant 0 : i32
    %c0_i32_1 = arith.constant 0 : i32
    return %c0_i32, %c0_i32_0 : i32, i32
  }
  func.func @transform_7(%arg0: i32) -> (i32, i32) {
    %c0_i32 = arith.constant 0 : i32
    %c0_i32_0 = arith.constant 0 : i32
    %c0_i32_1 = arith.constant 0 : i32
    return %c0_i32, %c0_i32_0 : i32, i32
  }
  func.func @transform_8(%arg0: i32) -> (i32, i32) {
    %c0_i32 = arith.constant 0 : i32
    %c0_i32_0 = arith.constant 0 : i32
    %c0_i32_1 = arith.constant 0 : i32
    return %c0_i32, %c0_i32_0 : i32, i32
  }
  func.func @transform_9(%arg0: i32) -> (i32, i32) {
    %c0_i32 = arith.constant 0 : i32
    %c0_i32_0 = arith.constant 0 : i32
    %c0_i32_1 = arith.constant 0 : i32
    return %c0_i32, %c0_i32_0 : i32, i32
  }
  func.func @transform_10(%arg0: i32) -> (i32, i32) {
    %c0_i32 = arith.constant 0 : i32
    %c0_i32_0 = arith.constant 0 : i32
    return %arg0, %c0_i32 : i32, i32
  }
}

module attributes {stable_mosaic.version = 14 : i64} {
  func.func @_fps_body(%arg0: memref<4x8x128xf32, #tpu.memory_space<vmem>>, %arg1: memref<4x8x128xf32, #tpu.memory_space<vmem>>, %arg2: memref<4x8x128xf32, #tpu.memory_space<vmem>>, %arg3: memref<4x8x32xi32, #tpu.memory_space<vmem>>, %arg4: memref<4x8x32xf32, #tpu.memory_space<vmem>>, %arg5: memref<4x8x32xf32, #tpu.memory_space<vmem>>, %arg6: memref<4x8x32xf32, #tpu.memory_space<vmem>>) attributes {dimension_semantics = [], scalar_prefetch = 0 : i64, scratch_operands = 0 : i64, tpu.core_type = #tpu.core_type<tc>} {
    %iota3A = tpu.iota {dimensions = array<i32: 0>} : vector<8x128xi32>
    %mul3A = arith.constant 128 : i32
    %mul3A_0 = vector.broadcast %mul3A : i32 to vector<8x128xi32>
    %mul3A_1 = arith.muli %iota3A, %mul3A_0 : vector<8x128xi32>
    %iota3A_2 = tpu.iota {dimensions = array<i32: 1>} : vector<8x128xi32>
    %add3A = arith.addi %mul3A_1, %iota3A_2 : vector<8x128xi32>
    %iota3A_3 = tpu.iota {dimensions = array<i32: 0>} : vector<8x32xi32>
    %mul3A_4 = arith.constant 32 : i32
    %mul3A_5 = vector.broadcast %mul3A_4 : i32 to vector<8x32xi32>
    %mul3A_6 = arith.muli %iota3A_3, %mul3A_5 : vector<8x32xi32>
    %iota3A_7 = tpu.iota {dimensions = array<i32: 1>} : vector<8x32xi32>
    %add3A_8 = arith.addi %mul3A_6, %iota3A_7 : vector<8x32xi32>
    %get3A = arith.constant 0 : index
    %get3A_9 = arith.constant 0 : index
    %get3A_10 = arith.constant 0 : index
    %get3A_11 = vector.load %arg0[%get3A, %get3A_9, %get3A_10] : memref<4x8x128xf32, #tpu.memory_space<vmem>>, vector<1x8x128xf32>
    %get3A_12 = vector.shape_cast %get3A_11 : vector<1x8x128xf32> to vector<8x128xf32>
    %get3A_13 = arith.constant 1 : index
    %get3A_14 = arith.constant 0 : index
    %get3A_15 = arith.constant 0 : index
    %get3A_16 = vector.load %arg0[%get3A_13, %get3A_14, %get3A_15] : memref<4x8x128xf32, #tpu.memory_space<vmem>>, vector<1x8x128xf32>
    %get3A_17 = vector.shape_cast %get3A_16 : vector<1x8x128xf32> to vector<8x128xf32>
    %get3A_18 = arith.constant 2 : index
    %get3A_19 = arith.constant 0 : index
    %get3A_20 = arith.constant 0 : index
    %get3A_21 = vector.load %arg0[%get3A_18, %get3A_19, %get3A_20] : memref<4x8x128xf32, #tpu.memory_space<vmem>>, vector<1x8x128xf32>
    %get3A_22 = vector.shape_cast %get3A_21 : vector<1x8x128xf32> to vector<8x128xf32>
    %get3A_23 = arith.constant 3 : index
    %get3A_24 = arith.constant 0 : index
    %get3A_25 = arith.constant 0 : index
    %get3A_26 = vector.load %arg0[%get3A_23, %get3A_24, %get3A_25] : memref<4x8x128xf32, #tpu.memory_space<vmem>>, vector<1x8x128xf32>
    %get3A_27 = vector.shape_cast %get3A_26 : vector<1x8x128xf32> to vector<8x128xf32>
    %get3A_28 = arith.constant 0 : index
    %get3A_29 = arith.constant 0 : index
    %get3A_30 = arith.constant 0 : index
    %get3A_31 = vector.load %arg1[%get3A_28, %get3A_29, %get3A_30] : memref<4x8x128xf32, #tpu.memory_space<vmem>>, vector<1x8x128xf32>
    %get3A_32 = vector.shape_cast %get3A_31 : vector<1x8x128xf32> to vector<8x128xf32>
    %get3A_33 = arith.constant 1 : index
    %get3A_34 = arith.constant 0 : index
    %get3A_35 = arith.constant 0 : index
    %get3A_36 = vector.load %arg1[%get3A_33, %get3A_34, %get3A_35] : memref<4x8x128xf32, #tpu.memory_space<vmem>>, vector<1x8x128xf32>
    %get3A_37 = vector.shape_cast %get3A_36 : vector<1x8x128xf32> to vector<8x128xf32>
    %get3A_38 = arith.constant 2 : index
    %get3A_39 = arith.constant 0 : index
    %get3A_40 = arith.constant 0 : index
    %get3A_41 = vector.load %arg1[%get3A_38, %get3A_39, %get3A_40] : memref<4x8x128xf32, #tpu.memory_space<vmem>>, vector<1x8x128xf32>
    %get3A_42 = vector.shape_cast %get3A_41 : vector<1x8x128xf32> to vector<8x128xf32>
    %get3A_43 = arith.constant 3 : index
    %get3A_44 = arith.constant 0 : index
    %get3A_45 = arith.constant 0 : index
    %get3A_46 = vector.load %arg1[%get3A_43, %get3A_44, %get3A_45] : memref<4x8x128xf32, #tpu.memory_space<vmem>>, vector<1x8x128xf32>
    %get3A_47 = vector.shape_cast %get3A_46 : vector<1x8x128xf32> to vector<8x128xf32>
    %get3A_48 = arith.constant 0 : index
    %get3A_49 = arith.constant 0 : index
    %get3A_50 = arith.constant 0 : index
    %get3A_51 = vector.load %arg2[%get3A_48, %get3A_49, %get3A_50] : memref<4x8x128xf32, #tpu.memory_space<vmem>>, vector<1x8x128xf32>
    %get3A_52 = vector.shape_cast %get3A_51 : vector<1x8x128xf32> to vector<8x128xf32>
    %get3A_53 = arith.constant 1 : index
    %get3A_54 = arith.constant 0 : index
    %get3A_55 = arith.constant 0 : index
    %get3A_56 = vector.load %arg2[%get3A_53, %get3A_54, %get3A_55] : memref<4x8x128xf32, #tpu.memory_space<vmem>>, vector<1x8x128xf32>
    %get3A_57 = vector.shape_cast %get3A_56 : vector<1x8x128xf32> to vector<8x128xf32>
    %get3A_58 = arith.constant 2 : index
    %get3A_59 = arith.constant 0 : index
    %get3A_60 = arith.constant 0 : index
    %get3A_61 = vector.load %arg2[%get3A_58, %get3A_59, %get3A_60] : memref<4x8x128xf32, #tpu.memory_space<vmem>>, vector<1x8x128xf32>
    %get3A_62 = vector.shape_cast %get3A_61 : vector<1x8x128xf32> to vector<8x128xf32>
    %get3A_63 = arith.constant 3 : index
    %get3A_64 = arith.constant 0 : index
    %get3A_65 = arith.constant 0 : index
    %get3A_66 = vector.load %arg2[%get3A_63, %get3A_64, %get3A_65] : memref<4x8x128xf32, #tpu.memory_space<vmem>>, vector<1x8x128xf32>
    %get3A_67 = vector.shape_cast %get3A_66 : vector<1x8x128xf32> to vector<8x128xf32>
    %slice3A = vector.extract_strided_slice %get3A_12 {offsets = [0, 0], sizes = [1, 1], strides = [1, 1]} : vector<8x128xf32> to vector<1x1xf32>
    %slice3A_68 = vector.extract_strided_slice %get3A_32 {offsets = [0, 0], sizes = [1, 1], strides = [1, 1]} : vector<8x128xf32> to vector<1x1xf32>
    %slice3A_69 = vector.extract_strided_slice %get3A_52 {offsets = [0, 0], sizes = [1, 1], strides = [1, 1]} : vector<8x128xf32> to vector<1x1xf32>
    %sub3A = vector.broadcast %slice3A : vector<1x1xf32> to vector<8x128xf32>
    %sub3A_70 = arith.subf %get3A_12, %sub3A : vector<8x128xf32>
    %sub3A_71 = vector.broadcast %slice3A_68 : vector<1x1xf32> to vector<8x128xf32>
    %sub3A_72 = arith.subf %get3A_32, %sub3A_71 : vector<8x128xf32>
    %sub3A_73 = vector.broadcast %slice3A_69 : vector<1x1xf32> to vector<8x128xf32>
    %sub3A_74 = arith.subf %get3A_52, %sub3A_73 : vector<8x128xf32>
    %mul3A_75 = arith.mulf %sub3A_70, %sub3A_70 : vector<8x128xf32>
    %mul3A_76 = arith.mulf %sub3A_72, %sub3A_72 : vector<8x128xf32>
    %add3A_77 = arith.addf %mul3A_75, %mul3A_76 : vector<8x128xf32>
    %mul3A_78 = arith.mulf %sub3A_74, %sub3A_74 : vector<8x128xf32>
    %add3A_79 = arith.addf %add3A_77, %mul3A_78 : vector<8x128xf32>
    %eq3A = arith.constant 0 : i32
    %eq3A_80 = vector.broadcast %eq3A : i32 to vector<8x32xi32>
    %eq3A_81 = arith.cmpi eq, %add3A_8, %eq3A_80 : vector<8x32xi32>
    %broadcast_in_dim3A = arith.constant 0 : i32
    %broadcast_in_dim3A_82 = vector.broadcast %broadcast_in_dim3A : i32 to vector<8x32xi32>
    %jit3A = arith.constant 0.000000e+00 : f32
    %broadcast_in_dim3A_83 = vector.shape_cast %slice3A : vector<1x1xf32> to vector<1x1xf32>
    %broadcast_in_dim3A_84 = vector.broadcast %broadcast_in_dim3A_83 : vector<1x1xf32> to vector<8x32xf32>
    %broadcast_in_dim3A_85 = vector.broadcast %jit3A : f32 to vector<8x32xf32>
    %select_n3A = arith.select %eq3A_81, %broadcast_in_dim3A_84, %broadcast_in_dim3A_85 : vector<8x32xi1>, vector<8x32xf32>
    %jit3A_86 = arith.constant 0.000000e+00 : f32
    %broadcast_in_dim3A_87 = vector.shape_cast %slice3A_68 : vector<1x1xf32> to vector<1x1xf32>
    %broadcast_in_dim3A_88 = vector.broadcast %broadcast_in_dim3A_87 : vector<1x1xf32> to vector<8x32xf32>
    %broadcast_in_dim3A_89 = vector.broadcast %jit3A_86 : f32 to vector<8x32xf32>
    %select_n3A_90 = arith.select %eq3A_81, %broadcast_in_dim3A_88, %broadcast_in_dim3A_89 : vector<8x32xi1>, vector<8x32xf32>
    %jit3A_91 = arith.constant 0.000000e+00 : f32
    %broadcast_in_dim3A_92 = vector.shape_cast %slice3A_69 : vector<1x1xf32> to vector<1x1xf32>
    %broadcast_in_dim3A_93 = vector.broadcast %broadcast_in_dim3A_92 : vector<1x1xf32> to vector<8x32xf32>
    %broadcast_in_dim3A_94 = vector.broadcast %jit3A_91 : f32 to vector<8x32xf32>
    %select_n3A_95 = arith.select %eq3A_81, %broadcast_in_dim3A_93, %broadcast_in_dim3A_94 : vector<8x32xi1>, vector<8x32xf32>
    %slice3A_96 = vector.extract_strided_slice %get3A_17 {offsets = [0, 0], sizes = [1, 1], strides = [1, 1]} : vector<8x128xf32> to vector<1x1xf32>
    %slice3A_97 = vector.extract_strided_slice %get3A_37 {offsets = [0, 0], sizes = [1, 1], strides = [1, 1]} : vector<8x128xf32> to vector<1x1xf32>
    %slice3A_98 = vector.extract_strided_slice %get3A_57 {offsets = [0, 0], sizes = [1, 1], strides = [1, 1]} : vector<8x128xf32> to vector<1x1xf32>
    %sub3A_99 = vector.broadcast %slice3A_96 : vector<1x1xf32> to vector<8x128xf32>
    %sub3A_100 = arith.subf %get3A_17, %sub3A_99 : vector<8x128xf32>
    %sub3A_101 = vector.broadcast %slice3A_97 : vector<1x1xf32> to vector<8x128xf32>
    %sub3A_102 = arith.subf %get3A_37, %sub3A_101 : vector<8x128xf32>
    %sub3A_103 = vector.broadcast %slice3A_98 : vector<1x1xf32> to vector<8x128xf32>
    %sub3A_104 = arith.subf %get3A_57, %sub3A_103 : vector<8x128xf32>
    %mul3A_105 = arith.mulf %sub3A_100, %sub3A_100 : vector<8x128xf32>
    %mul3A_106 = arith.mulf %sub3A_102, %sub3A_102 : vector<8x128xf32>
    %add3A_107 = arith.addf %mul3A_105, %mul3A_106 : vector<8x128xf32>
    %mul3A_108 = arith.mulf %sub3A_104, %sub3A_104 : vector<8x128xf32>
    %add3A_109 = arith.addf %add3A_107, %mul3A_108 : vector<8x128xf32>
    %eq3A_110 = arith.constant 0 : i32
    %eq3A_111 = vector.broadcast %eq3A_110 : i32 to vector<8x32xi32>
    %eq3A_112 = arith.cmpi eq, %add3A_8, %eq3A_111 : vector<8x32xi32>
    %broadcast_in_dim3A_113 = arith.constant 0 : i32
    %broadcast_in_dim3A_114 = vector.broadcast %broadcast_in_dim3A_113 : i32 to vector<8x32xi32>
    %jit3A_115 = arith.constant 0.000000e+00 : f32
    %broadcast_in_dim3A_116 = vector.shape_cast %slice3A_96 : vector<1x1xf32> to vector<1x1xf32>
    %broadcast_in_dim3A_117 = vector.broadcast %broadcast_in_dim3A_116 : vector<1x1xf32> to vector<8x32xf32>
    %broadcast_in_dim3A_118 = vector.broadcast %jit3A_115 : f32 to vector<8x32xf32>
    %select_n3A_119 = arith.select %eq3A_112, %broadcast_in_dim3A_117, %broadcast_in_dim3A_118 : vector<8x32xi1>, vector<8x32xf32>
    %jit3A_120 = arith.constant 0.000000e+00 : f32
    %broadcast_in_dim3A_121 = vector.shape_cast %slice3A_97 : vector<1x1xf32> to vector<1x1xf32>
    %broadcast_in_dim3A_122 = vector.broadcast %broadcast_in_dim3A_121 : vector<1x1xf32> to vector<8x32xf32>
    %broadcast_in_dim3A_123 = vector.broadcast %jit3A_120 : f32 to vector<8x32xf32>
    %select_n3A_124 = arith.select %eq3A_112, %broadcast_in_dim3A_122, %broadcast_in_dim3A_123 : vector<8x32xi1>, vector<8x32xf32>
    %jit3A_125 = arith.constant 0.000000e+00 : f32
    %broadcast_in_dim3A_126 = vector.shape_cast %slice3A_98 : vector<1x1xf32> to vector<1x1xf32>
    %broadcast_in_dim3A_127 = vector.broadcast %broadcast_in_dim3A_126 : vector<1x1xf32> to vector<8x32xf32>
    %broadcast_in_dim3A_128 = vector.broadcast %jit3A_125 : f32 to vector<8x32xf32>
    %select_n3A_129 = arith.select %eq3A_112, %broadcast_in_dim3A_127, %broadcast_in_dim3A_128 : vector<8x32xi1>, vector<8x32xf32>
    %slice3A_130 = vector.extract_strided_slice %get3A_22 {offsets = [0, 0], sizes = [1, 1], strides = [1, 1]} : vector<8x128xf32> to vector<1x1xf32>
    %slice3A_131 = vector.extract_strided_slice %get3A_42 {offsets = [0, 0], sizes = [1, 1], strides = [1, 1]} : vector<8x128xf32> to vector<1x1xf32>
    %slice3A_132 = vector.extract_strided_slice %get3A_62 {offsets = [0, 0], sizes = [1, 1], strides = [1, 1]} : vector<8x128xf32> to vector<1x1xf32>
    %sub3A_133 = vector.broadcast %slice3A_130 : vector<1x1xf32> to vector<8x128xf32>
    %sub3A_134 = arith.subf %get3A_22, %sub3A_133 : vector<8x128xf32>
    %sub3A_135 = vector.broadcast %slice3A_131 : vector<1x1xf32> to vector<8x128xf32>
    %sub3A_136 = arith.subf %get3A_42, %sub3A_135 : vector<8x128xf32>
    %sub3A_137 = vector.broadcast %slice3A_132 : vector<1x1xf32> to vector<8x128xf32>
    %sub3A_138 = arith.subf %get3A_62, %sub3A_137 : vector<8x128xf32>
    %mul3A_139 = arith.mulf %sub3A_134, %sub3A_134 : vector<8x128xf32>
    %mul3A_140 = arith.mulf %sub3A_136, %sub3A_136 : vector<8x128xf32>
    %add3A_141 = arith.addf %mul3A_139, %mul3A_140 : vector<8x128xf32>
    %mul3A_142 = arith.mulf %sub3A_138, %sub3A_138 : vector<8x128xf32>
    %add3A_143 = arith.addf %add3A_141, %mul3A_142 : vector<8x128xf32>
    %eq3A_144 = arith.constant 0 : i32
    %eq3A_145 = vector.broadcast %eq3A_144 : i32 to vector<8x32xi32>
    %eq3A_146 = arith.cmpi eq, %add3A_8, %eq3A_145 : vector<8x32xi32>
    %broadcast_in_dim3A_147 = arith.constant 0 : i32
    %broadcast_in_dim3A_148 = vector.broadcast %broadcast_in_dim3A_147 : i32 to vector<8x32xi32>
    %jit3A_149 = arith.constant 0.000000e+00 : f32
    %broadcast_in_dim3A_150 = vector.shape_cast %slice3A_130 : vector<1x1xf32> to vector<1x1xf32>
    %broadcast_in_dim3A_151 = vector.broadcast %broadcast_in_dim3A_150 : vector<1x1xf32> to vector<8x32xf32>
    %broadcast_in_dim3A_152 = vector.broadcast %jit3A_149 : f32 to vector<8x32xf32>
    %select_n3A_153 = arith.select %eq3A_146, %broadcast_in_dim3A_151, %broadcast_in_dim3A_152 : vector<8x32xi1>, vector<8x32xf32>
    %jit3A_154 = arith.constant 0.000000e+00 : f32
    %broadcast_in_dim3A_155 = vector.shape_cast %slice3A_131 : vector<1x1xf32> to vector<1x1xf32>
    %broadcast_in_dim3A_156 = vector.broadcast %broadcast_in_dim3A_155 : vector<1x1xf32> to vector<8x32xf32>
    %broadcast_in_dim3A_157 = vector.broadcast %jit3A_154 : f32 to vector<8x32xf32>
    %select_n3A_158 = arith.select %eq3A_146, %broadcast_in_dim3A_156, %broadcast_in_dim3A_157 : vector<8x32xi1>, vector<8x32xf32>
    %jit3A_159 = arith.constant 0.000000e+00 : f32
    %broadcast_in_dim3A_160 = vector.shape_cast %slice3A_132 : vector<1x1xf32> to vector<1x1xf32>
    %broadcast_in_dim3A_161 = vector.broadcast %broadcast_in_dim3A_160 : vector<1x1xf32> to vector<8x32xf32>
    %broadcast_in_dim3A_162 = vector.broadcast %jit3A_159 : f32 to vector<8x32xf32>
    %select_n3A_163 = arith.select %eq3A_146, %broadcast_in_dim3A_161, %broadcast_in_dim3A_162 : vector<8x32xi1>, vector<8x32xf32>
    %slice3A_164 = vector.extract_strided_slice %get3A_27 {offsets = [0, 0], sizes = [1, 1], strides = [1, 1]} : vector<8x128xf32> to vector<1x1xf32>
    %slice3A_165 = vector.extract_strided_slice %get3A_47 {offsets = [0, 0], sizes = [1, 1], strides = [1, 1]} : vector<8x128xf32> to vector<1x1xf32>
    %slice3A_166 = vector.extract_strided_slice %get3A_67 {offsets = [0, 0], sizes = [1, 1], strides = [1, 1]} : vector<8x128xf32> to vector<1x1xf32>
    %sub3A_167 = vector.broadcast %slice3A_164 : vector<1x1xf32> to vector<8x128xf32>
    %sub3A_168 = arith.subf %get3A_27, %sub3A_167 : vector<8x128xf32>
    %sub3A_169 = vector.broadcast %slice3A_165 : vector<1x1xf32> to vector<8x128xf32>
    %sub3A_170 = arith.subf %get3A_47, %sub3A_169 : vector<8x128xf32>
    %sub3A_171 = vector.broadcast %slice3A_166 : vector<1x1xf32> to vector<8x128xf32>
    %sub3A_172 = arith.subf %get3A_67, %sub3A_171 : vector<8x128xf32>
    %mul3A_173 = arith.mulf %sub3A_168, %sub3A_168 : vector<8x128xf32>
    %mul3A_174 = arith.mulf %sub3A_170, %sub3A_170 : vector<8x128xf32>
    %add3A_175 = arith.addf %mul3A_173, %mul3A_174 : vector<8x128xf32>
    %mul3A_176 = arith.mulf %sub3A_172, %sub3A_172 : vector<8x128xf32>
    %add3A_177 = arith.addf %add3A_175, %mul3A_176 : vector<8x128xf32>
    %eq3A_178 = arith.constant 0 : i32
    %eq3A_179 = vector.broadcast %eq3A_178 : i32 to vector<8x32xi32>
    %eq3A_180 = arith.cmpi eq, %add3A_8, %eq3A_179 : vector<8x32xi32>
    %broadcast_in_dim3A_181 = arith.constant 0 : i32
    %broadcast_in_dim3A_182 = vector.broadcast %broadcast_in_dim3A_181 : i32 to vector<8x32xi32>
    %jit3A_183 = arith.constant 0.000000e+00 : f32
    %broadcast_in_dim3A_184 = vector.shape_cast %slice3A_164 : vector<1x1xf32> to vector<1x1xf32>
    %broadcast_in_dim3A_185 = vector.broadcast %broadcast_in_dim3A_184 : vector<1x1xf32> to vector<8x32xf32>
    %broadcast_in_dim3A_186 = vector.broadcast %jit3A_183 : f32 to vector<8x32xf32>
    %select_n3A_187 = arith.select %eq3A_180, %broadcast_in_dim3A_185, %broadcast_in_dim3A_186 : vector<8x32xi1>, vector<8x32xf32>
    %jit3A_188 = arith.constant 0.000000e+00 : f32
    %broadcast_in_dim3A_189 = vector.shape_cast %slice3A_165 : vector<1x1xf32> to vector<1x1xf32>
    %broadcast_in_dim3A_190 = vector.broadcast %broadcast_in_dim3A_189 : vector<1x1xf32> to vector<8x32xf32>
    %broadcast_in_dim3A_191 = vector.broadcast %jit3A_188 : f32 to vector<8x32xf32>
    %select_n3A_192 = arith.select %eq3A_180, %broadcast_in_dim3A_190, %broadcast_in_dim3A_191 : vector<8x32xi1>, vector<8x32xf32>
    %jit3A_193 = arith.constant 0.000000e+00 : f32
    %broadcast_in_dim3A_194 = vector.shape_cast %slice3A_166 : vector<1x1xf32> to vector<1x1xf32>
    %broadcast_in_dim3A_195 = vector.broadcast %broadcast_in_dim3A_194 : vector<1x1xf32> to vector<8x32xf32>
    %broadcast_in_dim3A_196 = vector.broadcast %jit3A_193 : f32 to vector<8x32xf32>
    %select_n3A_197 = arith.select %eq3A_180, %broadcast_in_dim3A_195, %broadcast_in_dim3A_196 : vector<8x32xi1>, vector<8x32xf32>
    %scan3A = arith.constant 1 : i32
    %scan3A_198 = arith.constant 255 : i32
    %scan3A_199 = arith.addi %scan3A, %scan3A_198 : i32
    %scan3A_200 = arith.constant 1 : i32
    %scan3A_201:20 = scf.for %scan3A_298 = %scan3A to %scan3A_199 step %scan3A_200 iter_args(%scan3A_299 = %add3A_79, %scan3A_300 = %broadcast_in_dim3A_82, %scan3A_301 = %select_n3A, %scan3A_302 = %select_n3A_90, %scan3A_303 = %select_n3A_95, %scan3A_304 = %add3A_109, %scan3A_305 = %broadcast_in_dim3A_114, %scan3A_306 = %select_n3A_119, %scan3A_307 = %select_n3A_124, %scan3A_308 = %select_n3A_129, %scan3A_309 = %add3A_143, %scan3A_310 = %broadcast_in_dim3A_148, %scan3A_311 = %select_n3A_153, %scan3A_312 = %select_n3A_158, %scan3A_313 = %select_n3A_163, %scan3A_314 = %add3A_177, %scan3A_315 = %broadcast_in_dim3A_182, %scan3A_316 = %select_n3A_187, %scan3A_317 = %select_n3A_192, %scan3A_318 = %select_n3A_197) -> (vector<8x128xf32>, vector<8x32xi32>, vector<8x32xf32>, vector<8x32xf32>, vector<8x32xf32>, vector<8x128xf32>, vector<8x32xi32>, vector<8x32xf32>, vector<8x32xf32>, vector<8x32xf32>, vector<8x128xf32>, vector<8x32xi32>, vector<8x32xf32>, vector<8x32xf32>, vector<8x32xf32>, vector<8x128xf32>, vector<8x32xi32>, vector<8x32xf32>, vector<8x32xf32>, vector<8x32xf32>)  : i32 {
      %reduce_max3A = arith.constant dense<0xFF800000> : vector<8xf32>
      %reduce_max3A_319 = vector.multi_reduction <maximumf>, %scan3A_299, %reduce_max3A [1] : vector<8x128xf32> to vector<8xf32>
      %broadcast_in_dim3A_320 = vector.shape_cast %reduce_max3A_319 : vector<8xf32> to vector<8x1xf32>
      %reduce_max3A_321 = arith.constant dense<0xFF800000> : vector<1xf32>
      %reduce_max3A_322 = vector.multi_reduction <maximumf>, %broadcast_in_dim3A_320, %reduce_max3A_321 [0] : vector<8x1xf32> to vector<1xf32>
      %broadcast_in_dim3A_323 = vector.shape_cast %reduce_max3A_322 : vector<1xf32> to vector<1x1xf32>
      %eq3A_324 = vector.broadcast %broadcast_in_dim3A_323 : vector<1x1xf32> to vector<8x128xf32>
      %eq3A_325 = arith.cmpf oeq, %scan3A_299, %eq3A_324 : vector<8x128xf32>
      %jit3A_326 = arith.constant 1024 : i32
      %broadcast_in_dim3A_327 = vector.broadcast %jit3A_326 : i32 to vector<8x128xi32>
      %select_n3A_328 = arith.select %eq3A_325, %add3A, %broadcast_in_dim3A_327 : vector<8x128xi1>, vector<8x128xi32>
      %reduce_min3A = arith.constant dense<2147483647> : vector<8xi32>
      %reduce_min3A_329 = vector.multi_reduction <minsi>, %select_n3A_328, %reduce_min3A [1] : vector<8x128xi32> to vector<8xi32>
      %broadcast_in_dim3A_330 = vector.shape_cast %reduce_min3A_329 : vector<8xi32> to vector<8x1xi32>
      %reduce_min3A_331 = arith.constant dense<2147483647> : vector<1xi32>
      %reduce_min3A_332 = vector.multi_reduction <minsi>, %broadcast_in_dim3A_330, %reduce_min3A_331 [0] : vector<8x1xi32> to vector<1xi32>
      %broadcast_in_dim3A_333 = vector.shape_cast %reduce_min3A_332 : vector<1xi32> to vector<1x1xi32>
      %eq3A_334 = vector.broadcast %broadcast_in_dim3A_333 : vector<1x1xi32> to vector<8x128xi32>
      %eq3A_335 = arith.cmpi eq, %add3A, %eq3A_334 : vector<8x128xi32>
      %jit3A_336 = arith.constant 0.000000e+00 : f32
      %broadcast_in_dim3A_337 = vector.broadcast %jit3A_336 : f32 to vector<8x128xf32>
      %select_n3A_338 = arith.select %eq3A_335, %get3A_12, %broadcast_in_dim3A_337 : vector<8x128xi1>, vector<8x128xf32>
      %reduce_sum3A = arith.constant dense<0.000000e+00> : vector<8xf32>
      %reduce_sum3A_339 = vector.multi_reduction <add>, %select_n3A_338, %reduce_sum3A [1] : vector<8x128xf32> to vector<8xf32>
      %broadcast_in_dim3A_340 = vector.shape_cast %reduce_sum3A_339 : vector<8xf32> to vector<8x1xf32>
      %reduce_sum3A_341 = arith.constant dense<0.000000e+00> : vector<1xf32>
      %reduce_sum3A_342 = vector.multi_reduction <add>, %broadcast_in_dim3A_340, %reduce_sum3A_341 [0] : vector<8x1xf32> to vector<1xf32>
      %broadcast_in_dim3A_343 = vector.shape_cast %reduce_sum3A_342 : vector<1xf32> to vector<1x1xf32>
      %jit3A_344 = arith.constant 0.000000e+00 : f32
      %broadcast_in_dim3A_345 = vector.broadcast %jit3A_344 : f32 to vector<8x128xf32>
      %select_n3A_346 = arith.select %eq3A_335, %get3A_32, %broadcast_in_dim3A_345 : vector<8x128xi1>, vector<8x128xf32>
      %reduce_sum3A_347 = arith.constant dense<0.000000e+00> : vector<8xf32>
      %reduce_sum3A_348 = vector.multi_reduction <add>, %select_n3A_346, %reduce_sum3A_347 [1] : vector<8x128xf32> to vector<8xf32>
      %broadcast_in_dim3A_349 = vector.shape_cast %reduce_sum3A_348 : vector<8xf32> to vector<8x1xf32>
      %reduce_sum3A_350 = arith.constant dense<0.000000e+00> : vector<1xf32>
      %reduce_sum3A_351 = vector.multi_reduction <add>, %broadcast_in_dim3A_349, %reduce_sum3A_350 [0] : vector<8x1xf32> to vector<1xf32>
      %broadcast_in_dim3A_352 = vector.shape_cast %reduce_sum3A_351 : vector<1xf32> to vector<1x1xf32>
      %jit3A_353 = arith.constant 0.000000e+00 : f32
      %broadcast_in_dim3A_354 = vector.broadcast %jit3A_353 : f32 to vector<8x128xf32>
      %select_n3A_355 = arith.select %eq3A_335, %get3A_52, %broadcast_in_dim3A_354 : vector<8x128xi1>, vector<8x128xf32>
      %reduce_sum3A_356 = arith.constant dense<0.000000e+00> : vector<8xf32>
      %reduce_sum3A_357 = vector.multi_reduction <add>, %select_n3A_355, %reduce_sum3A_356 [1] : vector<8x128xf32> to vector<8xf32>
      %broadcast_in_dim3A_358 = vector.shape_cast %reduce_sum3A_357 : vector<8xf32> to vector<8x1xf32>
      %reduce_sum3A_359 = arith.constant dense<0.000000e+00> : vector<1xf32>
      %reduce_sum3A_360 = vector.multi_reduction <add>, %broadcast_in_dim3A_358, %reduce_sum3A_359 [0] : vector<8x1xf32> to vector<1xf32>
      %broadcast_in_dim3A_361 = vector.shape_cast %reduce_sum3A_360 : vector<1xf32> to vector<1x1xf32>
      %eq3A_362 = vector.broadcast %scan3A_298 : i32 to vector<8x32xi32>
      %eq3A_363 = arith.cmpi eq, %add3A_8, %eq3A_362 : vector<8x32xi32>
      %broadcast_in_dim3A_364 = vector.shape_cast %broadcast_in_dim3A_333 : vector<1x1xi32> to vector<1x1xi32>
      %broadcast_in_dim3A_365 = vector.broadcast %broadcast_in_dim3A_364 : vector<1x1xi32> to vector<8x32xi32>
      %select_n3A_366 = arith.select %eq3A_363, %broadcast_in_dim3A_365, %scan3A_300 : vector<8x32xi1>, vector<8x32xi32>
      %broadcast_in_dim3A_367 = vector.shape_cast %broadcast_in_dim3A_343 : vector<1x1xf32> to vector<1x1xf32>
      %broadcast_in_dim3A_368 = vector.broadcast %broadcast_in_dim3A_367 : vector<1x1xf32> to vector<8x32xf32>
      %select_n3A_369 = arith.select %eq3A_363, %broadcast_in_dim3A_368, %scan3A_301 : vector<8x32xi1>, vector<8x32xf32>
      %broadcast_in_dim3A_370 = vector.shape_cast %broadcast_in_dim3A_352 : vector<1x1xf32> to vector<1x1xf32>
      %broadcast_in_dim3A_371 = vector.broadcast %broadcast_in_dim3A_370 : vector<1x1xf32> to vector<8x32xf32>
      %select_n3A_372 = arith.select %eq3A_363, %broadcast_in_dim3A_371, %scan3A_302 : vector<8x32xi1>, vector<8x32xf32>
      %broadcast_in_dim3A_373 = vector.shape_cast %broadcast_in_dim3A_361 : vector<1x1xf32> to vector<1x1xf32>
      %broadcast_in_dim3A_374 = vector.broadcast %broadcast_in_dim3A_373 : vector<1x1xf32> to vector<8x32xf32>
      %select_n3A_375 = arith.select %eq3A_363, %broadcast_in_dim3A_374, %scan3A_303 : vector<8x32xi1>, vector<8x32xf32>
      %sub3A_376 = vector.broadcast %broadcast_in_dim3A_343 : vector<1x1xf32> to vector<8x128xf32>
      %sub3A_377 = arith.subf %get3A_12, %sub3A_376 : vector<8x128xf32>
      %sub3A_378 = vector.broadcast %broadcast_in_dim3A_352 : vector<1x1xf32> to vector<8x128xf32>
      %sub3A_379 = arith.subf %get3A_32, %sub3A_378 : vector<8x128xf32>
      %sub3A_380 = vector.broadcast %broadcast_in_dim3A_361 : vector<1x1xf32> to vector<8x128xf32>
      %sub3A_381 = arith.subf %get3A_52, %sub3A_380 : vector<8x128xf32>
      %mul3A_382 = arith.mulf %sub3A_377, %sub3A_377 : vector<8x128xf32>
      %mul3A_383 = arith.mulf %sub3A_379, %sub3A_379 : vector<8x128xf32>
      %add3A_384 = arith.addf %mul3A_382, %mul3A_383 : vector<8x128xf32>
      %mul3A_385 = arith.mulf %sub3A_381, %sub3A_381 : vector<8x128xf32>
      %add3A_386 = arith.addf %add3A_384, %mul3A_385 : vector<8x128xf32>
      %min3A = arith.minimumf %scan3A_299, %add3A_386 : vector<8x128xf32>
      %reduce_max3A_387 = arith.constant dense<0xFF800000> : vector<8xf32>
      %reduce_max3A_388 = vector.multi_reduction <maximumf>, %scan3A_304, %reduce_max3A_387 [1] : vector<8x128xf32> to vector<8xf32>
      %broadcast_in_dim3A_389 = vector.shape_cast %reduce_max3A_388 : vector<8xf32> to vector<8x1xf32>
      %reduce_max3A_390 = arith.constant dense<0xFF800000> : vector<1xf32>
      %reduce_max3A_391 = vector.multi_reduction <maximumf>, %broadcast_in_dim3A_389, %reduce_max3A_390 [0] : vector<8x1xf32> to vector<1xf32>
      %broadcast_in_dim3A_392 = vector.shape_cast %reduce_max3A_391 : vector<1xf32> to vector<1x1xf32>
      %eq3A_393 = vector.broadcast %broadcast_in_dim3A_392 : vector<1x1xf32> to vector<8x128xf32>
      %eq3A_394 = arith.cmpf oeq, %scan3A_304, %eq3A_393 : vector<8x128xf32>
      %jit3A_395 = arith.constant 1024 : i32
      %broadcast_in_dim3A_396 = vector.broadcast %jit3A_395 : i32 to vector<8x128xi32>
      %select_n3A_397 = arith.select %eq3A_394, %add3A, %broadcast_in_dim3A_396 : vector<8x128xi1>, vector<8x128xi32>
      %reduce_min3A_398 = arith.constant dense<2147483647> : vector<8xi32>
      %reduce_min3A_399 = vector.multi_reduction <minsi>, %select_n3A_397, %reduce_min3A_398 [1] : vector<8x128xi32> to vector<8xi32>
      %broadcast_in_dim3A_400 = vector.shape_cast %reduce_min3A_399 : vector<8xi32> to vector<8x1xi32>
      %reduce_min3A_401 = arith.constant dense<2147483647> : vector<1xi32>
      %reduce_min3A_402 = vector.multi_reduction <minsi>, %broadcast_in_dim3A_400, %reduce_min3A_401 [0] : vector<8x1xi32> to vector<1xi32>
      %broadcast_in_dim3A_403 = vector.shape_cast %reduce_min3A_402 : vector<1xi32> to vector<1x1xi32>
      %eq3A_404 = vector.broadcast %broadcast_in_dim3A_403 : vector<1x1xi32> to vector<8x128xi32>
      %eq3A_405 = arith.cmpi eq, %add3A, %eq3A_404 : vector<8x128xi32>
      %jit3A_406 = arith.constant 0.000000e+00 : f32
      %broadcast_in_dim3A_407 = vector.broadcast %jit3A_406 : f32 to vector<8x128xf32>
      %select_n3A_408 = arith.select %eq3A_405, %get3A_17, %broadcast_in_dim3A_407 : vector<8x128xi1>, vector<8x128xf32>
      %reduce_sum3A_409 = arith.constant dense<0.000000e+00> : vector<8xf32>
      %reduce_sum3A_410 = vector.multi_reduction <add>, %select_n3A_408, %reduce_sum3A_409 [1] : vector<8x128xf32> to vector<8xf32>
      %broadcast_in_dim3A_411 = vector.shape_cast %reduce_sum3A_410 : vector<8xf32> to vector<8x1xf32>
      %reduce_sum3A_412 = arith.constant dense<0.000000e+00> : vector<1xf32>
      %reduce_sum3A_413 = vector.multi_reduction <add>, %broadcast_in_dim3A_411, %reduce_sum3A_412 [0] : vector<8x1xf32> to vector<1xf32>
      %broadcast_in_dim3A_414 = vector.shape_cast %reduce_sum3A_413 : vector<1xf32> to vector<1x1xf32>
      %jit3A_415 = arith.constant 0.000000e+00 : f32
      %broadcast_in_dim3A_416 = vector.broadcast %jit3A_415 : f32 to vector<8x128xf32>
      %select_n3A_417 = arith.select %eq3A_405, %get3A_37, %broadcast_in_dim3A_416 : vector<8x128xi1>, vector<8x128xf32>
      %reduce_sum3A_418 = arith.constant dense<0.000000e+00> : vector<8xf32>
      %reduce_sum3A_419 = vector.multi_reduction <add>, %select_n3A_417, %reduce_sum3A_418 [1] : vector<8x128xf32> to vector<8xf32>
      %broadcast_in_dim3A_420 = vector.shape_cast %reduce_sum3A_419 : vector<8xf32> to vector<8x1xf32>
      %reduce_sum3A_421 = arith.constant dense<0.000000e+00> : vector<1xf32>
      %reduce_sum3A_422 = vector.multi_reduction <add>, %broadcast_in_dim3A_420, %reduce_sum3A_421 [0] : vector<8x1xf32> to vector<1xf32>
      %broadcast_in_dim3A_423 = vector.shape_cast %reduce_sum3A_422 : vector<1xf32> to vector<1x1xf32>
      %jit3A_424 = arith.constant 0.000000e+00 : f32
      %broadcast_in_dim3A_425 = vector.broadcast %jit3A_424 : f32 to vector<8x128xf32>
      %select_n3A_426 = arith.select %eq3A_405, %get3A_57, %broadcast_in_dim3A_425 : vector<8x128xi1>, vector<8x128xf32>
      %reduce_sum3A_427 = arith.constant dense<0.000000e+00> : vector<8xf32>
      %reduce_sum3A_428 = vector.multi_reduction <add>, %select_n3A_426, %reduce_sum3A_427 [1] : vector<8x128xf32> to vector<8xf32>
      %broadcast_in_dim3A_429 = vector.shape_cast %reduce_sum3A_428 : vector<8xf32> to vector<8x1xf32>
      %reduce_sum3A_430 = arith.constant dense<0.000000e+00> : vector<1xf32>
      %reduce_sum3A_431 = vector.multi_reduction <add>, %broadcast_in_dim3A_429, %reduce_sum3A_430 [0] : vector<8x1xf32> to vector<1xf32>
      %broadcast_in_dim3A_432 = vector.shape_cast %reduce_sum3A_431 : vector<1xf32> to vector<1x1xf32>
      %eq3A_433 = vector.broadcast %scan3A_298 : i32 to vector<8x32xi32>
      %eq3A_434 = arith.cmpi eq, %add3A_8, %eq3A_433 : vector<8x32xi32>
      %broadcast_in_dim3A_435 = vector.shape_cast %broadcast_in_dim3A_403 : vector<1x1xi32> to vector<1x1xi32>
      %broadcast_in_dim3A_436 = vector.broadcast %broadcast_in_dim3A_435 : vector<1x1xi32> to vector<8x32xi32>
      %select_n3A_437 = arith.select %eq3A_434, %broadcast_in_dim3A_436, %scan3A_305 : vector<8x32xi1>, vector<8x32xi32>
      %broadcast_in_dim3A_438 = vector.shape_cast %broadcast_in_dim3A_414 : vector<1x1xf32> to vector<1x1xf32>
      %broadcast_in_dim3A_439 = vector.broadcast %broadcast_in_dim3A_438 : vector<1x1xf32> to vector<8x32xf32>
      %select_n3A_440 = arith.select %eq3A_434, %broadcast_in_dim3A_439, %scan3A_306 : vector<8x32xi1>, vector<8x32xf32>
      %broadcast_in_dim3A_441 = vector.shape_cast %broadcast_in_dim3A_423 : vector<1x1xf32> to vector<1x1xf32>
      %broadcast_in_dim3A_442 = vector.broadcast %broadcast_in_dim3A_441 : vector<1x1xf32> to vector<8x32xf32>
      %select_n3A_443 = arith.select %eq3A_434, %broadcast_in_dim3A_442, %scan3A_307 : vector<8x32xi1>, vector<8x32xf32>
      %broadcast_in_dim3A_444 = vector.shape_cast %broadcast_in_dim3A_432 : vector<1x1xf32> to vector<1x1xf32>
      %broadcast_in_dim3A_445 = vector.broadcast %broadcast_in_dim3A_444 : vector<1x1xf32> to vector<8x32xf32>
      %select_n3A_446 = arith.select %eq3A_434, %broadcast_in_dim3A_445, %scan3A_308 : vector<8x32xi1>, vector<8x32xf32>
      %sub3A_447 = vector.broadcast %broadcast_in_dim3A_414 : vector<1x1xf32> to vector<8x128xf32>
      %sub3A_448 = arith.subf %get3A_17, %sub3A_447 : vector<8x128xf32>
      %sub3A_449 = vector.broadcast %broadcast_in_dim3A_423 : vector<1x1xf32> to vector<8x128xf32>
      %sub3A_450 = arith.subf %get3A_37, %sub3A_449 : vector<8x128xf32>
      %sub3A_451 = vector.broadcast %broadcast_in_dim3A_432 : vector<1x1xf32> to vector<8x128xf32>
      %sub3A_452 = arith.subf %get3A_57, %sub3A_451 : vector<8x128xf32>
      %mul3A_453 = arith.mulf %sub3A_448, %sub3A_448 : vector<8x128xf32>
      %mul3A_454 = arith.mulf %sub3A_450, %sub3A_450 : vector<8x128xf32>
      %add3A_455 = arith.addf %mul3A_453, %mul3A_454 : vector<8x128xf32>
      %mul3A_456 = arith.mulf %sub3A_452, %sub3A_452 : vector<8x128xf32>
      %add3A_457 = arith.addf %add3A_455, %mul3A_456 : vector<8x128xf32>
      %min3A_458 = arith.minimumf %scan3A_304, %add3A_457 : vector<8x128xf32>
      %reduce_max3A_459 = arith.constant dense<0xFF800000> : vector<8xf32>
      %reduce_max3A_460 = vector.multi_reduction <maximumf>, %scan3A_309, %reduce_max3A_459 [1] : vector<8x128xf32> to vector<8xf32>
      %broadcast_in_dim3A_461 = vector.shape_cast %reduce_max3A_460 : vector<8xf32> to vector<8x1xf32>
      %reduce_max3A_462 = arith.constant dense<0xFF800000> : vector<1xf32>
      %reduce_max3A_463 = vector.multi_reduction <maximumf>, %broadcast_in_dim3A_461, %reduce_max3A_462 [0] : vector<8x1xf32> to vector<1xf32>
      %broadcast_in_dim3A_464 = vector.shape_cast %reduce_max3A_463 : vector<1xf32> to vector<1x1xf32>
      %eq3A_465 = vector.broadcast %broadcast_in_dim3A_464 : vector<1x1xf32> to vector<8x128xf32>
      %eq3A_466 = arith.cmpf oeq, %scan3A_309, %eq3A_465 : vector<8x128xf32>
      %jit3A_467 = arith.constant 1024 : i32
      %broadcast_in_dim3A_468 = vector.broadcast %jit3A_467 : i32 to vector<8x128xi32>
      %select_n3A_469 = arith.select %eq3A_466, %add3A, %broadcast_in_dim3A_468 : vector<8x128xi1>, vector<8x128xi32>
      %reduce_min3A_470 = arith.constant dense<2147483647> : vector<8xi32>
      %reduce_min3A_471 = vector.multi_reduction <minsi>, %select_n3A_469, %reduce_min3A_470 [1] : vector<8x128xi32> to vector<8xi32>
      %broadcast_in_dim3A_472 = vector.shape_cast %reduce_min3A_471 : vector<8xi32> to vector<8x1xi32>
      %reduce_min3A_473 = arith.constant dense<2147483647> : vector<1xi32>
      %reduce_min3A_474 = vector.multi_reduction <minsi>, %broadcast_in_dim3A_472, %reduce_min3A_473 [0] : vector<8x1xi32> to vector<1xi32>
      %broadcast_in_dim3A_475 = vector.shape_cast %reduce_min3A_474 : vector<1xi32> to vector<1x1xi32>
      %eq3A_476 = vector.broadcast %broadcast_in_dim3A_475 : vector<1x1xi32> to vector<8x128xi32>
      %eq3A_477 = arith.cmpi eq, %add3A, %eq3A_476 : vector<8x128xi32>
      %jit3A_478 = arith.constant 0.000000e+00 : f32
      %broadcast_in_dim3A_479 = vector.broadcast %jit3A_478 : f32 to vector<8x128xf32>
      %select_n3A_480 = arith.select %eq3A_477, %get3A_22, %broadcast_in_dim3A_479 : vector<8x128xi1>, vector<8x128xf32>
      %reduce_sum3A_481 = arith.constant dense<0.000000e+00> : vector<8xf32>
      %reduce_sum3A_482 = vector.multi_reduction <add>, %select_n3A_480, %reduce_sum3A_481 [1] : vector<8x128xf32> to vector<8xf32>
      %broadcast_in_dim3A_483 = vector.shape_cast %reduce_sum3A_482 : vector<8xf32> to vector<8x1xf32>
      %reduce_sum3A_484 = arith.constant dense<0.000000e+00> : vector<1xf32>
      %reduce_sum3A_485 = vector.multi_reduction <add>, %broadcast_in_dim3A_483, %reduce_sum3A_484 [0] : vector<8x1xf32> to vector<1xf32>
      %broadcast_in_dim3A_486 = vector.shape_cast %reduce_sum3A_485 : vector<1xf32> to vector<1x1xf32>
      %jit3A_487 = arith.constant 0.000000e+00 : f32
      %broadcast_in_dim3A_488 = vector.broadcast %jit3A_487 : f32 to vector<8x128xf32>
      %select_n3A_489 = arith.select %eq3A_477, %get3A_42, %broadcast_in_dim3A_488 : vector<8x128xi1>, vector<8x128xf32>
      %reduce_sum3A_490 = arith.constant dense<0.000000e+00> : vector<8xf32>
      %reduce_sum3A_491 = vector.multi_reduction <add>, %select_n3A_489, %reduce_sum3A_490 [1] : vector<8x128xf32> to vector<8xf32>
      %broadcast_in_dim3A_492 = vector.shape_cast %reduce_sum3A_491 : vector<8xf32> to vector<8x1xf32>
      %reduce_sum3A_493 = arith.constant dense<0.000000e+00> : vector<1xf32>
      %reduce_sum3A_494 = vector.multi_reduction <add>, %broadcast_in_dim3A_492, %reduce_sum3A_493 [0] : vector<8x1xf32> to vector<1xf32>
      %broadcast_in_dim3A_495 = vector.shape_cast %reduce_sum3A_494 : vector<1xf32> to vector<1x1xf32>
      %jit3A_496 = arith.constant 0.000000e+00 : f32
      %broadcast_in_dim3A_497 = vector.broadcast %jit3A_496 : f32 to vector<8x128xf32>
      %select_n3A_498 = arith.select %eq3A_477, %get3A_62, %broadcast_in_dim3A_497 : vector<8x128xi1>, vector<8x128xf32>
      %reduce_sum3A_499 = arith.constant dense<0.000000e+00> : vector<8xf32>
      %reduce_sum3A_500 = vector.multi_reduction <add>, %select_n3A_498, %reduce_sum3A_499 [1] : vector<8x128xf32> to vector<8xf32>
      %broadcast_in_dim3A_501 = vector.shape_cast %reduce_sum3A_500 : vector<8xf32> to vector<8x1xf32>
      %reduce_sum3A_502 = arith.constant dense<0.000000e+00> : vector<1xf32>
      %reduce_sum3A_503 = vector.multi_reduction <add>, %broadcast_in_dim3A_501, %reduce_sum3A_502 [0] : vector<8x1xf32> to vector<1xf32>
      %broadcast_in_dim3A_504 = vector.shape_cast %reduce_sum3A_503 : vector<1xf32> to vector<1x1xf32>
      %eq3A_505 = vector.broadcast %scan3A_298 : i32 to vector<8x32xi32>
      %eq3A_506 = arith.cmpi eq, %add3A_8, %eq3A_505 : vector<8x32xi32>
      %broadcast_in_dim3A_507 = vector.shape_cast %broadcast_in_dim3A_475 : vector<1x1xi32> to vector<1x1xi32>
      %broadcast_in_dim3A_508 = vector.broadcast %broadcast_in_dim3A_507 : vector<1x1xi32> to vector<8x32xi32>
      %select_n3A_509 = arith.select %eq3A_506, %broadcast_in_dim3A_508, %scan3A_310 : vector<8x32xi1>, vector<8x32xi32>
      %broadcast_in_dim3A_510 = vector.shape_cast %broadcast_in_dim3A_486 : vector<1x1xf32> to vector<1x1xf32>
      %broadcast_in_dim3A_511 = vector.broadcast %broadcast_in_dim3A_510 : vector<1x1xf32> to vector<8x32xf32>
      %select_n3A_512 = arith.select %eq3A_506, %broadcast_in_dim3A_511, %scan3A_311 : vector<8x32xi1>, vector<8x32xf32>
      %broadcast_in_dim3A_513 = vector.shape_cast %broadcast_in_dim3A_495 : vector<1x1xf32> to vector<1x1xf32>
      %broadcast_in_dim3A_514 = vector.broadcast %broadcast_in_dim3A_513 : vector<1x1xf32> to vector<8x32xf32>
      %select_n3A_515 = arith.select %eq3A_506, %broadcast_in_dim3A_514, %scan3A_312 : vector<8x32xi1>, vector<8x32xf32>
      %broadcast_in_dim3A_516 = vector.shape_cast %broadcast_in_dim3A_504 : vector<1x1xf32> to vector<1x1xf32>
      %broadcast_in_dim3A_517 = vector.broadcast %broadcast_in_dim3A_516 : vector<1x1xf32> to vector<8x32xf32>
      %select_n3A_518 = arith.select %eq3A_506, %broadcast_in_dim3A_517, %scan3A_313 : vector<8x32xi1>, vector<8x32xf32>
      %sub3A_519 = vector.broadcast %broadcast_in_dim3A_486 : vector<1x1xf32> to vector<8x128xf32>
      %sub3A_520 = arith.subf %get3A_22, %sub3A_519 : vector<8x128xf32>
      %sub3A_521 = vector.broadcast %broadcast_in_dim3A_495 : vector<1x1xf32> to vector<8x128xf32>
      %sub3A_522 = arith.subf %get3A_42, %sub3A_521 : vector<8x128xf32>
      %sub3A_523 = vector.broadcast %broadcast_in_dim3A_504 : vector<1x1xf32> to vector<8x128xf32>
      %sub3A_524 = arith.subf %get3A_62, %sub3A_523 : vector<8x128xf32>
      %mul3A_525 = arith.mulf %sub3A_520, %sub3A_520 : vector<8x128xf32>
      %mul3A_526 = arith.mulf %sub3A_522, %sub3A_522 : vector<8x128xf32>
      %add3A_527 = arith.addf %mul3A_525, %mul3A_526 : vector<8x128xf32>
      %mul3A_528 = arith.mulf %sub3A_524, %sub3A_524 : vector<8x128xf32>
      %add3A_529 = arith.addf %add3A_527, %mul3A_528 : vector<8x128xf32>
      %min3A_530 = arith.minimumf %scan3A_309, %add3A_529 : vector<8x128xf32>
      %reduce_max3A_531 = arith.constant dense<0xFF800000> : vector<8xf32>
      %reduce_max3A_532 = vector.multi_reduction <maximumf>, %scan3A_314, %reduce_max3A_531 [1] : vector<8x128xf32> to vector<8xf32>
      %broadcast_in_dim3A_533 = vector.shape_cast %reduce_max3A_532 : vector<8xf32> to vector<8x1xf32>
      %reduce_max3A_534 = arith.constant dense<0xFF800000> : vector<1xf32>
      %reduce_max3A_535 = vector.multi_reduction <maximumf>, %broadcast_in_dim3A_533, %reduce_max3A_534 [0] : vector<8x1xf32> to vector<1xf32>
      %broadcast_in_dim3A_536 = vector.shape_cast %reduce_max3A_535 : vector<1xf32> to vector<1x1xf32>
      %eq3A_537 = vector.broadcast %broadcast_in_dim3A_536 : vector<1x1xf32> to vector<8x128xf32>
      %eq3A_538 = arith.cmpf oeq, %scan3A_314, %eq3A_537 : vector<8x128xf32>
      %jit3A_539 = arith.constant 1024 : i32
      %broadcast_in_dim3A_540 = vector.broadcast %jit3A_539 : i32 to vector<8x128xi32>
      %select_n3A_541 = arith.select %eq3A_538, %add3A, %broadcast_in_dim3A_540 : vector<8x128xi1>, vector<8x128xi32>
      %reduce_min3A_542 = arith.constant dense<2147483647> : vector<8xi32>
      %reduce_min3A_543 = vector.multi_reduction <minsi>, %select_n3A_541, %reduce_min3A_542 [1] : vector<8x128xi32> to vector<8xi32>
      %broadcast_in_dim3A_544 = vector.shape_cast %reduce_min3A_543 : vector<8xi32> to vector<8x1xi32>
      %reduce_min3A_545 = arith.constant dense<2147483647> : vector<1xi32>
      %reduce_min3A_546 = vector.multi_reduction <minsi>, %broadcast_in_dim3A_544, %reduce_min3A_545 [0] : vector<8x1xi32> to vector<1xi32>
      %broadcast_in_dim3A_547 = vector.shape_cast %reduce_min3A_546 : vector<1xi32> to vector<1x1xi32>
      %eq3A_548 = vector.broadcast %broadcast_in_dim3A_547 : vector<1x1xi32> to vector<8x128xi32>
      %eq3A_549 = arith.cmpi eq, %add3A, %eq3A_548 : vector<8x128xi32>
      %jit3A_550 = arith.constant 0.000000e+00 : f32
      %broadcast_in_dim3A_551 = vector.broadcast %jit3A_550 : f32 to vector<8x128xf32>
      %select_n3A_552 = arith.select %eq3A_549, %get3A_27, %broadcast_in_dim3A_551 : vector<8x128xi1>, vector<8x128xf32>
      %reduce_sum3A_553 = arith.constant dense<0.000000e+00> : vector<8xf32>
      %reduce_sum3A_554 = vector.multi_reduction <add>, %select_n3A_552, %reduce_sum3A_553 [1] : vector<8x128xf32> to vector<8xf32>
      %broadcast_in_dim3A_555 = vector.shape_cast %reduce_sum3A_554 : vector<8xf32> to vector<8x1xf32>
      %reduce_sum3A_556 = arith.constant dense<0.000000e+00> : vector<1xf32>
      %reduce_sum3A_557 = vector.multi_reduction <add>, %broadcast_in_dim3A_555, %reduce_sum3A_556 [0] : vector<8x1xf32> to vector<1xf32>
      %broadcast_in_dim3A_558 = vector.shape_cast %reduce_sum3A_557 : vector<1xf32> to vector<1x1xf32>
      %jit3A_559 = arith.constant 0.000000e+00 : f32
      %broadcast_in_dim3A_560 = vector.broadcast %jit3A_559 : f32 to vector<8x128xf32>
      %select_n3A_561 = arith.select %eq3A_549, %get3A_47, %broadcast_in_dim3A_560 : vector<8x128xi1>, vector<8x128xf32>
      %reduce_sum3A_562 = arith.constant dense<0.000000e+00> : vector<8xf32>
      %reduce_sum3A_563 = vector.multi_reduction <add>, %select_n3A_561, %reduce_sum3A_562 [1] : vector<8x128xf32> to vector<8xf32>
      %broadcast_in_dim3A_564 = vector.shape_cast %reduce_sum3A_563 : vector<8xf32> to vector<8x1xf32>
      %reduce_sum3A_565 = arith.constant dense<0.000000e+00> : vector<1xf32>
      %reduce_sum3A_566 = vector.multi_reduction <add>, %broadcast_in_dim3A_564, %reduce_sum3A_565 [0] : vector<8x1xf32> to vector<1xf32>
      %broadcast_in_dim3A_567 = vector.shape_cast %reduce_sum3A_566 : vector<1xf32> to vector<1x1xf32>
      %jit3A_568 = arith.constant 0.000000e+00 : f32
      %broadcast_in_dim3A_569 = vector.broadcast %jit3A_568 : f32 to vector<8x128xf32>
      %select_n3A_570 = arith.select %eq3A_549, %get3A_67, %broadcast_in_dim3A_569 : vector<8x128xi1>, vector<8x128xf32>
      %reduce_sum3A_571 = arith.constant dense<0.000000e+00> : vector<8xf32>
      %reduce_sum3A_572 = vector.multi_reduction <add>, %select_n3A_570, %reduce_sum3A_571 [1] : vector<8x128xf32> to vector<8xf32>
      %broadcast_in_dim3A_573 = vector.shape_cast %reduce_sum3A_572 : vector<8xf32> to vector<8x1xf32>
      %reduce_sum3A_574 = arith.constant dense<0.000000e+00> : vector<1xf32>
      %reduce_sum3A_575 = vector.multi_reduction <add>, %broadcast_in_dim3A_573, %reduce_sum3A_574 [0] : vector<8x1xf32> to vector<1xf32>
      %broadcast_in_dim3A_576 = vector.shape_cast %reduce_sum3A_575 : vector<1xf32> to vector<1x1xf32>
      %eq3A_577 = vector.broadcast %scan3A_298 : i32 to vector<8x32xi32>
      %eq3A_578 = arith.cmpi eq, %add3A_8, %eq3A_577 : vector<8x32xi32>
      %broadcast_in_dim3A_579 = vector.shape_cast %broadcast_in_dim3A_547 : vector<1x1xi32> to vector<1x1xi32>
      %broadcast_in_dim3A_580 = vector.broadcast %broadcast_in_dim3A_579 : vector<1x1xi32> to vector<8x32xi32>
      %select_n3A_581 = arith.select %eq3A_578, %broadcast_in_dim3A_580, %scan3A_315 : vector<8x32xi1>, vector<8x32xi32>
      %broadcast_in_dim3A_582 = vector.shape_cast %broadcast_in_dim3A_558 : vector<1x1xf32> to vector<1x1xf32>
      %broadcast_in_dim3A_583 = vector.broadcast %broadcast_in_dim3A_582 : vector<1x1xf32> to vector<8x32xf32>
      %select_n3A_584 = arith.select %eq3A_578, %broadcast_in_dim3A_583, %scan3A_316 : vector<8x32xi1>, vector<8x32xf32>
      %broadcast_in_dim3A_585 = vector.shape_cast %broadcast_in_dim3A_567 : vector<1x1xf32> to vector<1x1xf32>
      %broadcast_in_dim3A_586 = vector.broadcast %broadcast_in_dim3A_585 : vector<1x1xf32> to vector<8x32xf32>
      %select_n3A_587 = arith.select %eq3A_578, %broadcast_in_dim3A_586, %scan3A_317 : vector<8x32xi1>, vector<8x32xf32>
      %broadcast_in_dim3A_588 = vector.shape_cast %broadcast_in_dim3A_576 : vector<1x1xf32> to vector<1x1xf32>
      %broadcast_in_dim3A_589 = vector.broadcast %broadcast_in_dim3A_588 : vector<1x1xf32> to vector<8x32xf32>
      %select_n3A_590 = arith.select %eq3A_578, %broadcast_in_dim3A_589, %scan3A_318 : vector<8x32xi1>, vector<8x32xf32>
      %sub3A_591 = vector.broadcast %broadcast_in_dim3A_558 : vector<1x1xf32> to vector<8x128xf32>
      %sub3A_592 = arith.subf %get3A_27, %sub3A_591 : vector<8x128xf32>
      %sub3A_593 = vector.broadcast %broadcast_in_dim3A_567 : vector<1x1xf32> to vector<8x128xf32>
      %sub3A_594 = arith.subf %get3A_47, %sub3A_593 : vector<8x128xf32>
      %sub3A_595 = vector.broadcast %broadcast_in_dim3A_576 : vector<1x1xf32> to vector<8x128xf32>
      %sub3A_596 = arith.subf %get3A_67, %sub3A_595 : vector<8x128xf32>
      %mul3A_597 = arith.mulf %sub3A_592, %sub3A_592 : vector<8x128xf32>
      %mul3A_598 = arith.mulf %sub3A_594, %sub3A_594 : vector<8x128xf32>
      %add3A_599 = arith.addf %mul3A_597, %mul3A_598 : vector<8x128xf32>
      %mul3A_600 = arith.mulf %sub3A_596, %sub3A_596 : vector<8x128xf32>
      %add3A_601 = arith.addf %add3A_599, %mul3A_600 : vector<8x128xf32>
      %min3A_602 = arith.minimumf %scan3A_314, %add3A_601 : vector<8x128xf32>
      scf.yield %min3A, %select_n3A_366, %select_n3A_369, %select_n3A_372, %select_n3A_375, %min3A_458, %select_n3A_437, %select_n3A_440, %select_n3A_443, %select_n3A_446, %min3A_530, %select_n3A_509, %select_n3A_512, %select_n3A_515, %select_n3A_518, %min3A_602, %select_n3A_581, %select_n3A_584, %select_n3A_587, %select_n3A_590 : vector<8x128xf32>, vector<8x32xi32>, vector<8x32xf32>, vector<8x32xf32>, vector<8x32xf32>, vector<8x128xf32>, vector<8x32xi32>, vector<8x32xf32>, vector<8x32xf32>, vector<8x32xf32>, vector<8x128xf32>, vector<8x32xi32>, vector<8x32xf32>, vector<8x32xf32>, vector<8x32xf32>, vector<8x128xf32>, vector<8x32xi32>, vector<8x32xf32>, vector<8x32xf32>, vector<8x32xf32>
    }
    %scan3A_202 = arith.constant 255 : i32
    %swap3A = arith.constant 0 : index
    %swap3A_203 = arith.constant 0 : index
    %swap3A_204 = arith.constant 0 : index
    %swap3A_205 = vector.load %arg3[%swap3A, %swap3A_203, %swap3A_204] : memref<4x8x32xi32, #tpu.memory_space<vmem>>, vector<1x8x32xi32>
    %swap3A_206 = vector.shape_cast %swap3A_205 : vector<1x8x32xi32> to vector<8x32xi32>
    %swap3A_207 = vector.shape_cast %scan3A_201#1 : vector<8x32xi32> to vector<1x8x32xi32>
    tpu.vector_store %arg3[%swap3A, %swap3A_203, %swap3A_204], %swap3A_207 {strides = array<i32>} : memref<4x8x32xi32, #tpu.memory_space<vmem>>, vector<1x8x32xi32>,
    %swap3A_208 = arith.constant 0 : index
    %swap3A_209 = arith.constant 0 : index
    %swap3A_210 = arith.constant 0 : index
    %swap3A_211 = vector.load %arg4[%swap3A_208, %swap3A_209, %swap3A_210] : memref<4x8x32xf32, #tpu.memory_space<vmem>>, vector<1x8x32xf32>
    %swap3A_212 = vector.shape_cast %swap3A_211 : vector<1x8x32xf32> to vector<8x32xf32>
    %swap3A_213 = vector.shape_cast %scan3A_201#2 : vector<8x32xf32> to vector<1x8x32xf32>
    tpu.vector_store %arg4[%swap3A_208, %swap3A_209, %swap3A_210], %swap3A_213 {strides = array<i32>} : memref<4x8x32xf32, #tpu.memory_space<vmem>>, vector<1x8x32xf32>,
    %swap3A_214 = arith.constant 0 : index
    %swap3A_215 = arith.constant 0 : index
    %swap3A_216 = arith.constant 0 : index
    %swap3A_217 = vector.load %arg5[%swap3A_214, %swap3A_215, %swap3A_216] : memref<4x8x32xf32, #tpu.memory_space<vmem>>, vector<1x8x32xf32>
    %swap3A_218 = vector.shape_cast %swap3A_217 : vector<1x8x32xf32> to vector<8x32xf32>
    %swap3A_219 = vector.shape_cast %scan3A_201#3 : vector<8x32xf32> to vector<1x8x32xf32>
    tpu.vector_store %arg5[%swap3A_214, %swap3A_215, %swap3A_216], %swap3A_219 {strides = array<i32>} : memref<4x8x32xf32, #tpu.memory_space<vmem>>, vector<1x8x32xf32>,
    %swap3A_220 = arith.constant 0 : index
    %swap3A_221 = arith.constant 0 : index
    %swap3A_222 = arith.constant 0 : index
    %swap3A_223 = vector.load %arg6[%swap3A_220, %swap3A_221, %swap3A_222] : memref<4x8x32xf32, #tpu.memory_space<vmem>>, vector<1x8x32xf32>
    %swap3A_224 = vector.shape_cast %swap3A_223 : vector<1x8x32xf32> to vector<8x32xf32>
    %swap3A_225 = vector.shape_cast %scan3A_201#4 : vector<8x32xf32> to vector<1x8x32xf32>
    tpu.vector_store %arg6[%swap3A_220, %swap3A_221, %swap3A_222], %swap3A_225 {strides = array<i32>} : memref<4x8x32xf32, #tpu.memory_space<vmem>>, vector<1x8x32xf32>,
    %swap3A_226 = arith.constant 1 : index
    %swap3A_227 = arith.constant 0 : index
    %swap3A_228 = arith.constant 0 : index
    %swap3A_229 = vector.load %arg3[%swap3A_226, %swap3A_227, %swap3A_228] : memref<4x8x32xi32, #tpu.memory_space<vmem>>, vector<1x8x32xi32>
    %swap3A_230 = vector.shape_cast %swap3A_229 : vector<1x8x32xi32> to vector<8x32xi32>
    %swap3A_231 = vector.shape_cast %scan3A_201#6 : vector<8x32xi32> to vector<1x8x32xi32>
    tpu.vector_store %arg3[%swap3A_226, %swap3A_227, %swap3A_228], %swap3A_231 {strides = array<i32>} : memref<4x8x32xi32, #tpu.memory_space<vmem>>, vector<1x8x32xi32>,
    %swap3A_232 = arith.constant 1 : index
    %swap3A_233 = arith.constant 0 : index
    %swap3A_234 = arith.constant 0 : index
    %swap3A_235 = vector.load %arg4[%swap3A_232, %swap3A_233, %swap3A_234] : memref<4x8x32xf32, #tpu.memory_space<vmem>>, vector<1x8x32xf32>
    %swap3A_236 = vector.shape_cast %swap3A_235 : vector<1x8x32xf32> to vector<8x32xf32>
    %swap3A_237 = vector.shape_cast %scan3A_201#7 : vector<8x32xf32> to vector<1x8x32xf32>
    tpu.vector_store %arg4[%swap3A_232, %swap3A_233, %swap3A_234], %swap3A_237 {strides = array<i32>} : memref<4x8x32xf32, #tpu.memory_space<vmem>>, vector<1x8x32xf32>,
    %swap3A_238 = arith.constant 1 : index
    %swap3A_239 = arith.constant 0 : index
    %swap3A_240 = arith.constant 0 : index
    %swap3A_241 = vector.load %arg5[%swap3A_238, %swap3A_239, %swap3A_240] : memref<4x8x32xf32, #tpu.memory_space<vmem>>, vector<1x8x32xf32>
    %swap3A_242 = vector.shape_cast %swap3A_241 : vector<1x8x32xf32> to vector<8x32xf32>
    %swap3A_243 = vector.shape_cast %scan3A_201#8 : vector<8x32xf32> to vector<1x8x32xf32>
    tpu.vector_store %arg5[%swap3A_238, %swap3A_239, %swap3A_240], %swap3A_243 {strides = array<i32>} : memref<4x8x32xf32, #tpu.memory_space<vmem>>, vector<1x8x32xf32>,
    %swap3A_244 = arith.constant 1 : index
    %swap3A_245 = arith.constant 0 : index
    %swap3A_246 = arith.constant 0 : index
    %swap3A_247 = vector.load %arg6[%swap3A_244, %swap3A_245, %swap3A_246] : memref<4x8x32xf32, #tpu.memory_space<vmem>>, vector<1x8x32xf32>
    %swap3A_248 = vector.shape_cast %swap3A_247 : vector<1x8x32xf32> to vector<8x32xf32>
    %swap3A_249 = vector.shape_cast %scan3A_201#9 : vector<8x32xf32> to vector<1x8x32xf32>
    tpu.vector_store %arg6[%swap3A_244, %swap3A_245, %swap3A_246], %swap3A_249 {strides = array<i32>} : memref<4x8x32xf32, #tpu.memory_space<vmem>>, vector<1x8x32xf32>,
    %swap3A_250 = arith.constant 2 : index
    %swap3A_251 = arith.constant 0 : index
    %swap3A_252 = arith.constant 0 : index
    %swap3A_253 = vector.load %arg3[%swap3A_250, %swap3A_251, %swap3A_252] : memref<4x8x32xi32, #tpu.memory_space<vmem>>, vector<1x8x32xi32>
    %swap3A_254 = vector.shape_cast %swap3A_253 : vector<1x8x32xi32> to vector<8x32xi32>
    %swap3A_255 = vector.shape_cast %scan3A_201#11 : vector<8x32xi32> to vector<1x8x32xi32>
    tpu.vector_store %arg3[%swap3A_250, %swap3A_251, %swap3A_252], %swap3A_255 {strides = array<i32>} : memref<4x8x32xi32, #tpu.memory_space<vmem>>, vector<1x8x32xi32>,
    %swap3A_256 = arith.constant 2 : index
    %swap3A_257 = arith.constant 0 : index
    %swap3A_258 = arith.constant 0 : index
    %swap3A_259 = vector.load %arg4[%swap3A_256, %swap3A_257, %swap3A_258] : memref<4x8x32xf32, #tpu.memory_space<vmem>>, vector<1x8x32xf32>
    %swap3A_260 = vector.shape_cast %swap3A_259 : vector<1x8x32xf32> to vector<8x32xf32>
    %swap3A_261 = vector.shape_cast %scan3A_201#12 : vector<8x32xf32> to vector<1x8x32xf32>
    tpu.vector_store %arg4[%swap3A_256, %swap3A_257, %swap3A_258], %swap3A_261 {strides = array<i32>} : memref<4x8x32xf32, #tpu.memory_space<vmem>>, vector<1x8x32xf32>,
    %swap3A_262 = arith.constant 2 : index
    %swap3A_263 = arith.constant 0 : index
    %swap3A_264 = arith.constant 0 : index
    %swap3A_265 = vector.load %arg5[%swap3A_262, %swap3A_263, %swap3A_264] : memref<4x8x32xf32, #tpu.memory_space<vmem>>, vector<1x8x32xf32>
    %swap3A_266 = vector.shape_cast %swap3A_265 : vector<1x8x32xf32> to vector<8x32xf32>
    %swap3A_267 = vector.shape_cast %scan3A_201#13 : vector<8x32xf32> to vector<1x8x32xf32>
    tpu.vector_store %arg5[%swap3A_262, %swap3A_263, %swap3A_264], %swap3A_267 {strides = array<i32>} : memref<4x8x32xf32, #tpu.memory_space<vmem>>, vector<1x8x32xf32>,
    %swap3A_268 = arith.constant 2 : index
    %swap3A_269 = arith.constant 0 : index
    %swap3A_270 = arith.constant 0 : index
    %swap3A_271 = vector.load %arg6[%swap3A_268, %swap3A_269, %swap3A_270] : memref<4x8x32xf32, #tpu.memory_space<vmem>>, vector<1x8x32xf32>
    %swap3A_272 = vector.shape_cast %swap3A_271 : vector<1x8x32xf32> to vector<8x32xf32>
    %swap3A_273 = vector.shape_cast %scan3A_201#14 : vector<8x32xf32> to vector<1x8x32xf32>
    tpu.vector_store %arg6[%swap3A_268, %swap3A_269, %swap3A_270], %swap3A_273 {strides = array<i32>} : memref<4x8x32xf32, #tpu.memory_space<vmem>>, vector<1x8x32xf32>,
    %swap3A_274 = arith.constant 3 : index
    %swap3A_275 = arith.constant 0 : index
    %swap3A_276 = arith.constant 0 : index
    %swap3A_277 = vector.load %arg3[%swap3A_274, %swap3A_275, %swap3A_276] : memref<4x8x32xi32, #tpu.memory_space<vmem>>, vector<1x8x32xi32>
    %swap3A_278 = vector.shape_cast %swap3A_277 : vector<1x8x32xi32> to vector<8x32xi32>
    %swap3A_279 = vector.shape_cast %scan3A_201#16 : vector<8x32xi32> to vector<1x8x32xi32>
    tpu.vector_store %arg3[%swap3A_274, %swap3A_275, %swap3A_276], %swap3A_279 {strides = array<i32>} : memref<4x8x32xi32, #tpu.memory_space<vmem>>, vector<1x8x32xi32>,
    %swap3A_280 = arith.constant 3 : index
    %swap3A_281 = arith.constant 0 : index
    %swap3A_282 = arith.constant 0 : index
    %swap3A_283 = vector.load %arg4[%swap3A_280, %swap3A_281, %swap3A_282] : memref<4x8x32xf32, #tpu.memory_space<vmem>>, vector<1x8x32xf32>
    %swap3A_284 = vector.shape_cast %swap3A_283 : vector<1x8x32xf32> to vector<8x32xf32>
    %swap3A_285 = vector.shape_cast %scan3A_201#17 : vector<8x32xf32> to vector<1x8x32xf32>
    tpu.vector_store %arg4[%swap3A_280, %swap3A_281, %swap3A_282], %swap3A_285 {strides = array<i32>} : memref<4x8x32xf32, #tpu.memory_space<vmem>>, vector<1x8x32xf32>,
    %swap3A_286 = arith.constant 3 : index
    %swap3A_287 = arith.constant 0 : index
    %swap3A_288 = arith.constant 0 : index
    %swap3A_289 = vector.load %arg5[%swap3A_286, %swap3A_287, %swap3A_288] : memref<4x8x32xf32, #tpu.memory_space<vmem>>, vector<1x8x32xf32>
    %swap3A_290 = vector.shape_cast %swap3A_289 : vector<1x8x32xf32> to vector<8x32xf32>
    %swap3A_291 = vector.shape_cast %scan3A_201#18 : vector<8x32xf32> to vector<1x8x32xf32>
    tpu.vector_store %arg5[%swap3A_286, %swap3A_287, %swap3A_288], %swap3A_291 {strides = array<i32>} : memref<4x8x32xf32, #tpu.memory_space<vmem>>, vector<1x8x32xf32>,
    %swap3A_292 = arith.constant 3 : index
    %swap3A_293 = arith.constant 0 : index
    %swap3A_294 = arith.constant 0 : index
    %swap3A_295 = vector.load %arg6[%swap3A_292, %swap3A_293, %swap3A_294] : memref<4x8x32xf32, #tpu.memory_space<vmem>>, vector<1x8x32xf32>
    %swap3A_296 = vector.shape_cast %swap3A_295 : vector<1x8x32xf32> to vector<8x32xf32>
    %swap3A_297 = vector.shape_cast %scan3A_201#19 : vector<8x32xf32> to vector<1x8x32xf32>
    tpu.vector_store %arg6[%swap3A_292, %swap3A_293, %swap3A_294], %swap3A_297 {strides = array<i32>} : memref<4x8x32xf32, #tpu.memory_space<vmem>>, vector<1x8x32xf32>,
    return
  }
}

module attributes {stable_mosaic.version = 14 : i64} {
  func.func @_knn_body(%arg0: i32, %arg1: i32, %arg2: memref<1x128x3xf32, #tpu.memory_space<vmem>>, %arg3: memref<1x3x1024xf32, #tpu.memory_space<vmem>>, %arg4: memref<1x128x16xi32, #tpu.memory_space<vmem>>) attributes {dimension_semantics = [#tpu.dimension_semantics<arbitrary>, #tpu.dimension_semantics<arbitrary>], iteration_bounds = array<i64: 4, 2>, scalar_prefetch = 0 : i64, scratch_operands = 0 : i64, tpu.core_type = #tpu.core_type<tc>, window_params = [{transform_indices = @transform_0, window_bounds = array<i64: 1, 128, 3>}, {transform_indices = @transform_1, window_bounds = array<i64: 1, 3, 1024>}, {transform_indices = @transform_2, window_bounds = array<i64: 1, 128, 16>}]} {
    %get3A = arith.constant 0 : index
    %get3A_0 = arith.constant 0 : index
    %get3A_1 = arith.constant 0 : index
    %get3A_2 = vector.load %arg2[%get3A, %get3A_0, %get3A_1] : memref<1x128x3xf32, #tpu.memory_space<vmem>>, vector<1x128x3xf32>
    %get3A_3 = vector.shape_cast %get3A_2 : vector<1x128x3xf32> to vector<128x3xf32>
    %get3A_4 = arith.constant 0 : index
    %get3A_5 = arith.constant 0 : index
    %get3A_6 = arith.constant 0 : index
    %get3A_7 = vector.load %arg3[%get3A_4, %get3A_5, %get3A_6] : memref<1x3x1024xf32, #tpu.memory_space<vmem>>, vector<1x3x1024xf32>
    %get3A_8 = vector.shape_cast %get3A_7 : vector<1x3x1024xf32> to vector<3x1024xf32>
    %mul3A = arith.mulf %get3A_3, %get3A_3 : vector<128x3xf32>
    %reduce_sum3A = arith.constant dense<0.000000e+00> : vector<128xf32>
    %reduce_sum3A_9 = vector.multi_reduction <add>, %mul3A, %reduce_sum3A [1] : vector<128x3xf32> to vector<128xf32>
    %broadcast_in_dim3A = vector.shape_cast %reduce_sum3A_9 : vector<128xf32> to vector<128x1xf32>
    %mul3A_10 = arith.mulf %get3A_8, %get3A_8 : vector<3x1024xf32>
    %reduce_sum3A_11 = arith.constant dense<0.000000e+00> : vector<1024xf32>
    %reduce_sum3A_12 = vector.multi_reduction <add>, %mul3A_10, %reduce_sum3A_11 [0] : vector<3x1024xf32> to vector<1024xf32>
    %broadcast_in_dim3A_13 = vector.shape_cast %reduce_sum3A_12 : vector<1024xf32> to vector<1x1024xf32>
    %dot_general3A = arith.constant dense<0.000000e+00> : vector<128x1024xf32>
    %dot_general3A_14 = tpu.matmul %get3A_3, %get3A_8, %dot_general3A {dimension_numbers = #tpu.dot_dimension_numbers<[1], [0], [0], [1], [0, 0, 1, 1], [], []>, transpose_lhs_hint = false} : vector<128x3xf32>, vector<3x1024xf32>, vector<128x1024xf32> -> vector<128x1024xf32>
    %add3A = vector.broadcast %broadcast_in_dim3A : vector<128x1xf32> to vector<128x1024xf32>
    %add3A_15 = vector.broadcast %broadcast_in_dim3A_13 : vector<1x1024xf32> to vector<128x1024xf32>
    %add3A_16 = arith.addf %add3A, %add3A_15 : vector<128x1024xf32>
    %mul3A_17 = arith.constant 2.000000e+00 : f32
    %mul3A_18 = vector.broadcast %mul3A_17 : f32 to vector<128x1024xf32>
    %mul3A_19 = arith.mulf %mul3A_18, %dot_general3A_14 : vector<128x1024xf32>
    %sub3A = arith.subf %add3A_16, %mul3A_19 : vector<128x1024xf32>
    %iota3A = tpu.iota {dimensions = array<i32: 1>} : vector<128x1024xi32>
    %mul3A_20 = arith.constant 1024 : i32
    %mul3A_21 = arith.muli %arg0, %mul3A_20 : i32
    %bitcast_convert_type3A = tpu.bitcast %sub3A : vector<128x1024xf32> -> vector<128x1024xi32>
    %shift_right_arithmetic3A = arith.constant 31 : i32
    %shift_right_arithmetic3A_22 = vector.broadcast %shift_right_arithmetic3A : i32 to vector<128x1024xi32>
    %shift_right_arithmetic3A_23 = arith.shrsi %bitcast_convert_type3A, %shift_right_arithmetic3A_22 : vector<128x1024xi32>
    %and3A = arith.constant 2147483647 : i32
    %and3A_24 = vector.broadcast %and3A : i32 to vector<128x1024xi32>
    %and3A_25 = arith.andi %shift_right_arithmetic3A_23, %and3A_24 : vector<128x1024xi32>
    %xor3A = arith.xori %bitcast_convert_type3A, %and3A_25 : vector<128x1024xi32>
    %and3A_26 = arith.constant -16384 : i32
    %and3A_27 = vector.broadcast %and3A_26 : i32 to vector<128x1024xi32>
    %and3A_28 = arith.andi %xor3A, %and3A_27 : vector<128x1024xi32>
    %or3A = arith.ori %and3A_28, %iota3A : vector<128x1024xi32>
    %reduce_min3A = arith.constant dense<2147483647> : vector<128xi32>
    %reduce_min3A_29 = vector.multi_reduction <minsi>, %or3A, %reduce_min3A [1] : vector<128x1024xi32> to vector<128xi32>
    %broadcast_in_dim3A_30 = vector.shape_cast %reduce_min3A_29 : vector<128xi32> to vector<128x1xi32>
    %squeeze3A = vector.shape_cast %broadcast_in_dim3A_30 : vector<128x1xi32> to vector<128xi32>
    %and3A_31 = arith.constant 16383 : i32
    %and3A_32 = vector.broadcast %and3A_31 : i32 to vector<128xi32>
    %and3A_33 = arith.andi %squeeze3A, %and3A_32 : vector<128xi32>
    %add3A_34 = vector.broadcast %mul3A_21 : i32 to vector<128xi32>
    %add3A_35 = arith.addi %and3A_33, %add3A_34 : vector<128xi32>
    %swap3A = arith.constant 0 : index
    %swap3A_36 = arith.constant 0 : index
    %swap3A_37 = arith.constant 0 : index
    %swap3A_38 = vector.load %arg4[%swap3A, %swap3A_36, %swap3A_37] : memref<1x128x16xi32, #tpu.memory_space<vmem>>, vector<1x128x1xi32>
    %swap3A_39 = vector.shape_cast %swap3A_38 : vector<1x128x1xi32> to vector<128xi32>
    %swap3A_40 = vector.shape_cast %add3A_35 : vector<128xi32> to vector<1x128x1xi32>
    tpu.vector_store %arg4[%swap3A, %swap3A_36, %swap3A_37], %swap3A_40 {strides = array<i32>} : memref<1x128x16xi32, #tpu.memory_space<vmem>>, vector<1x128x1xi32>,
    %eq3A = vector.broadcast %broadcast_in_dim3A_30 : vector<128x1xi32> to vector<128x1024xi32>
    %eq3A_41 = arith.cmpi eq, %or3A, %eq3A : vector<128x1024xi32>
    %jit3A = arith.constant 2147483647 : i32
    %broadcast_in_dim3A_42 = vector.broadcast %jit3A : i32 to vector<128x1024xi32>
    %select_n3A = arith.select %eq3A_41, %broadcast_in_dim3A_42, %or3A : vector<128x1024xi1>, vector<128x1024xi32>
    %reduce_min3A_43 = arith.constant dense<2147483647> : vector<128xi32>
    %reduce_min3A_44 = vector.multi_reduction <minsi>, %select_n3A, %reduce_min3A_43 [1] : vector<128x1024xi32> to vector<128xi32>
    %broadcast_in_dim3A_45 = vector.shape_cast %reduce_min3A_44 : vector<128xi32> to vector<128x1xi32>
    %squeeze3A_46 = vector.shape_cast %broadcast_in_dim3A_45 : vector<128x1xi32> to vector<128xi32>
    %and3A_47 = arith.constant 16383 : i32
    %and3A_48 = vector.broadcast %and3A_47 : i32 to vector<128xi32>
    %and3A_49 = arith.andi %squeeze3A_46, %and3A_48 : vector<128xi32>
    %add3A_50 = vector.broadcast %mul3A_21 : i32 to vector<128xi32>
    %add3A_51 = arith.addi %and3A_49, %add3A_50 : vector<128xi32>
    %swap3A_52 = arith.constant 0 : index
    %swap3A_53 = arith.constant 0 : index
    %swap3A_54 = arith.constant 1 : index
    %swap3A_55 = vector.load %arg4[%swap3A_52, %swap3A_53, %swap3A_54] : memref<1x128x16xi32, #tpu.memory_space<vmem>>, vector<1x128x1xi32>
    %swap3A_56 = vector.shape_cast %swap3A_55 : vector<1x128x1xi32> to vector<128xi32>
    %swap3A_57 = vector.shape_cast %add3A_51 : vector<128xi32> to vector<1x128x1xi32>
    tpu.vector_store %arg4[%swap3A_52, %swap3A_53, %swap3A_54], %swap3A_57 {strides = array<i32>} : memref<1x128x16xi32, #tpu.memory_space<vmem>>, vector<1x128x1xi32>,
    %eq3A_58 = vector.broadcast %broadcast_in_dim3A_45 : vector<128x1xi32> to vector<128x1024xi32>
    %eq3A_59 = arith.cmpi eq, %select_n3A, %eq3A_58 : vector<128x1024xi32>
    %jit3A_60 = arith.constant 2147483647 : i32
    %broadcast_in_dim3A_61 = vector.broadcast %jit3A_60 : i32 to vector<128x1024xi32>
    %select_n3A_62 = arith.select %eq3A_59, %broadcast_in_dim3A_61, %select_n3A : vector<128x1024xi1>, vector<128x1024xi32>
    %reduce_min3A_63 = arith.constant dense<2147483647> : vector<128xi32>
    %reduce_min3A_64 = vector.multi_reduction <minsi>, %select_n3A_62, %reduce_min3A_63 [1] : vector<128x1024xi32> to vector<128xi32>
    %broadcast_in_dim3A_65 = vector.shape_cast %reduce_min3A_64 : vector<128xi32> to vector<128x1xi32>
    %squeeze3A_66 = vector.shape_cast %broadcast_in_dim3A_65 : vector<128x1xi32> to vector<128xi32>
    %and3A_67 = arith.constant 16383 : i32
    %and3A_68 = vector.broadcast %and3A_67 : i32 to vector<128xi32>
    %and3A_69 = arith.andi %squeeze3A_66, %and3A_68 : vector<128xi32>
    %add3A_70 = vector.broadcast %mul3A_21 : i32 to vector<128xi32>
    %add3A_71 = arith.addi %and3A_69, %add3A_70 : vector<128xi32>
    %swap3A_72 = arith.constant 0 : index
    %swap3A_73 = arith.constant 0 : index
    %swap3A_74 = arith.constant 2 : index
    %swap3A_75 = vector.load %arg4[%swap3A_72, %swap3A_73, %swap3A_74] : memref<1x128x16xi32, #tpu.memory_space<vmem>>, vector<1x128x1xi32>
    %swap3A_76 = vector.shape_cast %swap3A_75 : vector<1x128x1xi32> to vector<128xi32>
    %swap3A_77 = vector.shape_cast %add3A_71 : vector<128xi32> to vector<1x128x1xi32>
    tpu.vector_store %arg4[%swap3A_72, %swap3A_73, %swap3A_74], %swap3A_77 {strides = array<i32>} : memref<1x128x16xi32, #tpu.memory_space<vmem>>, vector<1x128x1xi32>,
    %eq3A_78 = vector.broadcast %broadcast_in_dim3A_65 : vector<128x1xi32> to vector<128x1024xi32>
    %eq3A_79 = arith.cmpi eq, %select_n3A_62, %eq3A_78 : vector<128x1024xi32>
    %jit3A_80 = arith.constant 2147483647 : i32
    %broadcast_in_dim3A_81 = vector.broadcast %jit3A_80 : i32 to vector<128x1024xi32>
    %select_n3A_82 = arith.select %eq3A_79, %broadcast_in_dim3A_81, %select_n3A_62 : vector<128x1024xi1>, vector<128x1024xi32>
    %reduce_min3A_83 = arith.constant dense<2147483647> : vector<128xi32>
    %reduce_min3A_84 = vector.multi_reduction <minsi>, %select_n3A_82, %reduce_min3A_83 [1] : vector<128x1024xi32> to vector<128xi32>
    %broadcast_in_dim3A_85 = vector.shape_cast %reduce_min3A_84 : vector<128xi32> to vector<128x1xi32>
    %squeeze3A_86 = vector.shape_cast %broadcast_in_dim3A_85 : vector<128x1xi32> to vector<128xi32>
    %and3A_87 = arith.constant 16383 : i32
    %and3A_88 = vector.broadcast %and3A_87 : i32 to vector<128xi32>
    %and3A_89 = arith.andi %squeeze3A_86, %and3A_88 : vector<128xi32>
    %add3A_90 = vector.broadcast %mul3A_21 : i32 to vector<128xi32>
    %add3A_91 = arith.addi %and3A_89, %add3A_90 : vector<128xi32>
    %swap3A_92 = arith.constant 0 : index
    %swap3A_93 = arith.constant 0 : index
    %swap3A_94 = arith.constant 3 : index
    %swap3A_95 = vector.load %arg4[%swap3A_92, %swap3A_93, %swap3A_94] : memref<1x128x16xi32, #tpu.memory_space<vmem>>, vector<1x128x1xi32>
    %swap3A_96 = vector.shape_cast %swap3A_95 : vector<1x128x1xi32> to vector<128xi32>
    %swap3A_97 = vector.shape_cast %add3A_91 : vector<128xi32> to vector<1x128x1xi32>
    tpu.vector_store %arg4[%swap3A_92, %swap3A_93, %swap3A_94], %swap3A_97 {strides = array<i32>} : memref<1x128x16xi32, #tpu.memory_space<vmem>>, vector<1x128x1xi32>,
    %eq3A_98 = vector.broadcast %broadcast_in_dim3A_85 : vector<128x1xi32> to vector<128x1024xi32>
    %eq3A_99 = arith.cmpi eq, %select_n3A_82, %eq3A_98 : vector<128x1024xi32>
    %jit3A_100 = arith.constant 2147483647 : i32
    %broadcast_in_dim3A_101 = vector.broadcast %jit3A_100 : i32 to vector<128x1024xi32>
    %select_n3A_102 = arith.select %eq3A_99, %broadcast_in_dim3A_101, %select_n3A_82 : vector<128x1024xi1>, vector<128x1024xi32>
    %reduce_min3A_103 = arith.constant dense<2147483647> : vector<128xi32>
    %reduce_min3A_104 = vector.multi_reduction <minsi>, %select_n3A_102, %reduce_min3A_103 [1] : vector<128x1024xi32> to vector<128xi32>
    %broadcast_in_dim3A_105 = vector.shape_cast %reduce_min3A_104 : vector<128xi32> to vector<128x1xi32>
    %squeeze3A_106 = vector.shape_cast %broadcast_in_dim3A_105 : vector<128x1xi32> to vector<128xi32>
    %and3A_107 = arith.constant 16383 : i32
    %and3A_108 = vector.broadcast %and3A_107 : i32 to vector<128xi32>
    %and3A_109 = arith.andi %squeeze3A_106, %and3A_108 : vector<128xi32>
    %add3A_110 = vector.broadcast %mul3A_21 : i32 to vector<128xi32>
    %add3A_111 = arith.addi %and3A_109, %add3A_110 : vector<128xi32>
    %swap3A_112 = arith.constant 0 : index
    %swap3A_113 = arith.constant 0 : index
    %swap3A_114 = arith.constant 4 : index
    %swap3A_115 = vector.load %arg4[%swap3A_112, %swap3A_113, %swap3A_114] : memref<1x128x16xi32, #tpu.memory_space<vmem>>, vector<1x128x1xi32>
    %swap3A_116 = vector.shape_cast %swap3A_115 : vector<1x128x1xi32> to vector<128xi32>
    %swap3A_117 = vector.shape_cast %add3A_111 : vector<128xi32> to vector<1x128x1xi32>
    tpu.vector_store %arg4[%swap3A_112, %swap3A_113, %swap3A_114], %swap3A_117 {strides = array<i32>} : memref<1x128x16xi32, #tpu.memory_space<vmem>>, vector<1x128x1xi32>,
    %eq3A_118 = vector.broadcast %broadcast_in_dim3A_105 : vector<128x1xi32> to vector<128x1024xi32>
    %eq3A_119 = arith.cmpi eq, %select_n3A_102, %eq3A_118 : vector<128x1024xi32>
    %jit3A_120 = arith.constant 2147483647 : i32
    %broadcast_in_dim3A_121 = vector.broadcast %jit3A_120 : i32 to vector<128x1024xi32>
    %select_n3A_122 = arith.select %eq3A_119, %broadcast_in_dim3A_121, %select_n3A_102 : vector<128x1024xi1>, vector<128x1024xi32>
    %reduce_min3A_123 = arith.constant dense<2147483647> : vector<128xi32>
    %reduce_min3A_124 = vector.multi_reduction <minsi>, %select_n3A_122, %reduce_min3A_123 [1] : vector<128x1024xi32> to vector<128xi32>
    %broadcast_in_dim3A_125 = vector.shape_cast %reduce_min3A_124 : vector<128xi32> to vector<128x1xi32>
    %squeeze3A_126 = vector.shape_cast %broadcast_in_dim3A_125 : vector<128x1xi32> to vector<128xi32>
    %and3A_127 = arith.constant 16383 : i32
    %and3A_128 = vector.broadcast %and3A_127 : i32 to vector<128xi32>
    %and3A_129 = arith.andi %squeeze3A_126, %and3A_128 : vector<128xi32>
    %add3A_130 = vector.broadcast %mul3A_21 : i32 to vector<128xi32>
    %add3A_131 = arith.addi %and3A_129, %add3A_130 : vector<128xi32>
    %swap3A_132 = arith.constant 0 : index
    %swap3A_133 = arith.constant 0 : index
    %swap3A_134 = arith.constant 5 : index
    %swap3A_135 = vector.load %arg4[%swap3A_132, %swap3A_133, %swap3A_134] : memref<1x128x16xi32, #tpu.memory_space<vmem>>, vector<1x128x1xi32>
    %swap3A_136 = vector.shape_cast %swap3A_135 : vector<1x128x1xi32> to vector<128xi32>
    %swap3A_137 = vector.shape_cast %add3A_131 : vector<128xi32> to vector<1x128x1xi32>
    tpu.vector_store %arg4[%swap3A_132, %swap3A_133, %swap3A_134], %swap3A_137 {strides = array<i32>} : memref<1x128x16xi32, #tpu.memory_space<vmem>>, vector<1x128x1xi32>,
    %eq3A_138 = vector.broadcast %broadcast_in_dim3A_125 : vector<128x1xi32> to vector<128x1024xi32>
    %eq3A_139 = arith.cmpi eq, %select_n3A_122, %eq3A_138 : vector<128x1024xi32>
    %jit3A_140 = arith.constant 2147483647 : i32
    %broadcast_in_dim3A_141 = vector.broadcast %jit3A_140 : i32 to vector<128x1024xi32>
    %select_n3A_142 = arith.select %eq3A_139, %broadcast_in_dim3A_141, %select_n3A_122 : vector<128x1024xi1>, vector<128x1024xi32>
    %reduce_min3A_143 = arith.constant dense<2147483647> : vector<128xi32>
    %reduce_min3A_144 = vector.multi_reduction <minsi>, %select_n3A_142, %reduce_min3A_143 [1] : vector<128x1024xi32> to vector<128xi32>
    %broadcast_in_dim3A_145 = vector.shape_cast %reduce_min3A_144 : vector<128xi32> to vector<128x1xi32>
    %squeeze3A_146 = vector.shape_cast %broadcast_in_dim3A_145 : vector<128x1xi32> to vector<128xi32>
    %and3A_147 = arith.constant 16383 : i32
    %and3A_148 = vector.broadcast %and3A_147 : i32 to vector<128xi32>
    %and3A_149 = arith.andi %squeeze3A_146, %and3A_148 : vector<128xi32>
    %add3A_150 = vector.broadcast %mul3A_21 : i32 to vector<128xi32>
    %add3A_151 = arith.addi %and3A_149, %add3A_150 : vector<128xi32>
    %swap3A_152 = arith.constant 0 : index
    %swap3A_153 = arith.constant 0 : index
    %swap3A_154 = arith.constant 6 : index
    %swap3A_155 = vector.load %arg4[%swap3A_152, %swap3A_153, %swap3A_154] : memref<1x128x16xi32, #tpu.memory_space<vmem>>, vector<1x128x1xi32>
    %swap3A_156 = vector.shape_cast %swap3A_155 : vector<1x128x1xi32> to vector<128xi32>
    %swap3A_157 = vector.shape_cast %add3A_151 : vector<128xi32> to vector<1x128x1xi32>
    tpu.vector_store %arg4[%swap3A_152, %swap3A_153, %swap3A_154], %swap3A_157 {strides = array<i32>} : memref<1x128x16xi32, #tpu.memory_space<vmem>>, vector<1x128x1xi32>,
    %eq3A_158 = vector.broadcast %broadcast_in_dim3A_145 : vector<128x1xi32> to vector<128x1024xi32>
    %eq3A_159 = arith.cmpi eq, %select_n3A_142, %eq3A_158 : vector<128x1024xi32>
    %jit3A_160 = arith.constant 2147483647 : i32
    %broadcast_in_dim3A_161 = vector.broadcast %jit3A_160 : i32 to vector<128x1024xi32>
    %select_n3A_162 = arith.select %eq3A_159, %broadcast_in_dim3A_161, %select_n3A_142 : vector<128x1024xi1>, vector<128x1024xi32>
    %reduce_min3A_163 = arith.constant dense<2147483647> : vector<128xi32>
    %reduce_min3A_164 = vector.multi_reduction <minsi>, %select_n3A_162, %reduce_min3A_163 [1] : vector<128x1024xi32> to vector<128xi32>
    %broadcast_in_dim3A_165 = vector.shape_cast %reduce_min3A_164 : vector<128xi32> to vector<128x1xi32>
    %squeeze3A_166 = vector.shape_cast %broadcast_in_dim3A_165 : vector<128x1xi32> to vector<128xi32>
    %and3A_167 = arith.constant 16383 : i32
    %and3A_168 = vector.broadcast %and3A_167 : i32 to vector<128xi32>
    %and3A_169 = arith.andi %squeeze3A_166, %and3A_168 : vector<128xi32>
    %add3A_170 = vector.broadcast %mul3A_21 : i32 to vector<128xi32>
    %add3A_171 = arith.addi %and3A_169, %add3A_170 : vector<128xi32>
    %swap3A_172 = arith.constant 0 : index
    %swap3A_173 = arith.constant 0 : index
    %swap3A_174 = arith.constant 7 : index
    %swap3A_175 = vector.load %arg4[%swap3A_172, %swap3A_173, %swap3A_174] : memref<1x128x16xi32, #tpu.memory_space<vmem>>, vector<1x128x1xi32>
    %swap3A_176 = vector.shape_cast %swap3A_175 : vector<1x128x1xi32> to vector<128xi32>
    %swap3A_177 = vector.shape_cast %add3A_171 : vector<128xi32> to vector<1x128x1xi32>
    tpu.vector_store %arg4[%swap3A_172, %swap3A_173, %swap3A_174], %swap3A_177 {strides = array<i32>} : memref<1x128x16xi32, #tpu.memory_space<vmem>>, vector<1x128x1xi32>,
    %eq3A_178 = vector.broadcast %broadcast_in_dim3A_165 : vector<128x1xi32> to vector<128x1024xi32>
    %eq3A_179 = arith.cmpi eq, %select_n3A_162, %eq3A_178 : vector<128x1024xi32>
    %jit3A_180 = arith.constant 2147483647 : i32
    %broadcast_in_dim3A_181 = vector.broadcast %jit3A_180 : i32 to vector<128x1024xi32>
    %select_n3A_182 = arith.select %eq3A_179, %broadcast_in_dim3A_181, %select_n3A_162 : vector<128x1024xi1>, vector<128x1024xi32>
    %reduce_min3A_183 = arith.constant dense<2147483647> : vector<128xi32>
    %reduce_min3A_184 = vector.multi_reduction <minsi>, %select_n3A_182, %reduce_min3A_183 [1] : vector<128x1024xi32> to vector<128xi32>
    %broadcast_in_dim3A_185 = vector.shape_cast %reduce_min3A_184 : vector<128xi32> to vector<128x1xi32>
    %squeeze3A_186 = vector.shape_cast %broadcast_in_dim3A_185 : vector<128x1xi32> to vector<128xi32>
    %and3A_187 = arith.constant 16383 : i32
    %and3A_188 = vector.broadcast %and3A_187 : i32 to vector<128xi32>
    %and3A_189 = arith.andi %squeeze3A_186, %and3A_188 : vector<128xi32>
    %add3A_190 = vector.broadcast %mul3A_21 : i32 to vector<128xi32>
    %add3A_191 = arith.addi %and3A_189, %add3A_190 : vector<128xi32>
    %swap3A_192 = arith.constant 0 : index
    %swap3A_193 = arith.constant 0 : index
    %swap3A_194 = arith.constant 8 : index
    %swap3A_195 = vector.load %arg4[%swap3A_192, %swap3A_193, %swap3A_194] : memref<1x128x16xi32, #tpu.memory_space<vmem>>, vector<1x128x1xi32>
    %swap3A_196 = vector.shape_cast %swap3A_195 : vector<1x128x1xi32> to vector<128xi32>
    %swap3A_197 = vector.shape_cast %add3A_191 : vector<128xi32> to vector<1x128x1xi32>
    tpu.vector_store %arg4[%swap3A_192, %swap3A_193, %swap3A_194], %swap3A_197 {strides = array<i32>} : memref<1x128x16xi32, #tpu.memory_space<vmem>>, vector<1x128x1xi32>,
    %eq3A_198 = vector.broadcast %broadcast_in_dim3A_185 : vector<128x1xi32> to vector<128x1024xi32>
    %eq3A_199 = arith.cmpi eq, %select_n3A_182, %eq3A_198 : vector<128x1024xi32>
    %jit3A_200 = arith.constant 2147483647 : i32
    %broadcast_in_dim3A_201 = vector.broadcast %jit3A_200 : i32 to vector<128x1024xi32>
    %select_n3A_202 = arith.select %eq3A_199, %broadcast_in_dim3A_201, %select_n3A_182 : vector<128x1024xi1>, vector<128x1024xi32>
    %reduce_min3A_203 = arith.constant dense<2147483647> : vector<128xi32>
    %reduce_min3A_204 = vector.multi_reduction <minsi>, %select_n3A_202, %reduce_min3A_203 [1] : vector<128x1024xi32> to vector<128xi32>
    %broadcast_in_dim3A_205 = vector.shape_cast %reduce_min3A_204 : vector<128xi32> to vector<128x1xi32>
    %squeeze3A_206 = vector.shape_cast %broadcast_in_dim3A_205 : vector<128x1xi32> to vector<128xi32>
    %and3A_207 = arith.constant 16383 : i32
    %and3A_208 = vector.broadcast %and3A_207 : i32 to vector<128xi32>
    %and3A_209 = arith.andi %squeeze3A_206, %and3A_208 : vector<128xi32>
    %add3A_210 = vector.broadcast %mul3A_21 : i32 to vector<128xi32>
    %add3A_211 = arith.addi %and3A_209, %add3A_210 : vector<128xi32>
    %swap3A_212 = arith.constant 0 : index
    %swap3A_213 = arith.constant 0 : index
    %swap3A_214 = arith.constant 9 : index
    %swap3A_215 = vector.load %arg4[%swap3A_212, %swap3A_213, %swap3A_214] : memref<1x128x16xi32, #tpu.memory_space<vmem>>, vector<1x128x1xi32>
    %swap3A_216 = vector.shape_cast %swap3A_215 : vector<1x128x1xi32> to vector<128xi32>
    %swap3A_217 = vector.shape_cast %add3A_211 : vector<128xi32> to vector<1x128x1xi32>
    tpu.vector_store %arg4[%swap3A_212, %swap3A_213, %swap3A_214], %swap3A_217 {strides = array<i32>} : memref<1x128x16xi32, #tpu.memory_space<vmem>>, vector<1x128x1xi32>,
    %eq3A_218 = vector.broadcast %broadcast_in_dim3A_205 : vector<128x1xi32> to vector<128x1024xi32>
    %eq3A_219 = arith.cmpi eq, %select_n3A_202, %eq3A_218 : vector<128x1024xi32>
    %jit3A_220 = arith.constant 2147483647 : i32
    %broadcast_in_dim3A_221 = vector.broadcast %jit3A_220 : i32 to vector<128x1024xi32>
    %select_n3A_222 = arith.select %eq3A_219, %broadcast_in_dim3A_221, %select_n3A_202 : vector<128x1024xi1>, vector<128x1024xi32>
    %reduce_min3A_223 = arith.constant dense<2147483647> : vector<128xi32>
    %reduce_min3A_224 = vector.multi_reduction <minsi>, %select_n3A_222, %reduce_min3A_223 [1] : vector<128x1024xi32> to vector<128xi32>
    %broadcast_in_dim3A_225 = vector.shape_cast %reduce_min3A_224 : vector<128xi32> to vector<128x1xi32>
    %squeeze3A_226 = vector.shape_cast %broadcast_in_dim3A_225 : vector<128x1xi32> to vector<128xi32>
    %and3A_227 = arith.constant 16383 : i32
    %and3A_228 = vector.broadcast %and3A_227 : i32 to vector<128xi32>
    %and3A_229 = arith.andi %squeeze3A_226, %and3A_228 : vector<128xi32>
    %add3A_230 = vector.broadcast %mul3A_21 : i32 to vector<128xi32>
    %add3A_231 = arith.addi %and3A_229, %add3A_230 : vector<128xi32>
    %swap3A_232 = arith.constant 0 : index
    %swap3A_233 = arith.constant 0 : index
    %swap3A_234 = arith.constant 10 : index
    %swap3A_235 = vector.load %arg4[%swap3A_232, %swap3A_233, %swap3A_234] : memref<1x128x16xi32, #tpu.memory_space<vmem>>, vector<1x128x1xi32>
    %swap3A_236 = vector.shape_cast %swap3A_235 : vector<1x128x1xi32> to vector<128xi32>
    %swap3A_237 = vector.shape_cast %add3A_231 : vector<128xi32> to vector<1x128x1xi32>
    tpu.vector_store %arg4[%swap3A_232, %swap3A_233, %swap3A_234], %swap3A_237 {strides = array<i32>} : memref<1x128x16xi32, #tpu.memory_space<vmem>>, vector<1x128x1xi32>,
    %eq3A_238 = vector.broadcast %broadcast_in_dim3A_225 : vector<128x1xi32> to vector<128x1024xi32>
    %eq3A_239 = arith.cmpi eq, %select_n3A_222, %eq3A_238 : vector<128x1024xi32>
    %jit3A_240 = arith.constant 2147483647 : i32
    %broadcast_in_dim3A_241 = vector.broadcast %jit3A_240 : i32 to vector<128x1024xi32>
    %select_n3A_242 = arith.select %eq3A_239, %broadcast_in_dim3A_241, %select_n3A_222 : vector<128x1024xi1>, vector<128x1024xi32>
    %reduce_min3A_243 = arith.constant dense<2147483647> : vector<128xi32>
    %reduce_min3A_244 = vector.multi_reduction <minsi>, %select_n3A_242, %reduce_min3A_243 [1] : vector<128x1024xi32> to vector<128xi32>
    %broadcast_in_dim3A_245 = vector.shape_cast %reduce_min3A_244 : vector<128xi32> to vector<128x1xi32>
    %squeeze3A_246 = vector.shape_cast %broadcast_in_dim3A_245 : vector<128x1xi32> to vector<128xi32>
    %and3A_247 = arith.constant 16383 : i32
    %and3A_248 = vector.broadcast %and3A_247 : i32 to vector<128xi32>
    %and3A_249 = arith.andi %squeeze3A_246, %and3A_248 : vector<128xi32>
    %add3A_250 = vector.broadcast %mul3A_21 : i32 to vector<128xi32>
    %add3A_251 = arith.addi %and3A_249, %add3A_250 : vector<128xi32>
    %swap3A_252 = arith.constant 0 : index
    %swap3A_253 = arith.constant 0 : index
    %swap3A_254 = arith.constant 11 : index
    %swap3A_255 = vector.load %arg4[%swap3A_252, %swap3A_253, %swap3A_254] : memref<1x128x16xi32, #tpu.memory_space<vmem>>, vector<1x128x1xi32>
    %swap3A_256 = vector.shape_cast %swap3A_255 : vector<1x128x1xi32> to vector<128xi32>
    %swap3A_257 = vector.shape_cast %add3A_251 : vector<128xi32> to vector<1x128x1xi32>
    tpu.vector_store %arg4[%swap3A_252, %swap3A_253, %swap3A_254], %swap3A_257 {strides = array<i32>} : memref<1x128x16xi32, #tpu.memory_space<vmem>>, vector<1x128x1xi32>,
    %eq3A_258 = vector.broadcast %broadcast_in_dim3A_245 : vector<128x1xi32> to vector<128x1024xi32>
    %eq3A_259 = arith.cmpi eq, %select_n3A_242, %eq3A_258 : vector<128x1024xi32>
    %jit3A_260 = arith.constant 2147483647 : i32
    %broadcast_in_dim3A_261 = vector.broadcast %jit3A_260 : i32 to vector<128x1024xi32>
    %select_n3A_262 = arith.select %eq3A_259, %broadcast_in_dim3A_261, %select_n3A_242 : vector<128x1024xi1>, vector<128x1024xi32>
    %reduce_min3A_263 = arith.constant dense<2147483647> : vector<128xi32>
    %reduce_min3A_264 = vector.multi_reduction <minsi>, %select_n3A_262, %reduce_min3A_263 [1] : vector<128x1024xi32> to vector<128xi32>
    %broadcast_in_dim3A_265 = vector.shape_cast %reduce_min3A_264 : vector<128xi32> to vector<128x1xi32>
    %squeeze3A_266 = vector.shape_cast %broadcast_in_dim3A_265 : vector<128x1xi32> to vector<128xi32>
    %and3A_267 = arith.constant 16383 : i32
    %and3A_268 = vector.broadcast %and3A_267 : i32 to vector<128xi32>
    %and3A_269 = arith.andi %squeeze3A_266, %and3A_268 : vector<128xi32>
    %add3A_270 = vector.broadcast %mul3A_21 : i32 to vector<128xi32>
    %add3A_271 = arith.addi %and3A_269, %add3A_270 : vector<128xi32>
    %swap3A_272 = arith.constant 0 : index
    %swap3A_273 = arith.constant 0 : index
    %swap3A_274 = arith.constant 12 : index
    %swap3A_275 = vector.load %arg4[%swap3A_272, %swap3A_273, %swap3A_274] : memref<1x128x16xi32, #tpu.memory_space<vmem>>, vector<1x128x1xi32>
    %swap3A_276 = vector.shape_cast %swap3A_275 : vector<1x128x1xi32> to vector<128xi32>
    %swap3A_277 = vector.shape_cast %add3A_271 : vector<128xi32> to vector<1x128x1xi32>
    tpu.vector_store %arg4[%swap3A_272, %swap3A_273, %swap3A_274], %swap3A_277 {strides = array<i32>} : memref<1x128x16xi32, #tpu.memory_space<vmem>>, vector<1x128x1xi32>,
    %eq3A_278 = vector.broadcast %broadcast_in_dim3A_265 : vector<128x1xi32> to vector<128x1024xi32>
    %eq3A_279 = arith.cmpi eq, %select_n3A_262, %eq3A_278 : vector<128x1024xi32>
    %jit3A_280 = arith.constant 2147483647 : i32
    %broadcast_in_dim3A_281 = vector.broadcast %jit3A_280 : i32 to vector<128x1024xi32>
    %select_n3A_282 = arith.select %eq3A_279, %broadcast_in_dim3A_281, %select_n3A_262 : vector<128x1024xi1>, vector<128x1024xi32>
    %reduce_min3A_283 = arith.constant dense<2147483647> : vector<128xi32>
    %reduce_min3A_284 = vector.multi_reduction <minsi>, %select_n3A_282, %reduce_min3A_283 [1] : vector<128x1024xi32> to vector<128xi32>
    %broadcast_in_dim3A_285 = vector.shape_cast %reduce_min3A_284 : vector<128xi32> to vector<128x1xi32>
    %squeeze3A_286 = vector.shape_cast %broadcast_in_dim3A_285 : vector<128x1xi32> to vector<128xi32>
    %and3A_287 = arith.constant 16383 : i32
    %and3A_288 = vector.broadcast %and3A_287 : i32 to vector<128xi32>
    %and3A_289 = arith.andi %squeeze3A_286, %and3A_288 : vector<128xi32>
    %add3A_290 = vector.broadcast %mul3A_21 : i32 to vector<128xi32>
    %add3A_291 = arith.addi %and3A_289, %add3A_290 : vector<128xi32>
    %swap3A_292 = arith.constant 0 : index
    %swap3A_293 = arith.constant 0 : index
    %swap3A_294 = arith.constant 13 : index
    %swap3A_295 = vector.load %arg4[%swap3A_292, %swap3A_293, %swap3A_294] : memref<1x128x16xi32, #tpu.memory_space<vmem>>, vector<1x128x1xi32>
    %swap3A_296 = vector.shape_cast %swap3A_295 : vector<1x128x1xi32> to vector<128xi32>
    %swap3A_297 = vector.shape_cast %add3A_291 : vector<128xi32> to vector<1x128x1xi32>
    tpu.vector_store %arg4[%swap3A_292, %swap3A_293, %swap3A_294], %swap3A_297 {strides = array<i32>} : memref<1x128x16xi32, #tpu.memory_space<vmem>>, vector<1x128x1xi32>,
    %eq3A_298 = vector.broadcast %broadcast_in_dim3A_285 : vector<128x1xi32> to vector<128x1024xi32>
    %eq3A_299 = arith.cmpi eq, %select_n3A_282, %eq3A_298 : vector<128x1024xi32>
    %jit3A_300 = arith.constant 2147483647 : i32
    %broadcast_in_dim3A_301 = vector.broadcast %jit3A_300 : i32 to vector<128x1024xi32>
    %select_n3A_302 = arith.select %eq3A_299, %broadcast_in_dim3A_301, %select_n3A_282 : vector<128x1024xi1>, vector<128x1024xi32>
    %reduce_min3A_303 = arith.constant dense<2147483647> : vector<128xi32>
    %reduce_min3A_304 = vector.multi_reduction <minsi>, %select_n3A_302, %reduce_min3A_303 [1] : vector<128x1024xi32> to vector<128xi32>
    %broadcast_in_dim3A_305 = vector.shape_cast %reduce_min3A_304 : vector<128xi32> to vector<128x1xi32>
    %squeeze3A_306 = vector.shape_cast %broadcast_in_dim3A_305 : vector<128x1xi32> to vector<128xi32>
    %and3A_307 = arith.constant 16383 : i32
    %and3A_308 = vector.broadcast %and3A_307 : i32 to vector<128xi32>
    %and3A_309 = arith.andi %squeeze3A_306, %and3A_308 : vector<128xi32>
    %add3A_310 = vector.broadcast %mul3A_21 : i32 to vector<128xi32>
    %add3A_311 = arith.addi %and3A_309, %add3A_310 : vector<128xi32>
    %swap3A_312 = arith.constant 0 : index
    %swap3A_313 = arith.constant 0 : index
    %swap3A_314 = arith.constant 14 : index
    %swap3A_315 = vector.load %arg4[%swap3A_312, %swap3A_313, %swap3A_314] : memref<1x128x16xi32, #tpu.memory_space<vmem>>, vector<1x128x1xi32>
    %swap3A_316 = vector.shape_cast %swap3A_315 : vector<1x128x1xi32> to vector<128xi32>
    %swap3A_317 = vector.shape_cast %add3A_311 : vector<128xi32> to vector<1x128x1xi32>
    tpu.vector_store %arg4[%swap3A_312, %swap3A_313, %swap3A_314], %swap3A_317 {strides = array<i32>} : memref<1x128x16xi32, #tpu.memory_space<vmem>>, vector<1x128x1xi32>,
    %eq3A_318 = vector.broadcast %broadcast_in_dim3A_305 : vector<128x1xi32> to vector<128x1024xi32>
    %eq3A_319 = arith.cmpi eq, %select_n3A_302, %eq3A_318 : vector<128x1024xi32>
    %jit3A_320 = arith.constant 2147483647 : i32
    %broadcast_in_dim3A_321 = vector.broadcast %jit3A_320 : i32 to vector<128x1024xi32>
    %select_n3A_322 = arith.select %eq3A_319, %broadcast_in_dim3A_321, %select_n3A_302 : vector<128x1024xi1>, vector<128x1024xi32>
    %reduce_min3A_323 = arith.constant dense<2147483647> : vector<128xi32>
    %reduce_min3A_324 = vector.multi_reduction <minsi>, %select_n3A_322, %reduce_min3A_323 [1] : vector<128x1024xi32> to vector<128xi32>
    %broadcast_in_dim3A_325 = vector.shape_cast %reduce_min3A_324 : vector<128xi32> to vector<128x1xi32>
    %squeeze3A_326 = vector.shape_cast %broadcast_in_dim3A_325 : vector<128x1xi32> to vector<128xi32>
    %and3A_327 = arith.constant 16383 : i32
    %and3A_328 = vector.broadcast %and3A_327 : i32 to vector<128xi32>
    %and3A_329 = arith.andi %squeeze3A_326, %and3A_328 : vector<128xi32>
    %add3A_330 = vector.broadcast %mul3A_21 : i32 to vector<128xi32>
    %add3A_331 = arith.addi %and3A_329, %add3A_330 : vector<128xi32>
    %swap3A_332 = arith.constant 0 : index
    %swap3A_333 = arith.constant 0 : index
    %swap3A_334 = arith.constant 15 : index
    %swap3A_335 = vector.load %arg4[%swap3A_332, %swap3A_333, %swap3A_334] : memref<1x128x16xi32, #tpu.memory_space<vmem>>, vector<1x128x1xi32>
    %swap3A_336 = vector.shape_cast %swap3A_335 : vector<1x128x1xi32> to vector<128xi32>
    %swap3A_337 = vector.shape_cast %add3A_331 : vector<128xi32> to vector<1x128x1xi32>
    tpu.vector_store %arg4[%swap3A_332, %swap3A_333, %swap3A_334], %swap3A_337 {strides = array<i32>} : memref<1x128x16xi32, #tpu.memory_space<vmem>>, vector<1x128x1xi32>,
    return
  }
  func.func @transform_0(%arg0: i32, %arg1: i32) -> (i32, i32, i32) {
    %c0_i32 = arith.constant 0 : i32
    %c0_i32_0 = arith.constant 0 : i32
    return %arg0, %arg1, %c0_i32 : i32, i32, i32
  }
  func.func @transform_1(%arg0: i32, %arg1: i32) -> (i32, i32, i32) {
    %c0_i32 = arith.constant 0 : i32
    %c0_i32_0 = arith.constant 0 : i32
    %c0_i32_1 = arith.constant 0 : i32
    return %arg0, %c0_i32, %c0_i32_0 : i32, i32, i32
  }
  func.func @transform_2(%arg0: i32, %arg1: i32) -> (i32, i32, i32) {
    %c0_i32 = arith.constant 0 : i32
    %c0_i32_0 = arith.constant 0 : i32
    return %arg0, %arg1, %c0_i32 : i32, i32, i32
  }
}

module attributes {stable_mosaic.version = 14 : i64} {
  func.func @_conv_body(%arg0: i32, %arg1: memref<4096x80xf32, #tpu.memory_space<vmem>>, %arg2: memref<256x3xf32, #tpu.memory_space<vmem>>, %arg3: memref<80x64xf32, #tpu.memory_space<vmem>>, %arg4: memref<1x64xf32, #tpu.memory_space<vmem>>, %arg5: memref<3x64xf32, #tpu.memory_space<vmem>>, %arg6: memref<64x128xf32, #tpu.memory_space<vmem>>, %arg7: memref<1x128xf32, #tpu.memory_space<vmem>>, %arg8: memref<80x128xf32, #tpu.memory_space<vmem>>, %arg9: memref<1x128xf32, #tpu.memory_space<vmem>>, %arg10: memref<3x128xf32, #tpu.memory_space<vmem>>, %arg11: memref<256x128xf32, #tpu.memory_space<vmem>>) attributes {dimension_semantics = [#tpu.dimension_semantics<arbitrary>], iteration_bounds = array<i64: 16>, scalar_prefetch = 0 : i64, scratch_operands = 0 : i64, tpu.core_type = #tpu.core_type<tc>, window_params = [{transform_indices = @transform_0, window_bounds = array<i64: 4096, 80>}, {transform_indices = @transform_1, window_bounds = array<i64: 256, 3>}, {pipeline_mode = #tpu.pipeline_mode<synchronous>, transform_indices = @transform_2, window_bounds = array<i64: 80, 64>}, {pipeline_mode = #tpu.pipeline_mode<synchronous>, transform_indices = @transform_3, window_bounds = array<i64: 1, 64>}, {pipeline_mode = #tpu.pipeline_mode<synchronous>, transform_indices = @transform_4, window_bounds = array<i64: 3, 64>}, {pipeline_mode = #tpu.pipeline_mode<synchronous>, transform_indices = @transform_5, window_bounds = array<i64: 64, 128>}, {pipeline_mode = #tpu.pipeline_mode<synchronous>, transform_indices = @transform_6, window_bounds = array<i64: 1, 128>}, {pipeline_mode = #tpu.pipeline_mode<synchronous>, transform_indices = @transform_7, window_bounds = array<i64: 80, 128>}, {pipeline_mode = #tpu.pipeline_mode<synchronous>, transform_indices = @transform_8, window_bounds = array<i64: 1, 128>}, {pipeline_mode = #tpu.pipeline_mode<synchronous>, transform_indices = @transform_9, window_bounds = array<i64: 3, 128>}, {transform_indices = @transform_10, window_bounds = array<i64: 256, 128>}]} {
    %get3A = arith.constant 0 : index
    %get3A_0 = arith.constant 0 : index
    %get3A_1 = vector.load %arg1[%get3A, %get3A_0] : memref<4096x80xf32, #tpu.memory_space<vmem>>, vector<4096x80xf32>
    %get3A_2 = arith.constant 0 : index
    %get3A_3 = arith.constant 0 : index
    %get3A_4 = vector.load %arg2[%get3A_2, %get3A_3] : memref<256x3xf32, #tpu.memory_space<vmem>>, vector<256x3xf32>
    %get3A_5 = arith.constant 0 : index
    %get3A_6 = arith.constant 0 : index
    %get3A_7 = vector.load %arg3[%get3A_5, %get3A_6] : memref<80x64xf32, #tpu.memory_space<vmem>>, vector<80x64xf32>
    %dot_general3A = arith.constant dense<0.000000e+00> : vector<4096x64xf32>
    %dot_general3A_8 = tpu.matmul %get3A_1, %get3A_7, %dot_general3A {dimension_numbers = #tpu.dot_dimension_numbers<[1], [0], [0], [1], [0, 0, 1, 1], [], []>, transpose_lhs_hint = false} : vector<4096x80xf32>, vector<80x64xf32>, vector<4096x64xf32> -> vector<4096x64xf32>
    %get3A_9 = arith.constant 0 : index
    %get3A_10 = arith.constant 0 : index
    %get3A_11 = vector.load %arg4[%get3A_9, %get3A_10] : memref<1x64xf32, #tpu.memory_space<vmem>>, vector<1x64xf32>
    %add3A = vector.broadcast %get3A_11 : vector<1x64xf32> to vector<4096x64xf32>
    %add3A_12 = arith.addf %dot_general3A_8, %add3A : vector<4096x64xf32>
    %get3A_13 = arith.constant 0 : index
    %get3A_14 = arith.constant 0 : index
    %get3A_15 = vector.load %arg5[%get3A_13, %get3A_14] : memref<3x64xf32, #tpu.memory_space<vmem>>, vector<3x64xf32>
    %dot_general3A_16 = arith.constant dense<0.000000e+00> : vector<256x64xf32>
    %dot_general3A_17 = tpu.matmul %get3A_4, %get3A_15, %dot_general3A_16 {dimension_numbers = #tpu.dot_dimension_numbers<[1], [0], [0], [1], [0, 0, 1, 1], [], []>, transpose_lhs_hint = false} : vector<256x3xf32>, vector<3x64xf32>, vector<256x64xf32> -> vector<256x64xf32>
    %reshape3A = vector.shape_cast %add3A_12 : vector<4096x64xf32> to vector<256x16x64xf32>
    %reshape3A_18 = vector.shape_cast %dot_general3A_17 : vector<256x64xf32> to vector<256x1x64xf32>
    %sub3A = vector.broadcast %reshape3A_18 : vector<256x1x64xf32> to vector<256x16x64xf32>
    %sub3A_19 = arith.subf %reshape3A, %sub3A : vector<256x16x64xf32>
    %max3A = arith.constant 0.000000e+00 : f32
    %max3A_20 = vector.broadcast %max3A : f32 to vector<256x16x64xf32>
    %max3A_21 = arith.maximumf %sub3A_19, %max3A_20 : vector<256x16x64xf32>
    %reshape3A_22 = vector.shape_cast %max3A_21 : vector<256x16x64xf32> to vector<4096x64xf32>
    %get3A_23 = arith.constant 0 : index
    %get3A_24 = arith.constant 0 : index
    %get3A_25 = vector.load %arg6[%get3A_23, %get3A_24] : memref<64x128xf32, #tpu.memory_space<vmem>>, vector<64x128xf32>
    %dot_general3A_26 = arith.constant dense<0.000000e+00> : vector<4096x128xf32>
    %dot_general3A_27 = tpu.matmul %reshape3A_22, %get3A_25, %dot_general3A_26 {dimension_numbers = #tpu.dot_dimension_numbers<[1], [0], [0], [1], [0, 0, 1, 1], [], []>, transpose_lhs_hint = false} : vector<4096x64xf32>, vector<64x128xf32>, vector<4096x128xf32> -> vector<4096x128xf32>
    %get3A_28 = arith.constant 0 : index
    %get3A_29 = arith.constant 0 : index
    %get3A_30 = vector.load %arg7[%get3A_28, %get3A_29] : memref<1x128xf32, #tpu.memory_space<vmem>>, vector<1x128xf32>
    %add3A_31 = vector.broadcast %get3A_30 : vector<1x128xf32> to vector<4096x128xf32>
    %add3A_32 = arith.addf %dot_general3A_27, %add3A_31 : vector<4096x128xf32>
    %get3A_33 = arith.constant 0 : index
    %get3A_34 = arith.constant 0 : index
    %get3A_35 = vector.load %arg8[%get3A_33, %get3A_34] : memref<80x128xf32, #tpu.memory_space<vmem>>, vector<80x128xf32>
    %dot_general3A_36 = arith.constant dense<0.000000e+00> : vector<4096x128xf32>
    %dot_general3A_37 = tpu.matmul %get3A_1, %get3A_35, %dot_general3A_36 {dimension_numbers = #tpu.dot_dimension_numbers<[1], [0], [0], [1], [0, 0, 1, 1], [], []>, transpose_lhs_hint = false} : vector<4096x80xf32>, vector<80x128xf32>, vector<4096x128xf32> -> vector<4096x128xf32>
    %add3A_38 = arith.addf %add3A_32, %dot_general3A_37 : vector<4096x128xf32>
    %get3A_39 = arith.constant 0 : index
    %get3A_40 = arith.constant 0 : index
    %get3A_41 = vector.load %arg9[%get3A_39, %get3A_40] : memref<1x128xf32, #tpu.memory_space<vmem>>, vector<1x128xf32>
    %add3A_42 = vector.broadcast %get3A_41 : vector<1x128xf32> to vector<4096x128xf32>
    %add3A_43 = arith.addf %add3A_38, %add3A_42 : vector<4096x128xf32>
    %get3A_44 = arith.constant 0 : index
    %get3A_45 = arith.constant 0 : index
    %get3A_46 = vector.load %arg10[%get3A_44, %get3A_45] : memref<3x128xf32, #tpu.memory_space<vmem>>, vector<3x128xf32>
    %dot_general3A_47 = arith.constant dense<0.000000e+00> : vector<256x128xf32>
    %dot_general3A_48 = tpu.matmul %get3A_4, %get3A_46, %dot_general3A_47 {dimension_numbers = #tpu.dot_dimension_numbers<[1], [0], [0], [1], [0, 0, 1, 1], [], []>, transpose_lhs_hint = false} : vector<256x3xf32>, vector<3x128xf32>, vector<256x128xf32> -> vector<256x128xf32>
    %reshape3A_49 = vector.shape_cast %add3A_43 : vector<4096x128xf32> to vector<256x16x128xf32>
    %reshape3A_50 = vector.shape_cast %dot_general3A_48 : vector<256x128xf32> to vector<256x1x128xf32>
    %sub3A_51 = vector.broadcast %reshape3A_50 : vector<256x1x128xf32> to vector<256x16x128xf32>
    %sub3A_52 = arith.subf %reshape3A_49, %sub3A_51 : vector<256x16x128xf32>
    %max3A_53 = arith.constant 0.000000e+00 : f32
    %max3A_54 = vector.broadcast %max3A_53 : f32 to vector<256x16x128xf32>
    %max3A_55 = arith.maximumf %sub3A_52, %max3A_54 : vector<256x16x128xf32>
    %reduce_max3A = arith.constant dense<0xFF800000> : vector<256x128xf32>
    %reduce_max3A_56 = vector.multi_reduction <maximumf>, %max3A_55, %reduce_max3A [1] : vector<256x16x128xf32> to vector<256x128xf32>
    %swap3A = arith.constant 0 : index
    %swap3A_57 = arith.constant 0 : index
    %swap3A_58 = vector.load %arg11[%swap3A, %swap3A_57] : memref<256x128xf32, #tpu.memory_space<vmem>>, vector<256x128xf32>
    tpu.vector_store %arg11[%swap3A, %swap3A_57], %reduce_max3A_56 {strides = array<i32>} : memref<256x128xf32, #tpu.memory_space<vmem>>, vector<256x128xf32>,
    return
  }
  func.func @transform_0(%arg0: i32) -> (i32, i32) {
    %c0_i32 = arith.constant 0 : i32
    %c0_i32_0 = arith.constant 0 : i32
    return %arg0, %c0_i32 : i32, i32
  }
  func.func @transform_1(%arg0: i32) -> (i32, i32) {
    %c0_i32 = arith.constant 0 : i32
    %c0_i32_0 = arith.constant 0 : i32
    return %arg0, %c0_i32 : i32, i32
  }
  func.func @transform_2(%arg0: i32) -> (i32, i32) {
    %c0_i32 = arith.constant 0 : i32
    %c0_i32_0 = arith.constant 0 : i32
    %c0_i32_1 = arith.constant 0 : i32
    return %c0_i32, %c0_i32_0 : i32, i32
  }
  func.func @transform_3(%arg0: i32) -> (i32, i32) {
    %c0_i32 = arith.constant 0 : i32
    %c0_i32_0 = arith.constant 0 : i32
    %c0_i32_1 = arith.constant 0 : i32
    return %c0_i32, %c0_i32_0 : i32, i32
  }
  func.func @transform_4(%arg0: i32) -> (i32, i32) {
    %c0_i32 = arith.constant 0 : i32
    %c0_i32_0 = arith.constant 0 : i32
    %c0_i32_1 = arith.constant 0 : i32
    return %c0_i32, %c0_i32_0 : i32, i32
  }
  func.func @transform_5(%arg0: i32) -> (i32, i32) {
    %c0_i32 = arith.constant 0 : i32
    %c0_i32_0 = arith.constant 0 : i32
    %c0_i32_1 = arith.constant 0 : i32
    return %c0_i32, %c0_i32_0 : i32, i32
  }
  func.func @transform_6(%arg0: i32) -> (i32, i32) {
    %c0_i32 = arith.constant 0 : i32
    %c0_i32_0 = arith.constant 0 : i32
    %c0_i32_1 = arith.constant 0 : i32
    return %c0_i32, %c0_i32_0 : i32, i32
  }
  func.func @transform_7(%arg0: i32) -> (i32, i32) {
    %c0_i32 = arith.constant 0 : i32
    %c0_i32_0 = arith.constant 0 : i32
    %c0_i32_1 = arith.constant 0 : i32
    return %c0_i32, %c0_i32_0 : i32, i32
  }
  func.func @transform_8(%arg0: i32) -> (i32, i32) {
    %c0_i32 = arith.constant 0 : i32
    %c0_i32_0 = arith.constant 0 : i32
    %c0_i32_1 = arith.constant 0 : i32
    return %c0_i32, %c0_i32_0 : i32, i32
  }
  func.func @transform_9(%arg0: i32) -> (i32, i32) {
    %c0_i32 = arith.constant 0 : i32
    %c0_i32_0 = arith.constant 0 : i32
    %c0_i32_1 = arith.constant 0 : i32
    return %c0_i32, %c0_i32_0 : i32, i32
  }
  func.func @transform_10(%arg0: i32) -> (i32, i32) {
    %c0_i32 = arith.constant 0 : i32
    %c0_i32_0 = arith.constant 0 : i32
    return %arg0, %c0_i32 : i32, i32
  }
}

module attributes {stable_mosaic.version = 14 : i64} {
  func.func @_conv_body(%arg0: i32, %arg1: memref<4096x144xf32, #tpu.memory_space<vmem>>, %arg2: memref<256x3xf32, #tpu.memory_space<vmem>>, %arg3: memref<144x128xf32, #tpu.memory_space<vmem>>, %arg4: memref<1x128xf32, #tpu.memory_space<vmem>>, %arg5: memref<3x128xf32, #tpu.memory_space<vmem>>, %arg6: memref<128x256xf32, #tpu.memory_space<vmem>>, %arg7: memref<1x256xf32, #tpu.memory_space<vmem>>, %arg8: memref<144x256xf32, #tpu.memory_space<vmem>>, %arg9: memref<1x256xf32, #tpu.memory_space<vmem>>, %arg10: memref<3x256xf32, #tpu.memory_space<vmem>>, %arg11: memref<256x256xf32, #tpu.memory_space<vmem>>) attributes {dimension_semantics = [#tpu.dimension_semantics<arbitrary>], iteration_bounds = array<i64: 4>, scalar_prefetch = 0 : i64, scratch_operands = 0 : i64, tpu.core_type = #tpu.core_type<tc>, window_params = [{transform_indices = @transform_0, window_bounds = array<i64: 4096, 144>}, {transform_indices = @transform_1, window_bounds = array<i64: 256, 3>}, {pipeline_mode = #tpu.pipeline_mode<synchronous>, transform_indices = @transform_2, window_bounds = array<i64: 144, 128>}, {pipeline_mode = #tpu.pipeline_mode<synchronous>, transform_indices = @transform_3, window_bounds = array<i64: 1, 128>}, {pipeline_mode = #tpu.pipeline_mode<synchronous>, transform_indices = @transform_4, window_bounds = array<i64: 3, 128>}, {pipeline_mode = #tpu.pipeline_mode<synchronous>, transform_indices = @transform_5, window_bounds = array<i64: 128, 256>}, {pipeline_mode = #tpu.pipeline_mode<synchronous>, transform_indices = @transform_6, window_bounds = array<i64: 1, 256>}, {pipeline_mode = #tpu.pipeline_mode<synchronous>, transform_indices = @transform_7, window_bounds = array<i64: 144, 256>}, {pipeline_mode = #tpu.pipeline_mode<synchronous>, transform_indices = @transform_8, window_bounds = array<i64: 1, 256>}, {pipeline_mode = #tpu.pipeline_mode<synchronous>, transform_indices = @transform_9, window_bounds = array<i64: 3, 256>}, {transform_indices = @transform_10, window_bounds = array<i64: 256, 256>}]} {
    %get3A = arith.constant 0 : index
    %get3A_0 = arith.constant 0 : index
    %get3A_1 = vector.load %arg1[%get3A, %get3A_0] : memref<4096x144xf32, #tpu.memory_space<vmem>>, vector<4096x144xf32>
    %get3A_2 = arith.constant 0 : index
    %get3A_3 = arith.constant 0 : index
    %get3A_4 = vector.load %arg2[%get3A_2, %get3A_3] : memref<256x3xf32, #tpu.memory_space<vmem>>, vector<256x3xf32>
    %get3A_5 = arith.constant 0 : index
    %get3A_6 = arith.constant 0 : index
    %get3A_7 = vector.load %arg3[%get3A_5, %get3A_6] : memref<144x128xf32, #tpu.memory_space<vmem>>, vector<144x128xf32>
    %dot_general3A = arith.constant dense<0.000000e+00> : vector<4096x128xf32>
    %dot_general3A_8 = tpu.matmul %get3A_1, %get3A_7, %dot_general3A {dimension_numbers = #tpu.dot_dimension_numbers<[1], [0], [0], [1], [0, 0, 1, 1], [], []>, transpose_lhs_hint = false} : vector<4096x144xf32>, vector<144x128xf32>, vector<4096x128xf32> -> vector<4096x128xf32>
    %get3A_9 = arith.constant 0 : index
    %get3A_10 = arith.constant 0 : index
    %get3A_11 = vector.load %arg4[%get3A_9, %get3A_10] : memref<1x128xf32, #tpu.memory_space<vmem>>, vector<1x128xf32>
    %add3A = vector.broadcast %get3A_11 : vector<1x128xf32> to vector<4096x128xf32>
    %add3A_12 = arith.addf %dot_general3A_8, %add3A : vector<4096x128xf32>
    %get3A_13 = arith.constant 0 : index
    %get3A_14 = arith.constant 0 : index
    %get3A_15 = vector.load %arg5[%get3A_13, %get3A_14] : memref<3x128xf32, #tpu.memory_space<vmem>>, vector<3x128xf32>
    %dot_general3A_16 = arith.constant dense<0.000000e+00> : vector<256x128xf32>
    %dot_general3A_17 = tpu.matmul %get3A_4, %get3A_15, %dot_general3A_16 {dimension_numbers = #tpu.dot_dimension_numbers<[1], [0], [0], [1], [0, 0, 1, 1], [], []>, transpose_lhs_hint = false} : vector<256x3xf32>, vector<3x128xf32>, vector<256x128xf32> -> vector<256x128xf32>
    %reshape3A = vector.shape_cast %add3A_12 : vector<4096x128xf32> to vector<256x16x128xf32>
    %reshape3A_18 = vector.shape_cast %dot_general3A_17 : vector<256x128xf32> to vector<256x1x128xf32>
    %sub3A = vector.broadcast %reshape3A_18 : vector<256x1x128xf32> to vector<256x16x128xf32>
    %sub3A_19 = arith.subf %reshape3A, %sub3A : vector<256x16x128xf32>
    %max3A = arith.constant 0.000000e+00 : f32
    %max3A_20 = vector.broadcast %max3A : f32 to vector<256x16x128xf32>
    %max3A_21 = arith.maximumf %sub3A_19, %max3A_20 : vector<256x16x128xf32>
    %reshape3A_22 = vector.shape_cast %max3A_21 : vector<256x16x128xf32> to vector<4096x128xf32>
    %get3A_23 = arith.constant 0 : index
    %get3A_24 = arith.constant 0 : index
    %get3A_25 = vector.load %arg6[%get3A_23, %get3A_24] : memref<128x256xf32, #tpu.memory_space<vmem>>, vector<128x256xf32>
    %dot_general3A_26 = arith.constant dense<0.000000e+00> : vector<4096x256xf32>
    %dot_general3A_27 = tpu.matmul %reshape3A_22, %get3A_25, %dot_general3A_26 {dimension_numbers = #tpu.dot_dimension_numbers<[1], [0], [0], [1], [0, 0, 1, 1], [], []>, transpose_lhs_hint = false} : vector<4096x128xf32>, vector<128x256xf32>, vector<4096x256xf32> -> vector<4096x256xf32>
    %get3A_28 = arith.constant 0 : index
    %get3A_29 = arith.constant 0 : index
    %get3A_30 = vector.load %arg7[%get3A_28, %get3A_29] : memref<1x256xf32, #tpu.memory_space<vmem>>, vector<1x256xf32>
    %add3A_31 = vector.broadcast %get3A_30 : vector<1x256xf32> to vector<4096x256xf32>
    %add3A_32 = arith.addf %dot_general3A_27, %add3A_31 : vector<4096x256xf32>
    %get3A_33 = arith.constant 0 : index
    %get3A_34 = arith.constant 0 : index
    %get3A_35 = vector.load %arg8[%get3A_33, %get3A_34] : memref<144x256xf32, #tpu.memory_space<vmem>>, vector<144x256xf32>
    %dot_general3A_36 = arith.constant dense<0.000000e+00> : vector<4096x256xf32>
    %dot_general3A_37 = tpu.matmul %get3A_1, %get3A_35, %dot_general3A_36 {dimension_numbers = #tpu.dot_dimension_numbers<[1], [0], [0], [1], [0, 0, 1, 1], [], []>, transpose_lhs_hint = false} : vector<4096x144xf32>, vector<144x256xf32>, vector<4096x256xf32> -> vector<4096x256xf32>
    %add3A_38 = arith.addf %add3A_32, %dot_general3A_37 : vector<4096x256xf32>
    %get3A_39 = arith.constant 0 : index
    %get3A_40 = arith.constant 0 : index
    %get3A_41 = vector.load %arg9[%get3A_39, %get3A_40] : memref<1x256xf32, #tpu.memory_space<vmem>>, vector<1x256xf32>
    %add3A_42 = vector.broadcast %get3A_41 : vector<1x256xf32> to vector<4096x256xf32>
    %add3A_43 = arith.addf %add3A_38, %add3A_42 : vector<4096x256xf32>
    %get3A_44 = arith.constant 0 : index
    %get3A_45 = arith.constant 0 : index
    %get3A_46 = vector.load %arg10[%get3A_44, %get3A_45] : memref<3x256xf32, #tpu.memory_space<vmem>>, vector<3x256xf32>
    %dot_general3A_47 = arith.constant dense<0.000000e+00> : vector<256x256xf32>
    %dot_general3A_48 = tpu.matmul %get3A_4, %get3A_46, %dot_general3A_47 {dimension_numbers = #tpu.dot_dimension_numbers<[1], [0], [0], [1], [0, 0, 1, 1], [], []>, transpose_lhs_hint = false} : vector<256x3xf32>, vector<3x256xf32>, vector<256x256xf32> -> vector<256x256xf32>
    %reshape3A_49 = vector.shape_cast %add3A_43 : vector<4096x256xf32> to vector<256x16x256xf32>
    %reshape3A_50 = vector.shape_cast %dot_general3A_48 : vector<256x256xf32> to vector<256x1x256xf32>
    %sub3A_51 = vector.broadcast %reshape3A_50 : vector<256x1x256xf32> to vector<256x16x256xf32>
    %sub3A_52 = arith.subf %reshape3A_49, %sub3A_51 : vector<256x16x256xf32>
    %max3A_53 = arith.constant 0.000000e+00 : f32
    %max3A_54 = vector.broadcast %max3A_53 : f32 to vector<256x16x256xf32>
    %max3A_55 = arith.maximumf %sub3A_52, %max3A_54 : vector<256x16x256xf32>
    %reduce_max3A = arith.constant dense<0xFF800000> : vector<256x256xf32>
    %reduce_max3A_56 = vector.multi_reduction <maximumf>, %max3A_55, %reduce_max3A [1] : vector<256x16x256xf32> to vector<256x256xf32>
    %swap3A = arith.constant 0 : index
    %swap3A_57 = arith.constant 0 : index
    %swap3A_58 = vector.load %arg11[%swap3A, %swap3A_57] : memref<256x256xf32, #tpu.memory_space<vmem>>, vector<256x256xf32>
    tpu.vector_store %arg11[%swap3A, %swap3A_57], %reduce_max3A_56 {strides = array<i32>} : memref<256x256xf32, #tpu.memory_space<vmem>>, vector<256x256xf32>,
    return
  }
  func.func @transform_0(%arg0: i32) -> (i32, i32) {
    %c0_i32 = arith.constant 0 : i32
    %c0_i32_0 = arith.constant 0 : i32
    return %arg0, %c0_i32 : i32, i32
  }
  func.func @transform_1(%arg0: i32) -> (i32, i32) {
    %c0_i32 = arith.constant 0 : i32
    %c0_i32_0 = arith.constant 0 : i32
    return %arg0, %c0_i32 : i32, i32
  }
  func.func @transform_2(%arg0: i32) -> (i32, i32) {
    %c0_i32 = arith.constant 0 : i32
    %c0_i32_0 = arith.constant 0 : i32
    %c0_i32_1 = arith.constant 0 : i32
    return %c0_i32, %c0_i32_0 : i32, i32
  }
  func.func @transform_3(%arg0: i32) -> (i32, i32) {
    %c0_i32 = arith.constant 0 : i32
    %c0_i32_0 = arith.constant 0 : i32
    %c0_i32_1 = arith.constant 0 : i32
    return %c0_i32, %c0_i32_0 : i32, i32
  }
  func.func @transform_4(%arg0: i32) -> (i32, i32) {
    %c0_i32 = arith.constant 0 : i32
    %c0_i32_0 = arith.constant 0 : i32
    %c0_i32_1 = arith.constant 0 : i32
    return %c0_i32, %c0_i32_0 : i32, i32
  }
  func.func @transform_5(%arg0: i32) -> (i32, i32) {
    %c0_i32 = arith.constant 0 : i32
    %c0_i32_0 = arith.constant 0 : i32
    %c0_i32_1 = arith.constant 0 : i32
    return %c0_i32, %c0_i32_0 : i32, i32
  }
  func.func @transform_6(%arg0: i32) -> (i32, i32) {
    %c0_i32 = arith.constant 0 : i32
    %c0_i32_0 = arith.constant 0 : i32
    %c0_i32_1 = arith.constant 0 : i32
    return %c0_i32, %c0_i32_0 : i32, i32
  }
  func.func @transform_7(%arg0: i32) -> (i32, i32) {
    %c0_i32 = arith.constant 0 : i32
    %c0_i32_0 = arith.constant 0 : i32
    %c0_i32_1 = arith.constant 0 : i32
    return %c0_i32, %c0_i32_0 : i32, i32
  }
  func.func @transform_8(%arg0: i32) -> (i32, i32) {
    %c0_i32 = arith.constant 0 : i32
    %c0_i32_0 = arith.constant 0 : i32
    %c0_i32_1 = arith.constant 0 : i32
    return %c0_i32, %c0_i32_0 : i32, i32
  }
  func.func @transform_9(%arg0: i32) -> (i32, i32) {
    %c0_i32 = arith.constant 0 : i32
    %c0_i32_0 = arith.constant 0 : i32
    %c0_i32_1 = arith.constant 0 : i32
    return %c0_i32, %c0_i32_0 : i32, i32
  }
  func.func @transform_10(%arg0: i32) -> (i32, i32) {
    %c0_i32 = arith.constant 0 : i32
    %c0_i32_0 = arith.constant 0 : i32
    return %arg0, %c0_i32 : i32, i32
  }
}

module attributes {stable_mosaic.version = 14 : i64} {
  func.func @_head_body(%arg0: memref<1024x256xf32, #tpu.memory_space<vmem>>, %arg1: memref<4x128xf32, #tpu.memory_space<vmem>>, %arg2: memref<256x512xf32, #tpu.memory_space<vmem>>, %arg3: memref<128x512xf32, #tpu.memory_space<vmem>>, %arg4: memref<1x512xf32, #tpu.memory_space<vmem>>, %arg5: memref<512x512xf32, #tpu.memory_space<vmem>>, %arg6: memref<1x512xf32, #tpu.memory_space<vmem>>, %arg7: memref<256x512xf32, #tpu.memory_space<vmem>>, %arg8: memref<128x512xf32, #tpu.memory_space<vmem>>, %arg9: memref<1x512xf32, #tpu.memory_space<vmem>>, %arg10: memref<512x128xf32, #tpu.memory_space<vmem>>, %arg11: memref<1x128xf32, #tpu.memory_space<vmem>>, %arg12: memref<512x128xf32, #tpu.memory_space<vmem>>, %arg13: memref<1x128xf32, #tpu.memory_space<vmem>>, %arg14: memref<4x128xf32, #tpu.memory_space<vmem>>, %arg15: memref<4x128xf32, #tpu.memory_space<vmem>>) attributes {dimension_semantics = [], scalar_prefetch = 0 : i64, scratch_operands = 0 : i64, tpu.core_type = #tpu.core_type<tc>} {
    %get3A = arith.constant 0 : index
    %get3A_0 = arith.constant 0 : index
    %get3A_1 = vector.load %arg0[%get3A, %get3A_0] : memref<1024x256xf32, #tpu.memory_space<vmem>>, vector<1024x256xf32>
    %reshape3A = vector.shape_cast %get3A_1 : vector<1024x256xf32> to vector<4x256x256xf32>
    %reduce_max3A = arith.constant dense<0xFF800000> : vector<4x256xf32>
    %reduce_max3A_2 = vector.multi_reduction <maximumf>, %reshape3A, %reduce_max3A [1] : vector<4x256x256xf32> to vector<4x256xf32>
    %get3A_3 = arith.constant 0 : index
    %get3A_4 = arith.constant 0 : index
    %get3A_5 = vector.load %arg1[%get3A_3, %get3A_4] : memref<4x128xf32, #tpu.memory_space<vmem>>, vector<4x128xf32>
    %get3A_6 = arith.constant 0 : index
    %get3A_7 = arith.constant 0 : index
    %get3A_8 = vector.load %arg2[%get3A_6, %get3A_7] : memref<256x512xf32, #tpu.memory_space<vmem>>, vector<256x512xf32>
    %dot_general3A = arith.constant dense<0.000000e+00> : vector<4x512xf32>
    %dot_general3A_9 = tpu.matmul %reduce_max3A_2, %get3A_8, %dot_general3A {dimension_numbers = #tpu.dot_dimension_numbers<[1], [0], [0], [1], [0, 0, 1, 1], [], []>, transpose_lhs_hint = false} : vector<4x256xf32>, vector<256x512xf32>, vector<4x512xf32> -> vector<4x512xf32>
    %get3A_10 = arith.constant 0 : index
    %get3A_11 = arith.constant 0 : index
    %get3A_12 = vector.load %arg3[%get3A_10, %get3A_11] : memref<128x512xf32, #tpu.memory_space<vmem>>, vector<128x512xf32>
    %dot_general3A_13 = arith.constant dense<0.000000e+00> : vector<4x512xf32>
    %dot_general3A_14 = tpu.matmul %get3A_5, %get3A_12, %dot_general3A_13 {dimension_numbers = #tpu.dot_dimension_numbers<[1], [0], [0], [1], [0, 0, 1, 1], [], []>, transpose_lhs_hint = false} : vector<4x128xf32>, vector<128x512xf32>, vector<4x512xf32> -> vector<4x512xf32>
    %add3A = arith.addf %dot_general3A_9, %dot_general3A_14 : vector<4x512xf32>
    %get3A_15 = arith.constant 0 : index
    %get3A_16 = arith.constant 0 : index
    %get3A_17 = vector.load %arg4[%get3A_15, %get3A_16] : memref<1x512xf32, #tpu.memory_space<vmem>>, vector<1x512xf32>
    %add3A_18 = vector.broadcast %get3A_17 : vector<1x512xf32> to vector<4x512xf32>
    %add3A_19 = arith.addf %add3A, %add3A_18 : vector<4x512xf32>
    %max3A = arith.constant 0.000000e+00 : f32
    %max3A_20 = vector.broadcast %max3A : f32 to vector<4x512xf32>
    %max3A_21 = arith.maximumf %add3A_19, %max3A_20 : vector<4x512xf32>
    %get3A_22 = arith.constant 0 : index
    %get3A_23 = arith.constant 0 : index
    %get3A_24 = vector.load %arg5[%get3A_22, %get3A_23] : memref<512x512xf32, #tpu.memory_space<vmem>>, vector<512x512xf32>
    %dot_general3A_25 = arith.constant dense<0.000000e+00> : vector<4x512xf32>
    %dot_general3A_26 = tpu.matmul %max3A_21, %get3A_24, %dot_general3A_25 {dimension_numbers = #tpu.dot_dimension_numbers<[1], [0], [0], [1], [0, 0, 1, 1], [], []>, transpose_lhs_hint = false} : vector<4x512xf32>, vector<512x512xf32>, vector<4x512xf32> -> vector<4x512xf32>
    %get3A_27 = arith.constant 0 : index
    %get3A_28 = arith.constant 0 : index
    %get3A_29 = vector.load %arg6[%get3A_27, %get3A_28] : memref<1x512xf32, #tpu.memory_space<vmem>>, vector<1x512xf32>
    %add3A_30 = vector.broadcast %get3A_29 : vector<1x512xf32> to vector<4x512xf32>
    %add3A_31 = arith.addf %dot_general3A_26, %add3A_30 : vector<4x512xf32>
    %get3A_32 = arith.constant 0 : index
    %get3A_33 = arith.constant 0 : index
    %get3A_34 = vector.load %arg7[%get3A_32, %get3A_33] : memref<256x512xf32, #tpu.memory_space<vmem>>, vector<256x512xf32>
    %dot_general3A_35 = arith.constant dense<0.000000e+00> : vector<4x512xf32>
    %dot_general3A_36 = tpu.matmul %reduce_max3A_2, %get3A_34, %dot_general3A_35 {dimension_numbers = #tpu.dot_dimension_numbers<[1], [0], [0], [1], [0, 0, 1, 1], [], []>, transpose_lhs_hint = false} : vector<4x256xf32>, vector<256x512xf32>, vector<4x512xf32> -> vector<4x512xf32>
    %add3A_37 = arith.addf %add3A_31, %dot_general3A_36 : vector<4x512xf32>
    %get3A_38 = arith.constant 0 : index
    %get3A_39 = arith.constant 0 : index
    %get3A_40 = vector.load %arg8[%get3A_38, %get3A_39] : memref<128x512xf32, #tpu.memory_space<vmem>>, vector<128x512xf32>
    %dot_general3A_41 = arith.constant dense<0.000000e+00> : vector<4x512xf32>
    %dot_general3A_42 = tpu.matmul %get3A_5, %get3A_40, %dot_general3A_41 {dimension_numbers = #tpu.dot_dimension_numbers<[1], [0], [0], [1], [0, 0, 1, 1], [], []>, transpose_lhs_hint = false} : vector<4x128xf32>, vector<128x512xf32>, vector<4x512xf32> -> vector<4x512xf32>
    %add3A_43 = arith.addf %add3A_37, %dot_general3A_42 : vector<4x512xf32>
    %get3A_44 = arith.constant 0 : index
    %get3A_45 = arith.constant 0 : index
    %get3A_46 = vector.load %arg9[%get3A_44, %get3A_45] : memref<1x512xf32, #tpu.memory_space<vmem>>, vector<1x512xf32>
    %add3A_47 = vector.broadcast %get3A_46 : vector<1x512xf32> to vector<4x512xf32>
    %add3A_48 = arith.addf %add3A_43, %add3A_47 : vector<4x512xf32>
    %max3A_49 = arith.constant 0.000000e+00 : f32
    %max3A_50 = vector.broadcast %max3A_49 : f32 to vector<4x512xf32>
    %max3A_51 = arith.maximumf %add3A_48, %max3A_50 : vector<4x512xf32>
    %get3A_52 = arith.constant 0 : index
    %get3A_53 = arith.constant 0 : index
    %get3A_54 = vector.load %arg10[%get3A_52, %get3A_53] : memref<512x128xf32, #tpu.memory_space<vmem>>, vector<512x128xf32>
    %dot_general3A_55 = arith.constant dense<0.000000e+00> : vector<4x128xf32>
    %dot_general3A_56 = tpu.matmul %max3A_51, %get3A_54, %dot_general3A_55 {dimension_numbers = #tpu.dot_dimension_numbers<[1], [0], [0], [1], [0, 0, 1, 1], [], []>, transpose_lhs_hint = false} : vector<4x512xf32>, vector<512x128xf32>, vector<4x128xf32> -> vector<4x128xf32>
    %get3A_57 = arith.constant 0 : index
    %get3A_58 = arith.constant 0 : index
    %get3A_59 = vector.load %arg11[%get3A_57, %get3A_58] : memref<1x128xf32, #tpu.memory_space<vmem>>, vector<1x128xf32>
    %add3A_60 = vector.broadcast %get3A_59 : vector<1x128xf32> to vector<4x128xf32>
    %add3A_61 = arith.addf %dot_general3A_56, %add3A_60 : vector<4x128xf32>
    %swap3A = arith.constant 0 : index
    %swap3A_62 = arith.constant 0 : index
    %swap3A_63 = vector.load %arg14[%swap3A, %swap3A_62] : memref<4x128xf32, #tpu.memory_space<vmem>>, vector<4x128xf32>
    tpu.vector_store %arg14[%swap3A, %swap3A_62], %add3A_61 {strides = array<i32>} : memref<4x128xf32, #tpu.memory_space<vmem>>, vector<4x128xf32>,
    %get3A_64 = arith.constant 0 : index
    %get3A_65 = arith.constant 0 : index
    %get3A_66 = vector.load %arg12[%get3A_64, %get3A_65] : memref<512x128xf32, #tpu.memory_space<vmem>>, vector<512x128xf32>
    %dot_general3A_67 = arith.constant dense<0.000000e+00> : vector<4x128xf32>
    %dot_general3A_68 = tpu.matmul %max3A_51, %get3A_66, %dot_general3A_67 {dimension_numbers = #tpu.dot_dimension_numbers<[1], [0], [0], [1], [0, 0, 1, 1], [], []>, transpose_lhs_hint = false} : vector<4x512xf32>, vector<512x128xf32>, vector<4x128xf32> -> vector<4x128xf32>
    %get3A_69 = arith.constant 0 : index
    %get3A_70 = arith.constant 0 : index
    %get3A_71 = vector.load %arg13[%get3A_69, %get3A_70] : memref<1x128xf32, #tpu.memory_space<vmem>>, vector<1x128xf32>
    %add3A_72 = vector.broadcast %get3A_71 : vector<1x128xf32> to vector<4x128xf32>
    %add3A_73 = arith.addf %dot_general3A_68, %add3A_72 : vector<4x128xf32>
    %swap3A_74 = arith.constant 0 : index
    %swap3A_75 = arith.constant 0 : index
    %swap3A_76 = vector.load %arg15[%swap3A_74, %swap3A_75] : memref<4x128xf32, #tpu.memory_space<vmem>>, vector<4x128xf32>
    tpu.vector_store %arg15[%swap3A_74, %swap3A_75], %add3A_73 {strides = array<i32>} : memref<4x128xf32, #tpu.memory_space<vmem>>, vector<4x128xf32>,
    return
  }
}

</mosaic_0001>

<sc_bundles>
// kernel: kernel.15.cloned.1.call-start
scs
__scs_entry_jumppad:
0x0: {  	(pc) =	sbr.rel $0x88, $3  }
0x1: {  	(tag) =	ssettag $0x0;
	lr =	simm.s32 $0x1  }
0x2: {  	[smem:$0x3F82] =	sst lr;
	_ =	strace $0xD0000000  }
0x3: {  	_ = 	snop  }
0x4: {  	_ = 	snop  }
0x5: {  	_ = 	snop  }
0x6: {  	_ = 	snop  }
0x7: {  	_ = 	snop  }
__scs_overlays_trampoline_lowered:
0x8: {  	[smem:$0x3F91] =	sst s0  }
0x9: {  	[smem:$0x3F92] =	sst s1  }
0xa: {  	[smem:$0x3F93] =	sst s2  }
0xb: {  	[smem:$0x3F94] =	sst s3  }
0xc: {  	[smem:$0x3F95] =	sst s4  }
0xd: {  	[smem:$0x3F96] =	sst s5  }
0xe: {  	[smem:$0x3F97] =	sst s6  }
0xf: {  	[smem:$0x3F98] =	sst s7  }
0x10: {  	[smem:$0x3F99] =	sst s8  }
0x11: {  	[smem:$0x3F9A] =	sst s9;
	s0 =	simm.s32 @!p0 $0x0  }
0x12: {  	s1 =	sld [smem:$0x3F80];
	s0 =	simm.s32 @p0 $0x1  }
0x13: {  	[smem:$0x3F9B] =	sst s0;
	s0 =	simm.s32 @!p1 $0x0  }
0x14: {  	s2 =	sld [smem:$0x3F7F];
	s0 =	simm.s32 @p1 $0x1  }
0x15: {  	[smem:$0x3F9C] =	sst s0;
	s0 =	simm.s32 @!p2 $0x0  }
0x16: {  	s3 =	sld [smem:$0x3FDB];
	s0 =	simm.s32 @p2 $0x1  }
0x17: {  	s4 =	simm.s32 $0x1BF5;
	[smem:$0x3F9E] =	sst s0  }
0x18: {  	s0 =	sld [smem:$0x3F81];
	_ =	swait.ge [sflag:s4], $0x0  }
0x19: {  	s7 =	sld [smem:$0x3F82]  }
0x1a: {  	s8 =	sadd.s32 $0xFFFFE003, lr  }
0x1b: {  	s9 =	sadd.s32 $0xFFFFFEF7, lr;
	s5 =	simm.s32 $0xFFFFFFFF;
	p2 =	slt.u32 s8, $0xFFFFF086  }
0x1c: {  	p1 =	slt.u32 s9, $0xF7A;
	s5 =	simm.s32 @!p2 $0x0  }
0x1d: {  	s5 =	simm.s32 @p1 $0x1;
	p0 =	seq.s32 s7, s2  }
0x1e: {  	s7 =	smul.u32 @!p0 $0xF7A, s2;
	p2 =	seq.s32 @!p0 s5, $0x0  }
0x1f: {  	s9 =	smul.u32 $0xF7A, s1;
	s8 =	simm.s32 @!p0 $0x1BF5;
	p2 =	por !p2, p0  }
0x20: {  	[sflag:s8] =	ssyncset.s32 @!p0 $0xFFFFF086;
	s6 =	sadd.s32 @!p0 s3, s7;
	s7 =	simm.s32 @!p0 $0x108  }
0x21: {  	s3 =	sadd.s32 s3, s9;
	s6 =	sadd.s32 @!p0 $0x88, s6;
	s7 =	simm.s32 @p2 $0x1082  }
0x22: {  	[simem:s7], [sflag:s8] =	dma.local @!p0 [hbm:s6], $0xF7A  }
0x23: {  	s9 =	sor.u32 $0xD0000000, s2;
	s6 =	simm.s32 $0x108;
	_ =	swait.ge @!p0 [sflag:s8], $0x0  }
0x24: {  	s3 =	sadd.s32 $0x88, s3;
	s6 =	simm.s32 @!p1 $0x1082;
	[sflag:s4] =	ssyncset.s32 $0xFFFFF086  }
0x25: {  	[simem:s6], [sflag:s4] =	dma.local [hbm:s3], $0xF7A  }
0x26: {  	[smem:$0x3F82] =	sst s1;
	(tag) =	ssettag s2;
	_ =	strace s9  }
0x27: {  	s1 =	sld [smem:$0x3F92]  }
0x28: {  	s2 =	sld [smem:$0x3F93]  }
0x29: {  	s4 =	sld [smem:$0x3F95]  }
0x2a: {  	p0 =	seq.s32 s5, $0x0;
	s5 =	sld [smem:$0x3F96]  }
0x2b: {  	s6 =	sld [smem:$0x3F97]  }
0x2c: {  	s7 =	sld [smem:$0x3F98]  }
0x2d: {  	s3 =	simm.s32 $0x108;
	s8 =	sld [smem:$0x3F99]  }
0x2e: {  	s3 =	simm.s32 @!p0 $0x1082;
	s9 =	sld [smem:$0x3F9A]  }
0x2f: {  	lr =	sadd.s32 s0, s3;
	s0 =	sld [smem:$0x3F91]  }
0x30: {  	s3 =	sld [smem:$0x3F94]  }
0x31: {  	[smem:$0x3F9D] =	sst s10  }
0x32: {  	s10 =	sld [smem:$0x3F9B];
	_ =	sdelay $0x3  }
0x33: {  	p0 =	seq.s32 s10, $0x1;
	s10 =	sld [smem:$0x3F9D];
	_ =	sdelay $0x3  }
0x34: {  	[smem:$0x3F9D] =	sst s10  }
0x35: {  	s10 =	sld [smem:$0x3F9C];
	_ =	sdelay $0x3  }
0x36: {  	p1 =	seq.s32 s10, $0x1;
	s10 =	sld [smem:$0x3F9D];
	_ =	sdelay $0x3  }
0x37: {  	[smem:$0x3F9D] =	sst s10  }
0x38: {  	s10 =	sld [smem:$0x3F9E]  }
0x39: {  	_ = 	snop;
	(pc) =	sbr.ind lr, $3  }
0x3a: {  	_ = 	snop  }
0x3b: {  	_ = 	snop  }
0x3c: {  	p2 =	seq.s32 s10, $0x1;
	s10 =	sld [smem:$0x3F9D]  }
0x3d: {  	_ =	shalt  }
0x3e: {  	_ =	shalt  }
0x3f: {  	_ =	shalt  }
0x40: {  	_ =	shalt  }
0x41: {  	_ =	shalt  }
0x42: {  	_ =	shalt  }
0x43: {  	_ =	shalt  }
0x44: {  	_ =	shalt  }
0x45: {  	_ =	shalt  }
0x46: {  	_ =	shalt  }
0x47: {  	_ =	shalt  }
0x48: {  	_ =	shalt  }
0x49: {  	_ =	shalt  }
0x4a: {  	_ =	shalt  }
0x4b: {  	_ =	shalt  }
0x4c: {  	_ =	shalt  }
0x4d: {  	_ =	shalt  }
0x4e: {  	_ =	shalt  }
0x4f: {  	_ =	shalt  }
0x50: {  	_ =	shalt  }
0x51: {  	_ =	shalt  }
0x52: {  	_ =	shalt  }
0x53: {  	_ =	shalt  }
0x54: {  	_ =	shalt  }
0x55: {  	_ =	shalt  }
0x56: {  	_ =	shalt  }
0x57: {  	_ =	shalt  }
0x58: {  	_ =	shalt  }
0x59: {  	_ =	shalt  }
0x5a: {  	_ =	shalt  }
0x5b: {  	_ =	shalt  }
0x5c: {  	_ =	shalt  }
0x5d: {  	_ =	shalt  }
0x5e: {  	_ =	shalt  }
0x5f: {  	_ =	shalt  }
0x60: {  	_ =	shalt  }
0x61: {  	_ =	shalt  }
0x62: {  	_ =	shalt  }
0x63: {  	_ =	shalt  }
0x64: {  	_ =	shalt  }
0x65: {  	_ =	shalt  }
0x66: {  	_ =	shalt  }
0x67: {  	_ =	shalt  }
0x68: {  	_ =	shalt  }
0x69: {  	_ =	shalt  }
0x6a: {  	_ =	shalt  }
0x6b: {  	_ =	shalt  }
0x6c: {  	_ =	shalt  }
0x6d: {  	_ =	shalt  }
0x6e: {  	_ =	shalt  }
0x6f: {  	_ =	shalt  }
0x70: {  	_ =	shalt  }
0x71: {  	_ =	shalt  }
0x72: {  	_ =	shalt  }
0x73: {  	_ =	shalt  }
0x74: {  	_ =	shalt  }
0x75: {  	_ =	shalt  }
0x76: {  	_ =	shalt  }
0x77: {  	_ =	shalt  }
0x78: {  	_ =	shalt  }
0x79: {  	_ =	shalt  }
0x7a: {  	_ =	shalt  }
0x7b: {  	_ =	shalt  }
0x7c: {  	_ =	shalt  }
0x7d: {  	_ =	shalt  }
0x7e: {  	_ =	shalt  }
0x7f: {  	_ =	shalt  }
0x80: {  	_ =	shalt  }
0x81: {  	_ =	shalt  }
0x82: {  	_ =	shalt  }
0x83: {  	_ =	shalt  }
0x84: {  	_ =	shalt  }
0x85: {  	_ =	shalt  }
0x86: {  	_ =	shalt  }
0x87: {  	_ =	shalt  }
.Lfunc_end0:
.L_simem_size_0:
called_computation_lowered:
.L_overlay_start_0:
0x88: {  	s2 =	sld [smem:$0x3FD9]  }
0x89: {  	s3 =	sld [smem:$0x3FFE];
	_ =	sdelay $0x1  }
0x8a: {  	s1 =	srdreg.scid  }
0x8b: {  	s0 =	sand.u32 $0x1, s1  }
0x8c: {  	s16 =	sshll.u32 s0, $0xA;
	s2 =	sadd.s32 s3, s2  }
0x8d: {  	s2 =	sadd.s32 s2, s16  }
0x8e: {  	[smem:$0x3FA9] =	sst s2  }
0x8f: {  	_ = 	snop  }
0x90: {  	(tm) =	ssettm $0x1  }
0x91: {  	s17 =	sld [smem:$0x3FFB];
	_ =	sdelay $0x3  }
0x92: {  	_ =	strace s17  }
0x93: {  	s2 =	sld [smem:$0x3FFC];
	_ =	sdelay $0x3  }
0x94: {  	_ =	strace s2  }
0x95: {  	s2 =	sld [smem:$0x3FFD];
	_ =	sdelay $0x3  }
0x96: {  	_ =	strace s2  }
0x97: {  	_ =	strace $0x8FFFFFFF  }
0x98: {  	s18 =	sld [smem:$0x3FDB];
	_ =	sdelay $0x1  }
0x99: {  	s19 =	simm.s32 $_scs_section_size  }
0x9a: {  	s4 =	simm.s32 $_size__tile_overlayer_lowered;
	s5 =	simm.s32 $_tile_overlayer_lowered  }
0x9b: {  	s22 =	simm.s32 $0x1BFF;
	s21 =	sshll.u32 s5, $0x1;
	s2 =	sadd.s32 s19, s18  }
0x9c: {  	s6 =	simm.s32 $0x0;
	s20 =	sshll.u32 s4, $0x1;
	s4 =	sadd.s32 s21, s2  }
0x9d: {  	[timem:s6], [sflag:s22] =	dma.local [hbm:s4], s20  }
0x9e: {  	_ =	swait.ge [sflag:s22], s20  }
0x9f: {  	s3 =	ssub.s32 $0x0, s20;
	[sflag:s22] =	ssyncset.done $0x0  }
0xa0: {  	[sflag:s22] =	ssyncadd.s32 s3;
	_ =	sdelay $0x1  }
0xa1: {  	s23 =	simm.s32 $0x1B8B  }
0xa2: {  	_ =	swait.ge [sflag:s23], $0x1  }
0xa3: {  	[sflag:s23] =	ssyncset.done $0x0  }
0xa4: {  	s25 =	simm.s32 $0x1B8E;
	s24 =	sld [smem:$0x3FFE];
	[sflag:s23] =	ssyncadd.s32 $0xFFFFFFFF  }
0xa5: {  	s26 =	simm.s32 $execute0_lowered;
	[smem:$0x3FD2] =	sst s25  }
0xa6: {  	s4 =	sshll.u32 s26, $0x1;
	_ =	strace $0x80000046;
	[dreg:$0x1] =	wrdreg $0xFFFFFFFF  }
0xa7: {  	s28 =	simm.s32 $_size_execute0_lowered;
	s2 =	sadd.s32 s2, s4;
	[dreg:$0x0] =	wrdreg $0x0  }
0xa8: {  	s4 =	sshll.u32 s28, $0x1;
	[dreg:$0x2] =	wrdreg s2  }
0xa9: {  	[dreg:$0x3] =	wrdreg s4  }
0xaa: {  	[dreg:$0x4] =	wrdreg $0xC0  }
0xab: {  	_ =	task [dreg:s6], $0x5FFFF  }
0xac: {  	[dreg:$0x1] =	wrdreg $0xFFFFFFFF  }
0xad: {  	[dreg:$0x0] =	wrdreg $0x60  }
0xae: {  	[dreg:$0x2] =	wrdreg s24  }
0xaf: {  	[dreg:$0x3] =	wrdreg $0x9  }
0xb0: {  	_ =	task.clear_ibuf [dreg:s6], $0x4FFFF;
	_ =	strace $0x90000046  }
0xb1: {  	s29 =	simm.s32 $0x9;
	_ =	strace $0x80000048  }
0xb2: {  	_ =	swait.ge [sflag:s29], $0x1  }
0xb3: {  	[sflag:s29] =	ssyncadd.s32 $0xFFFFFFFF  }
0xb4: {  	_ =	strace $0x90000048  }
0xb5: {  	_ =	sfence  }
0xb6: {  	s30 =	sld [smem:$0x0];
	_ =	sdelay $0x2  }
0xb7: {  	s31 =	sshll.u32 s1, $0xD;
	s1 =	sshrl.u32 s1, $0x2  }
0xb8: {  	s3 =	sand.u32 $0x4000, s31;
	s1 =	sadd.s32 s1, s30  }
0xb9: {  	s0 =	sor.u32 s3, s0;
	s1 =	sshll.u32 s1, $0x11  }
0xba: {  	s0 =	sor.u32 s1, s0  }
0xbb: {  	s0 =	sadd.s32 $0x8F2B, s0  }
0xbc: {  	[sflag:s0] =	ssyncadd.remote.s32 $0x1  }
0xbd: {  	_ =	sfence.sel $0xFFFF  }
0xbe: {  	[dreg:$0x0] =	wrdreg $0xFFFFFFFF;
	(pc) =	sbr.abs _section_cstart, $3  }
0xbf: {  	[dreg:$0x1] =	wrdreg $0xFFFFFFFF  }
0xc0: {  	_ =	task.clear_ibuf [dreg:s6], $0x2FFFF;
	_ =	strace $0x9FFFFFFF  }
0xc1: {  	(tm) =	ssettm $0x7FFFFFFF  }
tec
execute0_lowered:
.L_overlay_start_1:
0x0: {  	(tag) =	ssettag $0x1  }
0x1: {  	s4 =	rddreg [dreg:$0x0]  }
0x2: {  	s0 =	rddreg [dreg:$0x1];
	s2 =	simm.s32 $0x0;
	s3 =	srdreg.scid  }
0x3: {  	s1 =	stileid.u32;
	s10 =	simm.s32 $0x0;
	[smem:$0x7FF] =	sst s2  }
0x4: {  	s5 =	sand.u32 $0x1, s3;
	s6 =	sshll.u32 s1, $0xE;
	s3 =	sadd.s32 $0xC800, s4  }
0x5: {  	s8 =	sshll.u32 s1, $0xF;
	_ =	strace $0x80000047;
	s7 =	sshll.u32 s5, $0xD  }
0x6: {  	s31 =	ssub.s32 $0x2, s5;
	s8 =	sadd.s32 s8, s4;
	s5 =	sshll.u32 s5, $0xE  }
0x7: {  	s6 =	sor.u32 s7, s6;
	s9 =	sshrl.u32 s31, $0x1;
	s5 =	sadd.s32 s5, s8  }
0x8: {  	s8 =	simm.s32 $0x80;
	s6 =	sshrl.u32 s6, $0x3;
	s7 =	ssub.s32 s31, s9  }
0x9: {  	s5 =	sadd.s32 $0x2C800, s5;
	s9 =	simm.s32 $0x1;
	s6 =	sadd.s32 s6, s4  }
0xa: {  	s4 =	smax.u32 s7, $0x1;
	s7 =	simm.s32 $0x2;
	s6 =	sadd.s32 $0x4800, s6  }
.LBB2_1:
0xb: {  	s11 =	sadd.s32 $0x0, s6  }
0xc: {  	[tilespmem:s2], [sflag:$0x2] =	stream.linear.gather [hbm4b:s11+s2], $0x80, $0x38;
	[tilespmem:$0x880] =	vst v63  }
0xd: {  	_ =	swait.ge [sflag:s7], $0x80  }
0xe: {  	[sflag:s7] =	ssyncset.done $0x0  }
0xf: {  	[sflag:s7] =	ssyncadd.s32 $0xFFFFFF80  }
0x10: {  	[tilespmem:s8], [sflag:$0x1] =	stream.indirect.gather [hbm4b:s3+s8], $0x10, s2, s8, $0xb8;
	[tilespmem:$0x880] =	vst v63  }
0x11: {  	_ =	swait.ge [sflag:s9], $0x800  }
0x12: {  	[sflag:s9] =	ssyncset.done $0x0  }
0x13: {  	[sflag:s9] =	ssyncadd.s32 $0xFFFFF800  }
0x14: {  	[hbm4b:s5+s2] =	stream.linear.scatter [tilespmem:s8], [sflag:$0x2], $0x800, $0x38;
	[tilespmem:$0x880] =	vst v63  }
0x15: {  	s12 =	simm.s32 $0x10;
	_ =	swait.ge [sflag:s7], $0x800  }
0x16: {  	s13 =	simm.s32 $0x20;
	s11 =	sadd.s32 $0x100, s5;
	[sflag:s7] =	ssyncset.done $0x0  }
.LBB2_2:
0x17: {  	s14 =	sadd.s32 s12, s6  }
0x18: {  	[sflag:s7] =	ssyncadd.s32 $0xFFFFF800;
	s12 =	smov.u32 s13;
	s15 =	sadd.s32 $0x10, s13  }
0x19: {  	[tilespmem:s2], [sflag:$0x2] =	stream.linear.gather [hbm4b:s14+s2], $0x80, $0x38;
	[tilespmem:$0x880] =	vst v63  }
0x1a: {  	p0 =	sne.s32 s13, $0x3F0;
	_ =	swait.ge [sflag:s7], $0x80  }
0x1b: {  	[sflag:s7] =	ssyncset.done $0x0  }
0x1c: {  	[sflag:s7] =	ssyncadd.s32 $0xFFFFFF80  }
0x1d: {  	[tilespmem:s8], [sflag:$0x1] =	stream.indirect.gather [hbm4b:s3+s8], $0x10, s2, s8, $0xb8;
	[tilespmem:$0x880] =	vst v63  }
0x1e: {  	_ =	swait.ge [sflag:s9], $0x800  }
.Ltmp0:
0x1f: {  	[sflag:s9] =	ssyncset.done $0x0;
	(pc) =	sbr.rel @p0 .LBB2_2-.Ltmp0, $4  }
0x20: {  	[sflag:s9] =	ssyncadd.s32 $0xFFFFF800  }
0x21: {  	[hbm4b:s11+s2] =	stream.linear.scatter [tilespmem:s8], [sflag:$0x2], $0x800, $0x38;
	[tilespmem:$0x880] =	vst v63  }
0x22: {  	_ =	swait.ge [sflag:s7], $0x800  }
0x23: {  	s13 =	smov.u32 s15;
	s11 =	sadd.s32 $0x100, s11;
	[sflag:s7] =	ssyncset.done $0x0  }
0x24: {  	s12 =	sadd.s32 s12, s6;
	[sflag:s7] =	ssyncadd.s32 $0xFFFFF800  }
0x25: {  	[tilespmem:s2], [sflag:$0x2] =	stream.linear.gather [hbm4b:s12+s2], $0x80, $0x38;
	[tilespmem:$0x880] =	vst v63  }
0x26: {  	_ =	swait.ge [sflag:s7], $0x80  }
0x27: {  	[sflag:s7] =	ssyncset.done $0x0  }
0x28: {  	[sflag:s7] =	ssyncadd.s32 $0xFFFFFF80  }
0x29: {  	[tilespmem:s8], [sflag:$0x1] =	stream.indirect.gather [hbm4b:s3+s8], $0x10, s2, s8, $0xb8;
	[tilespmem:$0x880] =	vst v63  }
0x2a: {  	s10 =	sadd.s32 $0x1, s10;
	_ =	swait.ge [sflag:s9], $0x800  }
0x2b: {  	p0 =	sne.s32 s10, s4;
	[sflag:s9] =	ssyncset.done $0x0  }
.Ltmp1:
0x2c: {  	[sflag:s9] =	ssyncadd.s32 $0xFFFFF800;
	(pc) =	sbr.rel @p0 .LBB2_1-.Ltmp1, $4  }
0x2d: {  	[hbm4b:s11+s2] =	stream.linear.scatter [tilespmem:s8], [sflag:$0x2], $0x800, $0x38;
	[tilespmem:$0x880] =	vst v63  }
0x2e: {  	_ =	swait.ge [sflag:s7], $0x800  }
0x2f: {  	[sflag:s7] =	ssyncset.done $0x0  }
0x30: {  	[sflag:s7] =	ssyncadd.s32 $0xFFFFF800  }
0x31: {  	_ =	sfence.sel $0x180000  }
0x32: {  	[bflag:$0x0] =	sbarrier.arrive $0xFFFF  }
0x33: {  	p0 =	sne.s32 s1, $0x0;
	_ =	strace $0x90000047  }
0x34: {  	s0 =	sadd.s32 @!p0 $0x100000, s0;
	[bflag:$0x2] =	sbarrier.arrive $0xFFFF  }
0x35: {  	[sflag:s0] =	ssyncadd.tile.s32 @!p0 $0x1;
	_ =	shalt  }
.Lfunc_end2:
_tile_overlayer_lowered:
.L_overlay_start_2:
0x36: {  	(tag) =	ssettag $0x2  }
0x37: {  	s0 =	rddreg [dreg:$0x0];
	s2 =	stileid.u32  }
0x38: {  	s1 =	rddreg [dreg:$0x1];
	p0 =	sne.s32 s2, $0x0  }
0x39: {  	s3 =	rddreg [dreg:$0x2];
	[bflag:$0x3] =	sbarrier.arrive $0xFFFF;
	s2 =	simm.s32 @!p0 $0x1C02  }
0x3a: {  	[timem:s3], [sflag:s2] =	dma.local @!p0 [hbm:s0], s1  }
0x3b: {  	s0 =	simm.s32 @!p0 $0x2  }
0x3c: {  	_ =	swait.ge @!p0 [sflag:s0], s1  }
0x3d: {  	s1 =	ssub.s32 @!p0 $0x0, s1;
	[sflag:s0] =	ssyncset.done @!p0 $0x0  }
0x3e: {  	[sflag:s0] =	ssyncadd.s32 @!p0 s1  }
0x3f: {  	[bflag:$0x3] =	sbarrier.arrive $0xFFFF  }
0x40: {  	_ =	shalt  }

// kernel: kernel.18.cloned.1.call-start
scs
__scs_entry_jumppad:
0x0: {  	(pc) =	sbr.rel $0x88, $3  }
0x1: {  	(tag) =	ssettag $0x0;
	lr =	simm.s32 $0x1  }
0x2: {  	[smem:$0x3F82] =	sst lr;
	_ =	strace $0xD0000000  }
0x3: {  	_ = 	snop  }
0x4: {  	_ = 	snop  }
0x5: {  	_ = 	snop  }
0x6: {  	_ = 	snop  }
0x7: {  	_ = 	snop  }
__scs_overlays_trampoline_lowered:
0x8: {  	[smem:$0x3F91] =	sst s0  }
0x9: {  	[smem:$0x3F92] =	sst s1  }
0xa: {  	[smem:$0x3F93] =	sst s2  }
0xb: {  	[smem:$0x3F94] =	sst s3  }
0xc: {  	[smem:$0x3F95] =	sst s4  }
0xd: {  	[smem:$0x3F96] =	sst s5  }
0xe: {  	[smem:$0x3F97] =	sst s6  }
0xf: {  	[smem:$0x3F98] =	sst s7  }
0x10: {  	[smem:$0x3F99] =	sst s8  }
0x11: {  	[smem:$0x3F9A] =	sst s9;
	s0 =	simm.s32 @!p0 $0x0  }
0x12: {  	s1 =	sld [smem:$0x3F80];
	s0 =	simm.s32 @p0 $0x1  }
0x13: {  	[smem:$0x3F9B] =	sst s0;
	s0 =	simm.s32 @!p1 $0x0  }
0x14: {  	s2 =	sld [smem:$0x3F7F];
	s0 =	simm.s32 @p1 $0x1  }
0x15: {  	[smem:$0x3F9C] =	sst s0;
	s0 =	simm.s32 @!p2 $0x0  }
0x16: {  	s3 =	sld [smem:$0x3FDB];
	s0 =	simm.s32 @p2 $0x1  }
0x17: {  	s4 =	simm.s32 $0x1BF5;
	[smem:$0x3F9E] =	sst s0  }
0x18: {  	s0 =	sld [smem:$0x3F81];
	_ =	swait.ge [sflag:s4], $0x0  }
0x19: {  	s7 =	sld [smem:$0x3F82]  }
0x1a: {  	s8 =	sadd.s32 $0xFFFFE003, lr  }
0x1b: {  	s9 =	sadd.s32 $0xFFFFFEF7, lr;
	s5 =	simm.s32 $0xFFFFFFFF;
	p2 =	slt.u32 s8, $0xFFFFF086  }
0x1c: {  	p1 =	slt.u32 s9, $0xF7A;
	s5 =	simm.s32 @!p2 $0x0  }
0x1d: {  	s5 =	simm.s32 @p1 $0x1;
	p0 =	seq.s32 s7, s2  }
0x1e: {  	s7 =	smul.u32 @!p0 $0xF7A, s2;
	p2 =	seq.s32 @!p0 s5, $0x0  }
0x1f: {  	s9 =	smul.u32 $0xF7A, s1;
	s8 =	simm.s32 @!p0 $0x1BF5;
	p2 =	por !p2, p0  }
0x20: {  	[sflag:s8] =	ssyncset.s32 @!p0 $0xFFFFF086;
	s6 =	sadd.s32 @!p0 s3, s7;
	s7 =	simm.s32 @!p0 $0x108  }
0x21: {  	s3 =	sadd.s32 s3, s9;
	s6 =	sadd.s32 @!p0 $0x88, s6;
	s7 =	simm.s32 @p2 $0x1082  }
0x22: {  	[simem:s7], [sflag:s8] =	dma.local @!p0 [hbm:s6], $0xF7A  }
0x23: {  	s9 =	sor.u32 $0xD0000000, s2;
	s6 =	simm.s32 $0x108;
	_ =	swait.ge @!p0 [sflag:s8], $0x0  }
0x24: {  	s3 =	sadd.s32 $0x88, s3;
	s6 =	simm.s32 @!p1 $0x1082;
	[sflag:s4] =	ssyncset.s32 $0xFFFFF086  }
0x25: {  	[simem:s6], [sflag:s4] =	dma.local [hbm:s3], $0xF7A  }
0x26: {  	[smem:$0x3F82] =	sst s1;
	(tag) =	ssettag s2;
	_ =	strace s9  }
0x27: {  	s1 =	sld [smem:$0x3F92]  }
0x28: {  	s2 =	sld [smem:$0x3F93]  }
0x29: {  	s4 =	sld [smem:$0x3F95]  }
0x2a: {  	p0 =	seq.s32 s5, $0x0;
	s5 =	sld [smem:$0x3F96]  }
0x2b: {  	s6 =	sld [smem:$0x3F97]  }
0x2c: {  	s7 =	sld [smem:$0x3F98]  }
0x2d: {  	s3 =	simm.s32 $0x108;
	s8 =	sld [smem:$0x3F99]  }
0x2e: {  	s3 =	simm.s32 @!p0 $0x1082;
	s9 =	sld [smem:$0x3F9A]  }
0x2f: {  	lr =	sadd.s32 s0, s3;
	s0 =	sld [smem:$0x3F91]  }
0x30: {  	s3 =	sld [smem:$0x3F94]  }
0x31: {  	[smem:$0x3F9D] =	sst s10  }
0x32: {  	s10 =	sld [smem:$0x3F9B];
	_ =	sdelay $0x3  }
0x33: {  	p0 =	seq.s32 s10, $0x1;
	s10 =	sld [smem:$0x3F9D];
	_ =	sdelay $0x3  }
0x34: {  	[smem:$0x3F9D] =	sst s10  }
0x35: {  	s10 =	sld [smem:$0x3F9C];
	_ =	sdelay $0x3  }
0x36: {  	p1 =	seq.s32 s10, $0x1;
	s10 =	sld [smem:$0x3F9D];
	_ =	sdelay $0x3  }
0x37: {  	[smem:$0x3F9D] =	sst s10  }
0x38: {  	s10 =	sld [smem:$0x3F9E]  }
0x39: {  	_ = 	snop;
	(pc) =	sbr.ind lr, $3  }
0x3a: {  	_ = 	snop  }
0x3b: {  	_ = 	snop  }
0x3c: {  	p2 =	seq.s32 s10, $0x1;
	s10 =	sld [smem:$0x3F9D]  }
0x3d: {  	_ =	shalt  }
0x3e: {  	_ =	shalt  }
0x3f: {  	_ =	shalt  }
0x40: {  	_ =	shalt  }
0x41: {  	_ =	shalt  }
0x42: {  	_ =	shalt  }
0x43: {  	_ =	shalt  }
0x44: {  	_ =	shalt  }
0x45: {  	_ =	shalt  }
0x46: {  	_ =	shalt  }
0x47: {  	_ =	shalt  }
0x48: {  	_ =	shalt  }
0x49: {  	_ =	shalt  }
0x4a: {  	_ =	shalt  }
0x4b: {  	_ =	shalt  }
0x4c: {  	_ =	shalt  }
0x4d: {  	_ =	shalt  }
0x4e: {  	_ =	shalt  }
0x4f: {  	_ =	shalt  }
0x50: {  	_ =	shalt  }
0x51: {  	_ =	shalt  }
0x52: {  	_ =	shalt  }
0x53: {  	_ =	shalt  }
0x54: {  	_ =	shalt  }
0x55: {  	_ =	shalt  }
0x56: {  	_ =	shalt  }
0x57: {  	_ =	shalt  }
0x58: {  	_ =	shalt  }
0x59: {  	_ =	shalt  }
0x5a: {  	_ =	shalt  }
0x5b: {  	_ =	shalt  }
0x5c: {  	_ =	shalt  }
0x5d: {  	_ =	shalt  }
0x5e: {  	_ =	shalt  }
0x5f: {  	_ =	shalt  }
0x60: {  	_ =	shalt  }
0x61: {  	_ =	shalt  }
0x62: {  	_ =	shalt  }
0x63: {  	_ =	shalt  }
0x64: {  	_ =	shalt  }
0x65: {  	_ =	shalt  }
0x66: {  	_ =	shalt  }
0x67: {  	_ =	shalt  }
0x68: {  	_ =	shalt  }
0x69: {  	_ =	shalt  }
0x6a: {  	_ =	shalt  }
0x6b: {  	_ =	shalt  }
0x6c: {  	_ =	shalt  }
0x6d: {  	_ =	shalt  }
0x6e: {  	_ =	shalt  }
0x6f: {  	_ =	shalt  }
0x70: {  	_ =	shalt  }
0x71: {  	_ =	shalt  }
0x72: {  	_ =	shalt  }
0x73: {  	_ =	shalt  }
0x74: {  	_ =	shalt  }
0x75: {  	_ =	shalt  }
0x76: {  	_ =	shalt  }
0x77: {  	_ =	shalt  }
0x78: {  	_ =	shalt  }
0x79: {  	_ =	shalt  }
0x7a: {  	_ =	shalt  }
0x7b: {  	_ =	shalt  }
0x7c: {  	_ =	shalt  }
0x7d: {  	_ =	shalt  }
0x7e: {  	_ =	shalt  }
0x7f: {  	_ =	shalt  }
0x80: {  	_ =	shalt  }
0x81: {  	_ =	shalt  }
0x82: {  	_ =	shalt  }
0x83: {  	_ =	shalt  }
0x84: {  	_ =	shalt  }
0x85: {  	_ =	shalt  }
0x86: {  	_ =	shalt  }
0x87: {  	_ =	shalt  }
.Lfunc_end0:
.L_simem_size_0:
called_computation.1_lowered:
.L_overlay_start_0:
0x88: {  	s2 =	sld [smem:$0x3FD9]  }
0x89: {  	s3 =	sld [smem:$0x3FFE];
	_ =	sdelay $0x1  }
0x8a: {  	s1 =	srdreg.scid  }
0x8b: {  	s0 =	sand.u32 $0x1, s1  }
0x8c: {  	s16 =	sshll.u32 s0, $0xA;
	s2 =	sadd.s32 s3, s2  }
0x8d: {  	s2 =	sadd.s32 s2, s16  }
0x8e: {  	[smem:$0x3FA9] =	sst s2  }
0x8f: {  	_ = 	snop  }
0x90: {  	(tm) =	ssettm $0x1  }
0x91: {  	s17 =	sld [smem:$0x3FFB];
	_ =	sdelay $0x3  }
0x92: {  	_ =	strace s17  }
0x93: {  	s2 =	sld [smem:$0x3FFC];
	_ =	sdelay $0x3  }
0x94: {  	_ =	strace s2  }
0x95: {  	s2 =	sld [smem:$0x3FFD];
	_ =	sdelay $0x3  }
0x96: {  	_ =	strace s2  }
0x97: {  	_ =	strace $0x8FFFFFFF  }
0x98: {  	s18 =	sld [smem:$0x3FDB];
	_ =	sdelay $0x1  }
0x99: {  	s19 =	simm.s32 $_scs_section_size  }
0x9a: {  	s4 =	simm.s32 $_size__tile_overlayer_lowered;
	s5 =	simm.s32 $_tile_overlayer_lowered  }
0x9b: {  	s22 =	simm.s32 $0x1BFF;
	s21 =	sshll.u32 s5, $0x1;
	s2 =	sadd.s32 s19, s18  }
0x9c: {  	s6 =	simm.s32 $0x0;
	s20 =	sshll.u32 s4, $0x1;
	s4 =	sadd.s32 s21, s2  }
0x9d: {  	[timem:s6], [sflag:s22] =	dma.local [hbm:s4], s20  }
0x9e: {  	_ =	swait.ge [sflag:s22], s20  }
0x9f: {  	s3 =	ssub.s32 $0x0, s20;
	[sflag:s22] =	ssyncset.done $0x0  }
0xa0: {  	[sflag:s22] =	ssyncadd.s32 s3;
	_ =	sdelay $0x1  }
0xa1: {  	s23 =	simm.s32 $0x1B8B  }
0xa2: {  	_ =	swait.ge [sflag:s23], $0x1  }
0xa3: {  	[sflag:s23] =	ssyncset.done $0x0  }
0xa4: {  	s25 =	simm.s32 $0x1B8E;
	s24 =	sld [smem:$0x3FFE];
	[sflag:s23] =	ssyncadd.s32 $0xFFFFFFFF  }
0xa5: {  	s26 =	simm.s32 $execute0_lowered;
	[smem:$0x3FD2] =	sst s25  }
0xa6: {  	s4 =	sshll.u32 s26, $0x1;
	_ =	strace $0x80000049;
	[dreg:$0x1] =	wrdreg $0xFFFFFFFF  }
0xa7: {  	s28 =	simm.s32 $_size_execute0_lowered;
	s2 =	sadd.s32 s2, s4;
	[dreg:$0x0] =	wrdreg $0x0  }
0xa8: {  	s4 =	sshll.u32 s28, $0x1;
	[dreg:$0x2] =	wrdreg s2  }
0xa9: {  	[dreg:$0x3] =	wrdreg s4  }
0xaa: {  	[dreg:$0x4] =	wrdreg $0xC0  }
0xab: {  	_ =	task [dreg:s6], $0x5FFFF  }
0xac: {  	[dreg:$0x1] =	wrdreg $0xFFFFFFFF  }
0xad: {  	[dreg:$0x0] =	wrdreg $0x60  }
0xae: {  	[dreg:$0x2] =	wrdreg s24  }
0xaf: {  	[dreg:$0x3] =	wrdreg $0x9  }
0xb0: {  	_ =	task.clear_ibuf [dreg:s6], $0x4FFFF;
	_ =	strace $0x90000049  }
0xb1: {  	s29 =	simm.s32 $0x9;
	_ =	strace $0x8000004B  }
0xb2: {  	_ =	swait.ge [sflag:s29], $0x1  }
0xb3: {  	[sflag:s29] =	ssyncadd.s32 $0xFFFFFFFF  }
0xb4: {  	_ =	strace $0x9000004B  }
0xb5: {  	_ =	sfence  }
0xb6: {  	s30 =	sld [smem:$0x0];
	_ =	sdelay $0x2  }
0xb7: {  	s31 =	sshll.u32 s1, $0xD;
	s1 =	sshrl.u32 s1, $0x2  }
0xb8: {  	s3 =	sand.u32 $0x4000, s31;
	s1 =	sadd.s32 s1, s30  }
0xb9: {  	s0 =	sor.u32 s3, s0;
	s1 =	sshll.u32 s1, $0x11  }
0xba: {  	s0 =	sor.u32 s1, s0  }
0xbb: {  	s0 =	sadd.s32 $0x8F2B, s0  }
0xbc: {  	[sflag:s0] =	ssyncadd.remote.s32 $0x1  }
0xbd: {  	_ =	sfence.sel $0xFFFF  }
0xbe: {  	[dreg:$0x0] =	wrdreg $0xFFFFFFFF;
	(pc) =	sbr.abs _section_cstart, $3  }
0xbf: {  	[dreg:$0x1] =	wrdreg $0xFFFFFFFF  }
0xc0: {  	_ =	task.clear_ibuf [dreg:s6], $0x2FFFF;
	_ =	strace $0x9FFFFFFF  }
0xc1: {  	(tm) =	ssettm $0x7FFFFFFF  }
tec
execute0_lowered:
.L_overlay_start_1:
0x0: {  	(tag) =	ssettag $0x1  }
0x1: {  	s4 =	rddreg [dreg:$0x0]  }
0x2: {  	s0 =	rddreg [dreg:$0x1];
	s2 =	simm.s32 $0x0;
	s5 =	srdreg.scid  }
0x3: {  	s1 =	stileid.u32;
	s10 =	simm.s32 $0x0;
	[smem:$0x7FF] =	sst s2  }
0x4: {  	s3 =	sadd.s32 $0x4800, s4;
	s5 =	sand.u32 $0x1, s5;
	s6 =	sshll.u32 s1, $0xC  }
0x5: {  	s8 =	smul.u32 $0xA000, s1;
	_ =	strace $0x8000004A;
	s7 =	sshll.u32 s5, $0xB  }
0x6: {  	s9 =	ssub.s32 $0x2, s5;
	s5 =	smul.u32 $0x5000, s5;
	s6 =	sor.u32 s7, s6  }
0x7: {  	s30 =	sshrl.u32 s9, $0x1;
	s8 =	sadd.s32 s8, s4;
	s6 =	sshrl.u32 s6, $0x3  }
0x8: {  	s7 =	ssub.s32 s9, s30;
	s31 =	sadd.s32 s5, s8;
	s8 =	simm.s32 $0x80  }
0x9: {  	s9 =	simm.s32 $0x1;
	s6 =	sadd.s32 s6, s4;
	s4 =	smax.u32 s7, $0x1  }
0xa: {  	s7 =	simm.s32 $0x2;
	s5 =	sadd.s32 $0xAC800, s6;
	s6 =	sadd.s32 $0xAE800, s31  }
.LBB2_1:
0xb: {  	s11 =	sadd.s32 $0x0, s5  }
0xc: {  	[tilespmem:s2], [sflag:$0x2] =	stream.linear.gather [hbm4b:s11+s2], $0x80, $0x38;
	[tilespmem:$0x2880] =	vst v63  }
0xd: {  	_ =	swait.ge [sflag:s7], $0x80  }
0xe: {  	[sflag:s7] =	ssyncset.done $0x0  }
0xf: {  	[sflag:s7] =	ssyncadd.s32 $0xFFFFFF80  }
0x10: {  	[tilespmem:s8], [sflag:$0x1] =	stream.indirect.gather [hbm4b:s3+s8], $0x50, s2, s8, $0xb8;
	[tilespmem:$0x2880] =	vst v63  }
0x11: {  	_ =	swait.ge [sflag:s9], $0x2800  }
0x12: {  	[sflag:s9] =	ssyncset.done $0x0  }
0x13: {  	[sflag:s9] =	ssyncadd.s32 $0xFFFFD800  }
0x14: {  	[hbm4b:s6+s2] =	stream.linear.scatter [tilespmem:s8], [sflag:$0x2], $0x2800, $0x38;
	[tilespmem:$0x2880] =	vst v63  }
0x15: {  	s12 =	simm.s32 $0x10;
	_ =	swait.ge [sflag:s7], $0x2800  }
0x16: {  	s13 =	simm.s32 $0x20;
	s11 =	sadd.s32 $0x500, s6;
	[sflag:s7] =	ssyncset.done $0x0  }
.LBB2_2:
0x17: {  	s14 =	sadd.s32 s12, s5  }
0x18: {  	[sflag:s7] =	ssyncadd.s32 $0xFFFFD800;
	s12 =	smov.u32 s13;
	s15 =	sadd.s32 $0x10, s13  }
0x19: {  	[tilespmem:s2], [sflag:$0x2] =	stream.linear.gather [hbm4b:s14+s2], $0x80, $0x38;
	[tilespmem:$0x2880] =	vst v63  }
0x1a: {  	p0 =	sne.s32 s13, $0xF0;
	_ =	swait.ge [sflag:s7], $0x80  }
0x1b: {  	[sflag:s7] =	ssyncset.done $0x0  }
0x1c: {  	[sflag:s7] =	ssyncadd.s32 $0xFFFFFF80  }
0x1d: {  	[tilespmem:s8], [sflag:$0x1] =	stream.indirect.gather [hbm4b:s3+s8], $0x50, s2, s8, $0xb8;
	[tilespmem:$0x2880] =	vst v63  }
0x1e: {  	_ =	swait.ge [sflag:s9], $0x2800  }
.Ltmp0:
0x1f: {  	[sflag:s9] =	ssyncset.done $0x0;
	(pc) =	sbr.rel @p0 .LBB2_2-.Ltmp0, $4  }
0x20: {  	[sflag:s9] =	ssyncadd.s32 $0xFFFFD800  }
0x21: {  	[hbm4b:s11+s2] =	stream.linear.scatter [tilespmem:s8], [sflag:$0x2], $0x2800, $0x38;
	[tilespmem:$0x2880] =	vst v63  }
0x22: {  	_ =	swait.ge [sflag:s7], $0x2800  }
0x23: {  	s13 =	smov.u32 s15;
	s11 =	sadd.s32 $0x500, s11;
	[sflag:s7] =	ssyncset.done $0x0  }
0x24: {  	s12 =	sadd.s32 s12, s5;
	[sflag:s7] =	ssyncadd.s32 $0xFFFFD800  }
0x25: {  	[tilespmem:s2], [sflag:$0x2] =	stream.linear.gather [hbm4b:s12+s2], $0x80, $0x38;
	[tilespmem:$0x2880] =	vst v63  }
0x26: {  	_ =	swait.ge [sflag:s7], $0x80  }
0x27: {  	[sflag:s7] =	ssyncset.done $0x0  }
0x28: {  	[sflag:s7] =	ssyncadd.s32 $0xFFFFFF80  }
0x29: {  	[tilespmem:s8], [sflag:$0x1] =	stream.indirect.gather [hbm4b:s3+s8], $0x50, s2, s8, $0xb8;
	[tilespmem:$0x2880] =	vst v63  }
0x2a: {  	s10 =	sadd.s32 $0x1, s10;
	_ =	swait.ge [sflag:s9], $0x2800  }
0x2b: {  	p0 =	sne.s32 s10, s4;
	[sflag:s9] =	ssyncset.done $0x0  }
.Ltmp1:
0x2c: {  	[sflag:s9] =	ssyncadd.s32 $0xFFFFD800;
	(pc) =	sbr.rel @p0 .LBB2_1-.Ltmp1, $4  }
0x2d: {  	[hbm4b:s11+s2] =	stream.linear.scatter [tilespmem:s8], [sflag:$0x2], $0x2800, $0x38;
	[tilespmem:$0x2880] =	vst v63  }
0x2e: {  	_ =	swait.ge [sflag:s7], $0x2800  }
0x2f: {  	[sflag:s7] =	ssyncset.done $0x0  }
0x30: {  	[sflag:s7] =	ssyncadd.s32 $0xFFFFD800  }
0x31: {  	_ =	sfence.sel $0x180000  }
0x32: {  	[bflag:$0x0] =	sbarrier.arrive $0xFFFF  }
0x33: {  	p0 =	sne.s32 s1, $0x0;
	_ =	strace $0x9000004A  }
0x34: {  	s0 =	sadd.s32 @!p0 $0x100000, s0;
	[bflag:$0x2] =	sbarrier.arrive $0xFFFF  }
0x35: {  	[sflag:s0] =	ssyncadd.tile.s32 @!p0 $0x1;
	_ =	shalt  }
.Lfunc_end2:
_tile_overlayer_lowered:
.L_overlay_start_2:
0x36: {  	(tag) =	ssettag $0x2  }
0x37: {  	s0 =	rddreg [dreg:$0x0];
	s2 =	stileid.u32  }
0x38: {  	s1 =	rddreg [dreg:$0x1];
	p0 =	sne.s32 s2, $0x0  }
0x39: {  	s3 =	rddreg [dreg:$0x2];
	[bflag:$0x3] =	sbarrier.arrive $0xFFFF;
	s2 =	simm.s32 @!p0 $0x1C02  }
0x3a: {  	[timem:s3], [sflag:s2] =	dma.local @!p0 [hbm:s0], s1  }
0x3b: {  	s0 =	simm.s32 @!p0 $0x2  }
0x3c: {  	_ =	swait.ge @!p0 [sflag:s0], s1  }
0x3d: {  	s1 =	ssub.s32 @!p0 $0x0, s1;
	[sflag:s0] =	ssyncset.done @!p0 $0x0  }
0x3e: {  	[sflag:s0] =	ssyncadd.s32 @!p0 s1  }
0x3f: {  	[bflag:$0x3] =	sbarrier.arrive $0xFFFF  }
0x40: {  	_ =	shalt  }

// kernel: kernel.21.cloned.1.call-start
scs
__scs_entry_jumppad:
0x0: {  	(pc) =	sbr.rel $0x88, $3  }
0x1: {  	(tag) =	ssettag $0x0;
	lr =	simm.s32 $0x1  }
0x2: {  	[smem:$0x3F82] =	sst lr;
	_ =	strace $0xD0000000  }
0x3: {  	_ = 	snop  }
0x4: {  	_ = 	snop  }
0x5: {  	_ = 	snop  }
0x6: {  	_ = 	snop  }
0x7: {  	_ = 	snop  }
__scs_overlays_trampoline_lowered:
0x8: {  	[smem:$0x3F91] =	sst s0  }
0x9: {  	[smem:$0x3F92] =	sst s1  }
0xa: {  	[smem:$0x3F93] =	sst s2  }
0xb: {  	[smem:$0x3F94] =	sst s3  }
0xc: {  	[smem:$0x3F95] =	sst s4  }
0xd: {  	[smem:$0x3F96] =	sst s5  }
0xe: {  	[smem:$0x3F97] =	sst s6  }
0xf: {  	[smem:$0x3F98] =	sst s7  }
0x10: {  	[smem:$0x3F99] =	sst s8  }
0x11: {  	[smem:$0x3F9A] =	sst s9;
	s0 =	simm.s32 @!p0 $0x0  }
0x12: {  	s1 =	sld [smem:$0x3F80];
	s0 =	simm.s32 @p0 $0x1  }
0x13: {  	[smem:$0x3F9B] =	sst s0;
	s0 =	simm.s32 @!p1 $0x0  }
0x14: {  	s2 =	sld [smem:$0x3F7F];
	s0 =	simm.s32 @p1 $0x1  }
0x15: {  	[smem:$0x3F9C] =	sst s0;
	s0 =	simm.s32 @!p2 $0x0  }
0x16: {  	s3 =	sld [smem:$0x3FDB];
	s0 =	simm.s32 @p2 $0x1  }
0x17: {  	s4 =	simm.s32 $0x1BF5;
	[smem:$0x3F9E] =	sst s0  }
0x18: {  	s0 =	sld [smem:$0x3F81];
	_ =	swait.ge [sflag:s4], $0x0  }
0x19: {  	s7 =	sld [smem:$0x3F82]  }
0x1a: {  	s8 =	sadd.s32 $0xFFFFE003, lr  }
0x1b: {  	s9 =	sadd.s32 $0xFFFFFEF7, lr;
	s5 =	simm.s32 $0xFFFFFFFF;
	p2 =	slt.u32 s8, $0xFFFFF086  }
0x1c: {  	p1 =	slt.u32 s9, $0xF7A;
	s5 =	simm.s32 @!p2 $0x0  }
0x1d: {  	s5 =	simm.s32 @p1 $0x1;
	p0 =	seq.s32 s7, s2  }
0x1e: {  	s7 =	smul.u32 @!p0 $0xF7A, s2;
	p2 =	seq.s32 @!p0 s5, $0x0  }
0x1f: {  	s9 =	smul.u32 $0xF7A, s1;
	s8 =	simm.s32 @!p0 $0x1BF5;
	p2 =	por !p2, p0  }
0x20: {  	[sflag:s8] =	ssyncset.s32 @!p0 $0xFFFFF086;
	s6 =	sadd.s32 @!p0 s3, s7;
	s7 =	simm.s32 @!p0 $0x108  }
0x21: {  	s3 =	sadd.s32 s3, s9;
	s6 =	sadd.s32 @!p0 $0x88, s6;
	s7 =	simm.s32 @p2 $0x1082  }
0x22: {  	[simem:s7], [sflag:s8] =	dma.local @!p0 [hbm:s6], $0xF7A  }
0x23: {  	s9 =	sor.u32 $0xD0000000, s2;
	s6 =	simm.s32 $0x108;
	_ =	swait.ge @!p0 [sflag:s8], $0x0  }
0x24: {  	s3 =	sadd.s32 $0x88, s3;
	s6 =	simm.s32 @!p1 $0x1082;
	[sflag:s4] =	ssyncset.s32 $0xFFFFF086  }
0x25: {  	[simem:s6], [sflag:s4] =	dma.local [hbm:s3], $0xF7A  }
0x26: {  	[smem:$0x3F82] =	sst s1;
	(tag) =	ssettag s2;
	_ =	strace s9  }
0x27: {  	s1 =	sld [smem:$0x3F92]  }
0x28: {  	s2 =	sld [smem:$0x3F93]  }
0x29: {  	s4 =	sld [smem:$0x3F95]  }
0x2a: {  	p0 =	seq.s32 s5, $0x0;
	s5 =	sld [smem:$0x3F96]  }
0x2b: {  	s6 =	sld [smem:$0x3F97]  }
0x2c: {  	s7 =	sld [smem:$0x3F98]  }
0x2d: {  	s3 =	simm.s32 $0x108;
	s8 =	sld [smem:$0x3F99]  }
0x2e: {  	s3 =	simm.s32 @!p0 $0x1082;
	s9 =	sld [smem:$0x3F9A]  }
0x2f: {  	lr =	sadd.s32 s0, s3;
	s0 =	sld [smem:$0x3F91]  }
0x30: {  	s3 =	sld [smem:$0x3F94]  }
0x31: {  	[smem:$0x3F9D] =	sst s10  }
0x32: {  	s10 =	sld [smem:$0x3F9B];
	_ =	sdelay $0x3  }
0x33: {  	p0 =	seq.s32 s10, $0x1;
	s10 =	sld [smem:$0x3F9D];
	_ =	sdelay $0x3  }
0x34: {  	[smem:$0x3F9D] =	sst s10  }
0x35: {  	s10 =	sld [smem:$0x3F9C];
	_ =	sdelay $0x3  }
0x36: {  	p1 =	seq.s32 s10, $0x1;
	s10 =	sld [smem:$0x3F9D];
	_ =	sdelay $0x3  }
0x37: {  	[smem:$0x3F9D] =	sst s10  }
0x38: {  	s10 =	sld [smem:$0x3F9E]  }
0x39: {  	_ = 	snop;
	(pc) =	sbr.ind lr, $3  }
0x3a: {  	_ = 	snop  }
0x3b: {  	_ = 	snop  }
0x3c: {  	p2 =	seq.s32 s10, $0x1;
	s10 =	sld [smem:$0x3F9D]  }
0x3d: {  	_ =	shalt  }
0x3e: {  	_ =	shalt  }
0x3f: {  	_ =	shalt  }
0x40: {  	_ =	shalt  }
0x41: {  	_ =	shalt  }
0x42: {  	_ =	shalt  }
0x43: {  	_ =	shalt  }
0x44: {  	_ =	shalt  }
0x45: {  	_ =	shalt  }
0x46: {  	_ =	shalt  }
0x47: {  	_ =	shalt  }
0x48: {  	_ =	shalt  }
0x49: {  	_ =	shalt  }
0x4a: {  	_ =	shalt  }
0x4b: {  	_ =	shalt  }
0x4c: {  	_ =	shalt  }
0x4d: {  	_ =	shalt  }
0x4e: {  	_ =	shalt  }
0x4f: {  	_ =	shalt  }
0x50: {  	_ =	shalt  }
0x51: {  	_ =	shalt  }
0x52: {  	_ =	shalt  }
0x53: {  	_ =	shalt  }
0x54: {  	_ =	shalt  }
0x55: {  	_ =	shalt  }
0x56: {  	_ =	shalt  }
0x57: {  	_ =	shalt  }
0x58: {  	_ =	shalt  }
0x59: {  	_ =	shalt  }
0x5a: {  	_ =	shalt  }
0x5b: {  	_ =	shalt  }
0x5c: {  	_ =	shalt  }
0x5d: {  	_ =	shalt  }
0x5e: {  	_ =	shalt  }
0x5f: {  	_ =	shalt  }
0x60: {  	_ =	shalt  }
0x61: {  	_ =	shalt  }
0x62: {  	_ =	shalt  }
0x63: {  	_ =	shalt  }
0x64: {  	_ =	shalt  }
0x65: {  	_ =	shalt  }
0x66: {  	_ =	shalt  }
0x67: {  	_ =	shalt  }
0x68: {  	_ =	shalt  }
0x69: {  	_ =	shalt  }
0x6a: {  	_ =	shalt  }
0x6b: {  	_ =	shalt  }
0x6c: {  	_ =	shalt  }
0x6d: {  	_ =	shalt  }
0x6e: {  	_ =	shalt  }
0x6f: {  	_ =	shalt  }
0x70: {  	_ =	shalt  }
0x71: {  	_ =	shalt  }
0x72: {  	_ =	shalt  }
0x73: {  	_ =	shalt  }
0x74: {  	_ =	shalt  }
0x75: {  	_ =	shalt  }
0x76: {  	_ =	shalt  }
0x77: {  	_ =	shalt  }
0x78: {  	_ =	shalt  }
0x79: {  	_ =	shalt  }
0x7a: {  	_ =	shalt  }
0x7b: {  	_ =	shalt  }
0x7c: {  	_ =	shalt  }
0x7d: {  	_ =	shalt  }
0x7e: {  	_ =	shalt  }
0x7f: {  	_ =	shalt  }
0x80: {  	_ =	shalt  }
0x81: {  	_ =	shalt  }
0x82: {  	_ =	shalt  }
0x83: {  	_ =	shalt  }
0x84: {  	_ =	shalt  }
0x85: {  	_ =	shalt  }
0x86: {  	_ =	shalt  }
0x87: {  	_ =	shalt  }
.Lfunc_end0:
.L_simem_size_0:
called_computation.2_lowered:
.L_overlay_start_0:
0x88: {  	s2 =	sld [smem:$0x3FD9]  }
0x89: {  	s3 =	sld [smem:$0x3FFE];
	_ =	sdelay $0x1  }
0x8a: {  	s1 =	srdreg.scid  }
0x8b: {  	s0 =	sand.u32 $0x1, s1  }
0x8c: {  	s16 =	sshll.u32 s0, $0xA;
	s2 =	sadd.s32 s3, s2  }
0x8d: {  	s2 =	sadd.s32 s2, s16  }
0x8e: {  	[smem:$0x3FA9] =	sst s2  }
0x8f: {  	_ = 	snop  }
0x90: {  	(tm) =	ssettm $0x1  }
0x91: {  	s17 =	sld [smem:$0x3FFB];
	_ =	sdelay $0x3  }
0x92: {  	_ =	strace s17  }
0x93: {  	s2 =	sld [smem:$0x3FFC];
	_ =	sdelay $0x3  }
0x94: {  	_ =	strace s2  }
0x95: {  	s2 =	sld [smem:$0x3FFD];
	_ =	sdelay $0x3  }
0x96: {  	_ =	strace s2  }
0x97: {  	_ =	strace $0x8FFFFFFF  }
0x98: {  	s18 =	sld [smem:$0x3FDB];
	_ =	sdelay $0x1  }
0x99: {  	s19 =	simm.s32 $_scs_section_size  }
0x9a: {  	s4 =	simm.s32 $_size__tile_overlayer_lowered;
	s5 =	simm.s32 $_tile_overlayer_lowered  }
0x9b: {  	s22 =	simm.s32 $0x1BFF;
	s21 =	sshll.u32 s5, $0x1;
	s2 =	sadd.s32 s19, s18  }
0x9c: {  	s6 =	simm.s32 $0x0;
	s20 =	sshll.u32 s4, $0x1;
	s4 =	sadd.s32 s21, s2  }
0x9d: {  	[timem:s6], [sflag:s22] =	dma.local [hbm:s4], s20  }
0x9e: {  	_ =	swait.ge [sflag:s22], s20  }
0x9f: {  	s3 =	ssub.s32 $0x0, s20;
	[sflag:s22] =	ssyncset.done $0x0  }
0xa0: {  	[sflag:s22] =	ssyncadd.s32 s3;
	_ =	sdelay $0x1  }
0xa1: {  	s23 =	simm.s32 $0x1B8B  }
0xa2: {  	_ =	swait.ge [sflag:s23], $0x1  }
0xa3: {  	[sflag:s23] =	ssyncset.done $0x0  }
0xa4: {  	s25 =	simm.s32 $0x1B8E;
	s24 =	sld [smem:$0x3FFE];
	[sflag:s23] =	ssyncadd.s32 $0xFFFFFFFF  }
0xa5: {  	s26 =	simm.s32 $execute0_lowered;
	[smem:$0x3FD2] =	sst s25  }
0xa6: {  	s4 =	sshll.u32 s26, $0x1;
	_ =	strace $0x8000004C;
	[dreg:$0x1] =	wrdreg $0xFFFFFFFF  }
0xa7: {  	s28 =	simm.s32 $_size_execute0_lowered;
	s2 =	sadd.s32 s2, s4;
	[dreg:$0x0] =	wrdreg $0x0  }
0xa8: {  	s4 =	sshll.u32 s28, $0x1;
	[dreg:$0x2] =	wrdreg s2  }
0xa9: {  	[dreg:$0x3] =	wrdreg s4  }
0xaa: {  	[dreg:$0x4] =	wrdreg $0xC0  }
0xab: {  	_ =	task [dreg:s6], $0x5FFFF  }
0xac: {  	[dreg:$0x1] =	wrdreg $0xFFFFFFFF  }
0xad: {  	[dreg:$0x0] =	wrdreg $0x60  }
0xae: {  	[dreg:$0x2] =	wrdreg s24  }
0xaf: {  	[dreg:$0x3] =	wrdreg $0x9  }
0xb0: {  	_ =	task.clear_ibuf [dreg:s6], $0x4FFFF;
	_ =	strace $0x9000004C  }
0xb1: {  	s29 =	simm.s32 $0x9;
	_ =	strace $0x8000004E  }
0xb2: {  	_ =	swait.ge [sflag:s29], $0x1  }
0xb3: {  	[sflag:s29] =	ssyncadd.s32 $0xFFFFFFFF  }
0xb4: {  	_ =	strace $0x9000004E  }
0xb5: {  	_ =	sfence  }
0xb6: {  	s30 =	sld [smem:$0x0];
	_ =	sdelay $0x2  }
0xb7: {  	s31 =	sshll.u32 s1, $0xD;
	s1 =	sshrl.u32 s1, $0x2  }
0xb8: {  	s3 =	sand.u32 $0x4000, s31;
	s1 =	sadd.s32 s1, s30  }
0xb9: {  	s0 =	sor.u32 s3, s0;
	s1 =	sshll.u32 s1, $0x11  }
0xba: {  	s0 =	sor.u32 s1, s0  }
0xbb: {  	s0 =	sadd.s32 $0x8F2B, s0  }
0xbc: {  	[sflag:s0] =	ssyncadd.remote.s32 $0x1  }
0xbd: {  	_ =	sfence.sel $0xFFFF  }
0xbe: {  	[dreg:$0x0] =	wrdreg $0xFFFFFFFF;
	(pc) =	sbr.abs _section_cstart, $3  }
0xbf: {  	[dreg:$0x1] =	wrdreg $0xFFFFFFFF  }
0xc0: {  	_ =	task.clear_ibuf [dreg:s6], $0x2FFFF;
	_ =	strace $0x9FFFFFFF  }
0xc1: {  	(tm) =	ssettm $0x7FFFFFFF  }
tec
execute0_lowered:
.L_overlay_start_1:
0x0: {  	(tag) =	ssettag $0x1  }
0x1: {  	s1 =	srdreg.scid  }
0x2: {  	s0 =	stileid.u32;
	s14 =	sand.u32 $0x1, s1  }
0x3: {  	s8 =	rddreg [dreg:$0x0];
	s3 =	sshll.u32 s0, $0xA;
	s4 =	sshll.u32 s14, $0x9  }
0x4: {  	s2 =	simm.s32 $0x0;
	s1 =	rddreg [dreg:$0x1];
	s13 =	sor.u32 s4, s3  }
0x5: {  	[smem:$0x7FF] =	sst s2;
	s15 =	sadd.s32 $0x2C800, s8;
	s3 =	sshrl.u32 s13, $0x3  }
0x6: {  	_ =	strace $0x8000004D;
	s4 =	sadd.s32 s15, s3;
	s3 =	simm.s32 $0x2  }
0x7: {  	[tilespmem:s2], [sflag:$0x2] =	stream.linear.gather [hbm4b:s4+s2], $0x80, $0x38;
	[tilespmem:$0x4880] =	vst v63  }
0x8: {  	_ =	swait.ge [sflag:s3], $0x80  }
0x9: {  	s6 =	simm.s32 $0x80;
	[sflag:s3] =	ssyncset.done $0x0  }
0xa: {  	s7 =	simm.s32 $0x1;
	s5 =	sadd.s32 $0x4800, s8;
	[sflag:s3] =	ssyncadd.s32 $0xFFFFFF80  }
0xb: {  	[tilespmem:s6], [sflag:$0x1] =	stream.indirect.gather [hbm4b:s5+s6], $0x90, s2, s6, $0xb8;
	[tilespmem:$0x4880] =	vst v63  }
0xc: {  	s9 =	smul.u32 $0x12, s13;
	_ =	swait.ge [sflag:s7], $0x4800  }
0xd: {  	s16 =	sadd.s32 $0x2D000, s8;
	[sflag:s7] =	ssyncset.done $0x0  }
0xe: {  	s8 =	sadd.s32 s16, s9;
	[sflag:s7] =	ssyncadd.s32 $0xFFFFB800  }
0xf: {  	[hbm4b:s8+s2] =	stream.linear.scatter [tilespmem:s6], [sflag:$0x2], $0x4800, $0x38;
	[tilespmem:$0x4880] =	vst v63  }
0x10: {  	s10 =	sor.u32 $0x80, s13;
	_ =	swait.ge [sflag:s3], $0x4800  }
0x11: {  	s30 =	sshrl.u32 s10, $0x3;
	[sflag:s3] =	ssyncset.done $0x0  }
0x12: {  	s9 =	sadd.s32 s15, s30;
	[sflag:s3] =	ssyncadd.s32 $0xFFFFB800  }
0x13: {  	[tilespmem:s2], [sflag:$0x2] =	stream.linear.gather [hbm4b:s9+s2], $0x80, $0x38;
	[tilespmem:$0x4880] =	vst v63  }
0x14: {  	_ =	swait.ge [sflag:s3], $0x80  }
0x15: {  	[sflag:s3] =	ssyncset.done $0x0  }
0x16: {  	[sflag:s3] =	ssyncadd.s32 $0xFFFFFF80  }
0x17: {  	[tilespmem:s6], [sflag:$0x1] =	stream.indirect.gather [hbm4b:s5+s6], $0x90, s2, s6, $0xb8;
	[tilespmem:$0x4880] =	vst v63  }
0x18: {  	s10 =	smul.u32 $0x12, s10;
	_ =	swait.ge [sflag:s7], $0x4800  }
0x19: {  	[sflag:s7] =	ssyncset.done $0x0  }
0x1a: {  	s10 =	sadd.s32 s16, s10;
	[sflag:s7] =	ssyncadd.s32 $0xFFFFB800  }
0x1b: {  	[hbm4b:s10+s2] =	stream.linear.scatter [tilespmem:s6], [sflag:$0x2], $0x4800, $0x38;
	[tilespmem:$0x4880] =	vst v63  }
0x1c: {  	s12 =	sor.u32 $0x100, s13;
	_ =	swait.ge [sflag:s3], $0x4800  }
0x1d: {  	s11 =	sshrl.u32 s12, $0x3;
	[sflag:s3] =	ssyncset.done $0x0  }
0x1e: {  	s11 =	sadd.s32 s15, s11;
	[sflag:s3] =	ssyncadd.s32 $0xFFFFB800  }
0x1f: {  	[tilespmem:s2], [sflag:$0x2] =	stream.linear.gather [hbm4b:s11+s2], $0x80, $0x38;
	[tilespmem:$0x4880] =	vst v63  }
0x20: {  	_ =	swait.ge [sflag:s3], $0x80  }
0x21: {  	[sflag:s3] =	ssyncset.done $0x0  }
0x22: {  	[sflag:s3] =	ssyncadd.s32 $0xFFFFFF80  }
0x23: {  	[tilespmem:s6], [sflag:$0x1] =	stream.indirect.gather [hbm4b:s5+s6], $0x90, s2, s6, $0xb8;
	[tilespmem:$0x4880] =	vst v63  }
0x24: {  	s12 =	smul.u32 $0x12, s12;
	_ =	swait.ge [sflag:s7], $0x4800  }
0x25: {  	[sflag:s7] =	ssyncset.done $0x0  }
0x26: {  	s12 =	sadd.s32 s16, s12;
	[sflag:s7] =	ssyncadd.s32 $0xFFFFB800  }
0x27: {  	[hbm4b:s12+s2] =	stream.linear.scatter [tilespmem:s6], [sflag:$0x2], $0x4800, $0x38;
	[tilespmem:$0x4880] =	vst v63  }
0x28: {  	s17 =	sor.u32 $0x180, s13;
	_ =	swait.ge [sflag:s3], $0x4800  }
0x29: {  	s13 =	sshrl.u32 s17, $0x3;
	[sflag:s3] =	ssyncset.done $0x0  }
0x2a: {  	s14 =	ssub.s32 $0x2, s14;
	s13 =	sadd.s32 s15, s13;
	[sflag:s3] =	ssyncadd.s32 $0xFFFFB800  }
0x2b: {  	[tilespmem:s2], [sflag:$0x2] =	stream.linear.gather [hbm4b:s13+s2], $0x80, $0x38;
	[tilespmem:$0x4880] =	vst v63  }
0x2c: {  	s31 =	sshrl.u32 s14, $0x1;
	_ =	swait.ge [sflag:s3], $0x80  }
0x2d: {  	s15 =	ssub.s32 s14, s31;
	[sflag:s3] =	ssyncset.done $0x0  }
0x2e: {  	s15 =	smax.u32 s15, $0x1;
	[sflag:s3] =	ssyncadd.s32 $0xFFFFFF80  }
0x2f: {  	[tilespmem:s6], [sflag:$0x1] =	stream.indirect.gather [hbm4b:s5+s6], $0x90, s2, s6, $0xb8;
	[tilespmem:$0x4880] =	vst v63  }
0x30: {  	s17 =	smul.u32 $0x12, s17;
	p0 =	sne.s32 s15, $0x1;
	_ =	swait.ge [sflag:s7], $0x4800  }
.Ltmp0:
0x31: {  	[sflag:s7] =	ssyncset.done $0x0;
	(pc) =	sbr.rel @!p0 .LBB2_2-.Ltmp0, $4  }
0x32: {  	s14 =	sadd.s32 s16, s17;
	[sflag:s7] =	ssyncadd.s32 $0xFFFFB800  }
0x33: {  	[hbm4b:s14+s2] =	stream.linear.scatter [tilespmem:s6], [sflag:$0x2], $0x4800, $0x38;
	[tilespmem:$0x4880] =	vst v63  }
0x34: {  	_ =	swait.ge [sflag:s3], $0x4800  }
0x35: {  	s15 =	sadd.s32 $0xFFFFFFFF, s15;
	[sflag:s3] =	ssyncset.done $0x0  }
.LBB2_1:
0x36: {  	p0 =	sne.s32 s15, $0x1;
	s15 =	sadd.s32 $0xFFFFFFFF, s15;
	[sflag:s3] =	ssyncadd.s32 $0xFFFFB800  }
0x37: {  	[tilespmem:s2], [sflag:$0x2] =	stream.linear.gather [hbm4b:s4+s2], $0x80, $0x38;
	[tilespmem:$0x4880] =	vst v63  }
0x38: {  	_ =	swait.ge [sflag:s3], $0x80  }
0x39: {  	[sflag:s3] =	ssyncset.done $0x0  }
0x3a: {  	[sflag:s3] =	ssyncadd.s32 $0xFFFFFF80  }
0x3b: {  	[tilespmem:s6], [sflag:$0x1] =	stream.indirect.gather [hbm4b:s5+s6], $0x90, s2, s6, $0xb8;
	[tilespmem:$0x4880] =	vst v63  }
0x3c: {  	_ =	swait.ge [sflag:s7], $0x4800  }
0x3d: {  	[sflag:s7] =	ssyncset.done $0x0  }
0x3e: {  	[sflag:s7] =	ssyncadd.s32 $0xFFFFB800  }
0x3f: {  	[hbm4b:s8+s2] =	stream.linear.scatter [tilespmem:s6], [sflag:$0x2], $0x4800, $0x38;
	[tilespmem:$0x4880] =	vst v63  }
0x40: {  	_ =	swait.ge [sflag:s3], $0x4800  }
0x41: {  	[sflag:s3] =	ssyncset.done $0x0  }
0x42: {  	[sflag:s3] =	ssyncadd.s32 $0xFFFFB800  }
0x43: {  	[tilespmem:s2], [sflag:$0x2] =	stream.linear.gather [hbm4b:s9+s2], $0x80, $0x38;
	[tilespmem:$0x4880] =	vst v63  }
0x44: {  	_ =	swait.ge [sflag:s3], $0x80  }
0x45: {  	[sflag:s3] =	ssyncset.done $0x0  }
0x46: {  	[sflag:s3] =	ssyncadd.s32 $0xFFFFFF80  }
0x47: {  	[tilespmem:s6], [sflag:$0x1] =	stream.indirect.gather [hbm4b:s5+s6], $0x90, s2, s6, $0xb8;
	[tilespmem:$0x4880] =	vst v63  }
0x48: {  	_ =	swait.ge [sflag:s7], $0x4800  }
0x49: {  	[sflag:s7] =	ssyncset.done $0x0  }
0x4a: {  	[sflag:s7] =	ssyncadd.s32 $0xFFFFB800  }
0x4b: {  	[hbm4b:s10+s2] =	stream.linear.scatter [tilespmem:s6], [sflag:$0x2], $0x4800, $0x38;
	[tilespmem:$0x4880] =	vst v63  }
0x4c: {  	_ =	swait.ge [sflag:s3], $0x4800  }
0x4d: {  	[sflag:s3] =	ssyncset.done $0x0  }
0x4e: {  	[sflag:s3] =	ssyncadd.s32 $0xFFFFB800  }
0x4f: {  	[tilespmem:s2], [sflag:$0x2] =	stream.linear.gather [hbm4b:s11+s2], $0x80, $0x38;
	[tilespmem:$0x4880] =	vst v63  }
0x50: {  	_ =	swait.ge [sflag:s3], $0x80  }
0x51: {  	[sflag:s3] =	ssyncset.done $0x0  }
0x52: {  	[sflag:s3] =	ssyncadd.s32 $0xFFFFFF80  }
0x53: {  	[tilespmem:s6], [sflag:$0x1] =	stream.indirect.gather [hbm4b:s5+s6], $0x90, s2, s6, $0xb8;
	[tilespmem:$0x4880] =	vst v63  }
0x54: {  	_ =	swait.ge [sflag:s7], $0x4800  }
0x55: {  	[sflag:s7] =	ssyncset.done $0x0  }
0x56: {  	[sflag:s7] =	ssyncadd.s32 $0xFFFFB800  }
0x57: {  	[hbm4b:s12+s2] =	stream.linear.scatter [tilespmem:s6], [sflag:$0x2], $0x4800, $0x38;
	[tilespmem:$0x4880] =	vst v63  }
0x58: {  	_ =	swait.ge [sflag:s3], $0x4800  }
0x59: {  	[sflag:s3] =	ssyncset.done $0x0  }
0x5a: {  	[sflag:s3] =	ssyncadd.s32 $0xFFFFB800  }
0x5b: {  	[tilespmem:s2], [sflag:$0x2] =	stream.linear.gather [hbm4b:s13+s2], $0x80, $0x38;
	[tilespmem:$0x4880] =	vst v63  }
0x5c: {  	_ =	swait.ge [sflag:s3], $0x80  }
0x5d: {  	[sflag:s3] =	ssyncset.done $0x0  }
0x5e: {  	[sflag:s3] =	ssyncadd.s32 $0xFFFFFF80  }
0x5f: {  	[tilespmem:s6], [sflag:$0x1] =	stream.indirect.gather [hbm4b:s5+s6], $0x90, s2, s6, $0xb8;
	[tilespmem:$0x4880] =	vst v63  }
0x60: {  	_ =	swait.ge [sflag:s7], $0x4800  }
.Ltmp1:
0x61: {  	[sflag:s7] =	ssyncset.done $0x0;
	(pc) =	sbr.rel @p0 .LBB2_1-.Ltmp1, $4  }
0x62: {  	[sflag:s7] =	ssyncadd.s32 $0xFFFFB800  }
0x63: {  	[hbm4b:s14+s2] =	stream.linear.scatter [tilespmem:s6], [sflag:$0x2], $0x4800, $0x38;
	[tilespmem:$0x4880] =	vst v63  }
0x64: {  	_ =	swait.ge [sflag:s3], $0x4800  }
0x65: {  	[sflag:s3] =	ssyncset.done $0x0  }
.LBB2_2:
0x66: {  	[sflag:s3] =	ssyncadd.s32 $0xFFFFB800  }
0x67: {  	_ =	sfence.sel $0x180000  }
0x68: {  	[bflag:$0x0] =	sbarrier.arrive $0xFFFF  }
0x69: {  	p0 =	sne.s32 s0, $0x0;
	_ =	strace $0x9000004D  }
0x6a: {  	s0 =	sadd.s32 @!p0 $0x100000, s1;
	[bflag:$0x2] =	sbarrier.arrive $0xFFFF  }
0x6b: {  	[sflag:s0] =	ssyncadd.tile.s32 @!p0 $0x1;
	_ =	shalt  }
.Lfunc_end2:
_tile_overlayer_lowered:
.L_overlay_start_2:
0x6c: {  	(tag) =	ssettag $0x2  }
0x6d: {  	s0 =	rddreg [dreg:$0x0];
	s2 =	stileid.u32  }
0x6e: {  	s1 =	rddreg [dreg:$0x1];
	p0 =	sne.s32 s2, $0x0  }
0x6f: {  	s3 =	rddreg [dreg:$0x2];
	[bflag:$0x3] =	sbarrier.arrive $0xFFFF;
	s2 =	simm.s32 @!p0 $0x1C02  }
0x70: {  	[timem:s3], [sflag:s2] =	dma.local @!p0 [hbm:s0], s1  }
0x71: {  	s0 =	simm.s32 @!p0 $0x2  }
0x72: {  	_ =	swait.ge @!p0 [sflag:s0], s1  }
0x73: {  	s1 =	ssub.s32 @!p0 $0x0, s1;
	[sflag:s0] =	ssyncset.done @!p0 $0x0  }
0x74: {  	[sflag:s0] =	ssyncadd.s32 @!p0 s1  }
0x75: {  	[bflag:$0x3] =	sbarrier.arrive $0xFFFF  }
0x76: {  	_ =	shalt  }

</sc_bundles>
